<compile_context>
chip_gen: v7x
topology: tpu7x:2x2x1
jax: 0.10.2.dev20260603
libtpu: 0.0.44.dev20260713+nightly
codegen_flags: <defaults>
</compile_context>

<pallas_src>
import jax
import jax.numpy as jnp
from jax.experimental import pallas as pl
from jax.experimental.pallas import tpu as pltpu
from jax.experimental.pallas import tpu_sc as plsc

def _sc_mesh():
    return plsc.VectorSubcoreMesh(core_axis_name="c", subcore_axis_name="s")

_D = 1024
_DFF = 2048
_E = 8
_K = 2
_EPAD = 128
_TG = 256
_T = 256
_NSUB = 32
_WROWS = 32
_NEG = -1e30



def _gate_body(h_ref, gw_ref, gb_ref, aw_ref, wt_ref, cnt_ref):
    x = h_ref[...].astype(jnp.bfloat16)
    s = jnp.dot(x, gw_ref[...], preferred_element_type=jnp.float32)
    s = s + gb_ref[...]
    lane = jax.lax.broadcasted_iota(jnp.int32, s.shape, 1)
    a1 = jnp.argmax(s, axis=-1)
    m1 = jnp.max(s, axis=-1, keepdims=True)
    s2 = jnp.where(lane == a1[:, None], _NEG, s)
    a2 = jnp.argmax(s2, axis=-1)
    m2 = jnp.max(s2, axis=-1, keepdims=True)
    e21 = jnp.exp(m2 - m1)
    w1 = 1.0 / (1.0 + e21)
    w2 = e21 / (1.0 + e21)
    aw_ref[0, :, 0:1] = a1[:, None]
    aw_ref[0, :, 1:2] = a2[:, None]
    wt_ref[0, :, 0:1] = w1
    wt_ref[0, :, 1:2] = w2
    oh = ((lane == a1[:, None]) | (lane == a2[:, None])).astype(jnp.float32)
    z = jnp.sum(oh, axis=0, keepdims=True)

    @pl.when(pl.program_id(0) == 0)
    def _():
        cnt_ref[...] = z

    @pl.when(pl.program_id(0) != 0)
    def _():
        cnt_ref[...] = cnt_ref[...] + z


def _gate(h, gwp, gbp):
    n = h.shape[0]
    ntg = n // _TG
    return pl.pallas_call(
        _gate_body,
        grid=(ntg,),
        in_specs=[
            pl.BlockSpec((_TG, _D), lambda t: (t, 0)),
            pl.BlockSpec((_D, _EPAD), lambda t: (0, 0)),
            pl.BlockSpec((1, _EPAD), lambda t: (0, 0)),
        ],
        out_specs=[
            pl.BlockSpec((1, _TG, _K), lambda t: (t, 0, 0)),
            pl.BlockSpec((1, _TG, _K), lambda t: (t, 0, 0)),
            pl.BlockSpec((1, _EPAD), lambda t: (0, 0)),
        ],
        out_shape=[
            jax.ShapeDtypeStruct((ntg, _TG, _K), jnp.int32),
            jax.ShapeDtypeStruct((ntg, _TG, _K), jnp.float32),
            jax.ShapeDtypeStruct((1, _EPAD), jnp.float32),
        ],
    )(h, gwp, gbp)



def _dst_body(aw_ref, rof_ref, dd_ref, run_ref):
    @pl.when(pl.program_id(0) == 0)
    def _():
        run_ref[...] = jnp.zeros_like(run_ref)

    a1 = aw_ref[0, :, 0]
    a2 = aw_ref[0, :, 1]
    lane = jax.lax.broadcasted_iota(jnp.int32, (_TG, _EPAD), 1)
    oh1 = (lane == a1[:, None]).astype(jnp.float32)
    oh2 = (lane == a2[:, None]).astype(jnp.float32)
    r_io = jax.lax.broadcasted_iota(jnp.int32, (_TG, _TG), 0)
    c_io = jax.lax.broadcasted_iota(jnp.int32, (_TG, _TG), 1)
    tri = (r_io > c_io).astype(jnp.bfloat16)
    rank1 = jnp.dot(tri, oh1.astype(jnp.bfloat16),
                    preferred_element_type=jnp.float32)
    col1 = jnp.sum(oh1, axis=0, keepdims=True)
    rank2 = jnp.dot(tri, oh2.astype(jnp.bfloat16),
                    preferred_element_type=jnp.float32) + col1
    base = run_ref[...] + rof_ref[...]
    d1 = jnp.sum((rank1 + base) * oh1, axis=1)
    d2 = jnp.sum((rank2 + base) * oh2, axis=1)
    dd_ref[0, :, 0:1] = d1.astype(jnp.int32)[:, None]
    dd_ref[0, :, 1:2] = d2.astype(jnp.int32)[:, None]
    run_ref[...] = run_ref[...] + col1 + jnp.sum(oh2, axis=0, keepdims=True)


def _dst(aw, rof):
    ntg = aw.shape[0]
    return pl.pallas_call(
        _dst_body,
        grid=(ntg,),
        in_specs=[
            pl.BlockSpec((1, _TG, _K), lambda t: (t, 0, 0)),
            pl.BlockSpec((1, _EPAD), lambda t: (0, 0)),
        ],
        out_specs=pl.BlockSpec((1, _TG, _K), lambda t: (t, 0, 0)),
        out_shape=jax.ShapeDtypeStruct((ntg, _TG, _K), jnp.int32),
        scratch_shapes=[pltpu.VMEM((1, _EPAD), jnp.float32)],
    )(aw, rof)



def _gather_rows(src, idx):
    n = idx.shape[0]
    d = src.shape[1]
    chunk = n // _NSUB
    nw = chunk // _WROWS
    i2 = idx.reshape(_NSUB, chunk)

    @pl.kernel(out_type=jax.ShapeDtypeStruct((n, d), src.dtype),
               mesh=_sc_mesh(),
               scratch_types=[pltpu.VMEM((1, chunk), jnp.int32),
                              pltpu.VMEM((_WROWS, d), src.dtype),
                              pltpu.VMEM((_WROWS, d), src.dtype),
                              pltpu.SemaphoreType.DMA,
                              pltpu.SemaphoreType.DMA,
                              pltpu.SemaphoreType.DMA])
    def k(x_hbm, i_hbm, o_hbm, ivmem, buf0, buf1, isem, sem0, sem1):
        c = jax.lax.axis_index("c")
        s = jax.lax.axis_index("s")
        u = c * 16 + s
        base = u * chunk
        pltpu.async_copy(i_hbm.at[pl.ds(u, 1)], ivmem, isem).wait()
        bufs = (buf0, buf1)
        sems = (sem0, sem1)
        pending = [None, None]
        for w in range(nw):
            b = w % 2
            if pending[b] is not None:
                pending[b].wait()
            pltpu.sync_copy(x_hbm.at[ivmem.at[0, pl.ds(w * _WROWS, _WROWS)]],
                            bufs[b])
            pending[b] = pltpu.async_copy(
                bufs[b], o_hbm.at[pl.ds(base + w * _WROWS, _WROWS)], sems[b])
        for cp in pending:
            if cp is not None:
                cp.wait()

    return k(src, i2)


def _scatter_rows(src, idx, npad):
    n = src.shape[0]
    d = src.shape[1]
    chunk = (_K * n) // _NSUB
    nw = chunk // _WROWS
    i2 = idx.reshape(_NSUB, chunk)

    @pl.kernel(out_type=jax.ShapeDtypeStruct((npad, d), src.dtype),
               mesh=_sc_mesh(),
               scratch_types=[pltpu.VMEM((1, chunk), jnp.int32),
                              pltpu.VMEM((_WROWS, d), src.dtype),
                              pltpu.VMEM((_WROWS, d), src.dtype),
                              pltpu.SemaphoreType.DMA,
                              pltpu.SemaphoreType.DMA,
                              pltpu.SemaphoreType.DMA])
    def k(x_hbm, i_hbm, o_hbm, ivmem, buf0, buf1, isem, sem0, sem1):
        c = jax.lax.axis_index("c")
        s = jax.lax.axis_index("s")
        u = c * 16 + s
        src_base = (u % 16) * chunk
        pltpu.async_copy(i_hbm.at[pl.ds(u, 1)], ivmem, isem).wait()
        bufs = (buf0, buf1)
        sems = (sem0, sem1)
        loads = [None, None]
        loads[0] = pltpu.async_copy(
            x_hbm.at[pl.ds(src_base, _WROWS)], bufs[0], sems[0])
        for w in range(nw):
            b = w % 2
            loads[b].wait()
            if w + 1 < nw:
                nb = (w + 1) % 2
                loads[nb] = pltpu.async_copy(
                    x_hbm.at[pl.ds(src_base + (w + 1) * _WROWS, _WROWS)],
                    bufs[nb], sems[nb])
            pltpu.sync_copy(bufs[b],
                            o_hbm.at[ivmem.at[0, pl.ds(w * _WROWS, _WROWS)]])

    return k(src, i2)



def _ffn_body(eid_ref, x_ref, w1_ref, b1_ref, w2_ref, b2_ref, y_ref):
    x = x_ref[...].astype(jnp.bfloat16)
    hh = jnp.dot(x, w1_ref[0], preferred_element_type=jnp.float32)
    hh = hh + b1_ref[0]
    hh = jax.nn.gelu(hh)
    y = jnp.dot(hh.astype(jnp.bfloat16), w2_ref[0],
                preferred_element_type=jnp.float32)
    y_ref[...] = y + b2_ref[0]


def _ffn(eid, x, w1, b1r, w2, b2r):
    npad = x.shape[0]
    nt = npad // _T
    grid_spec = pltpu.PrefetchScalarGridSpec(
        num_scalar_prefetch=1,
        grid=(nt,),
        in_specs=[
            pl.BlockSpec((_T, _D), lambda t, eid: (t, 0)),
            pl.BlockSpec((1, _D, _DFF), lambda t, eid: (eid[t], 0, 0)),
            pl.BlockSpec((1, 1, _DFF), lambda t, eid: (eid[t], 0, 0)),
            pl.BlockSpec((1, _DFF, _D), lambda t, eid: (eid[t], 0, 0)),
            pl.BlockSpec((1, 1, _D), lambda t, eid: (eid[t], 0, 0)),
        ],
        out_specs=pl.BlockSpec((_T, _D), lambda t, eid: (t, 0)),
    )
    return pl.pallas_call(
        _ffn_body,
        grid_spec=grid_spec,
        out_shape=jax.ShapeDtypeStruct((npad, _D), jnp.float32),
    )(eid, x, w1, b1r, w2, b2r)



def _combine_body(y0_ref, y1_ref, w0_ref, w1_ref, o_ref):
    o_ref[...] = y0_ref[...] * w0_ref[...] + y1_ref[...] * w1_ref[...]


def _combine(ysel, w0, w1, n):
    ntg = n // _TG
    return pl.pallas_call(
        _combine_body,
        grid=(ntg,),
        in_specs=[
            pl.BlockSpec((_TG, _D), lambda t: (t, 0)),
            pl.BlockSpec((_TG, _D), lambda t: (t + ntg, 0)),
            pl.BlockSpec((_TG, 1), lambda t: (t, 0)),
            pl.BlockSpec((_TG, 1), lambda t: (t, 0)),
        ],
        out_specs=pl.BlockSpec((_TG, _D), lambda t: (t, 0)),
        out_shape=jax.ShapeDtypeStruct((n, _D), jnp.float32),
    )(ysel, ysel, w0, w1)



def _layer(h, gwp, gbp, w1, b1r, w2, b2r):
    n = h.shape[0]
    npad = n * _K + _E * _T
    nt = npad // _T
    aw, wt, cnt = _gate(h, gwp, gbp)
    cnt_i = cnt[0, :_E].astype(jnp.int32)
    tiles_e = (cnt_i + _T - 1) // _T
    tile_off = jnp.concatenate(
        [jnp.zeros((1,), jnp.int32), jnp.cumsum(tiles_e)])
    rof = jnp.pad((tile_off[:_E] * _T).astype(jnp.float32),
                  (0, _EPAD - _E)).reshape(1, _EPAD)
    tile_ids = jnp.arange(nt, dtype=jnp.int32)
    expert_of_tile = jnp.minimum(
        jnp.sum((tile_ids[:, None] >= tile_off[None, 1:]).astype(jnp.int32),
                axis=1),
        _E - 1).astype(jnp.int32)
    dd = _dst(aw, rof)
    ddf = dd.reshape(n, _K)
    pair_idx = jnp.transpose(ddf).reshape(_K * n)
    x = _scatter_rows(h, pair_idx, npad)
    y = _ffn(expert_of_tile, x, w1, b1r, w2, b2r)
    ysel = _gather_rows(y, pair_idx)
    wtf = wt.reshape(n, _K)
    return _combine(ysel, wtf[:, 0:1], wtf[:, 1:2], n)


def kernel(input_ids, emb, gate_W, gate_b, W1, b1, W2, b2):
    B, L = input_ids.shape
    n = B * L
    ids = input_ids.reshape(n).astype(jnp.int32)
    h = _gather_rows(emb, ids)
    nblocks = gate_W.shape[0]
    gwp = jnp.pad(gate_W, ((0, 0), (0, 0),
                           (0, _EPAD - _E))).astype(jnp.bfloat16)
    gbp = jnp.pad(gate_b, ((0, 0), (0, _EPAD - _E)),
                  constant_values=_NEG).reshape(nblocks, 1, _EPAD)
    w1bf = W1.astype(jnp.bfloat16)
    w2bf = W2.astype(jnp.bfloat16)
    b1r = b1.reshape(nblocks, _E, 1, _DFF)
    b2r = b2.reshape(nblocks, _E, 1, _D)
    for li in range(nblocks):
        h = _layer(h, gwp[li], gbp[li], w1bf[li], b1r[li], w2bf[li], b2r[li])
    return h.reshape(B, L, _D)

# --- scband reference (transcript-rebuilt; emitter-appended) ---
"""Pipeline reference for scband-mo-ex-lstm-65335042507339 (READ-ONLY COPY).

The authoritative reference and input builder live on the scoring server;
editing this copy changes nothing except your own understanding.
"""

import jax, jax.numpy as jnp
import numpy as np

VOCAB = 32000
D = 1024
DFF = 2048
E = 8
K = 2
NBLOCKS = 2
B = 2
L = 2048


def setup_inputs(seed: int = 0) -> dict:
    key = jax.random.key(seed)
    ks = jax.random.split(key, 8)
    scale = 0.02
    return {
        "input_ids": jax.random.randint(ks[0], (B, L), 0, VOCAB),
        "emb": jax.random.normal(ks[1], (VOCAB, D), dtype=jnp.float32) * scale,
        "gate_W": jax.random.normal(ks[2], (NBLOCKS, D, E), dtype=jnp.float32) * scale,
        "gate_b": jnp.zeros((NBLOCKS, E), dtype=jnp.float32),
        "W1": jax.random.normal(ks[3], (NBLOCKS, E, D, DFF), dtype=jnp.float32) * scale,
        "b1": jnp.zeros((NBLOCKS, E, DFF), dtype=jnp.float32),
        "W2": jax.random.normal(ks[4], (NBLOCKS, E, DFF, D), dtype=jnp.float32) * scale,
        "b2": jnp.zeros((NBLOCKS, E, D), dtype=jnp.float32),
    }


def _moe_layer(h, gW, gb, W1, b1, W2, b2):
    # gate: scores over experts per token
    scores = h @ gW + gb                      # [B, L, E]
    top_v, top_i = jax.lax.top_k(scores, K)   # [B, L, K]
    w = jax.nn.softmax(top_v, axis=-1)        # [B, L, K]
    # expert computation (mLSTMBlock applied per flattened token -> per-token FFN)
    outs = []
    for e in range(E):
        he = jax.nn.gelu(h @ W1[e] + b1[e]) @ W2[e] + b2[e]  # [B, L, D]
        outs.append(he)
    all_out = jnp.stack(outs, axis=2)         # [B, L, E, D]
    # gather selected experts per token (masked accumulate in torch == gather+weighted sum)
    sel = jnp.take_along_axis(all_out, top_i[..., None], axis=2)  # [B, L, K, D]
    return jnp.sum(sel * w[..., None], axis=2)  # [B, L, D]


def reference(input_ids, emb, gate_W, gate_b, W1, b1, W2, b2):
    h = jnp.take(emb, input_ids, axis=0)      # token embedding lookup [B, L, D]
    # embedding dropout is Identity (add_embedding_dropout=False)
    for li in range(NBLOCKS):
        h = _moe_layer(h, gate_W[li], gate_b[li], W1[li], b1[li], W2[li], b2[li])
    return h

if __name__ == "__main__":
    import jax
    _d = setup_inputs()
    print(jax.jit(kernel)(*tuple(_d.values())))

</pallas_src>

<mosaic_0001>
#map = affine_map<(d0, d1) -> (0, 0)>
module attributes {stable_mosaic.version = 14 : i64} {
  func.func @k(%arg0: i32, %arg1: i32, %arg2: memref<32000x1024xf32, #tpu.memory_space<hbm>>, %arg3: memref<32x128xi32, #tpu.memory_space<hbm>>, %arg4: memref<4096x1024xf32, #tpu.memory_space<hbm>>, %arg5: memref<1x128xi32, #tpu.memory_space<vmem>>, %arg6: memref<32x1024xf32, #tpu.memory_space<vmem>>, %arg7: memref<32x1024xf32, #tpu.memory_space<vmem>>, %arg8: memref<!tpu.dma_semaphore, #tpu.memory_space<semaphore_mem>>, %arg9: memref<!tpu.dma_semaphore, #tpu.memory_space<semaphore_mem>>, %arg10: memref<!tpu.dma_semaphore, #tpu.memory_space<semaphore_mem>>) attributes {dimension_semantics = [#tpu.dimension_semantics<core_parallel>, #tpu.dimension_semantics<subcore_parallel>], iteration_bounds = array<i64: 2, 16>, scalar_prefetch = 0 : i64, scratch_operands = 6 : i64, tpu.core_type = #tpu.core_type<sc_vector_subcore>, window_params = [{transform_indices = #map}, {transform_indices = #map}, {transform_indices = #map}]} {
    %mul3A = arith.constant 16 : i32
    %mul3A_0 = arith.muli %arg0, %mul3A : i32
    %add3A = arith.addi %mul3A_0, %arg1 : i32
    %mul3A_1 = arith.constant 128 : i32
    %mul3A_2 = arith.muli %add3A, %mul3A_1 : i32
    %dma_start3A = arith.constant 0 : i32
    %dma_start3A_3 = tpu.memref_slice %arg3[%add3A, %dma_start3A] : memref<32x128xi32, #tpu.memory_space<hbm>> -> memref<1x128xi32, #tpu.memory_space<hbm>>
    %dma_start3A_4 = arith.constant 0 : i32
    %dma_start3A_5 = tpu.memref_slice %arg3[%add3A, %dma_start3A_4] : memref<32x128xi32, #tpu.memory_space<hbm>> -> memref<1x128xi32, #tpu.memory_space<hbm>>
    tpu.enqueue_dma source(%dma_start3A_5 : memref<1x128xi32, #tpu.memory_space<hbm>>) target(%arg5 : memref<1x128xi32, #tpu.memory_space<vmem>>) target_semaphore(%arg8 : memref<!tpu.dma_semaphore, #tpu.memory_space<semaphore_mem>>)
    %dma_wait3A = arith.constant 0 : i32
    %dma_wait3A_6 = tpu.memref_slice %arg3[%add3A, %dma_wait3A] : memref<32x128xi32, #tpu.memory_space<hbm>> -> memref<1x128xi32, #tpu.memory_space<hbm>>
    %dma_wait3A_7 = arith.constant 0 : i32
    %dma_wait3A_8 = tpu.memref_slice %arg3[%add3A, %dma_wait3A_7] : memref<32x128xi32, #tpu.memory_space<hbm>> -> memref<1x128xi32, #tpu.memory_space<hbm>>
    tpu.wait_dma2 semaphore(%arg8 : memref<!tpu.dma_semaphore, #tpu.memory_space<semaphore_mem>>) src(%dma_wait3A_8 : memref<1x128xi32, #tpu.memory_space<hbm>>) dst(%arg5 : memref<1x128xi32, #tpu.memory_space<vmem>>)
    %run_scoped3A = arith.constant 0 : i32
    "tpu.region"() ({
      %run_scoped3A_52 = tpu.sem_alloc : memref<!tpu.dma_semaphore, #tpu.memory_space<semaphore_mem>>
      %dma_start3A_53 = arith.constant 0 : i32
      %dma_start3A_54 = tpu.memref_slice %arg5[%run_scoped3A, %dma_start3A_53] : memref<1x128xi32, #tpu.memory_space<vmem>> -> memref<1x32xi32, #tpu.memory_space<vmem>>
      %dma_start3A_55 = tpu.memref_squeeze %dma_start3A_54 : memref<1x32xi32, #tpu.memory_space<vmem>> -> memref<32xi32, #tpu.memory_space<vmem>>
      %dma_start3A_56 = arith.constant 0 : i32
      %dma_start3A_57 = arith.constant 0 : i32
      %dma_start3A_58 = tpu.memref_slice %arg2[%dma_start3A_56, %dma_start3A_57] : memref<32000x1024xf32, #tpu.memory_space<hbm>> -> memref<32000x1024xf32, #tpu.memory_space<hbm>>
      tpu.enqueue_indirect_dma source(%dma_start3A_58 : memref<32000x1024xf32, #tpu.memory_space<hbm>>) target(%arg6 : memref<32x1024xf32, #tpu.memory_space<vmem>>) offsets(%dma_start3A_55 : memref<32xi32, #tpu.memory_space<vmem>>) semaphore(%run_scoped3A_52 : memref<!tpu.dma_semaphore, #tpu.memory_space<semaphore_mem>>)
      %dma_wait3A_59 = arith.constant 0 : i32
      %dma_wait3A_60 = tpu.memref_slice %arg5[%run_scoped3A, %dma_wait3A_59] : memref<1x128xi32, #tpu.memory_space<vmem>> -> memref<1x32xi32, #tpu.memory_space<vmem>>
      %dma_wait3A_61 = tpu.memref_squeeze %dma_wait3A_60 : memref<1x32xi32, #tpu.memory_space<vmem>> -> memref<32xi32, #tpu.memory_space<vmem>>
      %dma_wait3A_62 = arith.constant 0 : i32
      %dma_wait3A_63 = arith.constant 0 : i32
      %dma_wait3A_64 = tpu.memref_slice %arg2[%dma_wait3A_62, %dma_wait3A_63] : memref<32000x1024xf32, #tpu.memory_space<hbm>> -> memref<32000x1024xf32, #tpu.memory_space<hbm>>
      tpu.wait_indirect_dma semaphore(%run_scoped3A_52 : memref<!tpu.dma_semaphore, #tpu.memory_space<semaphore_mem>>) src(%dma_wait3A_64 : memref<32000x1024xf32, #tpu.memory_space<hbm>>) dst(%arg6 : memref<32x1024xf32, #tpu.memory_space<vmem>>)
      tpu.yield
    }) : () -> ()
    %add3A_9 = arith.constant 0 : i32
    %add3A_10 = arith.addi %mul3A_2, %add3A_9 : i32
    %dma_start3A_11 = arith.constant 0 : i32
    %dma_start3A_12 = tpu.memref_slice %arg4[%add3A_10, %dma_start3A_11] : memref<4096x1024xf32, #tpu.memory_space<hbm>> -> memref<32x1024xf32, #tpu.memory_space<hbm>>
    %dma_start3A_13 = arith.constant 0 : i32
    %dma_start3A_14 = tpu.memref_slice %arg4[%add3A_10, %dma_start3A_13] : memref<4096x1024xf32, #tpu.memory_space<hbm>> -> memref<32x1024xf32, #tpu.memory_space<hbm>>
    tpu.enqueue_dma source(%arg6 : memref<32x1024xf32, #tpu.memory_space<vmem>>) target(%dma_start3A_14 : memref<32x1024xf32, #tpu.memory_space<hbm>>) target_semaphore(%arg9 : memref<!tpu.dma_semaphore, #tpu.memory_space<semaphore_mem>>)
    %run_scoped3A_15 = arith.constant 0 : i32
    "tpu.region"() ({
      %run_scoped3A_52 = tpu.sem_alloc : memref<!tpu.dma_semaphore, #tpu.memory_space<semaphore_mem>>
      %dma_start3A_53 = arith.constant 32 : i32
      %dma_start3A_54 = tpu.memref_slice %arg5[%run_scoped3A_15, %dma_start3A_53] : memref<1x128xi32, #tpu.memory_space<vmem>> -> memref<1x32xi32, #tpu.memory_space<vmem>>
      %dma_start3A_55 = tpu.memref_squeeze %dma_start3A_54 : memref<1x32xi32, #tpu.memory_space<vmem>> -> memref<32xi32, #tpu.memory_space<vmem>>
      %dma_start3A_56 = arith.constant 0 : i32
      %dma_start3A_57 = arith.constant 0 : i32
      %dma_start3A_58 = tpu.memref_slice %arg2[%dma_start3A_56, %dma_start3A_57] : memref<32000x1024xf32, #tpu.memory_space<hbm>> -> memref<32000x1024xf32, #tpu.memory_space<hbm>>
      tpu.enqueue_indirect_dma source(%dma_start3A_58 : memref<32000x1024xf32, #tpu.memory_space<hbm>>) target(%arg7 : memref<32x1024xf32, #tpu.memory_space<vmem>>) offsets(%dma_start3A_55 : memref<32xi32, #tpu.memory_space<vmem>>) semaphore(%run_scoped3A_52 : memref<!tpu.dma_semaphore, #tpu.memory_space<semaphore_mem>>)
      %dma_wait3A_59 = arith.constant 32 : i32
      %dma_wait3A_60 = tpu.memref_slice %arg5[%run_scoped3A_15, %dma_wait3A_59] : memref<1x128xi32, #tpu.memory_space<vmem>> -> memref<1x32xi32, #tpu.memory_space<vmem>>
      %dma_wait3A_61 = tpu.memref_squeeze %dma_wait3A_60 : memref<1x32xi32, #tpu.memory_space<vmem>> -> memref<32xi32, #tpu.memory_space<vmem>>
      %dma_wait3A_62 = arith.constant 0 : i32
      %dma_wait3A_63 = arith.constant 0 : i32
      %dma_wait3A_64 = tpu.memref_slice %arg2[%dma_wait3A_62, %dma_wait3A_63] : memref<32000x1024xf32, #tpu.memory_space<hbm>> -> memref<32000x1024xf32, #tpu.memory_space<hbm>>
      tpu.wait_indirect_dma semaphore(%run_scoped3A_52 : memref<!tpu.dma_semaphore, #tpu.memory_space<semaphore_mem>>) src(%dma_wait3A_64 : memref<32000x1024xf32, #tpu.memory_space<hbm>>) dst(%arg7 : memref<32x1024xf32, #tpu.memory_space<vmem>>)
      tpu.yield
    }) : () -> ()
    %add3A_16 = arith.constant 32 : i32
    %add3A_17 = arith.addi %mul3A_2, %add3A_16 : i32
    %dma_start3A_18 = arith.constant 0 : i32
    %dma_start3A_19 = tpu.memref_slice %arg4[%add3A_17, %dma_start3A_18] : memref<4096x1024xf32, #tpu.memory_space<hbm>> -> memref<32x1024xf32, #tpu.memory_space<hbm>>
    %dma_start3A_20 = arith.constant 0 : i32
    %dma_start3A_21 = tpu.memref_slice %arg4[%add3A_17, %dma_start3A_20] : memref<4096x1024xf32, #tpu.memory_space<hbm>> -> memref<32x1024xf32, #tpu.memory_space<hbm>>
    tpu.enqueue_dma source(%arg7 : memref<32x1024xf32, #tpu.memory_space<vmem>>) target(%dma_start3A_21 : memref<32x1024xf32, #tpu.memory_space<hbm>>) target_semaphore(%arg10 : memref<!tpu.dma_semaphore, #tpu.memory_space<semaphore_mem>>)
    %dma_wait3A_22 = arith.constant 0 : i32
    %dma_wait3A_23 = tpu.memref_slice %arg4[%add3A_10, %dma_wait3A_22] : memref<4096x1024xf32, #tpu.memory_space<hbm>> -> memref<32x1024xf32, #tpu.memory_space<hbm>>
    %dma_wait3A_24 = arith.constant 0 : i32
    %dma_wait3A_25 = tpu.memref_slice %arg4[%add3A_10, %dma_wait3A_24] : memref<4096x1024xf32, #tpu.memory_space<hbm>> -> memref<32x1024xf32, #tpu.memory_space<hbm>>
    tpu.wait_dma2 semaphore(%arg9 : memref<!tpu.dma_semaphore, #tpu.memory_space<semaphore_mem>>) src(%arg6 : memref<32x1024xf32, #tpu.memory_space<vmem>>) dst(%dma_wait3A_25 : memref<32x1024xf32, #tpu.memory_space<hbm>>)
    %run_scoped3A_26 = arith.constant 0 : i32
    "tpu.region"() ({
      %run_scoped3A_52 = tpu.sem_alloc : memref<!tpu.dma_semaphore, #tpu.memory_space<semaphore_mem>>
      %dma_start3A_53 = arith.constant 64 : i32
      %dma_start3A_54 = tpu.memref_slice %arg5[%run_scoped3A_26, %dma_start3A_53] : memref<1x128xi32, #tpu.memory_space<vmem>> -> memref<1x32xi32, #tpu.memory_space<vmem>>
      %dma_start3A_55 = tpu.memref_squeeze %dma_start3A_54 : memref<1x32xi32, #tpu.memory_space<vmem>> -> memref<32xi32, #tpu.memory_space<vmem>>
      %dma_start3A_56 = arith.constant 0 : i32
      %dma_start3A_57 = arith.constant 0 : i32
      %dma_start3A_58 = tpu.memref_slice %arg2[%dma_start3A_56, %dma_start3A_57] : memref<32000x1024xf32, #tpu.memory_space<hbm>> -> memref<32000x1024xf32, #tpu.memory_space<hbm>>
      tpu.enqueue_indirect_dma source(%dma_start3A_58 : memref<32000x1024xf32, #tpu.memory_space<hbm>>) target(%arg6 : memref<32x1024xf32, #tpu.memory_space<vmem>>) offsets(%dma_start3A_55 : memref<32xi32, #tpu.memory_space<vmem>>) semaphore(%run_scoped3A_52 : memref<!tpu.dma_semaphore, #tpu.memory_space<semaphore_mem>>)
      %dma_wait3A_59 = arith.constant 64 : i32
      %dma_wait3A_60 = tpu.memref_slice %arg5[%run_scoped3A_26, %dma_wait3A_59] : memref<1x128xi32, #tpu.memory_space<vmem>> -> memref<1x32xi32, #tpu.memory_space<vmem>>
      %dma_wait3A_61 = tpu.memref_squeeze %dma_wait3A_60 : memref<1x32xi32, #tpu.memory_space<vmem>> -> memref<32xi32, #tpu.memory_space<vmem>>
      %dma_wait3A_62 = arith.constant 0 : i32
      %dma_wait3A_63 = arith.constant 0 : i32
      %dma_wait3A_64 = tpu.memref_slice %arg2[%dma_wait3A_62, %dma_wait3A_63] : memref<32000x1024xf32, #tpu.memory_space<hbm>> -> memref<32000x1024xf32, #tpu.memory_space<hbm>>
      tpu.wait_indirect_dma semaphore(%run_scoped3A_52 : memref<!tpu.dma_semaphore, #tpu.memory_space<semaphore_mem>>) src(%dma_wait3A_64 : memref<32000x1024xf32, #tpu.memory_space<hbm>>) dst(%arg6 : memref<32x1024xf32, #tpu.memory_space<vmem>>)
      tpu.yield
    }) : () -> ()
    %add3A_27 = arith.constant 64 : i32
    %add3A_28 = arith.addi %mul3A_2, %add3A_27 : i32
    %dma_start3A_29 = arith.constant 0 : i32
    %dma_start3A_30 = tpu.memref_slice %arg4[%add3A_28, %dma_start3A_29] : memref<4096x1024xf32, #tpu.memory_space<hbm>> -> memref<32x1024xf32, #tpu.memory_space<hbm>>
    %dma_start3A_31 = arith.constant 0 : i32
    %dma_start3A_32 = tpu.memref_slice %arg4[%add3A_28, %dma_start3A_31] : memref<4096x1024xf32, #tpu.memory_space<hbm>> -> memref<32x1024xf32, #tpu.memory_space<hbm>>
    tpu.enqueue_dma source(%arg6 : memref<32x1024xf32, #tpu.memory_space<vmem>>) target(%dma_start3A_32 : memref<32x1024xf32, #tpu.memory_space<hbm>>) target_semaphore(%arg9 : memref<!tpu.dma_semaphore, #tpu.memory_space<semaphore_mem>>)
    %dma_wait3A_33 = arith.constant 0 : i32
    %dma_wait3A_34 = tpu.memref_slice %arg4[%add3A_17, %dma_wait3A_33] : memref<4096x1024xf32, #tpu.memory_space<hbm>> -> memref<32x1024xf32, #tpu.memory_space<hbm>>
    %dma_wait3A_35 = arith.constant 0 : i32
    %dma_wait3A_36 = tpu.memref_slice %arg4[%add3A_17, %dma_wait3A_35] : memref<4096x1024xf32, #tpu.memory_space<hbm>> -> memref<32x1024xf32, #tpu.memory_space<hbm>>
    tpu.wait_dma2 semaphore(%arg10 : memref<!tpu.dma_semaphore, #tpu.memory_space<semaphore_mem>>) src(%arg7 : memref<32x1024xf32, #tpu.memory_space<vmem>>) dst(%dma_wait3A_36 : memref<32x1024xf32, #tpu.memory_space<hbm>>)
    %run_scoped3A_37 = arith.constant 0 : i32
    "tpu.region"() ({
      %run_scoped3A_52 = tpu.sem_alloc : memref<!tpu.dma_semaphore, #tpu.memory_space<semaphore_mem>>
      %dma_start3A_53 = arith.constant 96 : i32
      %dma_start3A_54 = tpu.memref_slice %arg5[%run_scoped3A_37, %dma_start3A_53] : memref<1x128xi32, #tpu.memory_space<vmem>> -> memref<1x32xi32, #tpu.memory_space<vmem>>
      %dma_start3A_55 = tpu.memref_squeeze %dma_start3A_54 : memref<1x32xi32, #tpu.memory_space<vmem>> -> memref<32xi32, #tpu.memory_space<vmem>>
      %dma_start3A_56 = arith.constant 0 : i32
      %dma_start3A_57 = arith.constant 0 : i32
      %dma_start3A_58 = tpu.memref_slice %arg2[%dma_start3A_56, %dma_start3A_57] : memref<32000x1024xf32, #tpu.memory_space<hbm>> -> memref<32000x1024xf32, #tpu.memory_space<hbm>>
      tpu.enqueue_indirect_dma source(%dma_start3A_58 : memref<32000x1024xf32, #tpu.memory_space<hbm>>) target(%arg7 : memref<32x1024xf32, #tpu.memory_space<vmem>>) offsets(%dma_start3A_55 : memref<32xi32, #tpu.memory_space<vmem>>) semaphore(%run_scoped3A_52 : memref<!tpu.dma_semaphore, #tpu.memory_space<semaphore_mem>>)
      %dma_wait3A_59 = arith.constant 96 : i32
      %dma_wait3A_60 = tpu.memref_slice %arg5[%run_scoped3A_37, %dma_wait3A_59] : memref<1x128xi32, #tpu.memory_space<vmem>> -> memref<1x32xi32, #tpu.memory_space<vmem>>
      %dma_wait3A_61 = tpu.memref_squeeze %dma_wait3A_60 : memref<1x32xi32, #tpu.memory_space<vmem>> -> memref<32xi32, #tpu.memory_space<vmem>>
      %dma_wait3A_62 = arith.constant 0 : i32
      %dma_wait3A_63 = arith.constant 0 : i32
      %dma_wait3A_64 = tpu.memref_slice %arg2[%dma_wait3A_62, %dma_wait3A_63] : memref<32000x1024xf32, #tpu.memory_space<hbm>> -> memref<32000x1024xf32, #tpu.memory_space<hbm>>
      tpu.wait_indirect_dma semaphore(%run_scoped3A_52 : memref<!tpu.dma_semaphore, #tpu.memory_space<semaphore_mem>>) src(%dma_wait3A_64 : memref<32000x1024xf32, #tpu.memory_space<hbm>>) dst(%arg7 : memref<32x1024xf32, #tpu.memory_space<vmem>>)
      tpu.yield
    }) : () -> ()
    %add3A_38 = arith.constant 96 : i32
    %add3A_39 = arith.addi %mul3A_2, %add3A_38 : i32
    %dma_start3A_40 = arith.constant 0 : i32
    %dma_start3A_41 = tpu.memref_slice %arg4[%add3A_39, %dma_start3A_40] : memref<4096x1024xf32, #tpu.memory_space<hbm>> -> memref<32x1024xf32, #tpu.memory_space<hbm>>
    %dma_start3A_42 = arith.constant 0 : i32
    %dma_start3A_43 = tpu.memref_slice %arg4[%add3A_39, %dma_start3A_42] : memref<4096x1024xf32, #tpu.memory_space<hbm>> -> memref<32x1024xf32, #tpu.memory_space<hbm>>
    tpu.enqueue_dma source(%arg7 : memref<32x1024xf32, #tpu.memory_space<vmem>>) target(%dma_start3A_43 : memref<32x1024xf32, #tpu.memory_space<hbm>>) target_semaphore(%arg10 : memref<!tpu.dma_semaphore, #tpu.memory_space<semaphore_mem>>)
    %dma_wait3A_44 = arith.constant 0 : i32
    %dma_wait3A_45 = tpu.memref_slice %arg4[%add3A_28, %dma_wait3A_44] : memref<4096x1024xf32, #tpu.memory_space<hbm>> -> memref<32x1024xf32, #tpu.memory_space<hbm>>
    %dma_wait3A_46 = arith.constant 0 : i32
    %dma_wait3A_47 = tpu.memref_slice %arg4[%add3A_28, %dma_wait3A_46] : memref<4096x1024xf32, #tpu.memory_space<hbm>> -> memref<32x1024xf32, #tpu.memory_space<hbm>>
    tpu.wait_dma2 semaphore(%arg9 : memref<!tpu.dma_semaphore, #tpu.memory_space<semaphore_mem>>) src(%arg6 : memref<32x1024xf32, #tpu.memory_space<vmem>>) dst(%dma_wait3A_47 : memref<32x1024xf32, #tpu.memory_space<hbm>>)
    %dma_wait3A_48 = arith.constant 0 : i32
    %dma_wait3A_49 = tpu.memref_slice %arg4[%add3A_39, %dma_wait3A_48] : memref<4096x1024xf32, #tpu.memory_space<hbm>> -> memref<32x1024xf32, #tpu.memory_space<hbm>>
    %dma_wait3A_50 = arith.constant 0 : i32
    %dma_wait3A_51 = tpu.memref_slice %arg4[%add3A_39, %dma_wait3A_50] : memref<4096x1024xf32, #tpu.memory_space<hbm>> -> memref<32x1024xf32, #tpu.memory_space<hbm>>
    tpu.wait_dma2 semaphore(%arg10 : memref<!tpu.dma_semaphore, #tpu.memory_space<semaphore_mem>>) src(%arg7 : memref<32x1024xf32, #tpu.memory_space<vmem>>) dst(%dma_wait3A_51 : memref<32x1024xf32, #tpu.memory_space<hbm>>)
    return
  }
}

#map = affine_map<(d0, d1) -> (0, 0)>
module attributes {stable_mosaic.version = 14 : i64} {
  func.func @k(%arg0: i32, %arg1: i32, %arg2: memref<4096x1024xf32, #tpu.memory_space<hbm>>, %arg3: memref<32x256xi32, #tpu.memory_space<hbm>>, %arg4: memref<10240x1024xf32, #tpu.memory_space<hbm>>, %arg5: memref<1x256xi32, #tpu.memory_space<vmem>>, %arg6: memref<32x1024xf32, #tpu.memory_space<vmem>>, %arg7: memref<32x1024xf32, #tpu.memory_space<vmem>>, %arg8: memref<!tpu.dma_semaphore, #tpu.memory_space<semaphore_mem>>, %arg9: memref<!tpu.dma_semaphore, #tpu.memory_space<semaphore_mem>>, %arg10: memref<!tpu.dma_semaphore, #tpu.memory_space<semaphore_mem>>) attributes {dimension_semantics = [#tpu.dimension_semantics<core_parallel>, #tpu.dimension_semantics<subcore_parallel>], iteration_bounds = array<i64: 2, 16>, scalar_prefetch = 0 : i64, scratch_operands = 6 : i64, tpu.core_type = #tpu.core_type<sc_vector_subcore>, window_params = [{transform_indices = #map}, {transform_indices = #map}, {transform_indices = #map}]} {
    %mul3A = arith.constant 16 : i32
    %mul3A_0 = arith.muli %arg0, %mul3A : i32
    %add3A = arith.addi %mul3A_0, %arg1 : i32
    %jit3A = arith.constant 16 : i32
    %eq3A = arith.constant 0 : i32
    %eq3A_1 = arith.cmpi eq, %jit3A, %eq3A : i32
    %jit3A_2 = arith.constant 1 : i32
    %select_n3A = arith.select %eq3A_1, %jit3A_2, %jit3A : i32
    %rem3A = arith.remsi %add3A, %select_n3A : i32
    %ne3A = arith.constant 0 : i32
    %ne3A_3 = arith.cmpi ne, %rem3A, %ne3A : i32
    %lt3A = arith.constant 0 : i32
    %lt3A_4 = arith.cmpi slt, %rem3A, %lt3A : i32
    %lt3A_5 = arith.constant 0 : i32
    %lt3A_6 = arith.cmpi slt, %select_n3A, %lt3A_5 : i32
    %ne3A_7 = arith.xori %lt3A_4, %lt3A_6 : i1
    %and3A = arith.andi %ne3A_7, %ne3A_3 : i1
    %add3A_8 = arith.addi %rem3A, %select_n3A : i32
    %select_n3A_9 = arith.select %and3A, %add3A_8, %rem3A : i32
    %mul3A_10 = arith.constant 256 : i32
    %mul3A_11 = arith.muli %select_n3A_9, %mul3A_10 : i32
    %dma_start3A = arith.constant 0 : i32
    %dma_start3A_12 = tpu.memref_slice %arg3[%add3A, %dma_start3A] : memref<32x256xi32, #tpu.memory_space<hbm>> -> memref<1x256xi32, #tpu.memory_space<hbm>>
    %dma_start3A_13 = arith.constant 0 : i32
    %dma_start3A_14 = tpu.memref_slice %arg3[%add3A, %dma_start3A_13] : memref<32x256xi32, #tpu.memory_space<hbm>> -> memref<1x256xi32, #tpu.memory_space<hbm>>
    tpu.enqueue_dma source(%dma_start3A_14 : memref<1x256xi32, #tpu.memory_space<hbm>>) target(%arg5 : memref<1x256xi32, #tpu.memory_space<vmem>>) target_semaphore(%arg8 : memref<!tpu.dma_semaphore, #tpu.memory_space<semaphore_mem>>)
    %dma_wait3A = arith.constant 0 : i32
    %dma_wait3A_15 = tpu.memref_slice %arg3[%add3A, %dma_wait3A] : memref<32x256xi32, #tpu.memory_space<hbm>> -> memref<1x256xi32, #tpu.memory_space<hbm>>
    %dma_wait3A_16 = arith.constant 0 : i32
    %dma_wait3A_17 = tpu.memref_slice %arg3[%add3A, %dma_wait3A_16] : memref<32x256xi32, #tpu.memory_space<hbm>> -> memref<1x256xi32, #tpu.memory_space<hbm>>
    tpu.wait_dma2 semaphore(%arg8 : memref<!tpu.dma_semaphore, #tpu.memory_space<semaphore_mem>>) src(%dma_wait3A_17 : memref<1x256xi32, #tpu.memory_space<hbm>>) dst(%arg5 : memref<1x256xi32, #tpu.memory_space<vmem>>)
    %dma_start3A_18 = arith.constant 0 : i32
    %dma_start3A_19 = tpu.memref_slice %arg2[%mul3A_11, %dma_start3A_18] : memref<4096x1024xf32, #tpu.memory_space<hbm>> -> memref<32x1024xf32, #tpu.memory_space<hbm>>
    %dma_start3A_20 = arith.constant 0 : i32
    %dma_start3A_21 = tpu.memref_slice %arg2[%mul3A_11, %dma_start3A_20] : memref<4096x1024xf32, #tpu.memory_space<hbm>> -> memref<32x1024xf32, #tpu.memory_space<hbm>>
    tpu.enqueue_dma source(%dma_start3A_21 : memref<32x1024xf32, #tpu.memory_space<hbm>>) target(%arg6 : memref<32x1024xf32, #tpu.memory_space<vmem>>) target_semaphore(%arg9 : memref<!tpu.dma_semaphore, #tpu.memory_space<semaphore_mem>>)
    %dma_wait3A_22 = arith.constant 0 : i32
    %dma_wait3A_23 = tpu.memref_slice %arg2[%mul3A_11, %dma_wait3A_22] : memref<4096x1024xf32, #tpu.memory_space<hbm>> -> memref<32x1024xf32, #tpu.memory_space<hbm>>
    %dma_wait3A_24 = arith.constant 0 : i32
    %dma_wait3A_25 = tpu.memref_slice %arg2[%mul3A_11, %dma_wait3A_24] : memref<4096x1024xf32, #tpu.memory_space<hbm>> -> memref<32x1024xf32, #tpu.memory_space<hbm>>
    tpu.wait_dma2 semaphore(%arg9 : memref<!tpu.dma_semaphore, #tpu.memory_space<semaphore_mem>>) src(%dma_wait3A_25 : memref<32x1024xf32, #tpu.memory_space<hbm>>) dst(%arg6 : memref<32x1024xf32, #tpu.memory_space<vmem>>)
    %add3A_26 = arith.constant 32 : i32
    %add3A_27 = arith.addi %mul3A_11, %add3A_26 : i32
    %dma_start3A_28 = arith.constant 0 : i32
    %dma_start3A_29 = tpu.memref_slice %arg2[%add3A_27, %dma_start3A_28] : memref<4096x1024xf32, #tpu.memory_space<hbm>> -> memref<32x1024xf32, #tpu.memory_space<hbm>>
    %dma_start3A_30 = arith.constant 0 : i32
    %dma_start3A_31 = tpu.memref_slice %arg2[%add3A_27, %dma_start3A_30] : memref<4096x1024xf32, #tpu.memory_space<hbm>> -> memref<32x1024xf32, #tpu.memory_space<hbm>>
    tpu.enqueue_dma source(%dma_start3A_31 : memref<32x1024xf32, #tpu.memory_space<hbm>>) target(%arg7 : memref<32x1024xf32, #tpu.memory_space<vmem>>) target_semaphore(%arg10 : memref<!tpu.dma_semaphore, #tpu.memory_space<semaphore_mem>>)
    %run_scoped3A = arith.constant 0 : i32
    "tpu.region"() ({
      %run_scoped3A_103 = tpu.sem_alloc : memref<!tpu.dma_semaphore, #tpu.memory_space<semaphore_mem>>
      %dma_start3A_104 = arith.constant 0 : i32
      %dma_start3A_105 = tpu.memref_slice %arg5[%run_scoped3A, %dma_start3A_104] : memref<1x256xi32, #tpu.memory_space<vmem>> -> memref<1x32xi32, #tpu.memory_space<vmem>>
      %dma_start3A_106 = tpu.memref_squeeze %dma_start3A_105 : memref<1x32xi32, #tpu.memory_space<vmem>> -> memref<32xi32, #tpu.memory_space<vmem>>
      %dma_start3A_107 = arith.constant 0 : i32
      %dma_start3A_108 = arith.constant 0 : i32
      %dma_start3A_109 = tpu.memref_slice %arg4[%dma_start3A_107, %dma_start3A_108] : memref<10240x1024xf32, #tpu.memory_space<hbm>> -> memref<10240x1024xf32, #tpu.memory_space<hbm>>
      tpu.enqueue_indirect_dma source(%arg6 : memref<32x1024xf32, #tpu.memory_space<vmem>>) target(%dma_start3A_109 : memref<10240x1024xf32, #tpu.memory_space<hbm>>) offsets(%dma_start3A_106 : memref<32xi32, #tpu.memory_space<vmem>>) semaphore(%run_scoped3A_103 : memref<!tpu.dma_semaphore, #tpu.memory_space<semaphore_mem>>)
      %dma_wait3A_110 = arith.constant 0 : i32
      %dma_wait3A_111 = tpu.memref_slice %arg5[%run_scoped3A, %dma_wait3A_110] : memref<1x256xi32, #tpu.memory_space<vmem>> -> memref<1x32xi32, #tpu.memory_space<vmem>>
      %dma_wait3A_112 = tpu.memref_squeeze %dma_wait3A_111 : memref<1x32xi32, #tpu.memory_space<vmem>> -> memref<32xi32, #tpu.memory_space<vmem>>
      %dma_wait3A_113 = arith.constant 0 : i32
      %dma_wait3A_114 = arith.constant 0 : i32
      %dma_wait3A_115 = tpu.memref_slice %arg4[%dma_wait3A_113, %dma_wait3A_114] : memref<10240x1024xf32, #tpu.memory_space<hbm>> -> memref<10240x1024xf32, #tpu.memory_space<hbm>>
      tpu.wait_indirect_dma semaphore(%run_scoped3A_103 : memref<!tpu.dma_semaphore, #tpu.memory_space<semaphore_mem>>) src(%arg6 : memref<32x1024xf32, #tpu.memory_space<vmem>>) dst(%dma_wait3A_115 : memref<10240x1024xf32, #tpu.memory_space<hbm>>)
      tpu.yield
    }) : () -> ()
    %dma_wait3A_32 = arith.constant 0 : i32
    %dma_wait3A_33 = tpu.memref_slice %arg2[%add3A_27, %dma_wait3A_32] : memref<4096x1024xf32, #tpu.memory_space<hbm>> -> memref<32x1024xf32, #tpu.memory_space<hbm>>
    %dma_wait3A_34 = arith.constant 0 : i32
    %dma_wait3A_35 = tpu.memref_slice %arg2[%add3A_27, %dma_wait3A_34] : memref<4096x1024xf32, #tpu.memory_space<hbm>> -> memref<32x1024xf32, #tpu.memory_space<hbm>>
    tpu.wait_dma2 semaphore(%arg10 : memref<!tpu.dma_semaphore, #tpu.memory_space<semaphore_mem>>) src(%dma_wait3A_35 : memref<32x1024xf32, #tpu.memory_space<hbm>>) dst(%arg7 : memref<32x1024xf32, #tpu.memory_space<vmem>>)
    %add3A_36 = arith.constant 64 : i32
    %add3A_37 = arith.addi %mul3A_11, %add3A_36 : i32
    %dma_start3A_38 = arith.constant 0 : i32
    %dma_start3A_39 = tpu.memref_slice %arg2[%add3A_37, %dma_start3A_38] : memref<4096x1024xf32, #tpu.memory_space<hbm>> -> memref<32x1024xf32, #tpu.memory_space<hbm>>
    %dma_start3A_40 = arith.constant 0 : i32
    %dma_start3A_41 = tpu.memref_slice %arg2[%add3A_37, %dma_start3A_40] : memref<4096x1024xf32, #tpu.memory_space<hbm>> -> memref<32x1024xf32, #tpu.memory_space<hbm>>
    tpu.enqueue_dma source(%dma_start3A_41 : memref<32x1024xf32, #tpu.memory_space<hbm>>) target(%arg6 : memref<32x1024xf32, #tpu.memory_space<vmem>>) target_semaphore(%arg9 : memref<!tpu.dma_semaphore, #tpu.memory_space<semaphore_mem>>)
    %run_scoped3A_42 = arith.constant 0 : i32
    "tpu.region"() ({
      %run_scoped3A_103 = tpu.sem_alloc : memref<!tpu.dma_semaphore, #tpu.memory_space<semaphore_mem>>
      %dma_start3A_104 = arith.constant 32 : i32
      %dma_start3A_105 = tpu.memref_slice %arg5[%run_scoped3A_42, %dma_start3A_104] : memref<1x256xi32, #tpu.memory_space<vmem>> -> memref<1x32xi32, #tpu.memory_space<vmem>>
      %dma_start3A_106 = tpu.memref_squeeze %dma_start3A_105 : memref<1x32xi32, #tpu.memory_space<vmem>> -> memref<32xi32, #tpu.memory_space<vmem>>
      %dma_start3A_107 = arith.constant 0 : i32
      %dma_start3A_108 = arith.constant 0 : i32
      %dma_start3A_109 = tpu.memref_slice %arg4[%dma_start3A_107, %dma_start3A_108] : memref<10240x1024xf32, #tpu.memory_space<hbm>> -> memref<10240x1024xf32, #tpu.memory_space<hbm>>
      tpu.enqueue_indirect_dma source(%arg7 : memref<32x1024xf32, #tpu.memory_space<vmem>>) target(%dma_start3A_109 : memref<10240x1024xf32, #tpu.memory_space<hbm>>) offsets(%dma_start3A_106 : memref<32xi32, #tpu.memory_space<vmem>>) semaphore(%run_scoped3A_103 : memref<!tpu.dma_semaphore, #tpu.memory_space<semaphore_mem>>)
      %dma_wait3A_110 = arith.constant 32 : i32
      %dma_wait3A_111 = tpu.memref_slice %arg5[%run_scoped3A_42, %dma_wait3A_110] : memref<1x256xi32, #tpu.memory_space<vmem>> -> memref<1x32xi32, #tpu.memory_space<vmem>>
      %dma_wait3A_112 = tpu.memref_squeeze %dma_wait3A_111 : memref<1x32xi32, #tpu.memory_space<vmem>> -> memref<32xi32, #tpu.memory_space<vmem>>
      %dma_wait3A_113 = arith.constant 0 : i32
      %dma_wait3A_114 = arith.constant 0 : i32
      %dma_wait3A_115 = tpu.memref_slice %arg4[%dma_wait3A_113, %dma_wait3A_114] : memref<10240x1024xf32, #tpu.memory_space<hbm>> -> memref<10240x1024xf32, #tpu.memory_space<hbm>>
      tpu.wait_indirect_dma semaphore(%run_scoped3A_103 : memref<!tpu.dma_semaphore, #tpu.memory_space<semaphore_mem>>) src(%arg7 : memref<32x1024xf32, #tpu.memory_space<vmem>>) dst(%dma_wait3A_115 : memref<10240x1024xf32, #tpu.memory_space<hbm>>)
      tpu.yield
    }) : () -> ()
    %dma_wait3A_43 = arith.constant 0 : i32
    %dma_wait3A_44 = tpu.memref_slice %arg2[%add3A_37, %dma_wait3A_43] : memref<4096x1024xf32, #tpu.memory_space<hbm>> -> memref<32x1024xf32, #tpu.memory_space<hbm>>
    %dma_wait3A_45 = arith.constant 0 : i32
    %dma_wait3A_46 = tpu.memref_slice %arg2[%add3A_37, %dma_wait3A_45] : memref<4096x1024xf32, #tpu.memory_space<hbm>> -> memref<32x1024xf32, #tpu.memory_space<hbm>>
    tpu.wait_dma2 semaphore(%arg9 : memref<!tpu.dma_semaphore, #tpu.memory_space<semaphore_mem>>) src(%dma_wait3A_46 : memref<32x1024xf32, #tpu.memory_space<hbm>>) dst(%arg6 : memref<32x1024xf32, #tpu.memory_space<vmem>>)
    %add3A_47 = arith.constant 96 : i32
    %add3A_48 = arith.addi %mul3A_11, %add3A_47 : i32
    %dma_start3A_49 = arith.constant 0 : i32
    %dma_start3A_50 = tpu.memref_slice %arg2[%add3A_48, %dma_start3A_49] : memref<4096x1024xf32, #tpu.memory_space<hbm>> -> memref<32x1024xf32, #tpu.memory_space<hbm>>
    %dma_start3A_51 = arith.constant 0 : i32
    %dma_start3A_52 = tpu.memref_slice %arg2[%add3A_48, %dma_start3A_51] : memref<4096x1024xf32, #tpu.memory_space<hbm>> -> memref<32x1024xf32, #tpu.memory_space<hbm>>
    tpu.enqueue_dma source(%dma_start3A_52 : memref<32x1024xf32, #tpu.memory_space<hbm>>) target(%arg7 : memref<32x1024xf32, #tpu.memory_space<vmem>>) target_semaphore(%arg10 : memref<!tpu.dma_semaphore, #tpu.memory_space<semaphore_mem>>)
    %run_scoped3A_53 = arith.constant 0 : i32
    "tpu.region"() ({
      %run_scoped3A_103 = tpu.sem_alloc : memref<!tpu.dma_semaphore, #tpu.memory_space<semaphore_mem>>
      %dma_start3A_104 = arith.constant 64 : i32
      %dma_start3A_105 = tpu.memref_slice %arg5[%run_scoped3A_53, %dma_start3A_104] : memref<1x256xi32, #tpu.memory_space<vmem>> -> memref<1x32xi32, #tpu.memory_space<vmem>>
      %dma_start3A_106 = tpu.memref_squeeze %dma_start3A_105 : memref<1x32xi32, #tpu.memory_space<vmem>> -> memref<32xi32, #tpu.memory_space<vmem>>
      %dma_start3A_107 = arith.constant 0 : i32
      %dma_start3A_108 = arith.constant 0 : i32
      %dma_start3A_109 = tpu.memref_slice %arg4[%dma_start3A_107, %dma_start3A_108] : memref<10240x1024xf32, #tpu.memory_space<hbm>> -> memref<10240x1024xf32, #tpu.memory_space<hbm>>
      tpu.enqueue_indirect_dma source(%arg6 : memref<32x1024xf32, #tpu.memory_space<vmem>>) target(%dma_start3A_109 : memref<10240x1024xf32, #tpu.memory_space<hbm>>) offsets(%dma_start3A_106 : memref<32xi32, #tpu.memory_space<vmem>>) semaphore(%run_scoped3A_103 : memref<!tpu.dma_semaphore, #tpu.memory_space<semaphore_mem>>)
      %dma_wait3A_110 = arith.constant 64 : i32
      %dma_wait3A_111 = tpu.memref_slice %arg5[%run_scoped3A_53, %dma_wait3A_110] : memref<1x256xi32, #tpu.memory_space<vmem>> -> memref<1x32xi32, #tpu.memory_space<vmem>>
      %dma_wait3A_112 = tpu.memref_squeeze %dma_wait3A_111 : memref<1x32xi32, #tpu.memory_space<vmem>> -> memref<32xi32, #tpu.memory_space<vmem>>
      %dma_wait3A_113 = arith.constant 0 : i32
      %dma_wait3A_114 = arith.constant 0 : i32
      %dma_wait3A_115 = tpu.memref_slice %arg4[%dma_wait3A_113, %dma_wait3A_114] : memref<10240x1024xf32, #tpu.memory_space<hbm>> -> memref<10240x1024xf32, #tpu.memory_space<hbm>>
      tpu.wait_indirect_dma semaphore(%run_scoped3A_103 : memref<!tpu.dma_semaphore, #tpu.memory_space<semaphore_mem>>) src(%arg6 : memref<32x1024xf32, #tpu.memory_space<vmem>>) dst(%dma_wait3A_115 : memref<10240x1024xf32, #tpu.memory_space<hbm>>)
      tpu.yield
    }) : () -> ()
    %dma_wait3A_54 = arith.constant 0 : i32
    %dma_wait3A_55 = tpu.memref_slice %arg2[%add3A_48, %dma_wait3A_54] : memref<4096x1024xf32, #tpu.memory_space<hbm>> -> memref<32x1024xf32, #tpu.memory_space<hbm>>
    %dma_wait3A_56 = arith.constant 0 : i32
    %dma_wait3A_57 = tpu.memref_slice %arg2[%add3A_48, %dma_wait3A_56] : memref<4096x1024xf32, #tpu.memory_space<hbm>> -> memref<32x1024xf32, #tpu.memory_space<hbm>>
    tpu.wait_dma2 semaphore(%arg10 : memref<!tpu.dma_semaphore, #tpu.memory_space<semaphore_mem>>) src(%dma_wait3A_57 : memref<32x1024xf32, #tpu.memory_space<hbm>>) dst(%arg7 : memref<32x1024xf32, #tpu.memory_space<vmem>>)
    %add3A_58 = arith.constant 128 : i32
    %add3A_59 = arith.addi %mul3A_11, %add3A_58 : i32
    %dma_start3A_60 = arith.constant 0 : i32
    %dma_start3A_61 = tpu.memref_slice %arg2[%add3A_59, %dma_start3A_60] : memref<4096x1024xf32, #tpu.memory_space<hbm>> -> memref<32x1024xf32, #tpu.memory_space<hbm>>
    %dma_start3A_62 = arith.constant 0 : i32
    %dma_start3A_63 = tpu.memref_slice %arg2[%add3A_59, %dma_start3A_62] : memref<4096x1024xf32, #tpu.memory_space<hbm>> -> memref<32x1024xf32, #tpu.memory_space<hbm>>
    tpu.enqueue_dma source(%dma_start3A_63 : memref<32x1024xf32, #tpu.memory_space<hbm>>) target(%arg6 : memref<32x1024xf32, #tpu.memory_space<vmem>>) target_semaphore(%arg9 : memref<!tpu.dma_semaphore, #tpu.memory_space<semaphore_mem>>)
    %run_scoped3A_64 = arith.constant 0 : i32
    "tpu.region"() ({
      %run_scoped3A_103 = tpu.sem_alloc : memref<!tpu.dma_semaphore, #tpu.memory_space<semaphore_mem>>
      %dma_start3A_104 = arith.constant 96 : i32
      %dma_start3A_105 = tpu.memref_slice %arg5[%run_scoped3A_64, %dma_start3A_104] : memref<1x256xi32, #tpu.memory_space<vmem>> -> memref<1x32xi32, #tpu.memory_space<vmem>>
      %dma_start3A_106 = tpu.memref_squeeze %dma_start3A_105 : memref<1x32xi32, #tpu.memory_space<vmem>> -> memref<32xi32, #tpu.memory_space<vmem>>
      %dma_start3A_107 = arith.constant 0 : i32
      %dma_start3A_108 = arith.constant 0 : i32
      %dma_start3A_109 = tpu.memref_slice %arg4[%dma_start3A_107, %dma_start3A_108] : memref<10240x1024xf32, #tpu.memory_space<hbm>> -> memref<10240x1024xf32, #tpu.memory_space<hbm>>
      tpu.enqueue_indirect_dma source(%arg7 : memref<32x1024xf32, #tpu.memory_space<vmem>>) target(%dma_start3A_109 : memref<10240x1024xf32, #tpu.memory_space<hbm>>) offsets(%dma_start3A_106 : memref<32xi32, #tpu.memory_space<vmem>>) semaphore(%run_scoped3A_103 : memref<!tpu.dma_semaphore, #tpu.memory_space<semaphore_mem>>)
      %dma_wait3A_110 = arith.constant 96 : i32
      %dma_wait3A_111 = tpu.memref_slice %arg5[%run_scoped3A_64, %dma_wait3A_110] : memref<1x256xi32, #tpu.memory_space<vmem>> -> memref<1x32xi32, #tpu.memory_space<vmem>>
      %dma_wait3A_112 = tpu.memref_squeeze %dma_wait3A_111 : memref<1x32xi32, #tpu.memory_space<vmem>> -> memref<32xi32, #tpu.memory_space<vmem>>
      %dma_wait3A_113 = arith.constant 0 : i32
      %dma_wait3A_114 = arith.constant 0 : i32
      %dma_wait3A_115 = tpu.memref_slice %arg4[%dma_wait3A_113, %dma_wait3A_114] : memref<10240x1024xf32, #tpu.memory_space<hbm>> -> memref<10240x1024xf32, #tpu.memory_space<hbm>>
      tpu.wait_indirect_dma semaphore(%run_scoped3A_103 : memref<!tpu.dma_semaphore, #tpu.memory_space<semaphore_mem>>) src(%arg7 : memref<32x1024xf32, #tpu.memory_space<vmem>>) dst(%dma_wait3A_115 : memref<10240x1024xf32, #tpu.memory_space<hbm>>)
      tpu.yield
    }) : () -> ()
    %dma_wait3A_65 = arith.constant 0 : i32
    %dma_wait3A_66 = tpu.memref_slice %arg2[%add3A_59, %dma_wait3A_65] : memref<4096x1024xf32, #tpu.memory_space<hbm>> -> memref<32x1024xf32, #tpu.memory_space<hbm>>
    %dma_wait3A_67 = arith.constant 0 : i32
    %dma_wait3A_68 = tpu.memref_slice %arg2[%add3A_59, %dma_wait3A_67] : memref<4096x1024xf32, #tpu.memory_space<hbm>> -> memref<32x1024xf32, #tpu.memory_space<hbm>>
    tpu.wait_dma2 semaphore(%arg9 : memref<!tpu.dma_semaphore, #tpu.memory_space<semaphore_mem>>) src(%dma_wait3A_68 : memref<32x1024xf32, #tpu.memory_space<hbm>>) dst(%arg6 : memref<32x1024xf32, #tpu.memory_space<vmem>>)
    %add3A_69 = arith.constant 160 : i32
    %add3A_70 = arith.addi %mul3A_11, %add3A_69 : i32
    %dma_start3A_71 = arith.constant 0 : i32
    %dma_start3A_72 = tpu.memref_slice %arg2[%add3A_70, %dma_start3A_71] : memref<4096x1024xf32, #tpu.memory_space<hbm>> -> memref<32x1024xf32, #tpu.memory_space<hbm>>
    %dma_start3A_73 = arith.constant 0 : i32
    %dma_start3A_74 = tpu.memref_slice %arg2[%add3A_70, %dma_start3A_73] : memref<4096x1024xf32, #tpu.memory_space<hbm>> -> memref<32x1024xf32, #tpu.memory_space<hbm>>
    tpu.enqueue_dma source(%dma_start3A_74 : memref<32x1024xf32, #tpu.memory_space<hbm>>) target(%arg7 : memref<32x1024xf32, #tpu.memory_space<vmem>>) target_semaphore(%arg10 : memref<!tpu.dma_semaphore, #tpu.memory_space<semaphore_mem>>)
    %run_scoped3A_75 = arith.constant 0 : i32
    "tpu.region"() ({
      %run_scoped3A_103 = tpu.sem_alloc : memref<!tpu.dma_semaphore, #tpu.memory_space<semaphore_mem>>
      %dma_start3A_104 = arith.constant 128 : i32
      %dma_start3A_105 = tpu.memref_slice %arg5[%run_scoped3A_75, %dma_start3A_104] : memref<1x256xi32, #tpu.memory_space<vmem>> -> memref<1x32xi32, #tpu.memory_space<vmem>>
      %dma_start3A_106 = tpu.memref_squeeze %dma_start3A_105 : memref<1x32xi32, #tpu.memory_space<vmem>> -> memref<32xi32, #tpu.memory_space<vmem>>
      %dma_start3A_107 = arith.constant 0 : i32
      %dma_start3A_108 = arith.constant 0 : i32
      %dma_start3A_109 = tpu.memref_slice %arg4[%dma_start3A_107, %dma_start3A_108] : memref<10240x1024xf32, #tpu.memory_space<hbm>> -> memref<10240x1024xf32, #tpu.memory_space<hbm>>
      tpu.enqueue_indirect_dma source(%arg6 : memref<32x1024xf32, #tpu.memory_space<vmem>>) target(%dma_start3A_109 : memref<10240x1024xf32, #tpu.memory_space<hbm>>) offsets(%dma_start3A_106 : memref<32xi32, #tpu.memory_space<vmem>>) semaphore(%run_scoped3A_103 : memref<!tpu.dma_semaphore, #tpu.memory_space<semaphore_mem>>)
      %dma_wait3A_110 = arith.constant 128 : i32
      %dma_wait3A_111 = tpu.memref_slice %arg5[%run_scoped3A_75, %dma_wait3A_110] : memref<1x256xi32, #tpu.memory_space<vmem>> -> memref<1x32xi32, #tpu.memory_space<vmem>>
      %dma_wait3A_112 = tpu.memref_squeeze %dma_wait3A_111 : memref<1x32xi32, #tpu.memory_space<vmem>> -> memref<32xi32, #tpu.memory_space<vmem>>
      %dma_wait3A_113 = arith.constant 0 : i32
      %dma_wait3A_114 = arith.constant 0 : i32
      %dma_wait3A_115 = tpu.memref_slice %arg4[%dma_wait3A_113, %dma_wait3A_114] : memref<10240x1024xf32, #tpu.memory_space<hbm>> -> memref<10240x1024xf32, #tpu.memory_space<hbm>>
      tpu.wait_indirect_dma semaphore(%run_scoped3A_103 : memref<!tpu.dma_semaphore, #tpu.memory_space<semaphore_mem>>) src(%arg6 : memref<32x1024xf32, #tpu.memory_space<vmem>>) dst(%dma_wait3A_115 : memref<10240x1024xf32, #tpu.memory_space<hbm>>)
      tpu.yield
    }) : () -> ()
    %dma_wait3A_76 = arith.constant 0 : i32
    %dma_wait3A_77 = tpu.memref_slice %arg2[%add3A_70, %dma_wait3A_76] : memref<4096x1024xf32, #tpu.memory_space<hbm>> -> memref<32x1024xf32, #tpu.memory_space<hbm>>
    %dma_wait3A_78 = arith.constant 0 : i32
    %dma_wait3A_79 = tpu.memref_slice %arg2[%add3A_70, %dma_wait3A_78] : memref<4096x1024xf32, #tpu.memory_space<hbm>> -> memref<32x1024xf32, #tpu.memory_space<hbm>>
    tpu.wait_dma2 semaphore(%arg10 : memref<!tpu.dma_semaphore, #tpu.memory_space<semaphore_mem>>) src(%dma_wait3A_79 : memref<32x1024xf32, #tpu.memory_space<hbm>>) dst(%arg7 : memref<32x1024xf32, #tpu.memory_space<vmem>>)
    %add3A_80 = arith.constant 192 : i32
    %add3A_81 = arith.addi %mul3A_11, %add3A_80 : i32
    %dma_start3A_82 = arith.constant 0 : i32
    %dma_start3A_83 = tpu.memref_slice %arg2[%add3A_81, %dma_start3A_82] : memref<4096x1024xf32, #tpu.memory_space<hbm>> -> memref<32x1024xf32, #tpu.memory_space<hbm>>
    %dma_start3A_84 = arith.constant 0 : i32
    %dma_start3A_85 = tpu.memref_slice %arg2[%add3A_81, %dma_start3A_84] : memref<4096x1024xf32, #tpu.memory_space<hbm>> -> memref<32x1024xf32, #tpu.memory_space<hbm>>
    tpu.enqueue_dma source(%dma_start3A_85 : memref<32x1024xf32, #tpu.memory_space<hbm>>) target(%arg6 : memref<32x1024xf32, #tpu.memory_space<vmem>>) target_semaphore(%arg9 : memref<!tpu.dma_semaphore, #tpu.memory_space<semaphore_mem>>)
    %run_scoped3A_86 = arith.constant 0 : i32
    "tpu.region"() ({
      %run_scoped3A_103 = tpu.sem_alloc : memref<!tpu.dma_semaphore, #tpu.memory_space<semaphore_mem>>
      %dma_start3A_104 = arith.constant 160 : i32
      %dma_start3A_105 = tpu.memref_slice %arg5[%run_scoped3A_86, %dma_start3A_104] : memref<1x256xi32, #tpu.memory_space<vmem>> -> memref<1x32xi32, #tpu.memory_space<vmem>>
      %dma_start3A_106 = tpu.memref_squeeze %dma_start3A_105 : memref<1x32xi32, #tpu.memory_space<vmem>> -> memref<32xi32, #tpu.memory_space<vmem>>
      %dma_start3A_107 = arith.constant 0 : i32
      %dma_start3A_108 = arith.constant 0 : i32
      %dma_start3A_109 = tpu.memref_slice %arg4[%dma_start3A_107, %dma_start3A_108] : memref<10240x1024xf32, #tpu.memory_space<hbm>> -> memref<10240x1024xf32, #tpu.memory_space<hbm>>
      tpu.enqueue_indirect_dma source(%arg7 : memref<32x1024xf32, #tpu.memory_space<vmem>>) target(%dma_start3A_109 : memref<10240x1024xf32, #tpu.memory_space<hbm>>) offsets(%dma_start3A_106 : memref<32xi32, #tpu.memory_space<vmem>>) semaphore(%run_scoped3A_103 : memref<!tpu.dma_semaphore, #tpu.memory_space<semaphore_mem>>)
      %dma_wait3A_110 = arith.constant 160 : i32
      %dma_wait3A_111 = tpu.memref_slice %arg5[%run_scoped3A_86, %dma_wait3A_110] : memref<1x256xi32, #tpu.memory_space<vmem>> -> memref<1x32xi32, #tpu.memory_space<vmem>>
      %dma_wait3A_112 = tpu.memref_squeeze %dma_wait3A_111 : memref<1x32xi32, #tpu.memory_space<vmem>> -> memref<32xi32, #tpu.memory_space<vmem>>
      %dma_wait3A_113 = arith.constant 0 : i32
      %dma_wait3A_114 = arith.constant 0 : i32
      %dma_wait3A_115 = tpu.memref_slice %arg4[%dma_wait3A_113, %dma_wait3A_114] : memref<10240x1024xf32, #tpu.memory_space<hbm>> -> memref<10240x1024xf32, #tpu.memory_space<hbm>>
      tpu.wait_indirect_dma semaphore(%run_scoped3A_103 : memref<!tpu.dma_semaphore, #tpu.memory_space<semaphore_mem>>) src(%arg7 : memref<32x1024xf32, #tpu.memory_space<vmem>>) dst(%dma_wait3A_115 : memref<10240x1024xf32, #tpu.memory_space<hbm>>)
      tpu.yield
    }) : () -> ()
    %dma_wait3A_87 = arith.constant 0 : i32
    %dma_wait3A_88 = tpu.memref_slice %arg2[%add3A_81, %dma_wait3A_87] : memref<4096x1024xf32, #tpu.memory_space<hbm>> -> memref<32x1024xf32, #tpu.memory_space<hbm>>
    %dma_wait3A_89 = arith.constant 0 : i32
    %dma_wait3A_90 = tpu.memref_slice %arg2[%add3A_81, %dma_wait3A_89] : memref<4096x1024xf32, #tpu.memory_space<hbm>> -> memref<32x1024xf32, #tpu.memory_space<hbm>>
    tpu.wait_dma2 semaphore(%arg9 : memref<!tpu.dma_semaphore, #tpu.memory_space<semaphore_mem>>) src(%dma_wait3A_90 : memref<32x1024xf32, #tpu.memory_space<hbm>>) dst(%arg6 : memref<32x1024xf32, #tpu.memory_space<vmem>>)
    %add3A_91 = arith.constant 224 : i32
    %add3A_92 = arith.addi %mul3A_11, %add3A_91 : i32
    %dma_start3A_93 = arith.constant 0 : i32
    %dma_start3A_94 = tpu.memref_slice %arg2[%add3A_92, %dma_start3A_93] : memref<4096x1024xf32, #tpu.memory_space<hbm>> -> memref<32x1024xf32, #tpu.memory_space<hbm>>
    %dma_start3A_95 = arith.constant 0 : i32
    %dma_start3A_96 = tpu.memref_slice %arg2[%add3A_92, %dma_start3A_95] : memref<4096x1024xf32, #tpu.memory_space<hbm>> -> memref<32x1024xf32, #tpu.memory_space<hbm>>
    tpu.enqueue_dma source(%dma_start3A_96 : memref<32x1024xf32, #tpu.memory_space<hbm>>) target(%arg7 : memref<32x1024xf32, #tpu.memory_space<vmem>>) target_semaphore(%arg10 : memref<!tpu.dma_semaphore, #tpu.memory_space<semaphore_mem>>)
    %run_scoped3A_97 = arith.constant 0 : i32
    "tpu.region"() ({
      %run_scoped3A_103 = tpu.sem_alloc : memref<!tpu.dma_semaphore, #tpu.memory_space<semaphore_mem>>
      %dma_start3A_104 = arith.constant 192 : i32
      %dma_start3A_105 = tpu.memref_slice %arg5[%run_scoped3A_97, %dma_start3A_104] : memref<1x256xi32, #tpu.memory_space<vmem>> -> memref<1x32xi32, #tpu.memory_space<vmem>>
      %dma_start3A_106 = tpu.memref_squeeze %dma_start3A_105 : memref<1x32xi32, #tpu.memory_space<vmem>> -> memref<32xi32, #tpu.memory_space<vmem>>
      %dma_start3A_107 = arith.constant 0 : i32
      %dma_start3A_108 = arith.constant 0 : i32
      %dma_start3A_109 = tpu.memref_slice %arg4[%dma_start3A_107, %dma_start3A_108] : memref<10240x1024xf32, #tpu.memory_space<hbm>> -> memref<10240x1024xf32, #tpu.memory_space<hbm>>
      tpu.enqueue_indirect_dma source(%arg6 : memref<32x1024xf32, #tpu.memory_space<vmem>>) target(%dma_start3A_109 : memref<10240x1024xf32, #tpu.memory_space<hbm>>) offsets(%dma_start3A_106 : memref<32xi32, #tpu.memory_space<vmem>>) semaphore(%run_scoped3A_103 : memref<!tpu.dma_semaphore, #tpu.memory_space<semaphore_mem>>)
      %dma_wait3A_110 = arith.constant 192 : i32
      %dma_wait3A_111 = tpu.memref_slice %arg5[%run_scoped3A_97, %dma_wait3A_110] : memref<1x256xi32, #tpu.memory_space<vmem>> -> memref<1x32xi32, #tpu.memory_space<vmem>>
      %dma_wait3A_112 = tpu.memref_squeeze %dma_wait3A_111 : memref<1x32xi32, #tpu.memory_space<vmem>> -> memref<32xi32, #tpu.memory_space<vmem>>
      %dma_wait3A_113 = arith.constant 0 : i32
      %dma_wait3A_114 = arith.constant 0 : i32
      %dma_wait3A_115 = tpu.memref_slice %arg4[%dma_wait3A_113, %dma_wait3A_114] : memref<10240x1024xf32, #tpu.memory_space<hbm>> -> memref<10240x1024xf32, #tpu.memory_space<hbm>>
      tpu.wait_indirect_dma semaphore(%run_scoped3A_103 : memref<!tpu.dma_semaphore, #tpu.memory_space<semaphore_mem>>) src(%arg6 : memref<32x1024xf32, #tpu.memory_space<vmem>>) dst(%dma_wait3A_115 : memref<10240x1024xf32, #tpu.memory_space<hbm>>)
      tpu.yield
    }) : () -> ()
    %dma_wait3A_98 = arith.constant 0 : i32
    %dma_wait3A_99 = tpu.memref_slice %arg2[%add3A_92, %dma_wait3A_98] : memref<4096x1024xf32, #tpu.memory_space<hbm>> -> memref<32x1024xf32, #tpu.memory_space<hbm>>
    %dma_wait3A_100 = arith.constant 0 : i32
    %dma_wait3A_101 = tpu.memref_slice %arg2[%add3A_92, %dma_wait3A_100] : memref<4096x1024xf32, #tpu.memory_space<hbm>> -> memref<32x1024xf32, #tpu.memory_space<hbm>>
    tpu.wait_dma2 semaphore(%arg10 : memref<!tpu.dma_semaphore, #tpu.memory_space<semaphore_mem>>) src(%dma_wait3A_101 : memref<32x1024xf32, #tpu.memory_space<hbm>>) dst(%arg7 : memref<32x1024xf32, #tpu.memory_space<vmem>>)
    %run_scoped3A_102 = arith.constant 0 : i32
    "tpu.region"() ({
      %run_scoped3A_103 = tpu.sem_alloc : memref<!tpu.dma_semaphore, #tpu.memory_space<semaphore_mem>>
      %dma_start3A_104 = arith.constant 224 : i32
      %dma_start3A_105 = tpu.memref_slice %arg5[%run_scoped3A_102, %dma_start3A_104] : memref<1x256xi32, #tpu.memory_space<vmem>> -> memref<1x32xi32, #tpu.memory_space<vmem>>
      %dma_start3A_106 = tpu.memref_squeeze %dma_start3A_105 : memref<1x32xi32, #tpu.memory_space<vmem>> -> memref<32xi32, #tpu.memory_space<vmem>>
      %dma_start3A_107 = arith.constant 0 : i32
      %dma_start3A_108 = arith.constant 0 : i32
      %dma_start3A_109 = tpu.memref_slice %arg4[%dma_start3A_107, %dma_start3A_108] : memref<10240x1024xf32, #tpu.memory_space<hbm>> -> memref<10240x1024xf32, #tpu.memory_space<hbm>>
      tpu.enqueue_indirect_dma source(%arg7 : memref<32x1024xf32, #tpu.memory_space<vmem>>) target(%dma_start3A_109 : memref<10240x1024xf32, #tpu.memory_space<hbm>>) offsets(%dma_start3A_106 : memref<32xi32, #tpu.memory_space<vmem>>) semaphore(%run_scoped3A_103 : memref<!tpu.dma_semaphore, #tpu.memory_space<semaphore_mem>>)
      %dma_wait3A_110 = arith.constant 224 : i32
      %dma_wait3A_111 = tpu.memref_slice %arg5[%run_scoped3A_102, %dma_wait3A_110] : memref<1x256xi32, #tpu.memory_space<vmem>> -> memref<1x32xi32, #tpu.memory_space<vmem>>
      %dma_wait3A_112 = tpu.memref_squeeze %dma_wait3A_111 : memref<1x32xi32, #tpu.memory_space<vmem>> -> memref<32xi32, #tpu.memory_space<vmem>>
      %dma_wait3A_113 = arith.constant 0 : i32
      %dma_wait3A_114 = arith.constant 0 : i32
      %dma_wait3A_115 = tpu.memref_slice %arg4[%dma_wait3A_113, %dma_wait3A_114] : memref<10240x1024xf32, #tpu.memory_space<hbm>> -> memref<10240x1024xf32, #tpu.memory_space<hbm>>
      tpu.wait_indirect_dma semaphore(%run_scoped3A_103 : memref<!tpu.dma_semaphore, #tpu.memory_space<semaphore_mem>>) src(%arg7 : memref<32x1024xf32, #tpu.memory_space<vmem>>) dst(%dma_wait3A_115 : memref<10240x1024xf32, #tpu.memory_space<hbm>>)
      tpu.yield
    }) : () -> ()
    return
  }
}

#map = affine_map<(d0, d1) -> (0, 0)>
module attributes {stable_mosaic.version = 14 : i64} {
  func.func @k(%arg0: i32, %arg1: i32, %arg2: memref<10240x1024xf32, #tpu.memory_space<hbm>>, %arg3: memref<32x256xi32, #tpu.memory_space<hbm>>, %arg4: memref<8192x1024xf32, #tpu.memory_space<hbm>>, %arg5: memref<1x256xi32, #tpu.memory_space<vmem>>, %arg6: memref<32x1024xf32, #tpu.memory_space<vmem>>, %arg7: memref<32x1024xf32, #tpu.memory_space<vmem>>, %arg8: memref<!tpu.dma_semaphore, #tpu.memory_space<semaphore_mem>>, %arg9: memref<!tpu.dma_semaphore, #tpu.memory_space<semaphore_mem>>, %arg10: memref<!tpu.dma_semaphore, #tpu.memory_space<semaphore_mem>>) attributes {dimension_semantics = [#tpu.dimension_semantics<core_parallel>, #tpu.dimension_semantics<subcore_parallel>], iteration_bounds = array<i64: 2, 16>, scalar_prefetch = 0 : i64, scratch_operands = 6 : i64, tpu.core_type = #tpu.core_type<sc_vector_subcore>, window_params = [{transform_indices = #map}, {transform_indices = #map}, {transform_indices = #map}]} {
    %mul3A = arith.constant 16 : i32
    %mul3A_0 = arith.muli %arg0, %mul3A : i32
    %add3A = arith.addi %mul3A_0, %arg1 : i32
    %mul3A_1 = arith.constant 256 : i32
    %mul3A_2 = arith.muli %add3A, %mul3A_1 : i32
    %dma_start3A = arith.constant 0 : i32
    %dma_start3A_3 = tpu.memref_slice %arg3[%add3A, %dma_start3A] : memref<32x256xi32, #tpu.memory_space<hbm>> -> memref<1x256xi32, #tpu.memory_space<hbm>>
    %dma_start3A_4 = arith.constant 0 : i32
    %dma_start3A_5 = tpu.memref_slice %arg3[%add3A, %dma_start3A_4] : memref<32x256xi32, #tpu.memory_space<hbm>> -> memref<1x256xi32, #tpu.memory_space<hbm>>
    tpu.enqueue_dma source(%dma_start3A_5 : memref<1x256xi32, #tpu.memory_space<hbm>>) target(%arg5 : memref<1x256xi32, #tpu.memory_space<vmem>>) target_semaphore(%arg8 : memref<!tpu.dma_semaphore, #tpu.memory_space<semaphore_mem>>)
    %dma_wait3A = arith.constant 0 : i32
    %dma_wait3A_6 = tpu.memref_slice %arg3[%add3A, %dma_wait3A] : memref<32x256xi32, #tpu.memory_space<hbm>> -> memref<1x256xi32, #tpu.memory_space<hbm>>
    %dma_wait3A_7 = arith.constant 0 : i32
    %dma_wait3A_8 = tpu.memref_slice %arg3[%add3A, %dma_wait3A_7] : memref<32x256xi32, #tpu.memory_space<hbm>> -> memref<1x256xi32, #tpu.memory_space<hbm>>
    tpu.wait_dma2 semaphore(%arg8 : memref<!tpu.dma_semaphore, #tpu.memory_space<semaphore_mem>>) src(%dma_wait3A_8 : memref<1x256xi32, #tpu.memory_space<hbm>>) dst(%arg5 : memref<1x256xi32, #tpu.memory_space<vmem>>)
    %run_scoped3A = arith.constant 0 : i32
    "tpu.region"() ({
      %run_scoped3A_96 = tpu.sem_alloc : memref<!tpu.dma_semaphore, #tpu.memory_space<semaphore_mem>>
      %dma_start3A_97 = arith.constant 0 : i32
      %dma_start3A_98 = tpu.memref_slice %arg5[%run_scoped3A, %dma_start3A_97] : memref<1x256xi32, #tpu.memory_space<vmem>> -> memref<1x32xi32, #tpu.memory_space<vmem>>
      %dma_start3A_99 = tpu.memref_squeeze %dma_start3A_98 : memref<1x32xi32, #tpu.memory_space<vmem>> -> memref<32xi32, #tpu.memory_space<vmem>>
      %dma_start3A_100 = arith.constant 0 : i32
      %dma_start3A_101 = arith.constant 0 : i32
      %dma_start3A_102 = tpu.memref_slice %arg2[%dma_start3A_100, %dma_start3A_101] : memref<10240x1024xf32, #tpu.memory_space<hbm>> -> memref<10240x1024xf32, #tpu.memory_space<hbm>>
      tpu.enqueue_indirect_dma source(%dma_start3A_102 : memref<10240x1024xf32, #tpu.memory_space<hbm>>) target(%arg6 : memref<32x1024xf32, #tpu.memory_space<vmem>>) offsets(%dma_start3A_99 : memref<32xi32, #tpu.memory_space<vmem>>) semaphore(%run_scoped3A_96 : memref<!tpu.dma_semaphore, #tpu.memory_space<semaphore_mem>>)
      %dma_wait3A_103 = arith.constant 0 : i32
      %dma_wait3A_104 = tpu.memref_slice %arg5[%run_scoped3A, %dma_wait3A_103] : memref<1x256xi32, #tpu.memory_space<vmem>> -> memref<1x32xi32, #tpu.memory_space<vmem>>
      %dma_wait3A_105 = tpu.memref_squeeze %dma_wait3A_104 : memref<1x32xi32, #tpu.memory_space<vmem>> -> memref<32xi32, #tpu.memory_space<vmem>>
      %dma_wait3A_106 = arith.constant 0 : i32
      %dma_wait3A_107 = arith.constant 0 : i32
      %dma_wait3A_108 = tpu.memref_slice %arg2[%dma_wait3A_106, %dma_wait3A_107] : memref<10240x1024xf32, #tpu.memory_space<hbm>> -> memref<10240x1024xf32, #tpu.memory_space<hbm>>
      tpu.wait_indirect_dma semaphore(%run_scoped3A_96 : memref<!tpu.dma_semaphore, #tpu.memory_space<semaphore_mem>>) src(%dma_wait3A_108 : memref<10240x1024xf32, #tpu.memory_space<hbm>>) dst(%arg6 : memref<32x1024xf32, #tpu.memory_space<vmem>>)
      tpu.yield
    }) : () -> ()
    %add3A_9 = arith.constant 0 : i32
    %add3A_10 = arith.addi %mul3A_2, %add3A_9 : i32
    %dma_start3A_11 = arith.constant 0 : i32
    %dma_start3A_12 = tpu.memref_slice %arg4[%add3A_10, %dma_start3A_11] : memref<8192x1024xf32, #tpu.memory_space<hbm>> -> memref<32x1024xf32, #tpu.memory_space<hbm>>
    %dma_start3A_13 = arith.constant 0 : i32
    %dma_start3A_14 = tpu.memref_slice %arg4[%add3A_10, %dma_start3A_13] : memref<8192x1024xf32, #tpu.memory_space<hbm>> -> memref<32x1024xf32, #tpu.memory_space<hbm>>
    tpu.enqueue_dma source(%arg6 : memref<32x1024xf32, #tpu.memory_space<vmem>>) target(%dma_start3A_14 : memref<32x1024xf32, #tpu.memory_space<hbm>>) target_semaphore(%arg9 : memref<!tpu.dma_semaphore, #tpu.memory_space<semaphore_mem>>)
    %run_scoped3A_15 = arith.constant 0 : i32
    "tpu.region"() ({
      %run_scoped3A_96 = tpu.sem_alloc : memref<!tpu.dma_semaphore, #tpu.memory_space<semaphore_mem>>
      %dma_start3A_97 = arith.constant 32 : i32
      %dma_start3A_98 = tpu.memref_slice %arg5[%run_scoped3A_15, %dma_start3A_97] : memref<1x256xi32, #tpu.memory_space<vmem>> -> memref<1x32xi32, #tpu.memory_space<vmem>>
      %dma_start3A_99 = tpu.memref_squeeze %dma_start3A_98 : memref<1x32xi32, #tpu.memory_space<vmem>> -> memref<32xi32, #tpu.memory_space<vmem>>
      %dma_start3A_100 = arith.constant 0 : i32
      %dma_start3A_101 = arith.constant 0 : i32
      %dma_start3A_102 = tpu.memref_slice %arg2[%dma_start3A_100, %dma_start3A_101] : memref<10240x1024xf32, #tpu.memory_space<hbm>> -> memref<10240x1024xf32, #tpu.memory_space<hbm>>
      tpu.enqueue_indirect_dma source(%dma_start3A_102 : memref<10240x1024xf32, #tpu.memory_space<hbm>>) target(%arg7 : memref<32x1024xf32, #tpu.memory_space<vmem>>) offsets(%dma_start3A_99 : memref<32xi32, #tpu.memory_space<vmem>>) semaphore(%run_scoped3A_96 : memref<!tpu.dma_semaphore, #tpu.memory_space<semaphore_mem>>)
      %dma_wait3A_103 = arith.constant 32 : i32
      %dma_wait3A_104 = tpu.memref_slice %arg5[%run_scoped3A_15, %dma_wait3A_103] : memref<1x256xi32, #tpu.memory_space<vmem>> -> memref<1x32xi32, #tpu.memory_space<vmem>>
      %dma_wait3A_105 = tpu.memref_squeeze %dma_wait3A_104 : memref<1x32xi32, #tpu.memory_space<vmem>> -> memref<32xi32, #tpu.memory_space<vmem>>
      %dma_wait3A_106 = arith.constant 0 : i32
      %dma_wait3A_107 = arith.constant 0 : i32
      %dma_wait3A_108 = tpu.memref_slice %arg2[%dma_wait3A_106, %dma_wait3A_107] : memref<10240x1024xf32, #tpu.memory_space<hbm>> -> memref<10240x1024xf32, #tpu.memory_space<hbm>>
      tpu.wait_indirect_dma semaphore(%run_scoped3A_96 : memref<!tpu.dma_semaphore, #tpu.memory_space<semaphore_mem>>) src(%dma_wait3A_108 : memref<10240x1024xf32, #tpu.memory_space<hbm>>) dst(%arg7 : memref<32x1024xf32, #tpu.memory_space<vmem>>)
      tpu.yield
    }) : () -> ()
    %add3A_16 = arith.constant 32 : i32
    %add3A_17 = arith.addi %mul3A_2, %add3A_16 : i32
    %dma_start3A_18 = arith.constant 0 : i32
    %dma_start3A_19 = tpu.memref_slice %arg4[%add3A_17, %dma_start3A_18] : memref<8192x1024xf32, #tpu.memory_space<hbm>> -> memref<32x1024xf32, #tpu.memory_space<hbm>>
    %dma_start3A_20 = arith.constant 0 : i32
    %dma_start3A_21 = tpu.memref_slice %arg4[%add3A_17, %dma_start3A_20] : memref<8192x1024xf32, #tpu.memory_space<hbm>> -> memref<32x1024xf32, #tpu.memory_space<hbm>>
    tpu.enqueue_dma source(%arg7 : memref<32x1024xf32, #tpu.memory_space<vmem>>) target(%dma_start3A_21 : memref<32x1024xf32, #tpu.memory_space<hbm>>) target_semaphore(%arg10 : memref<!tpu.dma_semaphore, #tpu.memory_space<semaphore_mem>>)
    %dma_wait3A_22 = arith.constant 0 : i32
    %dma_wait3A_23 = tpu.memref_slice %arg4[%add3A_10, %dma_wait3A_22] : memref<8192x1024xf32, #tpu.memory_space<hbm>> -> memref<32x1024xf32, #tpu.memory_space<hbm>>
    %dma_wait3A_24 = arith.constant 0 : i32
    %dma_wait3A_25 = tpu.memref_slice %arg4[%add3A_10, %dma_wait3A_24] : memref<8192x1024xf32, #tpu.memory_space<hbm>> -> memref<32x1024xf32, #tpu.memory_space<hbm>>
    tpu.wait_dma2 semaphore(%arg9 : memref<!tpu.dma_semaphore, #tpu.memory_space<semaphore_mem>>) src(%arg6 : memref<32x1024xf32, #tpu.memory_space<vmem>>) dst(%dma_wait3A_25 : memref<32x1024xf32, #tpu.memory_space<hbm>>)
    %run_scoped3A_26 = arith.constant 0 : i32
    "tpu.region"() ({
      %run_scoped3A_96 = tpu.sem_alloc : memref<!tpu.dma_semaphore, #tpu.memory_space<semaphore_mem>>
      %dma_start3A_97 = arith.constant 64 : i32
      %dma_start3A_98 = tpu.memref_slice %arg5[%run_scoped3A_26, %dma_start3A_97] : memref<1x256xi32, #tpu.memory_space<vmem>> -> memref<1x32xi32, #tpu.memory_space<vmem>>
      %dma_start3A_99 = tpu.memref_squeeze %dma_start3A_98 : memref<1x32xi32, #tpu.memory_space<vmem>> -> memref<32xi32, #tpu.memory_space<vmem>>
      %dma_start3A_100 = arith.constant 0 : i32
      %dma_start3A_101 = arith.constant 0 : i32
      %dma_start3A_102 = tpu.memref_slice %arg2[%dma_start3A_100, %dma_start3A_101] : memref<10240x1024xf32, #tpu.memory_space<hbm>> -> memref<10240x1024xf32, #tpu.memory_space<hbm>>
      tpu.enqueue_indirect_dma source(%dma_start3A_102 : memref<10240x1024xf32, #tpu.memory_space<hbm>>) target(%arg6 : memref<32x1024xf32, #tpu.memory_space<vmem>>) offsets(%dma_start3A_99 : memref<32xi32, #tpu.memory_space<vmem>>) semaphore(%run_scoped3A_96 : memref<!tpu.dma_semaphore, #tpu.memory_space<semaphore_mem>>)
      %dma_wait3A_103 = arith.constant 64 : i32
      %dma_wait3A_104 = tpu.memref_slice %arg5[%run_scoped3A_26, %dma_wait3A_103] : memref<1x256xi32, #tpu.memory_space<vmem>> -> memref<1x32xi32, #tpu.memory_space<vmem>>
      %dma_wait3A_105 = tpu.memref_squeeze %dma_wait3A_104 : memref<1x32xi32, #tpu.memory_space<vmem>> -> memref<32xi32, #tpu.memory_space<vmem>>
      %dma_wait3A_106 = arith.constant 0 : i32
      %dma_wait3A_107 = arith.constant 0 : i32
      %dma_wait3A_108 = tpu.memref_slice %arg2[%dma_wait3A_106, %dma_wait3A_107] : memref<10240x1024xf32, #tpu.memory_space<hbm>> -> memref<10240x1024xf32, #tpu.memory_space<hbm>>
      tpu.wait_indirect_dma semaphore(%run_scoped3A_96 : memref<!tpu.dma_semaphore, #tpu.memory_space<semaphore_mem>>) src(%dma_wait3A_108 : memref<10240x1024xf32, #tpu.memory_space<hbm>>) dst(%arg6 : memref<32x1024xf32, #tpu.memory_space<vmem>>)
      tpu.yield
    }) : () -> ()
    %add3A_27 = arith.constant 64 : i32
    %add3A_28 = arith.addi %mul3A_2, %add3A_27 : i32
    %dma_start3A_29 = arith.constant 0 : i32
    %dma_start3A_30 = tpu.memref_slice %arg4[%add3A_28, %dma_start3A_29] : memref<8192x1024xf32, #tpu.memory_space<hbm>> -> memref<32x1024xf32, #tpu.memory_space<hbm>>
    %dma_start3A_31 = arith.constant 0 : i32
    %dma_start3A_32 = tpu.memref_slice %arg4[%add3A_28, %dma_start3A_31] : memref<8192x1024xf32, #tpu.memory_space<hbm>> -> memref<32x1024xf32, #tpu.memory_space<hbm>>
    tpu.enqueue_dma source(%arg6 : memref<32x1024xf32, #tpu.memory_space<vmem>>) target(%dma_start3A_32 : memref<32x1024xf32, #tpu.memory_space<hbm>>) target_semaphore(%arg9 : memref<!tpu.dma_semaphore, #tpu.memory_space<semaphore_mem>>)
    %dma_wait3A_33 = arith.constant 0 : i32
    %dma_wait3A_34 = tpu.memref_slice %arg4[%add3A_17, %dma_wait3A_33] : memref<8192x1024xf32, #tpu.memory_space<hbm>> -> memref<32x1024xf32, #tpu.memory_space<hbm>>
    %dma_wait3A_35 = arith.constant 0 : i32
    %dma_wait3A_36 = tpu.memref_slice %arg4[%add3A_17, %dma_wait3A_35] : memref<8192x1024xf32, #tpu.memory_space<hbm>> -> memref<32x1024xf32, #tpu.memory_space<hbm>>
    tpu.wait_dma2 semaphore(%arg10 : memref<!tpu.dma_semaphore, #tpu.memory_space<semaphore_mem>>) src(%arg7 : memref<32x1024xf32, #tpu.memory_space<vmem>>) dst(%dma_wait3A_36 : memref<32x1024xf32, #tpu.memory_space<hbm>>)
    %run_scoped3A_37 = arith.constant 0 : i32
    "tpu.region"() ({
      %run_scoped3A_96 = tpu.sem_alloc : memref<!tpu.dma_semaphore, #tpu.memory_space<semaphore_mem>>
      %dma_start3A_97 = arith.constant 96 : i32
      %dma_start3A_98 = tpu.memref_slice %arg5[%run_scoped3A_37, %dma_start3A_97] : memref<1x256xi32, #tpu.memory_space<vmem>> -> memref<1x32xi32, #tpu.memory_space<vmem>>
      %dma_start3A_99 = tpu.memref_squeeze %dma_start3A_98 : memref<1x32xi32, #tpu.memory_space<vmem>> -> memref<32xi32, #tpu.memory_space<vmem>>
      %dma_start3A_100 = arith.constant 0 : i32
      %dma_start3A_101 = arith.constant 0 : i32
      %dma_start3A_102 = tpu.memref_slice %arg2[%dma_start3A_100, %dma_start3A_101] : memref<10240x1024xf32, #tpu.memory_space<hbm>> -> memref<10240x1024xf32, #tpu.memory_space<hbm>>
      tpu.enqueue_indirect_dma source(%dma_start3A_102 : memref<10240x1024xf32, #tpu.memory_space<hbm>>) target(%arg7 : memref<32x1024xf32, #tpu.memory_space<vmem>>) offsets(%dma_start3A_99 : memref<32xi32, #tpu.memory_space<vmem>>) semaphore(%run_scoped3A_96 : memref<!tpu.dma_semaphore, #tpu.memory_space<semaphore_mem>>)
      %dma_wait3A_103 = arith.constant 96 : i32
      %dma_wait3A_104 = tpu.memref_slice %arg5[%run_scoped3A_37, %dma_wait3A_103] : memref<1x256xi32, #tpu.memory_space<vmem>> -> memref<1x32xi32, #tpu.memory_space<vmem>>
      %dma_wait3A_105 = tpu.memref_squeeze %dma_wait3A_104 : memref<1x32xi32, #tpu.memory_space<vmem>> -> memref<32xi32, #tpu.memory_space<vmem>>
      %dma_wait3A_106 = arith.constant 0 : i32
      %dma_wait3A_107 = arith.constant 0 : i32
      %dma_wait3A_108 = tpu.memref_slice %arg2[%dma_wait3A_106, %dma_wait3A_107] : memref<10240x1024xf32, #tpu.memory_space<hbm>> -> memref<10240x1024xf32, #tpu.memory_space<hbm>>
      tpu.wait_indirect_dma semaphore(%run_scoped3A_96 : memref<!tpu.dma_semaphore, #tpu.memory_space<semaphore_mem>>) src(%dma_wait3A_108 : memref<10240x1024xf32, #tpu.memory_space<hbm>>) dst(%arg7 : memref<32x1024xf32, #tpu.memory_space<vmem>>)
      tpu.yield
    }) : () -> ()
    %add3A_38 = arith.constant 96 : i32
    %add3A_39 = arith.addi %mul3A_2, %add3A_38 : i32
    %dma_start3A_40 = arith.constant 0 : i32
    %dma_start3A_41 = tpu.memref_slice %arg4[%add3A_39, %dma_start3A_40] : memref<8192x1024xf32, #tpu.memory_space<hbm>> -> memref<32x1024xf32, #tpu.memory_space<hbm>>
    %dma_start3A_42 = arith.constant 0 : i32
    %dma_start3A_43 = tpu.memref_slice %arg4[%add3A_39, %dma_start3A_42] : memref<8192x1024xf32, #tpu.memory_space<hbm>> -> memref<32x1024xf32, #tpu.memory_space<hbm>>
    tpu.enqueue_dma source(%arg7 : memref<32x1024xf32, #tpu.memory_space<vmem>>) target(%dma_start3A_43 : memref<32x1024xf32, #tpu.memory_space<hbm>>) target_semaphore(%arg10 : memref<!tpu.dma_semaphore, #tpu.memory_space<semaphore_mem>>)
    %dma_wait3A_44 = arith.constant 0 : i32
    %dma_wait3A_45 = tpu.memref_slice %arg4[%add3A_28, %dma_wait3A_44] : memref<8192x1024xf32, #tpu.memory_space<hbm>> -> memref<32x1024xf32, #tpu.memory_space<hbm>>
    %dma_wait3A_46 = arith.constant 0 : i32
    %dma_wait3A_47 = tpu.memref_slice %arg4[%add3A_28, %dma_wait3A_46] : memref<8192x1024xf32, #tpu.memory_space<hbm>> -> memref<32x1024xf32, #tpu.memory_space<hbm>>
    tpu.wait_dma2 semaphore(%arg9 : memref<!tpu.dma_semaphore, #tpu.memory_space<semaphore_mem>>) src(%arg6 : memref<32x1024xf32, #tpu.memory_space<vmem>>) dst(%dma_wait3A_47 : memref<32x1024xf32, #tpu.memory_space<hbm>>)
    %run_scoped3A_48 = arith.constant 0 : i32
    "tpu.region"() ({
      %run_scoped3A_96 = tpu.sem_alloc : memref<!tpu.dma_semaphore, #tpu.memory_space<semaphore_mem>>
      %dma_start3A_97 = arith.constant 128 : i32
      %dma_start3A_98 = tpu.memref_slice %arg5[%run_scoped3A_48, %dma_start3A_97] : memref<1x256xi32, #tpu.memory_space<vmem>> -> memref<1x32xi32, #tpu.memory_space<vmem>>
      %dma_start3A_99 = tpu.memref_squeeze %dma_start3A_98 : memref<1x32xi32, #tpu.memory_space<vmem>> -> memref<32xi32, #tpu.memory_space<vmem>>
      %dma_start3A_100 = arith.constant 0 : i32
      %dma_start3A_101 = arith.constant 0 : i32
      %dma_start3A_102 = tpu.memref_slice %arg2[%dma_start3A_100, %dma_start3A_101] : memref<10240x1024xf32, #tpu.memory_space<hbm>> -> memref<10240x1024xf32, #tpu.memory_space<hbm>>
      tpu.enqueue_indirect_dma source(%dma_start3A_102 : memref<10240x1024xf32, #tpu.memory_space<hbm>>) target(%arg6 : memref<32x1024xf32, #tpu.memory_space<vmem>>) offsets(%dma_start3A_99 : memref<32xi32, #tpu.memory_space<vmem>>) semaphore(%run_scoped3A_96 : memref<!tpu.dma_semaphore, #tpu.memory_space<semaphore_mem>>)
      %dma_wait3A_103 = arith.constant 128 : i32
      %dma_wait3A_104 = tpu.memref_slice %arg5[%run_scoped3A_48, %dma_wait3A_103] : memref<1x256xi32, #tpu.memory_space<vmem>> -> memref<1x32xi32, #tpu.memory_space<vmem>>
      %dma_wait3A_105 = tpu.memref_squeeze %dma_wait3A_104 : memref<1x32xi32, #tpu.memory_space<vmem>> -> memref<32xi32, #tpu.memory_space<vmem>>
      %dma_wait3A_106 = arith.constant 0 : i32
      %dma_wait3A_107 = arith.constant 0 : i32
      %dma_wait3A_108 = tpu.memref_slice %arg2[%dma_wait3A_106, %dma_wait3A_107] : memref<10240x1024xf32, #tpu.memory_space<hbm>> -> memref<10240x1024xf32, #tpu.memory_space<hbm>>
      tpu.wait_indirect_dma semaphore(%run_scoped3A_96 : memref<!tpu.dma_semaphore, #tpu.memory_space<semaphore_mem>>) src(%dma_wait3A_108 : memref<10240x1024xf32, #tpu.memory_space<hbm>>) dst(%arg6 : memref<32x1024xf32, #tpu.memory_space<vmem>>)
      tpu.yield
    }) : () -> ()
    %add3A_49 = arith.constant 128 : i32
    %add3A_50 = arith.addi %mul3A_2, %add3A_49 : i32
    %dma_start3A_51 = arith.constant 0 : i32
    %dma_start3A_52 = tpu.memref_slice %arg4[%add3A_50, %dma_start3A_51] : memref<8192x1024xf32, #tpu.memory_space<hbm>> -> memref<32x1024xf32, #tpu.memory_space<hbm>>
    %dma_start3A_53 = arith.constant 0 : i32
    %dma_start3A_54 = tpu.memref_slice %arg4[%add3A_50, %dma_start3A_53] : memref<8192x1024xf32, #tpu.memory_space<hbm>> -> memref<32x1024xf32, #tpu.memory_space<hbm>>
    tpu.enqueue_dma source(%arg6 : memref<32x1024xf32, #tpu.memory_space<vmem>>) target(%dma_start3A_54 : memref<32x1024xf32, #tpu.memory_space<hbm>>) target_semaphore(%arg9 : memref<!tpu.dma_semaphore, #tpu.memory_space<semaphore_mem>>)
    %dma_wait3A_55 = arith.constant 0 : i32
    %dma_wait3A_56 = tpu.memref_slice %arg4[%add3A_39, %dma_wait3A_55] : memref<8192x1024xf32, #tpu.memory_space<hbm>> -> memref<32x1024xf32, #tpu.memory_space<hbm>>
    %dma_wait3A_57 = arith.constant 0 : i32
    %dma_wait3A_58 = tpu.memref_slice %arg4[%add3A_39, %dma_wait3A_57] : memref<8192x1024xf32, #tpu.memory_space<hbm>> -> memref<32x1024xf32, #tpu.memory_space<hbm>>
    tpu.wait_dma2 semaphore(%arg10 : memref<!tpu.dma_semaphore, #tpu.memory_space<semaphore_mem>>) src(%arg7 : memref<32x1024xf32, #tpu.memory_space<vmem>>) dst(%dma_wait3A_58 : memref<32x1024xf32, #tpu.memory_space<hbm>>)
    %run_scoped3A_59 = arith.constant 0 : i32
    "tpu.region"() ({
      %run_scoped3A_96 = tpu.sem_alloc : memref<!tpu.dma_semaphore, #tpu.memory_space<semaphore_mem>>
      %dma_start3A_97 = arith.constant 160 : i32
      %dma_start3A_98 = tpu.memref_slice %arg5[%run_scoped3A_59, %dma_start3A_97] : memref<1x256xi32, #tpu.memory_space<vmem>> -> memref<1x32xi32, #tpu.memory_space<vmem>>
      %dma_start3A_99 = tpu.memref_squeeze %dma_start3A_98 : memref<1x32xi32, #tpu.memory_space<vmem>> -> memref<32xi32, #tpu.memory_space<vmem>>
      %dma_start3A_100 = arith.constant 0 : i32
      %dma_start3A_101 = arith.constant 0 : i32
      %dma_start3A_102 = tpu.memref_slice %arg2[%dma_start3A_100, %dma_start3A_101] : memref<10240x1024xf32, #tpu.memory_space<hbm>> -> memref<10240x1024xf32, #tpu.memory_space<hbm>>
      tpu.enqueue_indirect_dma source(%dma_start3A_102 : memref<10240x1024xf32, #tpu.memory_space<hbm>>) target(%arg7 : memref<32x1024xf32, #tpu.memory_space<vmem>>) offsets(%dma_start3A_99 : memref<32xi32, #tpu.memory_space<vmem>>) semaphore(%run_scoped3A_96 : memref<!tpu.dma_semaphore, #tpu.memory_space<semaphore_mem>>)
      %dma_wait3A_103 = arith.constant 160 : i32
      %dma_wait3A_104 = tpu.memref_slice %arg5[%run_scoped3A_59, %dma_wait3A_103] : memref<1x256xi32, #tpu.memory_space<vmem>> -> memref<1x32xi32, #tpu.memory_space<vmem>>
      %dma_wait3A_105 = tpu.memref_squeeze %dma_wait3A_104 : memref<1x32xi32, #tpu.memory_space<vmem>> -> memref<32xi32, #tpu.memory_space<vmem>>
      %dma_wait3A_106 = arith.constant 0 : i32
      %dma_wait3A_107 = arith.constant 0 : i32
      %dma_wait3A_108 = tpu.memref_slice %arg2[%dma_wait3A_106, %dma_wait3A_107] : memref<10240x1024xf32, #tpu.memory_space<hbm>> -> memref<10240x1024xf32, #tpu.memory_space<hbm>>
      tpu.wait_indirect_dma semaphore(%run_scoped3A_96 : memref<!tpu.dma_semaphore, #tpu.memory_space<semaphore_mem>>) src(%dma_wait3A_108 : memref<10240x1024xf32, #tpu.memory_space<hbm>>) dst(%arg7 : memref<32x1024xf32, #tpu.memory_space<vmem>>)
      tpu.yield
    }) : () -> ()
    %add3A_60 = arith.constant 160 : i32
    %add3A_61 = arith.addi %mul3A_2, %add3A_60 : i32
    %dma_start3A_62 = arith.constant 0 : i32
    %dma_start3A_63 = tpu.memref_slice %arg4[%add3A_61, %dma_start3A_62] : memref<8192x1024xf32, #tpu.memory_space<hbm>> -> memref<32x1024xf32, #tpu.memory_space<hbm>>
    %dma_start3A_64 = arith.constant 0 : i32
    %dma_start3A_65 = tpu.memref_slice %arg4[%add3A_61, %dma_start3A_64] : memref<8192x1024xf32, #tpu.memory_space<hbm>> -> memref<32x1024xf32, #tpu.memory_space<hbm>>
    tpu.enqueue_dma source(%arg7 : memref<32x1024xf32, #tpu.memory_space<vmem>>) target(%dma_start3A_65 : memref<32x1024xf32, #tpu.memory_space<hbm>>) target_semaphore(%arg10 : memref<!tpu.dma_semaphore, #tpu.memory_space<semaphore_mem>>)
    %dma_wait3A_66 = arith.constant 0 : i32
    %dma_wait3A_67 = tpu.memref_slice %arg4[%add3A_50, %dma_wait3A_66] : memref<8192x1024xf32, #tpu.memory_space<hbm>> -> memref<32x1024xf32, #tpu.memory_space<hbm>>
    %dma_wait3A_68 = arith.constant 0 : i32
    %dma_wait3A_69 = tpu.memref_slice %arg4[%add3A_50, %dma_wait3A_68] : memref<8192x1024xf32, #tpu.memory_space<hbm>> -> memref<32x1024xf32, #tpu.memory_space<hbm>>
    tpu.wait_dma2 semaphore(%arg9 : memref<!tpu.dma_semaphore, #tpu.memory_space<semaphore_mem>>) src(%arg6 : memref<32x1024xf32, #tpu.memory_space<vmem>>) dst(%dma_wait3A_69 : memref<32x1024xf32, #tpu.memory_space<hbm>>)
    %run_scoped3A_70 = arith.constant 0 : i32
    "tpu.region"() ({
      %run_scoped3A_96 = tpu.sem_alloc : memref<!tpu.dma_semaphore, #tpu.memory_space<semaphore_mem>>
      %dma_start3A_97 = arith.constant 192 : i32
      %dma_start3A_98 = tpu.memref_slice %arg5[%run_scoped3A_70, %dma_start3A_97] : memref<1x256xi32, #tpu.memory_space<vmem>> -> memref<1x32xi32, #tpu.memory_space<vmem>>
      %dma_start3A_99 = tpu.memref_squeeze %dma_start3A_98 : memref<1x32xi32, #tpu.memory_space<vmem>> -> memref<32xi32, #tpu.memory_space<vmem>>
      %dma_start3A_100 = arith.constant 0 : i32
      %dma_start3A_101 = arith.constant 0 : i32
      %dma_start3A_102 = tpu.memref_slice %arg2[%dma_start3A_100, %dma_start3A_101] : memref<10240x1024xf32, #tpu.memory_space<hbm>> -> memref<10240x1024xf32, #tpu.memory_space<hbm>>
      tpu.enqueue_indirect_dma source(%dma_start3A_102 : memref<10240x1024xf32, #tpu.memory_space<hbm>>) target(%arg6 : memref<32x1024xf32, #tpu.memory_space<vmem>>) offsets(%dma_start3A_99 : memref<32xi32, #tpu.memory_space<vmem>>) semaphore(%run_scoped3A_96 : memref<!tpu.dma_semaphore, #tpu.memory_space<semaphore_mem>>)
      %dma_wait3A_103 = arith.constant 192 : i32
      %dma_wait3A_104 = tpu.memref_slice %arg5[%run_scoped3A_70, %dma_wait3A_103] : memref<1x256xi32, #tpu.memory_space<vmem>> -> memref<1x32xi32, #tpu.memory_space<vmem>>
      %dma_wait3A_105 = tpu.memref_squeeze %dma_wait3A_104 : memref<1x32xi32, #tpu.memory_space<vmem>> -> memref<32xi32, #tpu.memory_space<vmem>>
      %dma_wait3A_106 = arith.constant 0 : i32
      %dma_wait3A_107 = arith.constant 0 : i32
      %dma_wait3A_108 = tpu.memref_slice %arg2[%dma_wait3A_106, %dma_wait3A_107] : memref<10240x1024xf32, #tpu.memory_space<hbm>> -> memref<10240x1024xf32, #tpu.memory_space<hbm>>
      tpu.wait_indirect_dma semaphore(%run_scoped3A_96 : memref<!tpu.dma_semaphore, #tpu.memory_space<semaphore_mem>>) src(%dma_wait3A_108 : memref<10240x1024xf32, #tpu.memory_space<hbm>>) dst(%arg6 : memref<32x1024xf32, #tpu.memory_space<vmem>>)
      tpu.yield
    }) : () -> ()
    %add3A_71 = arith.constant 192 : i32
    %add3A_72 = arith.addi %mul3A_2, %add3A_71 : i32
    %dma_start3A_73 = arith.constant 0 : i32
    %dma_start3A_74 = tpu.memref_slice %arg4[%add3A_72, %dma_start3A_73] : memref<8192x1024xf32, #tpu.memory_space<hbm>> -> memref<32x1024xf32, #tpu.memory_space<hbm>>
    %dma_start3A_75 = arith.constant 0 : i32
    %dma_start3A_76 = tpu.memref_slice %arg4[%add3A_72, %dma_start3A_75] : memref<8192x1024xf32, #tpu.memory_space<hbm>> -> memref<32x1024xf32, #tpu.memory_space<hbm>>
    tpu.enqueue_dma source(%arg6 : memref<32x1024xf32, #tpu.memory_space<vmem>>) target(%dma_start3A_76 : memref<32x1024xf32, #tpu.memory_space<hbm>>) target_semaphore(%arg9 : memref<!tpu.dma_semaphore, #tpu.memory_space<semaphore_mem>>)
    %dma_wait3A_77 = arith.constant 0 : i32
    %dma_wait3A_78 = tpu.memref_slice %arg4[%add3A_61, %dma_wait3A_77] : memref<8192x1024xf32, #tpu.memory_space<hbm>> -> memref<32x1024xf32, #tpu.memory_space<hbm>>
    %dma_wait3A_79 = arith.constant 0 : i32
    %dma_wait3A_80 = tpu.memref_slice %arg4[%add3A_61, %dma_wait3A_79] : memref<8192x1024xf32, #tpu.memory_space<hbm>> -> memref<32x1024xf32, #tpu.memory_space<hbm>>
    tpu.wait_dma2 semaphore(%arg10 : memref<!tpu.dma_semaphore, #tpu.memory_space<semaphore_mem>>) src(%arg7 : memref<32x1024xf32, #tpu.memory_space<vmem>>) dst(%dma_wait3A_80 : memref<32x1024xf32, #tpu.memory_space<hbm>>)
    %run_scoped3A_81 = arith.constant 0 : i32
    "tpu.region"() ({
      %run_scoped3A_96 = tpu.sem_alloc : memref<!tpu.dma_semaphore, #tpu.memory_space<semaphore_mem>>
      %dma_start3A_97 = arith.constant 224 : i32
      %dma_start3A_98 = tpu.memref_slice %arg5[%run_scoped3A_81, %dma_start3A_97] : memref<1x256xi32, #tpu.memory_space<vmem>> -> memref<1x32xi32, #tpu.memory_space<vmem>>
      %dma_start3A_99 = tpu.memref_squeeze %dma_start3A_98 : memref<1x32xi32, #tpu.memory_space<vmem>> -> memref<32xi32, #tpu.memory_space<vmem>>
      %dma_start3A_100 = arith.constant 0 : i32
      %dma_start3A_101 = arith.constant 0 : i32
      %dma_start3A_102 = tpu.memref_slice %arg2[%dma_start3A_100, %dma_start3A_101] : memref<10240x1024xf32, #tpu.memory_space<hbm>> -> memref<10240x1024xf32, #tpu.memory_space<hbm>>
      tpu.enqueue_indirect_dma source(%dma_start3A_102 : memref<10240x1024xf32, #tpu.memory_space<hbm>>) target(%arg7 : memref<32x1024xf32, #tpu.memory_space<vmem>>) offsets(%dma_start3A_99 : memref<32xi32, #tpu.memory_space<vmem>>) semaphore(%run_scoped3A_96 : memref<!tpu.dma_semaphore, #tpu.memory_space<semaphore_mem>>)
      %dma_wait3A_103 = arith.constant 224 : i32
      %dma_wait3A_104 = tpu.memref_slice %arg5[%run_scoped3A_81, %dma_wait3A_103] : memref<1x256xi32, #tpu.memory_space<vmem>> -> memref<1x32xi32, #tpu.memory_space<vmem>>
      %dma_wait3A_105 = tpu.memref_squeeze %dma_wait3A_104 : memref<1x32xi32, #tpu.memory_space<vmem>> -> memref<32xi32, #tpu.memory_space<vmem>>
      %dma_wait3A_106 = arith.constant 0 : i32
      %dma_wait3A_107 = arith.constant 0 : i32
      %dma_wait3A_108 = tpu.memref_slice %arg2[%dma_wait3A_106, %dma_wait3A_107] : memref<10240x1024xf32, #tpu.memory_space<hbm>> -> memref<10240x1024xf32, #tpu.memory_space<hbm>>
      tpu.wait_indirect_dma semaphore(%run_scoped3A_96 : memref<!tpu.dma_semaphore, #tpu.memory_space<semaphore_mem>>) src(%dma_wait3A_108 : memref<10240x1024xf32, #tpu.memory_space<hbm>>) dst(%arg7 : memref<32x1024xf32, #tpu.memory_space<vmem>>)
      tpu.yield
    }) : () -> ()
    %add3A_82 = arith.constant 224 : i32
    %add3A_83 = arith.addi %mul3A_2, %add3A_82 : i32
    %dma_start3A_84 = arith.constant 0 : i32
    %dma_start3A_85 = tpu.memref_slice %arg4[%add3A_83, %dma_start3A_84] : memref<8192x1024xf32, #tpu.memory_space<hbm>> -> memref<32x1024xf32, #tpu.memory_space<hbm>>
    %dma_start3A_86 = arith.constant 0 : i32
    %dma_start3A_87 = tpu.memref_slice %arg4[%add3A_83, %dma_start3A_86] : memref<8192x1024xf32, #tpu.memory_space<hbm>> -> memref<32x1024xf32, #tpu.memory_space<hbm>>
    tpu.enqueue_dma source(%arg7 : memref<32x1024xf32, #tpu.memory_space<vmem>>) target(%dma_start3A_87 : memref<32x1024xf32, #tpu.memory_space<hbm>>) target_semaphore(%arg10 : memref<!tpu.dma_semaphore, #tpu.memory_space<semaphore_mem>>)
    %dma_wait3A_88 = arith.constant 0 : i32
    %dma_wait3A_89 = tpu.memref_slice %arg4[%add3A_72, %dma_wait3A_88] : memref<8192x1024xf32, #tpu.memory_space<hbm>> -> memref<32x1024xf32, #tpu.memory_space<hbm>>
    %dma_wait3A_90 = arith.constant 0 : i32
    %dma_wait3A_91 = tpu.memref_slice %arg4[%add3A_72, %dma_wait3A_90] : memref<8192x1024xf32, #tpu.memory_space<hbm>> -> memref<32x1024xf32, #tpu.memory_space<hbm>>
    tpu.wait_dma2 semaphore(%arg9 : memref<!tpu.dma_semaphore, #tpu.memory_space<semaphore_mem>>) src(%arg6 : memref<32x1024xf32, #tpu.memory_space<vmem>>) dst(%dma_wait3A_91 : memref<32x1024xf32, #tpu.memory_space<hbm>>)
    %dma_wait3A_92 = arith.constant 0 : i32
    %dma_wait3A_93 = tpu.memref_slice %arg4[%add3A_83, %dma_wait3A_92] : memref<8192x1024xf32, #tpu.memory_space<hbm>> -> memref<32x1024xf32, #tpu.memory_space<hbm>>
    %dma_wait3A_94 = arith.constant 0 : i32
    %dma_wait3A_95 = tpu.memref_slice %arg4[%add3A_83, %dma_wait3A_94] : memref<8192x1024xf32, #tpu.memory_space<hbm>> -> memref<32x1024xf32, #tpu.memory_space<hbm>>
    tpu.wait_dma2 semaphore(%arg10 : memref<!tpu.dma_semaphore, #tpu.memory_space<semaphore_mem>>) src(%arg7 : memref<32x1024xf32, #tpu.memory_space<vmem>>) dst(%dma_wait3A_95 : memref<32x1024xf32, #tpu.memory_space<hbm>>)
    return
  }
}

#map = affine_map<(d0, d1) -> (0, 0)>
module attributes {stable_mosaic.version = 14 : i64} {
  func.func @k(%arg0: i32, %arg1: i32, %arg2: memref<4096x1024xf32, #tpu.memory_space<hbm>>, %arg3: memref<32x256xi32, #tpu.memory_space<hbm>>, %arg4: memref<10240x1024xf32, #tpu.memory_space<hbm>>, %arg5: memref<1x256xi32, #tpu.memory_space<vmem>>, %arg6: memref<32x1024xf32, #tpu.memory_space<vmem>>, %arg7: memref<32x1024xf32, #tpu.memory_space<vmem>>, %arg8: memref<!tpu.dma_semaphore, #tpu.memory_space<semaphore_mem>>, %arg9: memref<!tpu.dma_semaphore, #tpu.memory_space<semaphore_mem>>, %arg10: memref<!tpu.dma_semaphore, #tpu.memory_space<semaphore_mem>>) attributes {dimension_semantics = [#tpu.dimension_semantics<core_parallel>, #tpu.dimension_semantics<subcore_parallel>], iteration_bounds = array<i64: 2, 16>, scalar_prefetch = 0 : i64, scratch_operands = 6 : i64, tpu.core_type = #tpu.core_type<sc_vector_subcore>, window_params = [{transform_indices = #map}, {transform_indices = #map}, {transform_indices = #map}]} {
    %mul3A = arith.constant 16 : i32
    %mul3A_0 = arith.muli %arg0, %mul3A : i32
    %add3A = arith.addi %mul3A_0, %arg1 : i32
    %jit3A = arith.constant 16 : i32
    %eq3A = arith.constant 0 : i32
    %eq3A_1 = arith.cmpi eq, %jit3A, %eq3A : i32
    %jit3A_2 = arith.constant 1 : i32
    %select_n3A = arith.select %eq3A_1, %jit3A_2, %jit3A : i32
    %rem3A = arith.remsi %add3A, %select_n3A : i32
    %ne3A = arith.constant 0 : i32
    %ne3A_3 = arith.cmpi ne, %rem3A, %ne3A : i32
    %lt3A = arith.constant 0 : i32
    %lt3A_4 = arith.cmpi slt, %rem3A, %lt3A : i32
    %lt3A_5 = arith.constant 0 : i32
    %lt3A_6 = arith.cmpi slt, %select_n3A, %lt3A_5 : i32
    %ne3A_7 = arith.xori %lt3A_4, %lt3A_6 : i1
    %and3A = arith.andi %ne3A_7, %ne3A_3 : i1
    %add3A_8 = arith.addi %rem3A, %select_n3A : i32
    %select_n3A_9 = arith.select %and3A, %add3A_8, %rem3A : i32
    %mul3A_10 = arith.constant 256 : i32
    %mul3A_11 = arith.muli %select_n3A_9, %mul3A_10 : i32
    %dma_start3A = arith.constant 0 : i32
    %dma_start3A_12 = tpu.memref_slice %arg3[%add3A, %dma_start3A] : memref<32x256xi32, #tpu.memory_space<hbm>> -> memref<1x256xi32, #tpu.memory_space<hbm>>
    %dma_start3A_13 = arith.constant 0 : i32
    %dma_start3A_14 = tpu.memref_slice %arg3[%add3A, %dma_start3A_13] : memref<32x256xi32, #tpu.memory_space<hbm>> -> memref<1x256xi32, #tpu.memory_space<hbm>>
    tpu.enqueue_dma source(%dma_start3A_14 : memref<1x256xi32, #tpu.memory_space<hbm>>) target(%arg5 : memref<1x256xi32, #tpu.memory_space<vmem>>) target_semaphore(%arg8 : memref<!tpu.dma_semaphore, #tpu.memory_space<semaphore_mem>>)
    %dma_wait3A = arith.constant 0 : i32
    %dma_wait3A_15 = tpu.memref_slice %arg3[%add3A, %dma_wait3A] : memref<32x256xi32, #tpu.memory_space<hbm>> -> memref<1x256xi32, #tpu.memory_space<hbm>>
    %dma_wait3A_16 = arith.constant 0 : i32
    %dma_wait3A_17 = tpu.memref_slice %arg3[%add3A, %dma_wait3A_16] : memref<32x256xi32, #tpu.memory_space<hbm>> -> memref<1x256xi32, #tpu.memory_space<hbm>>
    tpu.wait_dma2 semaphore(%arg8 : memref<!tpu.dma_semaphore, #tpu.memory_space<semaphore_mem>>) src(%dma_wait3A_17 : memref<1x256xi32, #tpu.memory_space<hbm>>) dst(%arg5 : memref<1x256xi32, #tpu.memory_space<vmem>>)
    %dma_start3A_18 = arith.constant 0 : i32
    %dma_start3A_19 = tpu.memref_slice %arg2[%mul3A_11, %dma_start3A_18] : memref<4096x1024xf32, #tpu.memory_space<hbm>> -> memref<32x1024xf32, #tpu.memory_space<hbm>>
    %dma_start3A_20 = arith.constant 0 : i32
    %dma_start3A_21 = tpu.memref_slice %arg2[%mul3A_11, %dma_start3A_20] : memref<4096x1024xf32, #tpu.memory_space<hbm>> -> memref<32x1024xf32, #tpu.memory_space<hbm>>
    tpu.enqueue_dma source(%dma_start3A_21 : memref<32x1024xf32, #tpu.memory_space<hbm>>) target(%arg6 : memref<32x1024xf32, #tpu.memory_space<vmem>>) target_semaphore(%arg9 : memref<!tpu.dma_semaphore, #tpu.memory_space<semaphore_mem>>)
    %dma_wait3A_22 = arith.constant 0 : i32
    %dma_wait3A_23 = tpu.memref_slice %arg2[%mul3A_11, %dma_wait3A_22] : memref<4096x1024xf32, #tpu.memory_space<hbm>> -> memref<32x1024xf32, #tpu.memory_space<hbm>>
    %dma_wait3A_24 = arith.constant 0 : i32
    %dma_wait3A_25 = tpu.memref_slice %arg2[%mul3A_11, %dma_wait3A_24] : memref<4096x1024xf32, #tpu.memory_space<hbm>> -> memref<32x1024xf32, #tpu.memory_space<hbm>>
    tpu.wait_dma2 semaphore(%arg9 : memref<!tpu.dma_semaphore, #tpu.memory_space<semaphore_mem>>) src(%dma_wait3A_25 : memref<32x1024xf32, #tpu.memory_space<hbm>>) dst(%arg6 : memref<32x1024xf32, #tpu.memory_space<vmem>>)
    %add3A_26 = arith.constant 32 : i32
    %add3A_27 = arith.addi %mul3A_11, %add3A_26 : i32
    %dma_start3A_28 = arith.constant 0 : i32
    %dma_start3A_29 = tpu.memref_slice %arg2[%add3A_27, %dma_start3A_28] : memref<4096x1024xf32, #tpu.memory_space<hbm>> -> memref<32x1024xf32, #tpu.memory_space<hbm>>
    %dma_start3A_30 = arith.constant 0 : i32
    %dma_start3A_31 = tpu.memref_slice %arg2[%add3A_27, %dma_start3A_30] : memref<4096x1024xf32, #tpu.memory_space<hbm>> -> memref<32x1024xf32, #tpu.memory_space<hbm>>
    tpu.enqueue_dma source(%dma_start3A_31 : memref<32x1024xf32, #tpu.memory_space<hbm>>) target(%arg7 : memref<32x1024xf32, #tpu.memory_space<vmem>>) target_semaphore(%arg10 : memref<!tpu.dma_semaphore, #tpu.memory_space<semaphore_mem>>)
    %run_scoped3A = arith.constant 0 : i32
    "tpu.region"() ({
      %run_scoped3A_103 = tpu.sem_alloc : memref<!tpu.dma_semaphore, #tpu.memory_space<semaphore_mem>>
      %dma_start3A_104 = arith.constant 0 : i32
      %dma_start3A_105 = tpu.memref_slice %arg5[%run_scoped3A, %dma_start3A_104] : memref<1x256xi32, #tpu.memory_space<vmem>> -> memref<1x32xi32, #tpu.memory_space<vmem>>
      %dma_start3A_106 = tpu.memref_squeeze %dma_start3A_105 : memref<1x32xi32, #tpu.memory_space<vmem>> -> memref<32xi32, #tpu.memory_space<vmem>>
      %dma_start3A_107 = arith.constant 0 : i32
      %dma_start3A_108 = arith.constant 0 : i32
      %dma_start3A_109 = tpu.memref_slice %arg4[%dma_start3A_107, %dma_start3A_108] : memref<10240x1024xf32, #tpu.memory_space<hbm>> -> memref<10240x1024xf32, #tpu.memory_space<hbm>>
      tpu.enqueue_indirect_dma source(%arg6 : memref<32x1024xf32, #tpu.memory_space<vmem>>) target(%dma_start3A_109 : memref<10240x1024xf32, #tpu.memory_space<hbm>>) offsets(%dma_start3A_106 : memref<32xi32, #tpu.memory_space<vmem>>) semaphore(%run_scoped3A_103 : memref<!tpu.dma_semaphore, #tpu.memory_space<semaphore_mem>>)
      %dma_wait3A_110 = arith.constant 0 : i32
      %dma_wait3A_111 = tpu.memref_slice %arg5[%run_scoped3A, %dma_wait3A_110] : memref<1x256xi32, #tpu.memory_space<vmem>> -> memref<1x32xi32, #tpu.memory_space<vmem>>
      %dma_wait3A_112 = tpu.memref_squeeze %dma_wait3A_111 : memref<1x32xi32, #tpu.memory_space<vmem>> -> memref<32xi32, #tpu.memory_space<vmem>>
      %dma_wait3A_113 = arith.constant 0 : i32
      %dma_wait3A_114 = arith.constant 0 : i32
      %dma_wait3A_115 = tpu.memref_slice %arg4[%dma_wait3A_113, %dma_wait3A_114] : memref<10240x1024xf32, #tpu.memory_space<hbm>> -> memref<10240x1024xf32, #tpu.memory_space<hbm>>
      tpu.wait_indirect_dma semaphore(%run_scoped3A_103 : memref<!tpu.dma_semaphore, #tpu.memory_space<semaphore_mem>>) src(%arg6 : memref<32x1024xf32, #tpu.memory_space<vmem>>) dst(%dma_wait3A_115 : memref<10240x1024xf32, #tpu.memory_space<hbm>>)
      tpu.yield
    }) : () -> ()
    %dma_wait3A_32 = arith.constant 0 : i32
    %dma_wait3A_33 = tpu.memref_slice %arg2[%add3A_27, %dma_wait3A_32] : memref<4096x1024xf32, #tpu.memory_space<hbm>> -> memref<32x1024xf32, #tpu.memory_space<hbm>>
    %dma_wait3A_34 = arith.constant 0 : i32
    %dma_wait3A_35 = tpu.memref_slice %arg2[%add3A_27, %dma_wait3A_34] : memref<4096x1024xf32, #tpu.memory_space<hbm>> -> memref<32x1024xf32, #tpu.memory_space<hbm>>
    tpu.wait_dma2 semaphore(%arg10 : memref<!tpu.dma_semaphore, #tpu.memory_space<semaphore_mem>>) src(%dma_wait3A_35 : memref<32x1024xf32, #tpu.memory_space<hbm>>) dst(%arg7 : memref<32x1024xf32, #tpu.memory_space<vmem>>)
    %add3A_36 = arith.constant 64 : i32
    %add3A_37 = arith.addi %mul3A_11, %add3A_36 : i32
    %dma_start3A_38 = arith.constant 0 : i32
    %dma_start3A_39 = tpu.memref_slice %arg2[%add3A_37, %dma_start3A_38] : memref<4096x1024xf32, #tpu.memory_space<hbm>> -> memref<32x1024xf32, #tpu.memory_space<hbm>>
    %dma_start3A_40 = arith.constant 0 : i32
    %dma_start3A_41 = tpu.memref_slice %arg2[%add3A_37, %dma_start3A_40] : memref<4096x1024xf32, #tpu.memory_space<hbm>> -> memref<32x1024xf32, #tpu.memory_space<hbm>>
    tpu.enqueue_dma source(%dma_start3A_41 : memref<32x1024xf32, #tpu.memory_space<hbm>>) target(%arg6 : memref<32x1024xf32, #tpu.memory_space<vmem>>) target_semaphore(%arg9 : memref<!tpu.dma_semaphore, #tpu.memory_space<semaphore_mem>>)
    %run_scoped3A_42 = arith.constant 0 : i32
    "tpu.region"() ({
      %run_scoped3A_103 = tpu.sem_alloc : memref<!tpu.dma_semaphore, #tpu.memory_space<semaphore_mem>>
      %dma_start3A_104 = arith.constant 32 : i32
      %dma_start3A_105 = tpu.memref_slice %arg5[%run_scoped3A_42, %dma_start3A_104] : memref<1x256xi32, #tpu.memory_space<vmem>> -> memref<1x32xi32, #tpu.memory_space<vmem>>
      %dma_start3A_106 = tpu.memref_squeeze %dma_start3A_105 : memref<1x32xi32, #tpu.memory_space<vmem>> -> memref<32xi32, #tpu.memory_space<vmem>>
      %dma_start3A_107 = arith.constant 0 : i32
      %dma_start3A_108 = arith.constant 0 : i32
      %dma_start3A_109 = tpu.memref_slice %arg4[%dma_start3A_107, %dma_start3A_108] : memref<10240x1024xf32, #tpu.memory_space<hbm>> -> memref<10240x1024xf32, #tpu.memory_space<hbm>>
      tpu.enqueue_indirect_dma source(%arg7 : memref<32x1024xf32, #tpu.memory_space<vmem>>) target(%dma_start3A_109 : memref<10240x1024xf32, #tpu.memory_space<hbm>>) offsets(%dma_start3A_106 : memref<32xi32, #tpu.memory_space<vmem>>) semaphore(%run_scoped3A_103 : memref<!tpu.dma_semaphore, #tpu.memory_space<semaphore_mem>>)
      %dma_wait3A_110 = arith.constant 32 : i32
      %dma_wait3A_111 = tpu.memref_slice %arg5[%run_scoped3A_42, %dma_wait3A_110] : memref<1x256xi32, #tpu.memory_space<vmem>> -> memref<1x32xi32, #tpu.memory_space<vmem>>
      %dma_wait3A_112 = tpu.memref_squeeze %dma_wait3A_111 : memref<1x32xi32, #tpu.memory_space<vmem>> -> memref<32xi32, #tpu.memory_space<vmem>>
      %dma_wait3A_113 = arith.constant 0 : i32
      %dma_wait3A_114 = arith.constant 0 : i32
      %dma_wait3A_115 = tpu.memref_slice %arg4[%dma_wait3A_113, %dma_wait3A_114] : memref<10240x1024xf32, #tpu.memory_space<hbm>> -> memref<10240x1024xf32, #tpu.memory_space<hbm>>
      tpu.wait_indirect_dma semaphore(%run_scoped3A_103 : memref<!tpu.dma_semaphore, #tpu.memory_space<semaphore_mem>>) src(%arg7 : memref<32x1024xf32, #tpu.memory_space<vmem>>) dst(%dma_wait3A_115 : memref<10240x1024xf32, #tpu.memory_space<hbm>>)
      tpu.yield
    }) : () -> ()
    %dma_wait3A_43 = arith.constant 0 : i32
    %dma_wait3A_44 = tpu.memref_slice %arg2[%add3A_37, %dma_wait3A_43] : memref<4096x1024xf32, #tpu.memory_space<hbm>> -> memref<32x1024xf32, #tpu.memory_space<hbm>>
    %dma_wait3A_45 = arith.constant 0 : i32
    %dma_wait3A_46 = tpu.memref_slice %arg2[%add3A_37, %dma_wait3A_45] : memref<4096x1024xf32, #tpu.memory_space<hbm>> -> memref<32x1024xf32, #tpu.memory_space<hbm>>
    tpu.wait_dma2 semaphore(%arg9 : memref<!tpu.dma_semaphore, #tpu.memory_space<semaphore_mem>>) src(%dma_wait3A_46 : memref<32x1024xf32, #tpu.memory_space<hbm>>) dst(%arg6 : memref<32x1024xf32, #tpu.memory_space<vmem>>)
    %add3A_47 = arith.constant 96 : i32
    %add3A_48 = arith.addi %mul3A_11, %add3A_47 : i32
    %dma_start3A_49 = arith.constant 0 : i32
    %dma_start3A_50 = tpu.memref_slice %arg2[%add3A_48, %dma_start3A_49] : memref<4096x1024xf32, #tpu.memory_space<hbm>> -> memref<32x1024xf32, #tpu.memory_space<hbm>>
    %dma_start3A_51 = arith.constant 0 : i32
    %dma_start3A_52 = tpu.memref_slice %arg2[%add3A_48, %dma_start3A_51] : memref<4096x1024xf32, #tpu.memory_space<hbm>> -> memref<32x1024xf32, #tpu.memory_space<hbm>>
    tpu.enqueue_dma source(%dma_start3A_52 : memref<32x1024xf32, #tpu.memory_space<hbm>>) target(%arg7 : memref<32x1024xf32, #tpu.memory_space<vmem>>) target_semaphore(%arg10 : memref<!tpu.dma_semaphore, #tpu.memory_space<semaphore_mem>>)
    %run_scoped3A_53 = arith.constant 0 : i32
    "tpu.region"() ({
      %run_scoped3A_103 = tpu.sem_alloc : memref<!tpu.dma_semaphore, #tpu.memory_space<semaphore_mem>>
      %dma_start3A_104 = arith.constant 64 : i32
      %dma_start3A_105 = tpu.memref_slice %arg5[%run_scoped3A_53, %dma_start3A_104] : memref<1x256xi32, #tpu.memory_space<vmem>> -> memref<1x32xi32, #tpu.memory_space<vmem>>
      %dma_start3A_106 = tpu.memref_squeeze %dma_start3A_105 : memref<1x32xi32, #tpu.memory_space<vmem>> -> memref<32xi32, #tpu.memory_space<vmem>>
      %dma_start3A_107 = arith.constant 0 : i32
      %dma_start3A_108 = arith.constant 0 : i32
      %dma_start3A_109 = tpu.memref_slice %arg4[%dma_start3A_107, %dma_start3A_108] : memref<10240x1024xf32, #tpu.memory_space<hbm>> -> memref<10240x1024xf32, #tpu.memory_space<hbm>>
      tpu.enqueue_indirect_dma source(%arg6 : memref<32x1024xf32, #tpu.memory_space<vmem>>) target(%dma_start3A_109 : memref<10240x1024xf32, #tpu.memory_space<hbm>>) offsets(%dma_start3A_106 : memref<32xi32, #tpu.memory_space<vmem>>) semaphore(%run_scoped3A_103 : memref<!tpu.dma_semaphore, #tpu.memory_space<semaphore_mem>>)
      %dma_wait3A_110 = arith.constant 64 : i32
      %dma_wait3A_111 = tpu.memref_slice %arg5[%run_scoped3A_53, %dma_wait3A_110] : memref<1x256xi32, #tpu.memory_space<vmem>> -> memref<1x32xi32, #tpu.memory_space<vmem>>
      %dma_wait3A_112 = tpu.memref_squeeze %dma_wait3A_111 : memref<1x32xi32, #tpu.memory_space<vmem>> -> memref<32xi32, #tpu.memory_space<vmem>>
      %dma_wait3A_113 = arith.constant 0 : i32
      %dma_wait3A_114 = arith.constant 0 : i32
      %dma_wait3A_115 = tpu.memref_slice %arg4[%dma_wait3A_113, %dma_wait3A_114] : memref<10240x1024xf32, #tpu.memory_space<hbm>> -> memref<10240x1024xf32, #tpu.memory_space<hbm>>
      tpu.wait_indirect_dma semaphore(%run_scoped3A_103 : memref<!tpu.dma_semaphore, #tpu.memory_space<semaphore_mem>>) src(%arg6 : memref<32x1024xf32, #tpu.memory_space<vmem>>) dst(%dma_wait3A_115 : memref<10240x1024xf32, #tpu.memory_space<hbm>>)
      tpu.yield
    }) : () -> ()
    %dma_wait3A_54 = arith.constant 0 : i32
    %dma_wait3A_55 = tpu.memref_slice %arg2[%add3A_48, %dma_wait3A_54] : memref<4096x1024xf32, #tpu.memory_space<hbm>> -> memref<32x1024xf32, #tpu.memory_space<hbm>>
    %dma_wait3A_56 = arith.constant 0 : i32
    %dma_wait3A_57 = tpu.memref_slice %arg2[%add3A_48, %dma_wait3A_56] : memref<4096x1024xf32, #tpu.memory_space<hbm>> -> memref<32x1024xf32, #tpu.memory_space<hbm>>
    tpu.wait_dma2 semaphore(%arg10 : memref<!tpu.dma_semaphore, #tpu.memory_space<semaphore_mem>>) src(%dma_wait3A_57 : memref<32x1024xf32, #tpu.memory_space<hbm>>) dst(%arg7 : memref<32x1024xf32, #tpu.memory_space<vmem>>)
    %add3A_58 = arith.constant 128 : i32
    %add3A_59 = arith.addi %mul3A_11, %add3A_58 : i32
    %dma_start3A_60 = arith.constant 0 : i32
    %dma_start3A_61 = tpu.memref_slice %arg2[%add3A_59, %dma_start3A_60] : memref<4096x1024xf32, #tpu.memory_space<hbm>> -> memref<32x1024xf32, #tpu.memory_space<hbm>>
    %dma_start3A_62 = arith.constant 0 : i32
    %dma_start3A_63 = tpu.memref_slice %arg2[%add3A_59, %dma_start3A_62] : memref<4096x1024xf32, #tpu.memory_space<hbm>> -> memref<32x1024xf32, #tpu.memory_space<hbm>>
    tpu.enqueue_dma source(%dma_start3A_63 : memref<32x1024xf32, #tpu.memory_space<hbm>>) target(%arg6 : memref<32x1024xf32, #tpu.memory_space<vmem>>) target_semaphore(%arg9 : memref<!tpu.dma_semaphore, #tpu.memory_space<semaphore_mem>>)
    %run_scoped3A_64 = arith.constant 0 : i32
    "tpu.region"() ({
      %run_scoped3A_103 = tpu.sem_alloc : memref<!tpu.dma_semaphore, #tpu.memory_space<semaphore_mem>>
      %dma_start3A_104 = arith.constant 96 : i32
      %dma_start3A_105 = tpu.memref_slice %arg5[%run_scoped3A_64, %dma_start3A_104] : memref<1x256xi32, #tpu.memory_space<vmem>> -> memref<1x32xi32, #tpu.memory_space<vmem>>
      %dma_start3A_106 = tpu.memref_squeeze %dma_start3A_105 : memref<1x32xi32, #tpu.memory_space<vmem>> -> memref<32xi32, #tpu.memory_space<vmem>>
      %dma_start3A_107 = arith.constant 0 : i32
      %dma_start3A_108 = arith.constant 0 : i32
      %dma_start3A_109 = tpu.memref_slice %arg4[%dma_start3A_107, %dma_start3A_108] : memref<10240x1024xf32, #tpu.memory_space<hbm>> -> memref<10240x1024xf32, #tpu.memory_space<hbm>>
      tpu.enqueue_indirect_dma source(%arg7 : memref<32x1024xf32, #tpu.memory_space<vmem>>) target(%dma_start3A_109 : memref<10240x1024xf32, #tpu.memory_space<hbm>>) offsets(%dma_start3A_106 : memref<32xi32, #tpu.memory_space<vmem>>) semaphore(%run_scoped3A_103 : memref<!tpu.dma_semaphore, #tpu.memory_space<semaphore_mem>>)
      %dma_wait3A_110 = arith.constant 96 : i32
      %dma_wait3A_111 = tpu.memref_slice %arg5[%run_scoped3A_64, %dma_wait3A_110] : memref<1x256xi32, #tpu.memory_space<vmem>> -> memref<1x32xi32, #tpu.memory_space<vmem>>
      %dma_wait3A_112 = tpu.memref_squeeze %dma_wait3A_111 : memref<1x32xi32, #tpu.memory_space<vmem>> -> memref<32xi32, #tpu.memory_space<vmem>>
      %dma_wait3A_113 = arith.constant 0 : i32
      %dma_wait3A_114 = arith.constant 0 : i32
      %dma_wait3A_115 = tpu.memref_slice %arg4[%dma_wait3A_113, %dma_wait3A_114] : memref<10240x1024xf32, #tpu.memory_space<hbm>> -> memref<10240x1024xf32, #tpu.memory_space<hbm>>
      tpu.wait_indirect_dma semaphore(%run_scoped3A_103 : memref<!tpu.dma_semaphore, #tpu.memory_space<semaphore_mem>>) src(%arg7 : memref<32x1024xf32, #tpu.memory_space<vmem>>) dst(%dma_wait3A_115 : memref<10240x1024xf32, #tpu.memory_space<hbm>>)
      tpu.yield
    }) : () -> ()
    %dma_wait3A_65 = arith.constant 0 : i32
    %dma_wait3A_66 = tpu.memref_slice %arg2[%add3A_59, %dma_wait3A_65] : memref<4096x1024xf32, #tpu.memory_space<hbm>> -> memref<32x1024xf32, #tpu.memory_space<hbm>>
    %dma_wait3A_67 = arith.constant 0 : i32
    %dma_wait3A_68 = tpu.memref_slice %arg2[%add3A_59, %dma_wait3A_67] : memref<4096x1024xf32, #tpu.memory_space<hbm>> -> memref<32x1024xf32, #tpu.memory_space<hbm>>
    tpu.wait_dma2 semaphore(%arg9 : memref<!tpu.dma_semaphore, #tpu.memory_space<semaphore_mem>>) src(%dma_wait3A_68 : memref<32x1024xf32, #tpu.memory_space<hbm>>) dst(%arg6 : memref<32x1024xf32, #tpu.memory_space<vmem>>)
    %add3A_69 = arith.constant 160 : i32
    %add3A_70 = arith.addi %mul3A_11, %add3A_69 : i32
    %dma_start3A_71 = arith.constant 0 : i32
    %dma_start3A_72 = tpu.memref_slice %arg2[%add3A_70, %dma_start3A_71] : memref<4096x1024xf32, #tpu.memory_space<hbm>> -> memref<32x1024xf32, #tpu.memory_space<hbm>>
    %dma_start3A_73 = arith.constant 0 : i32
    %dma_start3A_74 = tpu.memref_slice %arg2[%add3A_70, %dma_start3A_73] : memref<4096x1024xf32, #tpu.memory_space<hbm>> -> memref<32x1024xf32, #tpu.memory_space<hbm>>
    tpu.enqueue_dma source(%dma_start3A_74 : memref<32x1024xf32, #tpu.memory_space<hbm>>) target(%arg7 : memref<32x1024xf32, #tpu.memory_space<vmem>>) target_semaphore(%arg10 : memref<!tpu.dma_semaphore, #tpu.memory_space<semaphore_mem>>)
    %run_scoped3A_75 = arith.constant 0 : i32
    "tpu.region"() ({
      %run_scoped3A_103 = tpu.sem_alloc : memref<!tpu.dma_semaphore, #tpu.memory_space<semaphore_mem>>
      %dma_start3A_104 = arith.constant 128 : i32
      %dma_start3A_105 = tpu.memref_slice %arg5[%run_scoped3A_75, %dma_start3A_104] : memref<1x256xi32, #tpu.memory_space<vmem>> -> memref<1x32xi32, #tpu.memory_space<vmem>>
      %dma_start3A_106 = tpu.memref_squeeze %dma_start3A_105 : memref<1x32xi32, #tpu.memory_space<vmem>> -> memref<32xi32, #tpu.memory_space<vmem>>
      %dma_start3A_107 = arith.constant 0 : i32
      %dma_start3A_108 = arith.constant 0 : i32
      %dma_start3A_109 = tpu.memref_slice %arg4[%dma_start3A_107, %dma_start3A_108] : memref<10240x1024xf32, #tpu.memory_space<hbm>> -> memref<10240x1024xf32, #tpu.memory_space<hbm>>
      tpu.enqueue_indirect_dma source(%arg6 : memref<32x1024xf32, #tpu.memory_space<vmem>>) target(%dma_start3A_109 : memref<10240x1024xf32, #tpu.memory_space<hbm>>) offsets(%dma_start3A_106 : memref<32xi32, #tpu.memory_space<vmem>>) semaphore(%run_scoped3A_103 : memref<!tpu.dma_semaphore, #tpu.memory_space<semaphore_mem>>)
      %dma_wait3A_110 = arith.constant 128 : i32
      %dma_wait3A_111 = tpu.memref_slice %arg5[%run_scoped3A_75, %dma_wait3A_110] : memref<1x256xi32, #tpu.memory_space<vmem>> -> memref<1x32xi32, #tpu.memory_space<vmem>>
      %dma_wait3A_112 = tpu.memref_squeeze %dma_wait3A_111 : memref<1x32xi32, #tpu.memory_space<vmem>> -> memref<32xi32, #tpu.memory_space<vmem>>
      %dma_wait3A_113 = arith.constant 0 : i32
      %dma_wait3A_114 = arith.constant 0 : i32
      %dma_wait3A_115 = tpu.memref_slice %arg4[%dma_wait3A_113, %dma_wait3A_114] : memref<10240x1024xf32, #tpu.memory_space<hbm>> -> memref<10240x1024xf32, #tpu.memory_space<hbm>>
      tpu.wait_indirect_dma semaphore(%run_scoped3A_103 : memref<!tpu.dma_semaphore, #tpu.memory_space<semaphore_mem>>) src(%arg6 : memref<32x1024xf32, #tpu.memory_space<vmem>>) dst(%dma_wait3A_115 : memref<10240x1024xf32, #tpu.memory_space<hbm>>)
      tpu.yield
    }) : () -> ()
    %dma_wait3A_76 = arith.constant 0 : i32
    %dma_wait3A_77 = tpu.memref_slice %arg2[%add3A_70, %dma_wait3A_76] : memref<4096x1024xf32, #tpu.memory_space<hbm>> -> memref<32x1024xf32, #tpu.memory_space<hbm>>
    %dma_wait3A_78 = arith.constant 0 : i32
    %dma_wait3A_79 = tpu.memref_slice %arg2[%add3A_70, %dma_wait3A_78] : memref<4096x1024xf32, #tpu.memory_space<hbm>> -> memref<32x1024xf32, #tpu.memory_space<hbm>>
    tpu.wait_dma2 semaphore(%arg10 : memref<!tpu.dma_semaphore, #tpu.memory_space<semaphore_mem>>) src(%dma_wait3A_79 : memref<32x1024xf32, #tpu.memory_space<hbm>>) dst(%arg7 : memref<32x1024xf32, #tpu.memory_space<vmem>>)
    %add3A_80 = arith.constant 192 : i32
    %add3A_81 = arith.addi %mul3A_11, %add3A_80 : i32
    %dma_start3A_82 = arith.constant 0 : i32
    %dma_start3A_83 = tpu.memref_slice %arg2[%add3A_81, %dma_start3A_82] : memref<4096x1024xf32, #tpu.memory_space<hbm>> -> memref<32x1024xf32, #tpu.memory_space<hbm>>
    %dma_start3A_84 = arith.constant 0 : i32
    %dma_start3A_85 = tpu.memref_slice %arg2[%add3A_81, %dma_start3A_84] : memref<4096x1024xf32, #tpu.memory_space<hbm>> -> memref<32x1024xf32, #tpu.memory_space<hbm>>
    tpu.enqueue_dma source(%dma_start3A_85 : memref<32x1024xf32, #tpu.memory_space<hbm>>) target(%arg6 : memref<32x1024xf32, #tpu.memory_space<vmem>>) target_semaphore(%arg9 : memref<!tpu.dma_semaphore, #tpu.memory_space<semaphore_mem>>)
    %run_scoped3A_86 = arith.constant 0 : i32
    "tpu.region"() ({
      %run_scoped3A_103 = tpu.sem_alloc : memref<!tpu.dma_semaphore, #tpu.memory_space<semaphore_mem>>
      %dma_start3A_104 = arith.constant 160 : i32
      %dma_start3A_105 = tpu.memref_slice %arg5[%run_scoped3A_86, %dma_start3A_104] : memref<1x256xi32, #tpu.memory_space<vmem>> -> memref<1x32xi32, #tpu.memory_space<vmem>>
      %dma_start3A_106 = tpu.memref_squeeze %dma_start3A_105 : memref<1x32xi32, #tpu.memory_space<vmem>> -> memref<32xi32, #tpu.memory_space<vmem>>
      %dma_start3A_107 = arith.constant 0 : i32
      %dma_start3A_108 = arith.constant 0 : i32
      %dma_start3A_109 = tpu.memref_slice %arg4[%dma_start3A_107, %dma_start3A_108] : memref<10240x1024xf32, #tpu.memory_space<hbm>> -> memref<10240x1024xf32, #tpu.memory_space<hbm>>
      tpu.enqueue_indirect_dma source(%arg7 : memref<32x1024xf32, #tpu.memory_space<vmem>>) target(%dma_start3A_109 : memref<10240x1024xf32, #tpu.memory_space<hbm>>) offsets(%dma_start3A_106 : memref<32xi32, #tpu.memory_space<vmem>>) semaphore(%run_scoped3A_103 : memref<!tpu.dma_semaphore, #tpu.memory_space<semaphore_mem>>)
      %dma_wait3A_110 = arith.constant 160 : i32
      %dma_wait3A_111 = tpu.memref_slice %arg5[%run_scoped3A_86, %dma_wait3A_110] : memref<1x256xi32, #tpu.memory_space<vmem>> -> memref<1x32xi32, #tpu.memory_space<vmem>>
      %dma_wait3A_112 = tpu.memref_squeeze %dma_wait3A_111 : memref<1x32xi32, #tpu.memory_space<vmem>> -> memref<32xi32, #tpu.memory_space<vmem>>
      %dma_wait3A_113 = arith.constant 0 : i32
      %dma_wait3A_114 = arith.constant 0 : i32
      %dma_wait3A_115 = tpu.memref_slice %arg4[%dma_wait3A_113, %dma_wait3A_114] : memref<10240x1024xf32, #tpu.memory_space<hbm>> -> memref<10240x1024xf32, #tpu.memory_space<hbm>>
      tpu.wait_indirect_dma semaphore(%run_scoped3A_103 : memref<!tpu.dma_semaphore, #tpu.memory_space<semaphore_mem>>) src(%arg7 : memref<32x1024xf32, #tpu.memory_space<vmem>>) dst(%dma_wait3A_115 : memref<10240x1024xf32, #tpu.memory_space<hbm>>)
      tpu.yield
    }) : () -> ()
    %dma_wait3A_87 = arith.constant 0 : i32
    %dma_wait3A_88 = tpu.memref_slice %arg2[%add3A_81, %dma_wait3A_87] : memref<4096x1024xf32, #tpu.memory_space<hbm>> -> memref<32x1024xf32, #tpu.memory_space<hbm>>
    %dma_wait3A_89 = arith.constant 0 : i32
    %dma_wait3A_90 = tpu.memref_slice %arg2[%add3A_81, %dma_wait3A_89] : memref<4096x1024xf32, #tpu.memory_space<hbm>> -> memref<32x1024xf32, #tpu.memory_space<hbm>>
    tpu.wait_dma2 semaphore(%arg9 : memref<!tpu.dma_semaphore, #tpu.memory_space<semaphore_mem>>) src(%dma_wait3A_90 : memref<32x1024xf32, #tpu.memory_space<hbm>>) dst(%arg6 : memref<32x1024xf32, #tpu.memory_space<vmem>>)
    %add3A_91 = arith.constant 224 : i32
    %add3A_92 = arith.addi %mul3A_11, %add3A_91 : i32
    %dma_start3A_93 = arith.constant 0 : i32
    %dma_start3A_94 = tpu.memref_slice %arg2[%add3A_92, %dma_start3A_93] : memref<4096x1024xf32, #tpu.memory_space<hbm>> -> memref<32x1024xf32, #tpu.memory_space<hbm>>
    %dma_start3A_95 = arith.constant 0 : i32
    %dma_start3A_96 = tpu.memref_slice %arg2[%add3A_92, %dma_start3A_95] : memref<4096x1024xf32, #tpu.memory_space<hbm>> -> memref<32x1024xf32, #tpu.memory_space<hbm>>
    tpu.enqueue_dma source(%dma_start3A_96 : memref<32x1024xf32, #tpu.memory_space<hbm>>) target(%arg7 : memref<32x1024xf32, #tpu.memory_space<vmem>>) target_semaphore(%arg10 : memref<!tpu.dma_semaphore, #tpu.memory_space<semaphore_mem>>)
    %run_scoped3A_97 = arith.constant 0 : i32
    "tpu.region"() ({
      %run_scoped3A_103 = tpu.sem_alloc : memref<!tpu.dma_semaphore, #tpu.memory_space<semaphore_mem>>
      %dma_start3A_104 = arith.constant 192 : i32
      %dma_start3A_105 = tpu.memref_slice %arg5[%run_scoped3A_97, %dma_start3A_104] : memref<1x256xi32, #tpu.memory_space<vmem>> -> memref<1x32xi32, #tpu.memory_space<vmem>>
      %dma_start3A_106 = tpu.memref_squeeze %dma_start3A_105 : memref<1x32xi32, #tpu.memory_space<vmem>> -> memref<32xi32, #tpu.memory_space<vmem>>
      %dma_start3A_107 = arith.constant 0 : i32
      %dma_start3A_108 = arith.constant 0 : i32
      %dma_start3A_109 = tpu.memref_slice %arg4[%dma_start3A_107, %dma_start3A_108] : memref<10240x1024xf32, #tpu.memory_space<hbm>> -> memref<10240x1024xf32, #tpu.memory_space<hbm>>
      tpu.enqueue_indirect_dma source(%arg6 : memref<32x1024xf32, #tpu.memory_space<vmem>>) target(%dma_start3A_109 : memref<10240x1024xf32, #tpu.memory_space<hbm>>) offsets(%dma_start3A_106 : memref<32xi32, #tpu.memory_space<vmem>>) semaphore(%run_scoped3A_103 : memref<!tpu.dma_semaphore, #tpu.memory_space<semaphore_mem>>)
      %dma_wait3A_110 = arith.constant 192 : i32
      %dma_wait3A_111 = tpu.memref_slice %arg5[%run_scoped3A_97, %dma_wait3A_110] : memref<1x256xi32, #tpu.memory_space<vmem>> -> memref<1x32xi32, #tpu.memory_space<vmem>>
      %dma_wait3A_112 = tpu.memref_squeeze %dma_wait3A_111 : memref<1x32xi32, #tpu.memory_space<vmem>> -> memref<32xi32, #tpu.memory_space<vmem>>
      %dma_wait3A_113 = arith.constant 0 : i32
      %dma_wait3A_114 = arith.constant 0 : i32
      %dma_wait3A_115 = tpu.memref_slice %arg4[%dma_wait3A_113, %dma_wait3A_114] : memref<10240x1024xf32, #tpu.memory_space<hbm>> -> memref<10240x1024xf32, #tpu.memory_space<hbm>>
      tpu.wait_indirect_dma semaphore(%run_scoped3A_103 : memref<!tpu.dma_semaphore, #tpu.memory_space<semaphore_mem>>) src(%arg6 : memref<32x1024xf32, #tpu.memory_space<vmem>>) dst(%dma_wait3A_115 : memref<10240x1024xf32, #tpu.memory_space<hbm>>)
      tpu.yield
    }) : () -> ()
    %dma_wait3A_98 = arith.constant 0 : i32
    %dma_wait3A_99 = tpu.memref_slice %arg2[%add3A_92, %dma_wait3A_98] : memref<4096x1024xf32, #tpu.memory_space<hbm>> -> memref<32x1024xf32, #tpu.memory_space<hbm>>
    %dma_wait3A_100 = arith.constant 0 : i32
    %dma_wait3A_101 = tpu.memref_slice %arg2[%add3A_92, %dma_wait3A_100] : memref<4096x1024xf32, #tpu.memory_space<hbm>> -> memref<32x1024xf32, #tpu.memory_space<hbm>>
    tpu.wait_dma2 semaphore(%arg10 : memref<!tpu.dma_semaphore, #tpu.memory_space<semaphore_mem>>) src(%dma_wait3A_101 : memref<32x1024xf32, #tpu.memory_space<hbm>>) dst(%arg7 : memref<32x1024xf32, #tpu.memory_space<vmem>>)
    %run_scoped3A_102 = arith.constant 0 : i32
    "tpu.region"() ({
      %run_scoped3A_103 = tpu.sem_alloc : memref<!tpu.dma_semaphore, #tpu.memory_space<semaphore_mem>>
      %dma_start3A_104 = arith.constant 224 : i32
      %dma_start3A_105 = tpu.memref_slice %arg5[%run_scoped3A_102, %dma_start3A_104] : memref<1x256xi32, #tpu.memory_space<vmem>> -> memref<1x32xi32, #tpu.memory_space<vmem>>
      %dma_start3A_106 = tpu.memref_squeeze %dma_start3A_105 : memref<1x32xi32, #tpu.memory_space<vmem>> -> memref<32xi32, #tpu.memory_space<vmem>>
      %dma_start3A_107 = arith.constant 0 : i32
      %dma_start3A_108 = arith.constant 0 : i32
      %dma_start3A_109 = tpu.memref_slice %arg4[%dma_start3A_107, %dma_start3A_108] : memref<10240x1024xf32, #tpu.memory_space<hbm>> -> memref<10240x1024xf32, #tpu.memory_space<hbm>>
      tpu.enqueue_indirect_dma source(%arg7 : memref<32x1024xf32, #tpu.memory_space<vmem>>) target(%dma_start3A_109 : memref<10240x1024xf32, #tpu.memory_space<hbm>>) offsets(%dma_start3A_106 : memref<32xi32, #tpu.memory_space<vmem>>) semaphore(%run_scoped3A_103 : memref<!tpu.dma_semaphore, #tpu.memory_space<semaphore_mem>>)
      %dma_wait3A_110 = arith.constant 224 : i32
      %dma_wait3A_111 = tpu.memref_slice %arg5[%run_scoped3A_102, %dma_wait3A_110] : memref<1x256xi32, #tpu.memory_space<vmem>> -> memref<1x32xi32, #tpu.memory_space<vmem>>
      %dma_wait3A_112 = tpu.memref_squeeze %dma_wait3A_111 : memref<1x32xi32, #tpu.memory_space<vmem>> -> memref<32xi32, #tpu.memory_space<vmem>>
      %dma_wait3A_113 = arith.constant 0 : i32
      %dma_wait3A_114 = arith.constant 0 : i32
      %dma_wait3A_115 = tpu.memref_slice %arg4[%dma_wait3A_113, %dma_wait3A_114] : memref<10240x1024xf32, #tpu.memory_space<hbm>> -> memref<10240x1024xf32, #tpu.memory_space<hbm>>
      tpu.wait_indirect_dma semaphore(%run_scoped3A_103 : memref<!tpu.dma_semaphore, #tpu.memory_space<semaphore_mem>>) src(%arg7 : memref<32x1024xf32, #tpu.memory_space<vmem>>) dst(%dma_wait3A_115 : memref<10240x1024xf32, #tpu.memory_space<hbm>>)
      tpu.yield
    }) : () -> ()
    return
  }
}

#map = affine_map<(d0, d1) -> (0, 0)>
module attributes {stable_mosaic.version = 14 : i64} {
  func.func @k(%arg0: i32, %arg1: i32, %arg2: memref<10240x1024xf32, #tpu.memory_space<hbm>>, %arg3: memref<32x256xi32, #tpu.memory_space<hbm>>, %arg4: memref<8192x1024xf32, #tpu.memory_space<hbm>>, %arg5: memref<1x256xi32, #tpu.memory_space<vmem>>, %arg6: memref<32x1024xf32, #tpu.memory_space<vmem>>, %arg7: memref<32x1024xf32, #tpu.memory_space<vmem>>, %arg8: memref<!tpu.dma_semaphore, #tpu.memory_space<semaphore_mem>>, %arg9: memref<!tpu.dma_semaphore, #tpu.memory_space<semaphore_mem>>, %arg10: memref<!tpu.dma_semaphore, #tpu.memory_space<semaphore_mem>>) attributes {dimension_semantics = [#tpu.dimension_semantics<core_parallel>, #tpu.dimension_semantics<subcore_parallel>], iteration_bounds = array<i64: 2, 16>, scalar_prefetch = 0 : i64, scratch_operands = 6 : i64, tpu.core_type = #tpu.core_type<sc_vector_subcore>, window_params = [{transform_indices = #map}, {transform_indices = #map}, {transform_indices = #map}]} {
    %mul3A = arith.constant 16 : i32
    %mul3A_0 = arith.muli %arg0, %mul3A : i32
    %add3A = arith.addi %mul3A_0, %arg1 : i32
    %mul3A_1 = arith.constant 256 : i32
    %mul3A_2 = arith.muli %add3A, %mul3A_1 : i32
    %dma_start3A = arith.constant 0 : i32
    %dma_start3A_3 = tpu.memref_slice %arg3[%add3A, %dma_start3A] : memref<32x256xi32, #tpu.memory_space<hbm>> -> memref<1x256xi32, #tpu.memory_space<hbm>>
    %dma_start3A_4 = arith.constant 0 : i32
    %dma_start3A_5 = tpu.memref_slice %arg3[%add3A, %dma_start3A_4] : memref<32x256xi32, #tpu.memory_space<hbm>> -> memref<1x256xi32, #tpu.memory_space<hbm>>
    tpu.enqueue_dma source(%dma_start3A_5 : memref<1x256xi32, #tpu.memory_space<hbm>>) target(%arg5 : memref<1x256xi32, #tpu.memory_space<vmem>>) target_semaphore(%arg8 : memref<!tpu.dma_semaphore, #tpu.memory_space<semaphore_mem>>)
    %dma_wait3A = arith.constant 0 : i32
    %dma_wait3A_6 = tpu.memref_slice %arg3[%add3A, %dma_wait3A] : memref<32x256xi32, #tpu.memory_space<hbm>> -> memref<1x256xi32, #tpu.memory_space<hbm>>
    %dma_wait3A_7 = arith.constant 0 : i32
    %dma_wait3A_8 = tpu.memref_slice %arg3[%add3A, %dma_wait3A_7] : memref<32x256xi32, #tpu.memory_space<hbm>> -> memref<1x256xi32, #tpu.memory_space<hbm>>
    tpu.wait_dma2 semaphore(%arg8 : memref<!tpu.dma_semaphore, #tpu.memory_space<semaphore_mem>>) src(%dma_wait3A_8 : memref<1x256xi32, #tpu.memory_space<hbm>>) dst(%arg5 : memref<1x256xi32, #tpu.memory_space<vmem>>)
    %run_scoped3A = arith.constant 0 : i32
    "tpu.region"() ({
      %run_scoped3A_96 = tpu.sem_alloc : memref<!tpu.dma_semaphore, #tpu.memory_space<semaphore_mem>>
      %dma_start3A_97 = arith.constant 0 : i32
      %dma_start3A_98 = tpu.memref_slice %arg5[%run_scoped3A, %dma_start3A_97] : memref<1x256xi32, #tpu.memory_space<vmem>> -> memref<1x32xi32, #tpu.memory_space<vmem>>
      %dma_start3A_99 = tpu.memref_squeeze %dma_start3A_98 : memref<1x32xi32, #tpu.memory_space<vmem>> -> memref<32xi32, #tpu.memory_space<vmem>>
      %dma_start3A_100 = arith.constant 0 : i32
      %dma_start3A_101 = arith.constant 0 : i32
      %dma_start3A_102 = tpu.memref_slice %arg2[%dma_start3A_100, %dma_start3A_101] : memref<10240x1024xf32, #tpu.memory_space<hbm>> -> memref<10240x1024xf32, #tpu.memory_space<hbm>>
      tpu.enqueue_indirect_dma source(%dma_start3A_102 : memref<10240x1024xf32, #tpu.memory_space<hbm>>) target(%arg6 : memref<32x1024xf32, #tpu.memory_space<vmem>>) offsets(%dma_start3A_99 : memref<32xi32, #tpu.memory_space<vmem>>) semaphore(%run_scoped3A_96 : memref<!tpu.dma_semaphore, #tpu.memory_space<semaphore_mem>>)
      %dma_wait3A_103 = arith.constant 0 : i32
      %dma_wait3A_104 = tpu.memref_slice %arg5[%run_scoped3A, %dma_wait3A_103] : memref<1x256xi32, #tpu.memory_space<vmem>> -> memref<1x32xi32, #tpu.memory_space<vmem>>
      %dma_wait3A_105 = tpu.memref_squeeze %dma_wait3A_104 : memref<1x32xi32, #tpu.memory_space<vmem>> -> memref<32xi32, #tpu.memory_space<vmem>>
      %dma_wait3A_106 = arith.constant 0 : i32
      %dma_wait3A_107 = arith.constant 0 : i32
      %dma_wait3A_108 = tpu.memref_slice %arg2[%dma_wait3A_106, %dma_wait3A_107] : memref<10240x1024xf32, #tpu.memory_space<hbm>> -> memref<10240x1024xf32, #tpu.memory_space<hbm>>
      tpu.wait_indirect_dma semaphore(%run_scoped3A_96 : memref<!tpu.dma_semaphore, #tpu.memory_space<semaphore_mem>>) src(%dma_wait3A_108 : memref<10240x1024xf32, #tpu.memory_space<hbm>>) dst(%arg6 : memref<32x1024xf32, #tpu.memory_space<vmem>>)
      tpu.yield
    }) : () -> ()
    %add3A_9 = arith.constant 0 : i32
    %add3A_10 = arith.addi %mul3A_2, %add3A_9 : i32
    %dma_start3A_11 = arith.constant 0 : i32
    %dma_start3A_12 = tpu.memref_slice %arg4[%add3A_10, %dma_start3A_11] : memref<8192x1024xf32, #tpu.memory_space<hbm>> -> memref<32x1024xf32, #tpu.memory_space<hbm>>
    %dma_start3A_13 = arith.constant 0 : i32
    %dma_start3A_14 = tpu.memref_slice %arg4[%add3A_10, %dma_start3A_13] : memref<8192x1024xf32, #tpu.memory_space<hbm>> -> memref<32x1024xf32, #tpu.memory_space<hbm>>
    tpu.enqueue_dma source(%arg6 : memref<32x1024xf32, #tpu.memory_space<vmem>>) target(%dma_start3A_14 : memref<32x1024xf32, #tpu.memory_space<hbm>>) target_semaphore(%arg9 : memref<!tpu.dma_semaphore, #tpu.memory_space<semaphore_mem>>)
    %run_scoped3A_15 = arith.constant 0 : i32
    "tpu.region"() ({
      %run_scoped3A_96 = tpu.sem_alloc : memref<!tpu.dma_semaphore, #tpu.memory_space<semaphore_mem>>
      %dma_start3A_97 = arith.constant 32 : i32
      %dma_start3A_98 = tpu.memref_slice %arg5[%run_scoped3A_15, %dma_start3A_97] : memref<1x256xi32, #tpu.memory_space<vmem>> -> memref<1x32xi32, #tpu.memory_space<vmem>>
      %dma_start3A_99 = tpu.memref_squeeze %dma_start3A_98 : memref<1x32xi32, #tpu.memory_space<vmem>> -> memref<32xi32, #tpu.memory_space<vmem>>
      %dma_start3A_100 = arith.constant 0 : i32
      %dma_start3A_101 = arith.constant 0 : i32
      %dma_start3A_102 = tpu.memref_slice %arg2[%dma_start3A_100, %dma_start3A_101] : memref<10240x1024xf32, #tpu.memory_space<hbm>> -> memref<10240x1024xf32, #tpu.memory_space<hbm>>
      tpu.enqueue_indirect_dma source(%dma_start3A_102 : memref<10240x1024xf32, #tpu.memory_space<hbm>>) target(%arg7 : memref<32x1024xf32, #tpu.memory_space<vmem>>) offsets(%dma_start3A_99 : memref<32xi32, #tpu.memory_space<vmem>>) semaphore(%run_scoped3A_96 : memref<!tpu.dma_semaphore, #tpu.memory_space<semaphore_mem>>)
      %dma_wait3A_103 = arith.constant 32 : i32
      %dma_wait3A_104 = tpu.memref_slice %arg5[%run_scoped3A_15, %dma_wait3A_103] : memref<1x256xi32, #tpu.memory_space<vmem>> -> memref<1x32xi32, #tpu.memory_space<vmem>>
      %dma_wait3A_105 = tpu.memref_squeeze %dma_wait3A_104 : memref<1x32xi32, #tpu.memory_space<vmem>> -> memref<32xi32, #tpu.memory_space<vmem>>
      %dma_wait3A_106 = arith.constant 0 : i32
      %dma_wait3A_107 = arith.constant 0 : i32
      %dma_wait3A_108 = tpu.memref_slice %arg2[%dma_wait3A_106, %dma_wait3A_107] : memref<10240x1024xf32, #tpu.memory_space<hbm>> -> memref<10240x1024xf32, #tpu.memory_space<hbm>>
      tpu.wait_indirect_dma semaphore(%run_scoped3A_96 : memref<!tpu.dma_semaphore, #tpu.memory_space<semaphore_mem>>) src(%dma_wait3A_108 : memref<10240x1024xf32, #tpu.memory_space<hbm>>) dst(%arg7 : memref<32x1024xf32, #tpu.memory_space<vmem>>)
      tpu.yield
    }) : () -> ()
    %add3A_16 = arith.constant 32 : i32
    %add3A_17 = arith.addi %mul3A_2, %add3A_16 : i32
    %dma_start3A_18 = arith.constant 0 : i32
    %dma_start3A_19 = tpu.memref_slice %arg4[%add3A_17, %dma_start3A_18] : memref<8192x1024xf32, #tpu.memory_space<hbm>> -> memref<32x1024xf32, #tpu.memory_space<hbm>>
    %dma_start3A_20 = arith.constant 0 : i32
    %dma_start3A_21 = tpu.memref_slice %arg4[%add3A_17, %dma_start3A_20] : memref<8192x1024xf32, #tpu.memory_space<hbm>> -> memref<32x1024xf32, #tpu.memory_space<hbm>>
    tpu.enqueue_dma source(%arg7 : memref<32x1024xf32, #tpu.memory_space<vmem>>) target(%dma_start3A_21 : memref<32x1024xf32, #tpu.memory_space<hbm>>) target_semaphore(%arg10 : memref<!tpu.dma_semaphore, #tpu.memory_space<semaphore_mem>>)
    %dma_wait3A_22 = arith.constant 0 : i32
    %dma_wait3A_23 = tpu.memref_slice %arg4[%add3A_10, %dma_wait3A_22] : memref<8192x1024xf32, #tpu.memory_space<hbm>> -> memref<32x1024xf32, #tpu.memory_space<hbm>>
    %dma_wait3A_24 = arith.constant 0 : i32
    %dma_wait3A_25 = tpu.memref_slice %arg4[%add3A_10, %dma_wait3A_24] : memref<8192x1024xf32, #tpu.memory_space<hbm>> -> memref<32x1024xf32, #tpu.memory_space<hbm>>
    tpu.wait_dma2 semaphore(%arg9 : memref<!tpu.dma_semaphore, #tpu.memory_space<semaphore_mem>>) src(%arg6 : memref<32x1024xf32, #tpu.memory_space<vmem>>) dst(%dma_wait3A_25 : memref<32x1024xf32, #tpu.memory_space<hbm>>)
    %run_scoped3A_26 = arith.constant 0 : i32
    "tpu.region"() ({
      %run_scoped3A_96 = tpu.sem_alloc : memref<!tpu.dma_semaphore, #tpu.memory_space<semaphore_mem>>
      %dma_start3A_97 = arith.constant 64 : i32
      %dma_start3A_98 = tpu.memref_slice %arg5[%run_scoped3A_26, %dma_start3A_97] : memref<1x256xi32, #tpu.memory_space<vmem>> -> memref<1x32xi32, #tpu.memory_space<vmem>>
      %dma_start3A_99 = tpu.memref_squeeze %dma_start3A_98 : memref<1x32xi32, #tpu.memory_space<vmem>> -> memref<32xi32, #tpu.memory_space<vmem>>
      %dma_start3A_100 = arith.constant 0 : i32
      %dma_start3A_101 = arith.constant 0 : i32
      %dma_start3A_102 = tpu.memref_slice %arg2[%dma_start3A_100, %dma_start3A_101] : memref<10240x1024xf32, #tpu.memory_space<hbm>> -> memref<10240x1024xf32, #tpu.memory_space<hbm>>
      tpu.enqueue_indirect_dma source(%dma_start3A_102 : memref<10240x1024xf32, #tpu.memory_space<hbm>>) target(%arg6 : memref<32x1024xf32, #tpu.memory_space<vmem>>) offsets(%dma_start3A_99 : memref<32xi32, #tpu.memory_space<vmem>>) semaphore(%run_scoped3A_96 : memref<!tpu.dma_semaphore, #tpu.memory_space<semaphore_mem>>)
      %dma_wait3A_103 = arith.constant 64 : i32
      %dma_wait3A_104 = tpu.memref_slice %arg5[%run_scoped3A_26, %dma_wait3A_103] : memref<1x256xi32, #tpu.memory_space<vmem>> -> memref<1x32xi32, #tpu.memory_space<vmem>>
      %dma_wait3A_105 = tpu.memref_squeeze %dma_wait3A_104 : memref<1x32xi32, #tpu.memory_space<vmem>> -> memref<32xi32, #tpu.memory_space<vmem>>
      %dma_wait3A_106 = arith.constant 0 : i32
      %dma_wait3A_107 = arith.constant 0 : i32
      %dma_wait3A_108 = tpu.memref_slice %arg2[%dma_wait3A_106, %dma_wait3A_107] : memref<10240x1024xf32, #tpu.memory_space<hbm>> -> memref<10240x1024xf32, #tpu.memory_space<hbm>>
      tpu.wait_indirect_dma semaphore(%run_scoped3A_96 : memref<!tpu.dma_semaphore, #tpu.memory_space<semaphore_mem>>) src(%dma_wait3A_108 : memref<10240x1024xf32, #tpu.memory_space<hbm>>) dst(%arg6 : memref<32x1024xf32, #tpu.memory_space<vmem>>)
      tpu.yield
    }) : () -> ()
    %add3A_27 = arith.constant 64 : i32
    %add3A_28 = arith.addi %mul3A_2, %add3A_27 : i32
    %dma_start3A_29 = arith.constant 0 : i32
    %dma_start3A_30 = tpu.memref_slice %arg4[%add3A_28, %dma_start3A_29] : memref<8192x1024xf32, #tpu.memory_space<hbm>> -> memref<32x1024xf32, #tpu.memory_space<hbm>>
    %dma_start3A_31 = arith.constant 0 : i32
    %dma_start3A_32 = tpu.memref_slice %arg4[%add3A_28, %dma_start3A_31] : memref<8192x1024xf32, #tpu.memory_space<hbm>> -> memref<32x1024xf32, #tpu.memory_space<hbm>>
    tpu.enqueue_dma source(%arg6 : memref<32x1024xf32, #tpu.memory_space<vmem>>) target(%dma_start3A_32 : memref<32x1024xf32, #tpu.memory_space<hbm>>) target_semaphore(%arg9 : memref<!tpu.dma_semaphore, #tpu.memory_space<semaphore_mem>>)
    %dma_wait3A_33 = arith.constant 0 : i32
    %dma_wait3A_34 = tpu.memref_slice %arg4[%add3A_17, %dma_wait3A_33] : memref<8192x1024xf32, #tpu.memory_space<hbm>> -> memref<32x1024xf32, #tpu.memory_space<hbm>>
    %dma_wait3A_35 = arith.constant 0 : i32
    %dma_wait3A_36 = tpu.memref_slice %arg4[%add3A_17, %dma_wait3A_35] : memref<8192x1024xf32, #tpu.memory_space<hbm>> -> memref<32x1024xf32, #tpu.memory_space<hbm>>
    tpu.wait_dma2 semaphore(%arg10 : memref<!tpu.dma_semaphore, #tpu.memory_space<semaphore_mem>>) src(%arg7 : memref<32x1024xf32, #tpu.memory_space<vmem>>) dst(%dma_wait3A_36 : memref<32x1024xf32, #tpu.memory_space<hbm>>)
    %run_scoped3A_37 = arith.constant 0 : i32
    "tpu.region"() ({
      %run_scoped3A_96 = tpu.sem_alloc : memref<!tpu.dma_semaphore, #tpu.memory_space<semaphore_mem>>
      %dma_start3A_97 = arith.constant 96 : i32
      %dma_start3A_98 = tpu.memref_slice %arg5[%run_scoped3A_37, %dma_start3A_97] : memref<1x256xi32, #tpu.memory_space<vmem>> -> memref<1x32xi32, #tpu.memory_space<vmem>>
      %dma_start3A_99 = tpu.memref_squeeze %dma_start3A_98 : memref<1x32xi32, #tpu.memory_space<vmem>> -> memref<32xi32, #tpu.memory_space<vmem>>
      %dma_start3A_100 = arith.constant 0 : i32
      %dma_start3A_101 = arith.constant 0 : i32
      %dma_start3A_102 = tpu.memref_slice %arg2[%dma_start3A_100, %dma_start3A_101] : memref<10240x1024xf32, #tpu.memory_space<hbm>> -> memref<10240x1024xf32, #tpu.memory_space<hbm>>
      tpu.enqueue_indirect_dma source(%dma_start3A_102 : memref<10240x1024xf32, #tpu.memory_space<hbm>>) target(%arg7 : memref<32x1024xf32, #tpu.memory_space<vmem>>) offsets(%dma_start3A_99 : memref<32xi32, #tpu.memory_space<vmem>>) semaphore(%run_scoped3A_96 : memref<!tpu.dma_semaphore, #tpu.memory_space<semaphore_mem>>)
      %dma_wait3A_103 = arith.constant 96 : i32
      %dma_wait3A_104 = tpu.memref_slice %arg5[%run_scoped3A_37, %dma_wait3A_103] : memref<1x256xi32, #tpu.memory_space<vmem>> -> memref<1x32xi32, #tpu.memory_space<vmem>>
      %dma_wait3A_105 = tpu.memref_squeeze %dma_wait3A_104 : memref<1x32xi32, #tpu.memory_space<vmem>> -> memref<32xi32, #tpu.memory_space<vmem>>
      %dma_wait3A_106 = arith.constant 0 : i32
      %dma_wait3A_107 = arith.constant 0 : i32
      %dma_wait3A_108 = tpu.memref_slice %arg2[%dma_wait3A_106, %dma_wait3A_107] : memref<10240x1024xf32, #tpu.memory_space<hbm>> -> memref<10240x1024xf32, #tpu.memory_space<hbm>>
      tpu.wait_indirect_dma semaphore(%run_scoped3A_96 : memref<!tpu.dma_semaphore, #tpu.memory_space<semaphore_mem>>) src(%dma_wait3A_108 : memref<10240x1024xf32, #tpu.memory_space<hbm>>) dst(%arg7 : memref<32x1024xf32, #tpu.memory_space<vmem>>)
      tpu.yield
    }) : () -> ()
    %add3A_38 = arith.constant 96 : i32
    %add3A_39 = arith.addi %mul3A_2, %add3A_38 : i32
    %dma_start3A_40 = arith.constant 0 : i32
    %dma_start3A_41 = tpu.memref_slice %arg4[%add3A_39, %dma_start3A_40] : memref<8192x1024xf32, #tpu.memory_space<hbm>> -> memref<32x1024xf32, #tpu.memory_space<hbm>>
    %dma_start3A_42 = arith.constant 0 : i32
    %dma_start3A_43 = tpu.memref_slice %arg4[%add3A_39, %dma_start3A_42] : memref<8192x1024xf32, #tpu.memory_space<hbm>> -> memref<32x1024xf32, #tpu.memory_space<hbm>>
    tpu.enqueue_dma source(%arg7 : memref<32x1024xf32, #tpu.memory_space<vmem>>) target(%dma_start3A_43 : memref<32x1024xf32, #tpu.memory_space<hbm>>) target_semaphore(%arg10 : memref<!tpu.dma_semaphore, #tpu.memory_space<semaphore_mem>>)
    %dma_wait3A_44 = arith.constant 0 : i32
    %dma_wait3A_45 = tpu.memref_slice %arg4[%add3A_28, %dma_wait3A_44] : memref<8192x1024xf32, #tpu.memory_space<hbm>> -> memref<32x1024xf32, #tpu.memory_space<hbm>>
    %dma_wait3A_46 = arith.constant 0 : i32
    %dma_wait3A_47 = tpu.memref_slice %arg4[%add3A_28, %dma_wait3A_46] : memref<8192x1024xf32, #tpu.memory_space<hbm>> -> memref<32x1024xf32, #tpu.memory_space<hbm>>
    tpu.wait_dma2 semaphore(%arg9 : memref<!tpu.dma_semaphore, #tpu.memory_space<semaphore_mem>>) src(%arg6 : memref<32x1024xf32, #tpu.memory_space<vmem>>) dst(%dma_wait3A_47 : memref<32x1024xf32, #tpu.memory_space<hbm>>)
    %run_scoped3A_48 = arith.constant 0 : i32
    "tpu.region"() ({
      %run_scoped3A_96 = tpu.sem_alloc : memref<!tpu.dma_semaphore, #tpu.memory_space<semaphore_mem>>
      %dma_start3A_97 = arith.constant 128 : i32
      %dma_start3A_98 = tpu.memref_slice %arg5[%run_scoped3A_48, %dma_start3A_97] : memref<1x256xi32, #tpu.memory_space<vmem>> -> memref<1x32xi32, #tpu.memory_space<vmem>>
      %dma_start3A_99 = tpu.memref_squeeze %dma_start3A_98 : memref<1x32xi32, #tpu.memory_space<vmem>> -> memref<32xi32, #tpu.memory_space<vmem>>
      %dma_start3A_100 = arith.constant 0 : i32
      %dma_start3A_101 = arith.constant 0 : i32
      %dma_start3A_102 = tpu.memref_slice %arg2[%dma_start3A_100, %dma_start3A_101] : memref<10240x1024xf32, #tpu.memory_space<hbm>> -> memref<10240x1024xf32, #tpu.memory_space<hbm>>
      tpu.enqueue_indirect_dma source(%dma_start3A_102 : memref<10240x1024xf32, #tpu.memory_space<hbm>>) target(%arg6 : memref<32x1024xf32, #tpu.memory_space<vmem>>) offsets(%dma_start3A_99 : memref<32xi32, #tpu.memory_space<vmem>>) semaphore(%run_scoped3A_96 : memref<!tpu.dma_semaphore, #tpu.memory_space<semaphore_mem>>)
      %dma_wait3A_103 = arith.constant 128 : i32
      %dma_wait3A_104 = tpu.memref_slice %arg5[%run_scoped3A_48, %dma_wait3A_103] : memref<1x256xi32, #tpu.memory_space<vmem>> -> memref<1x32xi32, #tpu.memory_space<vmem>>
      %dma_wait3A_105 = tpu.memref_squeeze %dma_wait3A_104 : memref<1x32xi32, #tpu.memory_space<vmem>> -> memref<32xi32, #tpu.memory_space<vmem>>
      %dma_wait3A_106 = arith.constant 0 : i32
      %dma_wait3A_107 = arith.constant 0 : i32
      %dma_wait3A_108 = tpu.memref_slice %arg2[%dma_wait3A_106, %dma_wait3A_107] : memref<10240x1024xf32, #tpu.memory_space<hbm>> -> memref<10240x1024xf32, #tpu.memory_space<hbm>>
      tpu.wait_indirect_dma semaphore(%run_scoped3A_96 : memref<!tpu.dma_semaphore, #tpu.memory_space<semaphore_mem>>) src(%dma_wait3A_108 : memref<10240x1024xf32, #tpu.memory_space<hbm>>) dst(%arg6 : memref<32x1024xf32, #tpu.memory_space<vmem>>)
      tpu.yield
    }) : () -> ()
    %add3A_49 = arith.constant 128 : i32
    %add3A_50 = arith.addi %mul3A_2, %add3A_49 : i32
    %dma_start3A_51 = arith.constant 0 : i32
    %dma_start3A_52 = tpu.memref_slice %arg4[%add3A_50, %dma_start3A_51] : memref<8192x1024xf32, #tpu.memory_space<hbm>> -> memref<32x1024xf32, #tpu.memory_space<hbm>>
    %dma_start3A_53 = arith.constant 0 : i32
    %dma_start3A_54 = tpu.memref_slice %arg4[%add3A_50, %dma_start3A_53] : memref<8192x1024xf32, #tpu.memory_space<hbm>> -> memref<32x1024xf32, #tpu.memory_space<hbm>>
    tpu.enqueue_dma source(%arg6 : memref<32x1024xf32, #tpu.memory_space<vmem>>) target(%dma_start3A_54 : memref<32x1024xf32, #tpu.memory_space<hbm>>) target_semaphore(%arg9 : memref<!tpu.dma_semaphore, #tpu.memory_space<semaphore_mem>>)
    %dma_wait3A_55 = arith.constant 0 : i32
    %dma_wait3A_56 = tpu.memref_slice %arg4[%add3A_39, %dma_wait3A_55] : memref<8192x1024xf32, #tpu.memory_space<hbm>> -> memref<32x1024xf32, #tpu.memory_space<hbm>>
    %dma_wait3A_57 = arith.constant 0 : i32
    %dma_wait3A_58 = tpu.memref_slice %arg4[%add3A_39, %dma_wait3A_57] : memref<8192x1024xf32, #tpu.memory_space<hbm>> -> memref<32x1024xf32, #tpu.memory_space<hbm>>
    tpu.wait_dma2 semaphore(%arg10 : memref<!tpu.dma_semaphore, #tpu.memory_space<semaphore_mem>>) src(%arg7 : memref<32x1024xf32, #tpu.memory_space<vmem>>) dst(%dma_wait3A_58 : memref<32x1024xf32, #tpu.memory_space<hbm>>)
    %run_scoped3A_59 = arith.constant 0 : i32
    "tpu.region"() ({
      %run_scoped3A_96 = tpu.sem_alloc : memref<!tpu.dma_semaphore, #tpu.memory_space<semaphore_mem>>
      %dma_start3A_97 = arith.constant 160 : i32
      %dma_start3A_98 = tpu.memref_slice %arg5[%run_scoped3A_59, %dma_start3A_97] : memref<1x256xi32, #tpu.memory_space<vmem>> -> memref<1x32xi32, #tpu.memory_space<vmem>>
      %dma_start3A_99 = tpu.memref_squeeze %dma_start3A_98 : memref<1x32xi32, #tpu.memory_space<vmem>> -> memref<32xi32, #tpu.memory_space<vmem>>
      %dma_start3A_100 = arith.constant 0 : i32
      %dma_start3A_101 = arith.constant 0 : i32
      %dma_start3A_102 = tpu.memref_slice %arg2[%dma_start3A_100, %dma_start3A_101] : memref<10240x1024xf32, #tpu.memory_space<hbm>> -> memref<10240x1024xf32, #tpu.memory_space<hbm>>
      tpu.enqueue_indirect_dma source(%dma_start3A_102 : memref<10240x1024xf32, #tpu.memory_space<hbm>>) target(%arg7 : memref<32x1024xf32, #tpu.memory_space<vmem>>) offsets(%dma_start3A_99 : memref<32xi32, #tpu.memory_space<vmem>>) semaphore(%run_scoped3A_96 : memref<!tpu.dma_semaphore, #tpu.memory_space<semaphore_mem>>)
      %dma_wait3A_103 = arith.constant 160 : i32
      %dma_wait3A_104 = tpu.memref_slice %arg5[%run_scoped3A_59, %dma_wait3A_103] : memref<1x256xi32, #tpu.memory_space<vmem>> -> memref<1x32xi32, #tpu.memory_space<vmem>>
      %dma_wait3A_105 = tpu.memref_squeeze %dma_wait3A_104 : memref<1x32xi32, #tpu.memory_space<vmem>> -> memref<32xi32, #tpu.memory_space<vmem>>
      %dma_wait3A_106 = arith.constant 0 : i32
      %dma_wait3A_107 = arith.constant 0 : i32
      %dma_wait3A_108 = tpu.memref_slice %arg2[%dma_wait3A_106, %dma_wait3A_107] : memref<10240x1024xf32, #tpu.memory_space<hbm>> -> memref<10240x1024xf32, #tpu.memory_space<hbm>>
      tpu.wait_indirect_dma semaphore(%run_scoped3A_96 : memref<!tpu.dma_semaphore, #tpu.memory_space<semaphore_mem>>) src(%dma_wait3A_108 : memref<10240x1024xf32, #tpu.memory_space<hbm>>) dst(%arg7 : memref<32x1024xf32, #tpu.memory_space<vmem>>)
      tpu.yield
    }) : () -> ()
    %add3A_60 = arith.constant 160 : i32
    %add3A_61 = arith.addi %mul3A_2, %add3A_60 : i32
    %dma_start3A_62 = arith.constant 0 : i32
    %dma_start3A_63 = tpu.memref_slice %arg4[%add3A_61, %dma_start3A_62] : memref<8192x1024xf32, #tpu.memory_space<hbm>> -> memref<32x1024xf32, #tpu.memory_space<hbm>>
    %dma_start3A_64 = arith.constant 0 : i32
    %dma_start3A_65 = tpu.memref_slice %arg4[%add3A_61, %dma_start3A_64] : memref<8192x1024xf32, #tpu.memory_space<hbm>> -> memref<32x1024xf32, #tpu.memory_space<hbm>>
    tpu.enqueue_dma source(%arg7 : memref<32x1024xf32, #tpu.memory_space<vmem>>) target(%dma_start3A_65 : memref<32x1024xf32, #tpu.memory_space<hbm>>) target_semaphore(%arg10 : memref<!tpu.dma_semaphore, #tpu.memory_space<semaphore_mem>>)
    %dma_wait3A_66 = arith.constant 0 : i32
    %dma_wait3A_67 = tpu.memref_slice %arg4[%add3A_50, %dma_wait3A_66] : memref<8192x1024xf32, #tpu.memory_space<hbm>> -> memref<32x1024xf32, #tpu.memory_space<hbm>>
    %dma_wait3A_68 = arith.constant 0 : i32
    %dma_wait3A_69 = tpu.memref_slice %arg4[%add3A_50, %dma_wait3A_68] : memref<8192x1024xf32, #tpu.memory_space<hbm>> -> memref<32x1024xf32, #tpu.memory_space<hbm>>
    tpu.wait_dma2 semaphore(%arg9 : memref<!tpu.dma_semaphore, #tpu.memory_space<semaphore_mem>>) src(%arg6 : memref<32x1024xf32, #tpu.memory_space<vmem>>) dst(%dma_wait3A_69 : memref<32x1024xf32, #tpu.memory_space<hbm>>)
    %run_scoped3A_70 = arith.constant 0 : i32
    "tpu.region"() ({
      %run_scoped3A_96 = tpu.sem_alloc : memref<!tpu.dma_semaphore, #tpu.memory_space<semaphore_mem>>
      %dma_start3A_97 = arith.constant 192 : i32
      %dma_start3A_98 = tpu.memref_slice %arg5[%run_scoped3A_70, %dma_start3A_97] : memref<1x256xi32, #tpu.memory_space<vmem>> -> memref<1x32xi32, #tpu.memory_space<vmem>>
      %dma_start3A_99 = tpu.memref_squeeze %dma_start3A_98 : memref<1x32xi32, #tpu.memory_space<vmem>> -> memref<32xi32, #tpu.memory_space<vmem>>
      %dma_start3A_100 = arith.constant 0 : i32
      %dma_start3A_101 = arith.constant 0 : i32
      %dma_start3A_102 = tpu.memref_slice %arg2[%dma_start3A_100, %dma_start3A_101] : memref<10240x1024xf32, #tpu.memory_space<hbm>> -> memref<10240x1024xf32, #tpu.memory_space<hbm>>
      tpu.enqueue_indirect_dma source(%dma_start3A_102 : memref<10240x1024xf32, #tpu.memory_space<hbm>>) target(%arg6 : memref<32x1024xf32, #tpu.memory_space<vmem>>) offsets(%dma_start3A_99 : memref<32xi32, #tpu.memory_space<vmem>>) semaphore(%run_scoped3A_96 : memref<!tpu.dma_semaphore, #tpu.memory_space<semaphore_mem>>)
      %dma_wait3A_103 = arith.constant 192 : i32
      %dma_wait3A_104 = tpu.memref_slice %arg5[%run_scoped3A_70, %dma_wait3A_103] : memref<1x256xi32, #tpu.memory_space<vmem>> -> memref<1x32xi32, #tpu.memory_space<vmem>>
      %dma_wait3A_105 = tpu.memref_squeeze %dma_wait3A_104 : memref<1x32xi32, #tpu.memory_space<vmem>> -> memref<32xi32, #tpu.memory_space<vmem>>
      %dma_wait3A_106 = arith.constant 0 : i32
      %dma_wait3A_107 = arith.constant 0 : i32
      %dma_wait3A_108 = tpu.memref_slice %arg2[%dma_wait3A_106, %dma_wait3A_107] : memref<10240x1024xf32, #tpu.memory_space<hbm>> -> memref<10240x1024xf32, #tpu.memory_space<hbm>>
      tpu.wait_indirect_dma semaphore(%run_scoped3A_96 : memref<!tpu.dma_semaphore, #tpu.memory_space<semaphore_mem>>) src(%dma_wait3A_108 : memref<10240x1024xf32, #tpu.memory_space<hbm>>) dst(%arg6 : memref<32x1024xf32, #tpu.memory_space<vmem>>)
      tpu.yield
    }) : () -> ()
    %add3A_71 = arith.constant 192 : i32
    %add3A_72 = arith.addi %mul3A_2, %add3A_71 : i32
    %dma_start3A_73 = arith.constant 0 : i32
    %dma_start3A_74 = tpu.memref_slice %arg4[%add3A_72, %dma_start3A_73] : memref<8192x1024xf32, #tpu.memory_space<hbm>> -> memref<32x1024xf32, #tpu.memory_space<hbm>>
    %dma_start3A_75 = arith.constant 0 : i32
    %dma_start3A_76 = tpu.memref_slice %arg4[%add3A_72, %dma_start3A_75] : memref<8192x1024xf32, #tpu.memory_space<hbm>> -> memref<32x1024xf32, #tpu.memory_space<hbm>>
    tpu.enqueue_dma source(%arg6 : memref<32x1024xf32, #tpu.memory_space<vmem>>) target(%dma_start3A_76 : memref<32x1024xf32, #tpu.memory_space<hbm>>) target_semaphore(%arg9 : memref<!tpu.dma_semaphore, #tpu.memory_space<semaphore_mem>>)
    %dma_wait3A_77 = arith.constant 0 : i32
    %dma_wait3A_78 = tpu.memref_slice %arg4[%add3A_61, %dma_wait3A_77] : memref<8192x1024xf32, #tpu.memory_space<hbm>> -> memref<32x1024xf32, #tpu.memory_space<hbm>>
    %dma_wait3A_79 = arith.constant 0 : i32
    %dma_wait3A_80 = tpu.memref_slice %arg4[%add3A_61, %dma_wait3A_79] : memref<8192x1024xf32, #tpu.memory_space<hbm>> -> memref<32x1024xf32, #tpu.memory_space<hbm>>
    tpu.wait_dma2 semaphore(%arg10 : memref<!tpu.dma_semaphore, #tpu.memory_space<semaphore_mem>>) src(%arg7 : memref<32x1024xf32, #tpu.memory_space<vmem>>) dst(%dma_wait3A_80 : memref<32x1024xf32, #tpu.memory_space<hbm>>)
    %run_scoped3A_81 = arith.constant 0 : i32
    "tpu.region"() ({
      %run_scoped3A_96 = tpu.sem_alloc : memref<!tpu.dma_semaphore, #tpu.memory_space<semaphore_mem>>
      %dma_start3A_97 = arith.constant 224 : i32
      %dma_start3A_98 = tpu.memref_slice %arg5[%run_scoped3A_81, %dma_start3A_97] : memref<1x256xi32, #tpu.memory_space<vmem>> -> memref<1x32xi32, #tpu.memory_space<vmem>>
      %dma_start3A_99 = tpu.memref_squeeze %dma_start3A_98 : memref<1x32xi32, #tpu.memory_space<vmem>> -> memref<32xi32, #tpu.memory_space<vmem>>
      %dma_start3A_100 = arith.constant 0 : i32
      %dma_start3A_101 = arith.constant 0 : i32
      %dma_start3A_102 = tpu.memref_slice %arg2[%dma_start3A_100, %dma_start3A_101] : memref<10240x1024xf32, #tpu.memory_space<hbm>> -> memref<10240x1024xf32, #tpu.memory_space<hbm>>
      tpu.enqueue_indirect_dma source(%dma_start3A_102 : memref<10240x1024xf32, #tpu.memory_space<hbm>>) target(%arg7 : memref<32x1024xf32, #tpu.memory_space<vmem>>) offsets(%dma_start3A_99 : memref<32xi32, #tpu.memory_space<vmem>>) semaphore(%run_scoped3A_96 : memref<!tpu.dma_semaphore, #tpu.memory_space<semaphore_mem>>)
      %dma_wait3A_103 = arith.constant 224 : i32
      %dma_wait3A_104 = tpu.memref_slice %arg5[%run_scoped3A_81, %dma_wait3A_103] : memref<1x256xi32, #tpu.memory_space<vmem>> -> memref<1x32xi32, #tpu.memory_space<vmem>>
      %dma_wait3A_105 = tpu.memref_squeeze %dma_wait3A_104 : memref<1x32xi32, #tpu.memory_space<vmem>> -> memref<32xi32, #tpu.memory_space<vmem>>
      %dma_wait3A_106 = arith.constant 0 : i32
      %dma_wait3A_107 = arith.constant 0 : i32
      %dma_wait3A_108 = tpu.memref_slice %arg2[%dma_wait3A_106, %dma_wait3A_107] : memref<10240x1024xf32, #tpu.memory_space<hbm>> -> memref<10240x1024xf32, #tpu.memory_space<hbm>>
      tpu.wait_indirect_dma semaphore(%run_scoped3A_96 : memref<!tpu.dma_semaphore, #tpu.memory_space<semaphore_mem>>) src(%dma_wait3A_108 : memref<10240x1024xf32, #tpu.memory_space<hbm>>) dst(%arg7 : memref<32x1024xf32, #tpu.memory_space<vmem>>)
      tpu.yield
    }) : () -> ()
    %add3A_82 = arith.constant 224 : i32
    %add3A_83 = arith.addi %mul3A_2, %add3A_82 : i32
    %dma_start3A_84 = arith.constant 0 : i32
    %dma_start3A_85 = tpu.memref_slice %arg4[%add3A_83, %dma_start3A_84] : memref<8192x1024xf32, #tpu.memory_space<hbm>> -> memref<32x1024xf32, #tpu.memory_space<hbm>>
    %dma_start3A_86 = arith.constant 0 : i32
    %dma_start3A_87 = tpu.memref_slice %arg4[%add3A_83, %dma_start3A_86] : memref<8192x1024xf32, #tpu.memory_space<hbm>> -> memref<32x1024xf32, #tpu.memory_space<hbm>>
    tpu.enqueue_dma source(%arg7 : memref<32x1024xf32, #tpu.memory_space<vmem>>) target(%dma_start3A_87 : memref<32x1024xf32, #tpu.memory_space<hbm>>) target_semaphore(%arg10 : memref<!tpu.dma_semaphore, #tpu.memory_space<semaphore_mem>>)
    %dma_wait3A_88 = arith.constant 0 : i32
    %dma_wait3A_89 = tpu.memref_slice %arg4[%add3A_72, %dma_wait3A_88] : memref<8192x1024xf32, #tpu.memory_space<hbm>> -> memref<32x1024xf32, #tpu.memory_space<hbm>>
    %dma_wait3A_90 = arith.constant 0 : i32
    %dma_wait3A_91 = tpu.memref_slice %arg4[%add3A_72, %dma_wait3A_90] : memref<8192x1024xf32, #tpu.memory_space<hbm>> -> memref<32x1024xf32, #tpu.memory_space<hbm>>
    tpu.wait_dma2 semaphore(%arg9 : memref<!tpu.dma_semaphore, #tpu.memory_space<semaphore_mem>>) src(%arg6 : memref<32x1024xf32, #tpu.memory_space<vmem>>) dst(%dma_wait3A_91 : memref<32x1024xf32, #tpu.memory_space<hbm>>)
    %dma_wait3A_92 = arith.constant 0 : i32
    %dma_wait3A_93 = tpu.memref_slice %arg4[%add3A_83, %dma_wait3A_92] : memref<8192x1024xf32, #tpu.memory_space<hbm>> -> memref<32x1024xf32, #tpu.memory_space<hbm>>
    %dma_wait3A_94 = arith.constant 0 : i32
    %dma_wait3A_95 = tpu.memref_slice %arg4[%add3A_83, %dma_wait3A_94] : memref<8192x1024xf32, #tpu.memory_space<hbm>> -> memref<32x1024xf32, #tpu.memory_space<hbm>>
    tpu.wait_dma2 semaphore(%arg10 : memref<!tpu.dma_semaphore, #tpu.memory_space<semaphore_mem>>) src(%arg7 : memref<32x1024xf32, #tpu.memory_space<vmem>>) dst(%dma_wait3A_95 : memref<32x1024xf32, #tpu.memory_space<hbm>>)
    return
  }
}

module attributes {stable_mosaic.version = 14 : i64} {
  func.func @_gate_body(%arg0: i32, %arg1: memref<256x1024xf32, #tpu.memory_space<vmem>>, %arg2: memref<1024x128xbf16, #tpu.memory_space<vmem>>, %arg3: memref<1x128xf32, #tpu.memory_space<vmem>>, %arg4: memref<1x256x2xi32, #tpu.memory_space<vmem>>, %arg5: memref<1x256x2xf32, #tpu.memory_space<vmem>>, %arg6: memref<1x128xf32, #tpu.memory_space<vmem>>) attributes {dimension_semantics = [#tpu.dimension_semantics<arbitrary>], iteration_bounds = array<i64: 16>, scalar_prefetch = 0 : i64, scratch_operands = 0 : i64, tpu.core_type = #tpu.core_type<tc>, window_params = [{transform_indices = @transform_0, window_bounds = array<i64: 256, 1024>}, {pipeline_mode = #tpu.pipeline_mode<synchronous>, transform_indices = @transform_1, window_bounds = array<i64: 1024, 128>}, {pipeline_mode = #tpu.pipeline_mode<synchronous>, transform_indices = @transform_2, window_bounds = array<i64: 1, 128>}, {transform_indices = @transform_3, window_bounds = array<i64: 1, 256, 2>}, {transform_indices = @transform_4, window_bounds = array<i64: 1, 256, 2>}, {pipeline_mode = #tpu.pipeline_mode<synchronous>, transform_indices = @transform_5, window_bounds = array<i64: 1, 128>}]} {
    %get3A = arith.constant 0 : index
    %get3A_0 = arith.constant 0 : index
    %get3A_1 = vector.load %arg1[%get3A, %get3A_0] : memref<256x1024xf32, #tpu.memory_space<vmem>>, vector<256x1024xf32>
    %convert_element_type3A = arith.truncf %get3A_1 : vector<256x1024xf32> to vector<256x1024xbf16>
    %get3A_2 = arith.constant 0 : index
    %get3A_3 = arith.constant 0 : index
    %get3A_4 = vector.load %arg2[%get3A_2, %get3A_3] : memref<1024x128xbf16, #tpu.memory_space<vmem>>, vector<1024x128xbf16>
    %dot_general3A = arith.constant dense<0.000000e+00> : vector<256x128xf32>
    %dot_general3A_5 = tpu.matmul %convert_element_type3A, %get3A_4, %dot_general3A {dimension_numbers = #tpu.dot_dimension_numbers<[1], [0], [0], [1], [0, 0, 1, 1], [], []>, transpose_lhs_hint = false} : vector<256x1024xbf16>, vector<1024x128xbf16>, vector<256x128xf32> -> vector<256x128xf32>
    %get3A_6 = arith.constant 0 : index
    %get3A_7 = arith.constant 0 : index
    %get3A_8 = vector.load %arg3[%get3A_6, %get3A_7] : memref<1x128xf32, #tpu.memory_space<vmem>>, vector<1x128xf32>
    %add3A = vector.broadcast %get3A_8 : vector<1x128xf32> to vector<256x128xf32>
    %add3A_9 = arith.addf %dot_general3A_5, %add3A : vector<256x128xf32>
    %iota3A = tpu.iota {dimensions = array<i32: 1>} : vector<256x128xi32>
    %argmax3A = tpu.reduce_index %add3A_9 {axis = 1 : i32, kind = #tpu.reduction_kind<arg_max>} : vector<256x128xf32> -> vector<256xi32>
    %reduce_max3A = arith.constant dense<0xFF800000> : vector<256xf32>
    %reduce_max3A_10 = vector.multi_reduction <maximumf>, %add3A_9, %reduce_max3A [1] : vector<256x128xf32> to vector<256xf32>
    %broadcast_in_dim3A = vector.shape_cast %reduce_max3A_10 : vector<256xf32> to vector<256x1xf32>
    %broadcast_in_dim3A_11 = vector.shape_cast %argmax3A : vector<256xi32> to vector<256x1xi32>
    %eq3A = vector.broadcast %broadcast_in_dim3A_11 : vector<256x1xi32> to vector<256x128xi32>
    %eq3A_12 = arith.cmpi eq, %iota3A, %eq3A : vector<256x128xi32>
    %jit3A = arith.constant -1.000000e+30 : f32
    %broadcast_in_dim3A_13 = vector.broadcast %jit3A : f32 to vector<256x128xf32>
    %select_n3A = arith.select %eq3A_12, %broadcast_in_dim3A_13, %add3A_9 : vector<256x128xi1>, vector<256x128xf32>
    %argmax3A_14 = tpu.reduce_index %select_n3A {axis = 1 : i32, kind = #tpu.reduction_kind<arg_max>} : vector<256x128xf32> -> vector<256xi32>
    %reduce_max3A_15 = arith.constant dense<0xFF800000> : vector<256xf32>
    %reduce_max3A_16 = vector.multi_reduction <maximumf>, %select_n3A, %reduce_max3A_15 [1] : vector<256x128xf32> to vector<256xf32>
    %broadcast_in_dim3A_17 = vector.shape_cast %reduce_max3A_16 : vector<256xf32> to vector<256x1xf32>
    %sub3A = arith.subf %broadcast_in_dim3A_17, %broadcast_in_dim3A : vector<256x1xf32>
    %exp3A = math.exp %sub3A : vector<256x1xf32>
    %add3A_18 = arith.constant 1.000000e+00 : f32
    %add3A_19 = vector.broadcast %add3A_18 : f32 to vector<256x1xf32>
    %add3A_20 = arith.addf %add3A_19, %exp3A : vector<256x1xf32>
    %div3A = arith.constant 1.000000e+00 : f32
    %div3A_21 = vector.broadcast %div3A : f32 to vector<256x1xf32>
    %div3A_22 = arith.divf %div3A_21, %add3A_20 : vector<256x1xf32>
    %add3A_23 = arith.constant 1.000000e+00 : f32
    %add3A_24 = vector.broadcast %add3A_23 : f32 to vector<256x1xf32>
    %add3A_25 = arith.addf %add3A_24, %exp3A : vector<256x1xf32>
    %div3A_26 = arith.divf %exp3A, %add3A_25 : vector<256x1xf32>
    %broadcast_in_dim3A_27 = vector.shape_cast %argmax3A : vector<256xi32> to vector<256x1xi32>
    %swap3A = arith.constant 0 : index
    %swap3A_28 = arith.constant 0 : index
    %swap3A_29 = arith.constant 0 : index
    %swap3A_30 = vector.load %arg4[%swap3A, %swap3A_28, %swap3A_29] : memref<1x256x2xi32, #tpu.memory_space<vmem>>, vector<1x256x1xi32>
    %swap3A_31 = vector.shape_cast %swap3A_30 : vector<1x256x1xi32> to vector<256x1xi32>
    %swap3A_32 = vector.shape_cast %broadcast_in_dim3A_27 : vector<256x1xi32> to vector<1x256x1xi32>
    tpu.vector_store %arg4[%swap3A, %swap3A_28, %swap3A_29], %swap3A_32 {strides = array<i32>} : memref<1x256x2xi32, #tpu.memory_space<vmem>>, vector<1x256x1xi32>,
    %broadcast_in_dim3A_33 = vector.shape_cast %argmax3A_14 : vector<256xi32> to vector<256x1xi32>
    %swap3A_34 = arith.constant 0 : index
    %swap3A_35 = arith.constant 0 : index
    %swap3A_36 = arith.constant 1 : index
    %swap3A_37 = vector.load %arg4[%swap3A_34, %swap3A_35, %swap3A_36] : memref<1x256x2xi32, #tpu.memory_space<vmem>>, vector<1x256x1xi32>
    %swap3A_38 = vector.shape_cast %swap3A_37 : vector<1x256x1xi32> to vector<256x1xi32>
    %swap3A_39 = vector.shape_cast %broadcast_in_dim3A_33 : vector<256x1xi32> to vector<1x256x1xi32>
    tpu.vector_store %arg4[%swap3A_34, %swap3A_35, %swap3A_36], %swap3A_39 {strides = array<i32>} : memref<1x256x2xi32, #tpu.memory_space<vmem>>, vector<1x256x1xi32>,
    %swap3A_40 = arith.constant 0 : index
    %swap3A_41 = arith.constant 0 : index
    %swap3A_42 = arith.constant 0 : index
    %swap3A_43 = vector.load %arg5[%swap3A_40, %swap3A_41, %swap3A_42] : memref<1x256x2xf32, #tpu.memory_space<vmem>>, vector<1x256x1xf32>
    %swap3A_44 = vector.shape_cast %swap3A_43 : vector<1x256x1xf32> to vector<256x1xf32>
    %swap3A_45 = vector.shape_cast %div3A_22 : vector<256x1xf32> to vector<1x256x1xf32>
    tpu.vector_store %arg5[%swap3A_40, %swap3A_41, %swap3A_42], %swap3A_45 {strides = array<i32>} : memref<1x256x2xf32, #tpu.memory_space<vmem>>, vector<1x256x1xf32>,
    %swap3A_46 = arith.constant 0 : index
    %swap3A_47 = arith.constant 0 : index
    %swap3A_48 = arith.constant 1 : index
    %swap3A_49 = vector.load %arg5[%swap3A_46, %swap3A_47, %swap3A_48] : memref<1x256x2xf32, #tpu.memory_space<vmem>>, vector<1x256x1xf32>
    %swap3A_50 = vector.shape_cast %swap3A_49 : vector<1x256x1xf32> to vector<256x1xf32>
    %swap3A_51 = vector.shape_cast %div3A_26 : vector<256x1xf32> to vector<1x256x1xf32>
    tpu.vector_store %arg5[%swap3A_46, %swap3A_47, %swap3A_48], %swap3A_51 {strides = array<i32>} : memref<1x256x2xf32, #tpu.memory_space<vmem>>, vector<1x256x1xf32>,
    %broadcast_in_dim3A_52 = vector.shape_cast %argmax3A : vector<256xi32> to vector<256x1xi32>
    %eq3A_53 = vector.broadcast %broadcast_in_dim3A_52 : vector<256x1xi32> to vector<256x128xi32>
    %eq3A_54 = arith.cmpi eq, %iota3A, %eq3A_53 : vector<256x128xi32>
    %broadcast_in_dim3A_55 = vector.shape_cast %argmax3A_14 : vector<256xi32> to vector<256x1xi32>
    %eq3A_56 = vector.broadcast %broadcast_in_dim3A_55 : vector<256x1xi32> to vector<256x128xi32>
    %eq3A_57 = arith.cmpi eq, %iota3A, %eq3A_56 : vector<256x128xi32>
    %or3A = arith.ori %eq3A_54, %eq3A_57 : vector<256x128xi1>
    %convert_element_type3A_58 = arith.extui %or3A : vector<256x128xi1> to vector<256x128xi32>
    %convert_element_type3A_59 = arith.sitofp %convert_element_type3A_58 : vector<256x128xi32> to vector<256x128xf32>
    %reduce_sum3A = arith.constant dense<0.000000e+00> : vector<128xf32>
    %reduce_sum3A_60 = vector.multi_reduction <add>, %convert_element_type3A_59, %reduce_sum3A [0] : vector<256x128xf32> to vector<128xf32>
    %broadcast_in_dim3A_61 = vector.shape_cast %reduce_sum3A_60 : vector<128xf32> to vector<1x128xf32>
    %eq3A_62 = arith.constant 0 : i32
    %eq3A_63 = arith.cmpi eq, %arg0, %eq3A_62 : i32
    %convert_element_type3A_64 = arith.extui %eq3A_63 : i1 to i32
    %cond3A = arith.constant 0 : i32
    %cond3A_65 = arith.cmpi ne, %convert_element_type3A_64, %cond3A : i32
    scf.if %cond3A_65 {
      %swap3A_70 = arith.constant 0 : index
      %swap3A_71 = arith.constant 0 : index
      %swap3A_72 = vector.load %arg6[%swap3A_70, %swap3A_71] : memref<1x128xf32, #tpu.memory_space<vmem>>, vector<1x128xf32>
      tpu.vector_store %arg6[%swap3A_70, %swap3A_71], %broadcast_in_dim3A_61 {strides = array<i32>} : memref<1x128xf32, #tpu.memory_space<vmem>>, vector<1x128xf32>,
    } else {
    }
    %ne3A = arith.constant 0 : i32
    %ne3A_66 = arith.cmpi ne, %arg0, %ne3A : i32
    %convert_element_type3A_67 = arith.extui %ne3A_66 : i1 to i32
    %cond3A_68 = arith.constant 0 : i32
    %cond3A_69 = arith.cmpi ne, %convert_element_type3A_67, %cond3A_68 : i32
    scf.if %cond3A_69 {
      %get3A_70 = arith.constant 0 : index
      %get3A_71 = arith.constant 0 : index
      %get3A_72 = vector.load %arg6[%get3A_70, %get3A_71] : memref<1x128xf32, #tpu.memory_space<vmem>>, vector<1x128xf32>
      %add3A_73 = arith.addf %get3A_72, %broadcast_in_dim3A_61 : vector<1x128xf32>
      %swap3A_74 = arith.constant 0 : index
      %swap3A_75 = arith.constant 0 : index
      %swap3A_76 = vector.load %arg6[%swap3A_74, %swap3A_75] : memref<1x128xf32, #tpu.memory_space<vmem>>, vector<1x128xf32>
      tpu.vector_store %arg6[%swap3A_74, %swap3A_75], %add3A_73 {strides = array<i32>} : memref<1x128xf32, #tpu.memory_space<vmem>>, vector<1x128xf32>,
    } else {
    }
    return
  }
  func.func @transform_0(%arg0: i32) -> (i32, i32) {
    %c0_i32 = arith.constant 0 : i32
    %c0_i32_0 = arith.constant 0 : i32
    return %arg0, %c0_i32 : i32, i32
  }
  func.func @transform_1(%arg0: i32) -> (i32, i32) {
    %c0_i32 = arith.constant 0 : i32
    %c0_i32_0 = arith.constant 0 : i32
    %c0_i32_1 = arith.constant 0 : i32
    return %c0_i32, %c0_i32_0 : i32, i32
  }
  func.func @transform_2(%arg0: i32) -> (i32, i32) {
    %c0_i32 = arith.constant 0 : i32
    %c0_i32_0 = arith.constant 0 : i32
    %c0_i32_1 = arith.constant 0 : i32
    return %c0_i32, %c0_i32_0 : i32, i32
  }
  func.func @transform_3(%arg0: i32) -> (i32, i32, i32) {
    %c0_i32 = arith.constant 0 : i32
    %c0_i32_0 = arith.constant 0 : i32
    %c0_i32_1 = arith.constant 0 : i32
    return %arg0, %c0_i32, %c0_i32_0 : i32, i32, i32
  }
  func.func @transform_4(%arg0: i32) -> (i32, i32, i32) {
    %c0_i32 = arith.constant 0 : i32
    %c0_i32_0 = arith.constant 0 : i32
    %c0_i32_1 = arith.constant 0 : i32
    return %arg0, %c0_i32, %c0_i32_0 : i32, i32, i32
  }
  func.func @transform_5(%arg0: i32) -> (i32, i32) {
    %c0_i32 = arith.constant 0 : i32
    %c0_i32_0 = arith.constant 0 : i32
    %c0_i32_1 = arith.constant 0 : i32
    return %c0_i32, %c0_i32_0 : i32, i32
  }
}

module attributes {stable_mosaic.version = 14 : i64} {
  func.func @_dst_body(%arg0: i32, %arg1: memref<1x256x2xi32, #tpu.memory_space<vmem>>, %arg2: memref<1x128xf32, #tpu.memory_space<vmem>>, %arg3: memref<1x256x2xi32, #tpu.memory_space<vmem>>, %arg4: memref<1x128xf32, #tpu.memory_space<vmem>>) attributes {dimension_semantics = [#tpu.dimension_semantics<arbitrary>], iteration_bounds = array<i64: 16>, scalar_prefetch = 0 : i64, scratch_operands = 1 : i64, tpu.core_type = #tpu.core_type<tc>, window_params = [{transform_indices = @transform_0, window_bounds = array<i64: 1, 256, 2>}, {pipeline_mode = #tpu.pipeline_mode<synchronous>, transform_indices = @transform_1, window_bounds = array<i64: 1, 128>}, {transform_indices = @transform_2, window_bounds = array<i64: 1, 256, 2>}]} {
    %eq3A = arith.constant 0 : i32
    %eq3A_0 = arith.cmpi eq, %arg0, %eq3A : i32
    %convert_element_type3A = arith.extui %eq3A_0 : i1 to i32
    %cond3A = arith.constant 0 : i32
    %cond3A_1 = arith.cmpi ne, %convert_element_type3A, %cond3A : i32
    scf.if %cond3A_1 {
      %broadcast_in_dim3A_75 = arith.constant 0.000000e+00 : f32
      %broadcast_in_dim3A_76 = vector.broadcast %broadcast_in_dim3A_75 : f32 to vector<1x128xf32>
      %swap3A_77 = arith.constant 0 : index
      %swap3A_78 = arith.constant 0 : index
      %swap3A_79 = vector.load %arg4[%swap3A_77, %swap3A_78] : memref<1x128xf32, #tpu.memory_space<vmem>>, vector<1x128xf32>
      tpu.vector_store %arg4[%swap3A_77, %swap3A_78], %broadcast_in_dim3A_76 {strides = array<i32>} : memref<1x128xf32, #tpu.memory_space<vmem>>, vector<1x128xf32>,
    } else {
    }
    %get3A = arith.constant 0 : index
    %get3A_2 = arith.constant 0 : index
    %get3A_3 = arith.constant 0 : index
    %get3A_4 = vector.load %arg1[%get3A, %get3A_2, %get3A_3] : memref<1x256x2xi32, #tpu.memory_space<vmem>>, vector<1x256x1xi32>
    %get3A_5 = vector.shape_cast %get3A_4 : vector<1x256x1xi32> to vector<256xi32>
    %get3A_6 = arith.constant 0 : index
    %get3A_7 = arith.constant 0 : index
    %get3A_8 = arith.constant 1 : index
    %get3A_9 = vector.load %arg1[%get3A_6, %get3A_7, %get3A_8] : memref<1x256x2xi32, #tpu.memory_space<vmem>>, vector<1x256x1xi32>
    %get3A_10 = vector.shape_cast %get3A_9 : vector<1x256x1xi32> to vector<256xi32>
    %iota3A = tpu.iota {dimensions = array<i32: 1>} : vector<256x128xi32>
    %broadcast_in_dim3A = vector.shape_cast %get3A_5 : vector<256xi32> to vector<256x1xi32>
    %eq3A_11 = vector.broadcast %broadcast_in_dim3A : vector<256x1xi32> to vector<256x128xi32>
    %eq3A_12 = arith.cmpi eq, %iota3A, %eq3A_11 : vector<256x128xi32>
    %convert_element_type3A_13 = arith.extui %eq3A_12 : vector<256x128xi1> to vector<256x128xi32>
    %convert_element_type3A_14 = arith.sitofp %convert_element_type3A_13 : vector<256x128xi32> to vector<256x128xf32>
    %broadcast_in_dim3A_15 = vector.shape_cast %get3A_10 : vector<256xi32> to vector<256x1xi32>
    %eq3A_16 = vector.broadcast %broadcast_in_dim3A_15 : vector<256x1xi32> to vector<256x128xi32>
    %eq3A_17 = arith.cmpi eq, %iota3A, %eq3A_16 : vector<256x128xi32>
    %convert_element_type3A_18 = arith.extui %eq3A_17 : vector<256x128xi1> to vector<256x128xi32>
    %convert_element_type3A_19 = arith.sitofp %convert_element_type3A_18 : vector<256x128xi32> to vector<256x128xf32>
    %iota3A_20 = tpu.iota {dimensions = array<i32: 0>} : vector<256x256xi32>
    %iota3A_21 = tpu.iota {dimensions = array<i32: 1>} : vector<256x256xi32>
    %gt3A = arith.cmpi sgt, %iota3A_20, %iota3A_21 : vector<256x256xi32>
    %convert_element_type3A_22 = arith.extui %gt3A : vector<256x256xi1> to vector<256x256xi32>
    %convert_element_type3A_23 = arith.sitofp %convert_element_type3A_22 : vector<256x256xi32> to vector<256x256xf32>
    %convert_element_type3A_24 = arith.truncf %convert_element_type3A_23 : vector<256x256xf32> to vector<256x256xbf16>
    %convert_element_type3A_25 = arith.truncf %convert_element_type3A_14 : vector<256x128xf32> to vector<256x128xbf16>
    %dot_general3A = arith.constant dense<0.000000e+00> : vector<256x128xf32>
    %dot_general3A_26 = tpu.matmul %convert_element_type3A_24, %convert_element_type3A_25, %dot_general3A {dimension_numbers = #tpu.dot_dimension_numbers<[1], [0], [0], [1], [0, 0, 1, 1], [], []>, transpose_lhs_hint = false} : vector<256x256xbf16>, vector<256x128xbf16>, vector<256x128xf32> -> vector<256x128xf32>
    %reduce_sum3A = arith.constant dense<0.000000e+00> : vector<128xf32>
    %reduce_sum3A_27 = vector.multi_reduction <add>, %convert_element_type3A_14, %reduce_sum3A [0] : vector<256x128xf32> to vector<128xf32>
    %broadcast_in_dim3A_28 = vector.shape_cast %reduce_sum3A_27 : vector<128xf32> to vector<1x128xf32>
    %convert_element_type3A_29 = arith.truncf %convert_element_type3A_19 : vector<256x128xf32> to vector<256x128xbf16>
    %dot_general3A_30 = arith.constant dense<0.000000e+00> : vector<256x128xf32>
    %dot_general3A_31 = tpu.matmul %convert_element_type3A_24, %convert_element_type3A_29, %dot_general3A_30 {dimension_numbers = #tpu.dot_dimension_numbers<[1], [0], [0], [1], [0, 0, 1, 1], [], []>, transpose_lhs_hint = false} : vector<256x256xbf16>, vector<256x128xbf16>, vector<256x128xf32> -> vector<256x128xf32>
    %add3A = vector.broadcast %broadcast_in_dim3A_28 : vector<1x128xf32> to vector<256x128xf32>
    %add3A_32 = arith.addf %dot_general3A_31, %add3A : vector<256x128xf32>
    %get3A_33 = arith.constant 0 : index
    %get3A_34 = arith.constant 0 : index
    %get3A_35 = vector.load %arg4[%get3A_33, %get3A_34] : memref<1x128xf32, #tpu.memory_space<vmem>>, vector<1x128xf32>
    %get3A_36 = arith.constant 0 : index
    %get3A_37 = arith.constant 0 : index
    %get3A_38 = vector.load %arg2[%get3A_36, %get3A_37] : memref<1x128xf32, #tpu.memory_space<vmem>>, vector<1x128xf32>
    %add3A_39 = arith.addf %get3A_35, %get3A_38 : vector<1x128xf32>
    %add3A_40 = vector.broadcast %add3A_39 : vector<1x128xf32> to vector<256x128xf32>
    %add3A_41 = arith.addf %dot_general3A_26, %add3A_40 : vector<256x128xf32>
    %mul3A = arith.mulf %add3A_41, %convert_element_type3A_14 : vector<256x128xf32>
    %reduce_sum3A_42 = arith.constant dense<0.000000e+00> : vector<256xf32>
    %reduce_sum3A_43 = vector.multi_reduction <add>, %mul3A, %reduce_sum3A_42 [1] : vector<256x128xf32> to vector<256xf32>
    %add3A_44 = vector.broadcast %add3A_39 : vector<1x128xf32> to vector<256x128xf32>
    %add3A_45 = arith.addf %add3A_32, %add3A_44 : vector<256x128xf32>
    %mul3A_46 = arith.mulf %add3A_45, %convert_element_type3A_19 : vector<256x128xf32>
    %reduce_sum3A_47 = arith.constant dense<0.000000e+00> : vector<256xf32>
    %reduce_sum3A_48 = vector.multi_reduction <add>, %mul3A_46, %reduce_sum3A_47 [1] : vector<256x128xf32> to vector<256xf32>
    %convert_element_type3A_49 = arith.fptosi %reduce_sum3A_43 : vector<256xf32> to vector<256xi32>
    %broadcast_in_dim3A_50 = vector.shape_cast %convert_element_type3A_49 : vector<256xi32> to vector<256x1xi32>
    %swap3A = arith.constant 0 : index
    %swap3A_51 = arith.constant 0 : index
    %swap3A_52 = arith.constant 0 : index
    %swap3A_53 = vector.load %arg3[%swap3A, %swap3A_51, %swap3A_52] : memref<1x256x2xi32, #tpu.memory_space<vmem>>, vector<1x256x1xi32>
    %swap3A_54 = vector.shape_cast %swap3A_53 : vector<1x256x1xi32> to vector<256x1xi32>
    %swap3A_55 = vector.shape_cast %broadcast_in_dim3A_50 : vector<256x1xi32> to vector<1x256x1xi32>
    tpu.vector_store %arg3[%swap3A, %swap3A_51, %swap3A_52], %swap3A_55 {strides = array<i32>} : memref<1x256x2xi32, #tpu.memory_space<vmem>>, vector<1x256x1xi32>,
    %convert_element_type3A_56 = arith.fptosi %reduce_sum3A_48 : vector<256xf32> to vector<256xi32>
    %broadcast_in_dim3A_57 = vector.shape_cast %convert_element_type3A_56 : vector<256xi32> to vector<256x1xi32>
    %swap3A_58 = arith.constant 0 : index
    %swap3A_59 = arith.constant 0 : index
    %swap3A_60 = arith.constant 1 : index
    %swap3A_61 = vector.load %arg3[%swap3A_58, %swap3A_59, %swap3A_60] : memref<1x256x2xi32, #tpu.memory_space<vmem>>, vector<1x256x1xi32>
    %swap3A_62 = vector.shape_cast %swap3A_61 : vector<1x256x1xi32> to vector<256x1xi32>
    %swap3A_63 = vector.shape_cast %broadcast_in_dim3A_57 : vector<256x1xi32> to vector<1x256x1xi32>
    tpu.vector_store %arg3[%swap3A_58, %swap3A_59, %swap3A_60], %swap3A_63 {strides = array<i32>} : memref<1x256x2xi32, #tpu.memory_space<vmem>>, vector<1x256x1xi32>,
    %get3A_64 = arith.constant 0 : index
    %get3A_65 = arith.constant 0 : index
    %get3A_66 = vector.load %arg4[%get3A_64, %get3A_65] : memref<1x128xf32, #tpu.memory_space<vmem>>, vector<1x128xf32>
    %add3A_67 = arith.addf %get3A_66, %broadcast_in_dim3A_28 : vector<1x128xf32>
    %reduce_sum3A_68 = arith.constant dense<0.000000e+00> : vector<128xf32>
    %reduce_sum3A_69 = vector.multi_reduction <add>, %convert_element_type3A_19, %reduce_sum3A_68 [0] : vector<256x128xf32> to vector<128xf32>
    %broadcast_in_dim3A_70 = vector.shape_cast %reduce_sum3A_69 : vector<128xf32> to vector<1x128xf32>
    %add3A_71 = arith.addf %add3A_67, %broadcast_in_dim3A_70 : vector<1x128xf32>
    %swap3A_72 = arith.constant 0 : index
    %swap3A_73 = arith.constant 0 : index
    %swap3A_74 = vector.load %arg4[%swap3A_72, %swap3A_73] : memref<1x128xf32, #tpu.memory_space<vmem>>, vector<1x128xf32>
    tpu.vector_store %arg4[%swap3A_72, %swap3A_73], %add3A_71 {strides = array<i32>} : memref<1x128xf32, #tpu.memory_space<vmem>>, vector<1x128xf32>,
    return
  }
  func.func @transform_0(%arg0: i32) -> (i32, i32, i32) {
    %c0_i32 = arith.constant 0 : i32
    %c0_i32_0 = arith.constant 0 : i32
    %c0_i32_1 = arith.constant 0 : i32
    return %arg0, %c0_i32, %c0_i32_0 : i32, i32, i32
  }
  func.func @transform_1(%arg0: i32) -> (i32, i32) {
    %c0_i32 = arith.constant 0 : i32
    %c0_i32_0 = arith.constant 0 : i32
    %c0_i32_1 = arith.constant 0 : i32
    return %c0_i32, %c0_i32_0 : i32, i32
  }
  func.func @transform_2(%arg0: i32) -> (i32, i32, i32) {
    %c0_i32 = arith.constant 0 : i32
    %c0_i32_0 = arith.constant 0 : i32
    %c0_i32_1 = arith.constant 0 : i32
    return %arg0, %c0_i32, %c0_i32_0 : i32, i32, i32
  }
}

module attributes {stable_mosaic.version = 14 : i64} {
  func.func @_ffn_body(%arg0: i32, %arg1: memref<40xi32, #tpu.memory_space<smem>>, %arg2: memref<256x1024xf32, #tpu.memory_space<vmem>>, %arg3: memref<1x1024x2048xbf16, #tpu.memory_space<vmem>>, %arg4: memref<1x1x2048xf32, #tpu.memory_space<vmem>>, %arg5: memref<1x2048x1024xbf16, #tpu.memory_space<vmem>>, %arg6: memref<1x1x1024xf32, #tpu.memory_space<vmem>>, %arg7: memref<256x1024xf32, #tpu.memory_space<vmem>>) attributes {dimension_semantics = [#tpu.dimension_semantics<arbitrary>], iteration_bounds = array<i64: 40>, scalar_prefetch = 1 : i64, scratch_operands = 0 : i64, tpu.core_type = #tpu.core_type<tc>, window_params = [{transform_indices = @transform_0, window_bounds = array<i64: 256, 1024>}, {transform_indices = @transform_1, window_bounds = array<i64: 1, 1024, 2048>}, {transform_indices = @transform_2, window_bounds = array<i64: 1, 1, 2048>}, {transform_indices = @transform_3, window_bounds = array<i64: 1, 2048, 1024>}, {transform_indices = @transform_4, window_bounds = array<i64: 1, 1, 1024>}, {transform_indices = @transform_5, window_bounds = array<i64: 256, 1024>}]} {
    %get3A = arith.constant 0 : index
    %get3A_0 = arith.constant 0 : index
    %get3A_1 = vector.load %arg2[%get3A, %get3A_0] : memref<256x1024xf32, #tpu.memory_space<vmem>>, vector<256x1024xf32>
    %convert_element_type3A = arith.truncf %get3A_1 : vector<256x1024xf32> to vector<256x1024xbf16>
    %get3A_2 = arith.constant 0 : index
    %get3A_3 = arith.constant 0 : index
    %get3A_4 = arith.constant 0 : index
    %get3A_5 = vector.load %arg3[%get3A_2, %get3A_3, %get3A_4] : memref<1x1024x2048xbf16, #tpu.memory_space<vmem>>, vector<1x1024x2048xbf16>
    %get3A_6 = vector.shape_cast %get3A_5 : vector<1x1024x2048xbf16> to vector<1024x2048xbf16>
    %dot_general3A = arith.constant dense<0.000000e+00> : vector<256x2048xf32>
    %dot_general3A_7 = tpu.matmul %convert_element_type3A, %get3A_6, %dot_general3A {dimension_numbers = #tpu.dot_dimension_numbers<[1], [0], [0], [1], [0, 0, 1, 1], [], []>, transpose_lhs_hint = false} : vector<256x1024xbf16>, vector<1024x2048xbf16>, vector<256x2048xf32> -> vector<256x2048xf32>
    %get3A_8 = arith.constant 0 : index
    %get3A_9 = arith.constant 0 : index
    %get3A_10 = arith.constant 0 : index
    %get3A_11 = vector.load %arg4[%get3A_8, %get3A_9, %get3A_10] : memref<1x1x2048xf32, #tpu.memory_space<vmem>>, vector<1x1x2048xf32>
    %get3A_12 = vector.shape_cast %get3A_11 : vector<1x1x2048xf32> to vector<1x2048xf32>
    %add3A = vector.broadcast %get3A_12 : vector<1x2048xf32> to vector<256x2048xf32>
    %add3A_13 = arith.addf %dot_general3A_7, %add3A : vector<256x2048xf32>
    %integer_pow3A = arith.mulf %add3A_13, %add3A_13 : vector<256x2048xf32>
    %integer_pow3A_14 = arith.mulf %add3A_13, %integer_pow3A : vector<256x2048xf32>
    %mul3A = arith.constant 4.471500e-02 : f32
    %mul3A_15 = vector.broadcast %mul3A : f32 to vector<256x2048xf32>
    %mul3A_16 = arith.mulf %mul3A_15, %integer_pow3A_14 : vector<256x2048xf32>
    %add3A_17 = arith.addf %add3A_13, %mul3A_16 : vector<256x2048xf32>
    %mul3A_18 = arith.constant 0.797884583 : f32
    %mul3A_19 = vector.broadcast %mul3A_18 : f32 to vector<256x2048xf32>
    %mul3A_20 = arith.mulf %mul3A_19, %add3A_17 : vector<256x2048xf32>
    %tanh3A = math.tanh %mul3A_20 : vector<256x2048xf32>
    %add3A_21 = arith.constant 1.000000e+00 : f32
    %add3A_22 = vector.broadcast %add3A_21 : f32 to vector<256x2048xf32>
    %add3A_23 = arith.addf %add3A_22, %tanh3A : vector<256x2048xf32>
    %mul3A_24 = arith.constant 5.000000e-01 : f32
    %mul3A_25 = vector.broadcast %mul3A_24 : f32 to vector<256x2048xf32>
    %mul3A_26 = arith.mulf %mul3A_25, %add3A_23 : vector<256x2048xf32>
    %mul3A_27 = arith.mulf %add3A_13, %mul3A_26 : vector<256x2048xf32>
    %convert_element_type3A_28 = arith.truncf %mul3A_27 : vector<256x2048xf32> to vector<256x2048xbf16>
    %get3A_29 = arith.constant 0 : index
    %get3A_30 = arith.constant 0 : index
    %get3A_31 = arith.constant 0 : index
    %get3A_32 = vector.load %arg5[%get3A_29, %get3A_30, %get3A_31] : memref<1x2048x1024xbf16, #tpu.memory_space<vmem>>, vector<1x2048x1024xbf16>
    %get3A_33 = vector.shape_cast %get3A_32 : vector<1x2048x1024xbf16> to vector<2048x1024xbf16>
    %dot_general3A_34 = arith.constant dense<0.000000e+00> : vector<256x1024xf32>
    %dot_general3A_35 = tpu.matmul %convert_element_type3A_28, %get3A_33, %dot_general3A_34 {dimension_numbers = #tpu.dot_dimension_numbers<[1], [0], [0], [1], [0, 0, 1, 1], [], []>, transpose_lhs_hint = false} : vector<256x2048xbf16>, vector<2048x1024xbf16>, vector<256x1024xf32> -> vector<256x1024xf32>
    %get3A_36 = arith.constant 0 : index
    %get3A_37 = arith.constant 0 : index
    %get3A_38 = arith.constant 0 : index
    %get3A_39 = vector.load %arg6[%get3A_36, %get3A_37, %get3A_38] : memref<1x1x1024xf32, #tpu.memory_space<vmem>>, vector<1x1x1024xf32>
    %get3A_40 = vector.shape_cast %get3A_39 : vector<1x1x1024xf32> to vector<1x1024xf32>
    %add3A_41 = vector.broadcast %get3A_40 : vector<1x1024xf32> to vector<256x1024xf32>
    %add3A_42 = arith.addf %dot_general3A_35, %add3A_41 : vector<256x1024xf32>
    %swap3A = arith.constant 0 : index
    %swap3A_43 = arith.constant 0 : index
    %swap3A_44 = vector.load %arg7[%swap3A, %swap3A_43] : memref<256x1024xf32, #tpu.memory_space<vmem>>, vector<256x1024xf32>
    tpu.vector_store %arg7[%swap3A, %swap3A_43], %add3A_42 {strides = array<i32>} : memref<256x1024xf32, #tpu.memory_space<vmem>>, vector<256x1024xf32>,
    return
  }
  func.func @transform_0(%arg0: i32, %arg1: memref<40xi32, #tpu.memory_space<smem>>) -> (i32, i32) {
    %c0_i32 = arith.constant 0 : i32
    %c0_i32_0 = arith.constant 0 : i32
    return %arg0, %c0_i32 : i32, i32
  }
  func.func @transform_1(%arg0: i32, %arg1: memref<40xi32, #tpu.memory_space<smem>>) -> (i32, i32, i32) {
    %get3A = arith.index_cast %arg0 : i32 to index
    %get3A_0 = memref.load %arg1[%get3A] : memref<40xi32, #tpu.memory_space<smem>>
    %c0_i32 = arith.constant 0 : i32
    %c0_i32_1 = arith.constant 0 : i32
    %c0_i32_2 = arith.constant 0 : i32
    return %get3A_0, %c0_i32, %c0_i32_1 : i32, i32, i32
  }
  func.func @transform_2(%arg0: i32, %arg1: memref<40xi32, #tpu.memory_space<smem>>) -> (i32, i32, i32) {
    %get3A = arith.index_cast %arg0 : i32 to index
    %get3A_0 = memref.load %arg1[%get3A] : memref<40xi32, #tpu.memory_space<smem>>
    %c0_i32 = arith.constant 0 : i32
    %c0_i32_1 = arith.constant 0 : i32
    %c0_i32_2 = arith.constant 0 : i32
    return %get3A_0, %c0_i32, %c0_i32_1 : i32, i32, i32
  }
  func.func @transform_3(%arg0: i32, %arg1: memref<40xi32, #tpu.memory_space<smem>>) -> (i32, i32, i32) {
    %get3A = arith.index_cast %arg0 : i32 to index
    %get3A_0 = memref.load %arg1[%get3A] : memref<40xi32, #tpu.memory_space<smem>>
    %c0_i32 = arith.constant 0 : i32
    %c0_i32_1 = arith.constant 0 : i32
    %c0_i32_2 = arith.constant 0 : i32
    return %get3A_0, %c0_i32, %c0_i32_1 : i32, i32, i32
  }
  func.func @transform_4(%arg0: i32, %arg1: memref<40xi32, #tpu.memory_space<smem>>) -> (i32, i32, i32) {
    %get3A = arith.index_cast %arg0 : i32 to index
    %get3A_0 = memref.load %arg1[%get3A] : memref<40xi32, #tpu.memory_space<smem>>
    %c0_i32 = arith.constant 0 : i32
    %c0_i32_1 = arith.constant 0 : i32
    %c0_i32_2 = arith.constant 0 : i32
    return %get3A_0, %c0_i32, %c0_i32_1 : i32, i32, i32
  }
  func.func @transform_5(%arg0: i32, %arg1: memref<40xi32, #tpu.memory_space<smem>>) -> (i32, i32) {
    %c0_i32 = arith.constant 0 : i32
    %c0_i32_0 = arith.constant 0 : i32
    return %arg0, %c0_i32 : i32, i32
  }
}

module attributes {stable_mosaic.version = 14 : i64} {
  func.func @_combine_body(%arg0: i32, %arg1: memref<256x1024xf32, #tpu.memory_space<vmem>>, %arg2: memref<256x1024xf32, #tpu.memory_space<vmem>>, %arg3: memref<256x1xf32, #tpu.memory_space<vmem>>, %arg4: memref<256x1xf32, #tpu.memory_space<vmem>>, %arg5: memref<256x1024xf32, #tpu.memory_space<vmem>>) attributes {dimension_semantics = [#tpu.dimension_semantics<arbitrary>], iteration_bounds = array<i64: 16>, scalar_prefetch = 0 : i64, scratch_operands = 0 : i64, tpu.core_type = #tpu.core_type<tc>, window_params = [{transform_indices = @transform_0, window_bounds = array<i64: 256, 1024>}, {transform_indices = @transform_1, window_bounds = array<i64: 256, 1024>}, {transform_indices = @transform_2, window_bounds = array<i64: 256, 1>}, {transform_indices = @transform_3, window_bounds = array<i64: 256, 1>}, {transform_indices = @transform_4, window_bounds = array<i64: 256, 1024>}]} {
    %get3A = arith.constant 0 : index
    %get3A_0 = arith.constant 0 : index
    %get3A_1 = vector.load %arg1[%get3A, %get3A_0] : memref<256x1024xf32, #tpu.memory_space<vmem>>, vector<256x1024xf32>
    %get3A_2 = arith.constant 0 : index
    %get3A_3 = arith.constant 0 : index
    %get3A_4 = vector.load %arg3[%get3A_2, %get3A_3] : memref<256x1xf32, #tpu.memory_space<vmem>>, vector<256x1xf32>
    %mul3A = vector.broadcast %get3A_4 : vector<256x1xf32> to vector<256x1024xf32>
    %mul3A_5 = arith.mulf %get3A_1, %mul3A : vector<256x1024xf32>
    %get3A_6 = arith.constant 0 : index
    %get3A_7 = arith.constant 0 : index
    %get3A_8 = vector.load %arg2[%get3A_6, %get3A_7] : memref<256x1024xf32, #tpu.memory_space<vmem>>, vector<256x1024xf32>
    %get3A_9 = arith.constant 0 : index
    %get3A_10 = arith.constant 0 : index
    %get3A_11 = vector.load %arg4[%get3A_9, %get3A_10] : memref<256x1xf32, #tpu.memory_space<vmem>>, vector<256x1xf32>
    %mul3A_12 = vector.broadcast %get3A_11 : vector<256x1xf32> to vector<256x1024xf32>
    %mul3A_13 = arith.mulf %get3A_8, %mul3A_12 : vector<256x1024xf32>
    %add3A = arith.addf %mul3A_5, %mul3A_13 : vector<256x1024xf32>
    %swap3A = arith.constant 0 : index
    %swap3A_14 = arith.constant 0 : index
    %swap3A_15 = vector.load %arg5[%swap3A, %swap3A_14] : memref<256x1024xf32, #tpu.memory_space<vmem>>, vector<256x1024xf32>
    tpu.vector_store %arg5[%swap3A, %swap3A_14], %add3A {strides = array<i32>} : memref<256x1024xf32, #tpu.memory_space<vmem>>, vector<256x1024xf32>,
    return
  }
  func.func @transform_0(%arg0: i32) -> (i32, i32) {
    %c0_i32 = arith.constant 0 : i32
    %c0_i32_0 = arith.constant 0 : i32
    return %arg0, %c0_i32 : i32, i32
  }
  func.func @transform_1(%arg0: i32) -> (i32, i32) {
    %add3A = arith.constant 16 : i32
    %add3A_0 = arith.addi %arg0, %add3A : i32
    %c0_i32 = arith.constant 0 : i32
    %c0_i32_1 = arith.constant 0 : i32
    return %add3A_0, %c0_i32 : i32, i32
  }
  func.func @transform_2(%arg0: i32) -> (i32, i32) {
    %c0_i32 = arith.constant 0 : i32
    %c0_i32_0 = arith.constant 0 : i32
    return %arg0, %c0_i32 : i32, i32
  }
  func.func @transform_3(%arg0: i32) -> (i32, i32) {
    %c0_i32 = arith.constant 0 : i32
    %c0_i32_0 = arith.constant 0 : i32
    return %arg0, %c0_i32 : i32, i32
  }
  func.func @transform_4(%arg0: i32) -> (i32, i32) {
    %c0_i32 = arith.constant 0 : i32
    %c0_i32_0 = arith.constant 0 : i32
    return %arg0, %c0_i32 : i32, i32
  }
}

module attributes {stable_mosaic.version = 14 : i64} {
  func.func @_combine_body(%arg0: i32, %arg1: memref<256x1024xf32, #tpu.memory_space<vmem>>, %arg2: memref<256x1024xf32, #tpu.memory_space<vmem>>, %arg3: memref<256x1xf32, #tpu.memory_space<vmem>>, %arg4: memref<256x1xf32, #tpu.memory_space<vmem>>, %arg5: memref<256x1024xf32, #tpu.memory_space<vmem>>) attributes {dimension_semantics = [#tpu.dimension_semantics<arbitrary>], iteration_bounds = array<i64: 16>, scalar_prefetch = 0 : i64, scratch_operands = 0 : i64, tpu.core_type = #tpu.core_type<tc>, window_params = [{transform_indices = @transform_0, window_bounds = array<i64: 256, 1024>}, {transform_indices = @transform_1, window_bounds = array<i64: 256, 1024>}, {transform_indices = @transform_2, window_bounds = array<i64: 256, 1>}, {transform_indices = @transform_3, window_bounds = array<i64: 256, 1>}, {transform_indices = @transform_4, window_bounds = array<i64: 256, 1024>}]} {
    %get3A = arith.constant 0 : index
    %get3A_0 = arith.constant 0 : index
    %get3A_1 = vector.load %arg1[%get3A, %get3A_0] : memref<256x1024xf32, #tpu.memory_space<vmem>>, vector<256x1024xf32>
    %get3A_2 = arith.constant 0 : index
    %get3A_3 = arith.constant 0 : index
    %get3A_4 = vector.load %arg3[%get3A_2, %get3A_3] : memref<256x1xf32, #tpu.memory_space<vmem>>, vector<256x1xf32>
    %mul3A = vector.broadcast %get3A_4 : vector<256x1xf32> to vector<256x1024xf32>
    %mul3A_5 = arith.mulf %get3A_1, %mul3A : vector<256x1024xf32>
    %get3A_6 = arith.constant 0 : index
    %get3A_7 = arith.constant 0 : index
    %get3A_8 = vector.load %arg2[%get3A_6, %get3A_7] : memref<256x1024xf32, #tpu.memory_space<vmem>>, vector<256x1024xf32>
    %get3A_9 = arith.constant 0 : index
    %get3A_10 = arith.constant 0 : index
    %get3A_11 = vector.load %arg4[%get3A_9, %get3A_10] : memref<256x1xf32, #tpu.memory_space<vmem>>, vector<256x1xf32>
    %mul3A_12 = vector.broadcast %get3A_11 : vector<256x1xf32> to vector<256x1024xf32>
    %mul3A_13 = arith.mulf %get3A_8, %mul3A_12 : vector<256x1024xf32>
    %add3A = arith.addf %mul3A_5, %mul3A_13 : vector<256x1024xf32>
    %swap3A = arith.constant 0 : index
    %swap3A_14 = arith.constant 0 : index
    %swap3A_15 = vector.load %arg5[%swap3A, %swap3A_14] : memref<256x1024xf32, #tpu.memory_space<vmem>>, vector<256x1024xf32>
    tpu.vector_store %arg5[%swap3A, %swap3A_14], %add3A {strides = array<i32>} : memref<256x1024xf32, #tpu.memory_space<vmem>>, vector<256x1024xf32>,
    return
  }
  func.func @transform_0(%arg0: i32) -> (i32, i32) {
    %c0_i32 = arith.constant 0 : i32
    %c0_i32_0 = arith.constant 0 : i32
    return %arg0, %c0_i32 : i32, i32
  }
  func.func @transform_1(%arg0: i32) -> (i32, i32) {
    %add3A = arith.constant 16 : i32
    %add3A_0 = arith.addi %arg0, %add3A : i32
    %c0_i32 = arith.constant 0 : i32
    %c0_i32_1 = arith.constant 0 : i32
    return %add3A_0, %c0_i32 : i32, i32
  }
  func.func @transform_2(%arg0: i32) -> (i32, i32) {
    %c0_i32 = arith.constant 0 : i32
    %c0_i32_0 = arith.constant 0 : i32
    return %arg0, %c0_i32 : i32, i32
  }
  func.func @transform_3(%arg0: i32) -> (i32, i32) {
    %c0_i32 = arith.constant 0 : i32
    %c0_i32_0 = arith.constant 0 : i32
    return %arg0, %c0_i32 : i32, i32
  }
  func.func @transform_4(%arg0: i32) -> (i32, i32) {
    %c0_i32 = arith.constant 0 : i32
    %c0_i32_0 = arith.constant 0 : i32
    return %arg0, %c0_i32 : i32, i32
  }
}

</mosaic_0001>

<sc_bundles>
// kernel: kernel.15.cloned.1.call-start
scs
__scs_entry_jumppad:
0x0: {  	(pc) =	sbr.rel $0x88, $3  }
0x1: {  	(tag) =	ssettag $0x0;
	lr =	simm.s32 $0x1  }
0x2: {  	[smem:$0x3F99] =	sst lr;
	_ =	strace $0xD0000000  }
0x3: {  	_ = 	snop  }
0x4: {  	_ = 	snop  }
0x5: {  	_ = 	snop  }
0x6: {  	_ = 	snop  }
0x7: {  	_ = 	snop  }
__scs_overlays_trampoline_lowered:
0x8: {  	[smem:$0x3FA8] =	sst s0  }
0x9: {  	[smem:$0x3FA9] =	sst s1  }
0xa: {  	[smem:$0x3FAA] =	sst s2  }
0xb: {  	[smem:$0x3FAB] =	sst s3  }
0xc: {  	[smem:$0x3FAC] =	sst s4  }
0xd: {  	[smem:$0x3FAD] =	sst s5  }
0xe: {  	[smem:$0x3FAE] =	sst s6  }
0xf: {  	[smem:$0x3FAF] =	sst s7  }
0x10: {  	[smem:$0x3FB0] =	sst s8  }
0x11: {  	[smem:$0x3FB1] =	sst s9;
	s0 =	simm.s32 @!p0 $0x0  }
0x12: {  	s1 =	sld [smem:$0x3F97];
	s0 =	simm.s32 @p0 $0x1  }
0x13: {  	[smem:$0x3FB2] =	sst s0;
	s0 =	simm.s32 @!p1 $0x0  }
0x14: {  	s2 =	sld [smem:$0x3F96];
	s0 =	simm.s32 @p1 $0x1  }
0x15: {  	[smem:$0x3FB3] =	sst s0;
	s0 =	simm.s32 @!p2 $0x0  }
0x16: {  	s3 =	sld [smem:$0x3FDB];
	s0 =	simm.s32 @p2 $0x1  }
0x17: {  	s4 =	simm.s32 $0x1BF5;
	[smem:$0x3FB5] =	sst s0  }
0x18: {  	s0 =	sld [smem:$0x3F98];
	_ =	swait.ge [sflag:s4], $0x0  }
0x19: {  	s7 =	sld [smem:$0x3F99]  }
0x1a: {  	s8 =	sadd.s32 $0xFFFFE003, lr  }
0x1b: {  	s9 =	sadd.s32 $0xFFFFFEF7, lr;
	s5 =	simm.s32 $0xFFFFFFFF;
	p2 =	slt.u32 s8, $0xFFFFF086  }
0x1c: {  	p1 =	slt.u32 s9, $0xF7A;
	s5 =	simm.s32 @!p2 $0x0  }
0x1d: {  	s5 =	simm.s32 @p1 $0x1;
	p0 =	seq.s32 s7, s2  }
0x1e: {  	s7 =	smul.u32 @!p0 $0xF7A, s2;
	p2 =	seq.s32 @!p0 s5, $0x0  }
0x1f: {  	s9 =	smul.u32 $0xF7A, s1;
	s8 =	simm.s32 @!p0 $0x1BF5;
	p2 =	por !p2, p0  }
0x20: {  	[sflag:s8] =	ssyncset.s32 @!p0 $0xFFFFF086;
	s6 =	sadd.s32 @!p0 s3, s7;
	s7 =	simm.s32 @!p0 $0x108  }
0x21: {  	s3 =	sadd.s32 s3, s9;
	s6 =	sadd.s32 @!p0 $0x88, s6;
	s7 =	simm.s32 @p2 $0x1082  }
0x22: {  	[simem:s7], [sflag:s8] =	dma.local @!p0 [hbm:s6], $0xF7A  }
0x23: {  	s9 =	sor.u32 $0xD0000000, s2;
	s6 =	simm.s32 $0x108;
	_ =	swait.ge @!p0 [sflag:s8], $0x0  }
0x24: {  	s3 =	sadd.s32 $0x88, s3;
	s6 =	simm.s32 @!p1 $0x1082;
	[sflag:s4] =	ssyncset.s32 $0xFFFFF086  }
0x25: {  	[simem:s6], [sflag:s4] =	dma.local [hbm:s3], $0xF7A  }
0x26: {  	[smem:$0x3F99] =	sst s1;
	(tag) =	ssettag s2;
	_ =	strace s9  }
0x27: {  	s1 =	sld [smem:$0x3FA9]  }
0x28: {  	s2 =	sld [smem:$0x3FAA]  }
0x29: {  	s4 =	sld [smem:$0x3FAC]  }
0x2a: {  	p0 =	seq.s32 s5, $0x0;
	s5 =	sld [smem:$0x3FAD]  }
0x2b: {  	s6 =	sld [smem:$0x3FAE]  }
0x2c: {  	s7 =	sld [smem:$0x3FAF]  }
0x2d: {  	s3 =	simm.s32 $0x108;
	s8 =	sld [smem:$0x3FB0]  }
0x2e: {  	s3 =	simm.s32 @!p0 $0x1082;
	s9 =	sld [smem:$0x3FB1]  }
0x2f: {  	lr =	sadd.s32 s0, s3;
	s0 =	sld [smem:$0x3FA8]  }
0x30: {  	s3 =	sld [smem:$0x3FAB]  }
0x31: {  	[smem:$0x3FB4] =	sst s10  }
0x32: {  	s10 =	sld [smem:$0x3FB2];
	_ =	sdelay $0x3  }
0x33: {  	p0 =	seq.s32 s10, $0x1;
	s10 =	sld [smem:$0x3FB4];
	_ =	sdelay $0x3  }
0x34: {  	[smem:$0x3FB4] =	sst s10  }
0x35: {  	s10 =	sld [smem:$0x3FB3];
	_ =	sdelay $0x3  }
0x36: {  	p1 =	seq.s32 s10, $0x1;
	s10 =	sld [smem:$0x3FB4];
	_ =	sdelay $0x3  }
0x37: {  	[smem:$0x3FB4] =	sst s10  }
0x38: {  	s10 =	sld [smem:$0x3FB5]  }
0x39: {  	_ = 	snop;
	(pc) =	sbr.ind lr, $3  }
0x3a: {  	_ = 	snop  }
0x3b: {  	_ = 	snop  }
0x3c: {  	p2 =	seq.s32 s10, $0x1;
	s10 =	sld [smem:$0x3FB4]  }
0x3d: {  	_ =	shalt  }
0x3e: {  	_ =	shalt  }
0x3f: {  	_ =	shalt  }
0x40: {  	_ =	shalt  }
0x41: {  	_ =	shalt  }
0x42: {  	_ =	shalt  }
0x43: {  	_ =	shalt  }
0x44: {  	_ =	shalt  }
0x45: {  	_ =	shalt  }
0x46: {  	_ =	shalt  }
0x47: {  	_ =	shalt  }
0x48: {  	_ =	shalt  }
0x49: {  	_ =	shalt  }
0x4a: {  	_ =	shalt  }
0x4b: {  	_ =	shalt  }
0x4c: {  	_ =	shalt  }
0x4d: {  	_ =	shalt  }
0x4e: {  	_ =	shalt  }
0x4f: {  	_ =	shalt  }
0x50: {  	_ =	shalt  }
0x51: {  	_ =	shalt  }
0x52: {  	_ =	shalt  }
0x53: {  	_ =	shalt  }
0x54: {  	_ =	shalt  }
0x55: {  	_ =	shalt  }
0x56: {  	_ =	shalt  }
0x57: {  	_ =	shalt  }
0x58: {  	_ =	shalt  }
0x59: {  	_ =	shalt  }
0x5a: {  	_ =	shalt  }
0x5b: {  	_ =	shalt  }
0x5c: {  	_ =	shalt  }
0x5d: {  	_ =	shalt  }
0x5e: {  	_ =	shalt  }
0x5f: {  	_ =	shalt  }
0x60: {  	_ =	shalt  }
0x61: {  	_ =	shalt  }
0x62: {  	_ =	shalt  }
0x63: {  	_ =	shalt  }
0x64: {  	_ =	shalt  }
0x65: {  	_ =	shalt  }
0x66: {  	_ =	shalt  }
0x67: {  	_ =	shalt  }
0x68: {  	_ =	shalt  }
0x69: {  	_ =	shalt  }
0x6a: {  	_ =	shalt  }
0x6b: {  	_ =	shalt  }
0x6c: {  	_ =	shalt  }
0x6d: {  	_ =	shalt  }
0x6e: {  	_ =	shalt  }
0x6f: {  	_ =	shalt  }
0x70: {  	_ =	shalt  }
0x71: {  	_ =	shalt  }
0x72: {  	_ =	shalt  }
0x73: {  	_ =	shalt  }
0x74: {  	_ =	shalt  }
0x75: {  	_ =	shalt  }
0x76: {  	_ =	shalt  }
0x77: {  	_ =	shalt  }
0x78: {  	_ =	shalt  }
0x79: {  	_ =	shalt  }
0x7a: {  	_ =	shalt  }
0x7b: {  	_ =	shalt  }
0x7c: {  	_ =	shalt  }
0x7d: {  	_ =	shalt  }
0x7e: {  	_ =	shalt  }
0x7f: {  	_ =	shalt  }
0x80: {  	_ =	shalt  }
0x81: {  	_ =	shalt  }
0x82: {  	_ =	shalt  }
0x83: {  	_ =	shalt  }
0x84: {  	_ =	shalt  }
0x85: {  	_ =	shalt  }
0x86: {  	_ =	shalt  }
0x87: {  	_ =	shalt  }
.Lfunc_end0:
.L_simem_size_0:
called_computation_lowered:
.L_overlay_start_0:
0x88: {  	s2 =	sld [smem:$0x3FD9]  }
0x89: {  	s3 =	sld [smem:$0x3FFE];
	_ =	sdelay $0x1  }
0x8a: {  	s1 =	srdreg.scid  }
0x8b: {  	s0 =	sand.u32 $0x1, s1  }
0x8c: {  	s17 =	sshll.u32 s0, $0xA;
	s2 =	sadd.s32 s3, s2  }
0x8d: {  	s2 =	sadd.s32 s2, s17  }
0x8e: {  	[smem:$0x3FC0] =	sst s2  }
0x8f: {  	_ = 	snop  }
0x90: {  	s2 =	sld [smem:$0x3FC8]  }
0x91: {  	s18 =	sld [smem:$0x3FD0];
	(tm) =	ssettm $0x1  }
0x92: {  	s4 =	sld [smem:$0x3FFB];
	_ =	sdelay $0x3  }
0x93: {  	_ =	strace s4  }
0x94: {  	s4 =	sld [smem:$0x3FFC];
	_ =	sdelay $0x3  }
0x95: {  	_ =	strace s4  }
0x96: {  	s4 =	sld [smem:$0x3FFD];
	_ =	sdelay $0x3  }
0x97: {  	_ =	strace s4  }
0x98: {  	_ =	strace $0x8FFFFFFF  }
0x99: {  	s19 =	sld [smem:$0x3FDB];
	_ =	sdelay $0x1  }
0x9a: {  	s5 =	simm.s32 $_scs_section_size  }
0x9b: {  	s6 =	simm.s32 $_size__tile_overlayer_lowered;
	s7 =	simm.s32 $_tile_overlayer_lowered  }
0x9c: {  	s22 =	simm.s32 $0x1BFF;
	s21 =	sshll.u32 s7, $0x1;
	s4 =	sadd.s32 s5, s19  }
0x9d: {  	s8 =	simm.s32 $0x0;
	s20 =	sshll.u32 s6, $0x1;
	s6 =	sadd.s32 s21, s4  }
0x9e: {  	[timem:s8], [sflag:s22] =	dma.local [hbm:s6], s20  }
0x9f: {  	_ =	swait.ge [sflag:s22], s20  }
0xa0: {  	s5 =	ssub.s32 $0x0, s20;
	[sflag:s22] =	ssyncset.done $0x0  }
0xa1: {  	[sflag:s22] =	ssyncadd.s32 s5;
	_ =	sdelay $0x1  }
0xa2: {  	s23 =	simm.s32 $0x1B8B  }
0xa3: {  	_ =	swait.ge [sflag:s23], $0x1  }
0xa4: {  	[sflag:s23] =	ssyncset.done $0x0  }
0xa5: {  	s25 =	simm.s32 $0x1B8E;
	s24 =	sld [smem:$0x3FFE];
	[sflag:s23] =	ssyncadd.s32 $0xFFFFFFFF  }
0xa6: {  	s26 =	simm.s32 $execute0_lowered;
	[smem:$0x3FD2] =	sst s25  }
0xa7: {  	s6 =	sshll.u32 s26, $0x1;
	_ =	strace $0x80000046;
	[dreg:$0x1] =	wrdreg $0xFFFFFFFF  }
0xa8: {  	s28 =	simm.s32 $_size_execute0_lowered;
	s4 =	sadd.s32 s4, s6;
	[dreg:$0x0] =	wrdreg $0x0  }
0xa9: {  	s6 =	sshll.u32 s28, $0x1;
	[dreg:$0x2] =	wrdreg s4  }
0xaa: {  	[dreg:$0x3] =	wrdreg s6  }
0xab: {  	[dreg:$0x4] =	wrdreg $0xC0  }
0xac: {  	_ =	task [dreg:s8], $0x5FFFF  }
0xad: {  	[dreg:$0x1] =	wrdreg $0xFFFFFFFF  }
0xae: {  	[dreg:$0x0] =	wrdreg $0x60  }
0xaf: {  	[dreg:$0x2] =	wrdreg s2  }
0xb0: {  	[dreg:$0x3] =	wrdreg s24  }
0xb1: {  	[dreg:$0x4] =	wrdreg s18  }
0xb2: {  	[dreg:$0x5] =	wrdreg $0x9  }
0xb3: {  	_ =	task.clear_ibuf [dreg:s8], $0x6FFFF;
	_ =	strace $0x90000046  }
0xb4: {  	s29 =	simm.s32 $0x9;
	_ =	strace $0x80000048  }
0xb5: {  	_ =	swait.ge [sflag:s29], $0x1  }
0xb6: {  	[sflag:s29] =	ssyncadd.s32 $0xFFFFFFFF  }
0xb7: {  	_ =	strace $0x90000048  }
0xb8: {  	_ =	sfence  }
0xb9: {  	s30 =	sld [smem:$0x0];
	_ =	sdelay $0x2  }
0xba: {  	s31 =	sshll.u32 s1, $0xD;
	s1 =	sshrl.u32 s1, $0x2  }
0xbb: {  	s3 =	sand.u32 $0x4000, s31;
	s1 =	sadd.s32 s1, s30  }
0xbc: {  	s0 =	sor.u32 s3, s0;
	s1 =	sshll.u32 s1, $0x11  }
0xbd: {  	s0 =	sor.u32 s1, s0  }
0xbe: {  	s0 =	sadd.s32 $0x8F2B, s0  }
0xbf: {  	[sflag:s0] =	ssyncadd.remote.s32 $0x1  }
0xc0: {  	_ =	sfence.sel $0xFFFF  }
0xc1: {  	[dreg:$0x0] =	wrdreg $0xFFFFFFFF;
	(pc) =	sbr.abs _section_cstart, $3  }
0xc2: {  	[dreg:$0x1] =	wrdreg $0xFFFFFFFF  }
0xc3: {  	_ =	task.clear_ibuf [dreg:s8], $0x2FFFF;
	_ =	strace $0x9FFFFFFF  }
0xc4: {  	(tm) =	ssettm $0x7FFFFFFF  }
0xc5: {  	_ =	shalt  }
tec
execute0_lowered:
.L_overlay_start_1:
0x0: {  	(tag) =	ssettag $0x1  }
0x1: {  	s1 =	rddreg [dreg:$0x0]  }
0x2: {  	s0 =	rddreg [dreg:$0x1];
	s2 =	srdreg.scid  }
0x3: {  	s4 =	rddreg [dreg:$0x2];
	s7 =	stileid.u32  }
0x4: {  	s3 =	simm.s32 $0x0;
	s21 =	simm.s32 $0x3;
	s28 =	simm.s32 $0x80  }
0x5: {  	s29 =	simm.s32 $0x2080;
	s30 =	simm.s32 $0x2880;
	s31 =	simm.s32 $0x3080  }
0x6: {  	s9 =	simm.s32 $0x3880;
	s11 =	simm.s32 $0x4880;
	s12 =	simm.s32 $0x5080  }
0x7: {  	s13 =	simm.s32 $0x5880;
	s14 =	simm.s32 $0x6080;
	s15 =	simm.s32 $0x6880  }
0x8: {  	s16 =	simm.s32 $0x7080;
	s17 =	simm.s32 $0x7880;
	s18 =	simm.s32 $0x8880  }
0x9: {  	s19 =	simm.s32 $0x9080;
	s20 =	simm.s32 $0x9880;
	s2 =	sand.u32 $0x1, s2  }
0xa: {  	s6 =	sshll.u32 s7, $0x4;
	[smem:$0x7FF] =	sst s3;
	s5 =	sshll.u32 s2, $0x4  }
0xb: {  	s6 =	sand.u32 $0x70, s6;
	_ =	strace $0x80000047;
	s2 =	ssub.s32 $0x2, s2  }
0xc: {  	s5 =	sor.u32 s7, s5;
	s0 =	sadd.s32 s6, s0;
	s23 =	sshrl.u32 s2, $0x1  }
0xd: {  	s6 =	sadd.s32 $0x200, s1;
	s7 =	sshll.u32 s5, $0x4;
	s5 =	sshll.u32 s5, $0xE  }
0xe: {  	s2 =	ssub.s32 s2, s23;
	s23 =	simm.s32 $0x880;
	s22 =	sand.u32 $0x180, s7  }
0xf: {  	s4 =	sadd.s32 s4, s5;
	s5 =	sadd.s32 $0x100, s1;
	s7 =	sadd.s32 $0x300, s1  }
0x10: {  	s8 =	smax.u32 s2, $0x1;
	s24 =	sadd.s32 $0x1000, s4;
	[dreg:$0x8] =	wrdreg s4  }
0x11: {  	s0 =	sadd.s32 s22, s0;
	s25 =	sadd.s32 $0x2000, s4;
	[dreg:$0x5] =	wrdreg s24  }
0x12: {  	v2 =	vlaneseq.u32;
	s26 =	sadd.s32 $0x3000, s4;
	s4 =	simm.s32 $0x2;
	[dreg:$0x6] =	wrdreg s25  }
0x13: {  	vm0 =	vmmov $0xffff;
	v1 =	vshrl.u32 v2, $0x3;
	s0 =	sadd.s32 $0x3000, s0;
	[dreg:$0x7] =	wrdreg s26;
	s26 =	simm.s32 $0x4  }
0x14: {  	v0 =	vand.u32 $0x7, v2;
	v2 =	vor.u32 $0x8, v2;
	v1 =	vmul.u32 $0x8, v1;
	s24 =	simm.s32 $0x1080;
	s25 =	simm.s32 $0x1880;
	[dreg:$0x4] =	wrdreg s0  }
.LBB2_1:
0x15: {  	s22 =	rddreg [dreg:$0x4];
	s0 =	simm.s32 $0x1  }
0x16: {  	[tilespmem:s3], [sflag:$0x1] =	stream.linear.gather [hbm4b:s22+s3], $0x80, $0x38;
	[tilespmem:$0x10080] =	vst v63  }
0x17: {  	_ =	swait.ge [sflag:s0], $0x80  }
0x18: {  	[sflag:s0] =	ssyncset.done $0x0  }
0x19: {  	[sflag:s0] =	ssyncadd.s32 $0xFFFFFF80  }
0x1a: {  	v3 =	vld [tilespmem:$0x0];
	_ =	sdelay $0x4  }
0x1b: {  	v4 =	vshll.u32 v3, $0x3  }
0x1c: {  	v3 =	vand.u32 $0x7, v3;
	v4 =	vand.u32 $0xFFFFFFC0, v4  }
0x1d: {  	v3 =	vor.u32 v3, v4  }
0x1e: {  	v4 =	vperm.xlane v3, v0;
	_ =	sdelay $0x1  }
0x1f: {  	v4 =	vadd.s32 v1, v4;
	_ =	sdelay $0x4  }
0x20: {  	[tilespmem:s28], [sflag:$0x4] =	stream.indirect_vreg.gather [hbm4b:s1+s3], $0x80, v4, vm0, $0xb8;
	[tilespmem:$0x10080] =	vst v63  }
0x21: {  	v3 =	vperm.xlane v3, v2  }
0x22: {  	[tilespmem:s23], [sflag:$0x4] =	stream.indirect_vreg.gather [hbm4b:s5+s3], $0x80, v4, vm0, $0xb8;
	[tilespmem:$0x10080] =	vst v63  }
0x23: {  	v3 =	vadd.s32 v1, v3  }
0x24: {  	[tilespmem:s24], [sflag:$0x4] =	stream.indirect_vreg.gather [hbm4b:s6+s3], $0x80, v4, vm0, $0xb8;
	[tilespmem:$0x10080] =	vst v63  }
0x25: {  	_ = 	snop  }
0x26: {  	[tilespmem:s25], [sflag:$0x4] =	stream.indirect_vreg.gather [hbm4b:s7+s3], $0x80, v4, vm0, $0xb8;
	[tilespmem:$0x10080] =	vst v63  }
0x27: {  	_ = 	snop  }
0x28: {  	[tilespmem:s29], [sflag:$0x4] =	stream.indirect_vreg.gather [hbm4b:s1+s3], $0x80, v3, vm0, $0xb8;
	[tilespmem:$0x10080] =	vst v63  }
0x29: {  	_ = 	snop  }
0x2a: {  	[tilespmem:s30], [sflag:$0x4] =	stream.indirect_vreg.gather [hbm4b:s5+s3], $0x80, v3, vm0, $0xb8;
	[tilespmem:$0x10080] =	vst v63  }
0x2b: {  	_ = 	snop  }
0x2c: {  	[tilespmem:s31], [sflag:$0x4] =	stream.indirect_vreg.gather [hbm4b:s6+s3], $0x80, v3, vm0, $0xb8;
	[tilespmem:$0x10080] =	vst v63  }
0x2d: {  	_ = 	snop  }
0x2e: {  	[tilespmem:s9], [sflag:$0x4] =	stream.indirect_vreg.gather [hbm4b:s7+s3], $0x80, v3, vm0, $0xb8;
	[tilespmem:$0x10080] =	vst v63  }
0x2f: {  	v3 =	vld [tilespmem:$0x10];
	_ =	sdelay $0x4  }
0x30: {  	v57 =	vshll.u32 v3, $0x3  }
0x31: {  	v3 =	vand.u32 $0x7, v3;
	v4 =	vand.u32 $0xFFFFFFC0, v57  }
0x32: {  	v3 =	vor.u32 v3, v4  }
0x33: {  	v4 =	vperm.xlane v3, v0;
	_ =	sdelay $0x1  }
0x34: {  	v4 =	vadd.s32 v1, v4;
	_ =	sdelay $0x3  }
0x35: {  	s2 =	simm.s32 $0x4080  }
0x36: {  	[tilespmem:s2], [sflag:$0x4] =	stream.indirect_vreg.gather [hbm4b:s1+s3], $0x80, v4, vm0, $0xb8;
	[tilespmem:$0x10080] =	vst v63  }
0x37: {  	v3 =	vperm.xlane v3, v2  }
0x38: {  	[tilespmem:s11], [sflag:$0x4] =	stream.indirect_vreg.gather [hbm4b:s5+s3], $0x80, v4, vm0, $0xb8;
	[tilespmem:$0x10080] =	vst v63  }
0x39: {  	v3 =	vadd.s32 v1, v3  }
0x3a: {  	[tilespmem:s12], [sflag:$0x4] =	stream.indirect_vreg.gather [hbm4b:s6+s3], $0x80, v4, vm0, $0xb8;
	[tilespmem:$0x10080] =	vst v63  }
0x3b: {  	_ = 	snop  }
0x3c: {  	[tilespmem:s13], [sflag:$0x4] =	stream.indirect_vreg.gather [hbm4b:s7+s3], $0x80, v4, vm0, $0xb8;
	[tilespmem:$0x10080] =	vst v63  }
0x3d: {  	_ = 	snop  }
0x3e: {  	[tilespmem:s14], [sflag:$0x4] =	stream.indirect_vreg.gather [hbm4b:s1+s3], $0x80, v3, vm0, $0xb8;
	[tilespmem:$0x10080] =	vst v63  }
0x3f: {  	_ = 	snop  }
0x40: {  	[tilespmem:s15], [sflag:$0x4] =	stream.indirect_vreg.gather [hbm4b:s5+s3], $0x80, v3, vm0, $0xb8;
	[tilespmem:$0x10080] =	vst v63  }
0x41: {  	_ = 	snop  }
0x42: {  	[tilespmem:s16], [sflag:$0x4] =	stream.indirect_vreg.gather [hbm4b:s6+s3], $0x80, v3, vm0, $0xb8;
	[tilespmem:$0x10080] =	vst v63  }
0x43: {  	_ = 	snop  }
0x44: {  	[tilespmem:s17], [sflag:$0x4] =	stream.indirect_vreg.gather [hbm4b:s7+s3], $0x80, v3, vm0, $0xb8;
	[tilespmem:$0x10080] =	vst v63  }
0x45: {  	_ =	swait.ge [sflag:s26], $0x8000  }
0x46: {  	[sflag:s26] =	ssyncset.done $0x0  }
0x47: {  	s0 =	rddreg [dreg:$0x8];
	[sflag:s26] =	ssyncadd.s32 $0xFFFF8000  }
0x48: {  	[hbm4b:s0+s3] =	stream.linear.scatter [tilespmem:s28], [sflag:$0x2], $0x8000, $0x38;
	[tilespmem:$0x10080] =	vst v63  }
0x49: {  	v3 =	vld [tilespmem:$0x20];
	_ =	sdelay $0x4  }
0x4a: {  	v58 =	vshll.u32 v3, $0x3  }
0x4b: {  	v3 =	vand.u32 $0x7, v3;
	v4 =	vand.u32 $0xFFFFFFC0, v58  }
0x4c: {  	v3 =	vor.u32 v3, v4  }
0x4d: {  	v4 =	vperm.xlane v3, v0;
	_ =	sdelay $0x1  }
0x4e: {  	v4 =	vadd.s32 v1, v4;
	_ =	sdelay $0x3  }
0x4f: {  	s0 =	simm.s32 $0x8080  }
0x50: {  	[tilespmem:s0], [sflag:$0x4] =	stream.indirect_vreg.gather [hbm4b:s1+s3], $0x80, v4, vm0, $0xb8;
	[tilespmem:$0x10080] =	vst v63  }
0x51: {  	v3 =	vperm.xlane v3, v2  }
0x52: {  	[tilespmem:s18], [sflag:$0x4] =	stream.indirect_vreg.gather [hbm4b:s5+s3], $0x80, v4, vm0, $0xb8;
	[tilespmem:$0x10080] =	vst v63  }
0x53: {  	v3 =	vadd.s32 v1, v3  }
0x54: {  	[tilespmem:s19], [sflag:$0x4] =	stream.indirect_vreg.gather [hbm4b:s6+s3], $0x80, v4, vm0, $0xb8;
	[tilespmem:$0x10080] =	vst v63  }
0x55: {  	_ = 	snop  }
0x56: {  	[tilespmem:s20], [sflag:$0x4] =	stream.indirect_vreg.gather [hbm4b:s7+s3], $0x80, v4, vm0, $0xb8;
	[tilespmem:$0x10080] =	vst v63  }
0x57: {  	s10 =	simm.s32 $0xA080  }
0x58: {  	[tilespmem:s10], [sflag:$0x4] =	stream.indirect_vreg.gather [hbm4b:s1+s3], $0x80, v3, vm0, $0xb8;
	[tilespmem:$0x10080] =	vst v63  }
0x59: {  	s10 =	simm.s32 $0xA880  }
0x5a: {  	[tilespmem:s10], [sflag:$0x4] =	stream.indirect_vreg.gather [hbm4b:s5+s3], $0x80, v3, vm0, $0xb8;
	[tilespmem:$0x10080] =	vst v63  }
0x5b: {  	s22 =	simm.s32 $0xB080  }
0x5c: {  	[tilespmem:s22], [sflag:$0x4] =	stream.indirect_vreg.gather [hbm4b:s6+s3], $0x80, v3, vm0, $0xb8;
	[tilespmem:$0x10080] =	vst v63  }
0x5d: {  	s22 =	simm.s32 $0xB880  }
0x5e: {  	[tilespmem:s22], [sflag:$0x4] =	stream.indirect_vreg.gather [hbm4b:s7+s3], $0x80, v3, vm0, $0xb8;
	[tilespmem:$0x10080] =	vst v63  }
0x5f: {  	v3 =	vld [tilespmem:$0x30];
	_ =	sdelay $0x4  }
0x60: {  	v59 =	vshll.u32 v3, $0x3  }
0x61: {  	v3 =	vand.u32 $0x7, v3;
	v4 =	vand.u32 $0xFFFFFFC0, v59  }
0x62: {  	v3 =	vor.u32 v3, v4  }
0x63: {  	v4 =	vperm.xlane v3, v0;
	_ =	sdelay $0x1  }
0x64: {  	v4 =	vadd.s32 v1, v4;
	_ =	sdelay $0x3  }
0x65: {  	s22 =	simm.s32 $0xC080  }
0x66: {  	[tilespmem:s22], [sflag:$0x4] =	stream.indirect_vreg.gather [hbm4b:s1+s3], $0x80, v4, vm0, $0xb8;
	[tilespmem:$0x10080] =	vst v63  }
0x67: {  	v3 =	vperm.xlane v3, v2;
	s22 =	simm.s32 $0xC880  }
0x68: {  	[tilespmem:s22], [sflag:$0x4] =	stream.indirect_vreg.gather [hbm4b:s5+s3], $0x80, v4, vm0, $0xb8;
	[tilespmem:$0x10080] =	vst v63  }
0x69: {  	v3 =	vadd.s32 v1, v3;
	s22 =	simm.s32 $0xD080  }
0x6a: {  	[tilespmem:s22], [sflag:$0x4] =	stream.indirect_vreg.gather [hbm4b:s6+s3], $0x80, v4, vm0, $0xb8;
	[tilespmem:$0x10080] =	vst v63  }
0x6b: {  	s22 =	simm.s32 $0xD880  }
0x6c: {  	[tilespmem:s22], [sflag:$0x4] =	stream.indirect_vreg.gather [hbm4b:s7+s3], $0x80, v4, vm0, $0xb8;
	[tilespmem:$0x10080] =	vst v63  }
0x6d: {  	s22 =	simm.s32 $0xE080  }
0x6e: {  	[tilespmem:s22], [sflag:$0x4] =	stream.indirect_vreg.gather [hbm4b:s1+s3], $0x80, v3, vm0, $0xb8;
	[tilespmem:$0x10080] =	vst v63  }
0x6f: {  	s22 =	simm.s32 $0xE880  }
0x70: {  	[tilespmem:s22], [sflag:$0x4] =	stream.indirect_vreg.gather [hbm4b:s5+s3], $0x80, v3, vm0, $0xb8;
	[tilespmem:$0x10080] =	vst v63  }
0x71: {  	s22 =	simm.s32 $0xF080  }
0x72: {  	[tilespmem:s22], [sflag:$0x4] =	stream.indirect_vreg.gather [hbm4b:s6+s3], $0x80, v3, vm0, $0xb8;
	[tilespmem:$0x10080] =	vst v63  }
0x73: {  	s22 =	simm.s32 $0xF880  }
0x74: {  	[tilespmem:s22], [sflag:$0x4] =	stream.indirect_vreg.gather [hbm4b:s7+s3], $0x80, v3, vm0, $0xb8;
	[tilespmem:$0x10080] =	vst v63  }
0x75: {  	_ =	swait.ge [sflag:s26], $0x8000  }
0x76: {  	[sflag:s26] =	ssyncset.done $0x0  }
0x77: {  	s22 =	rddreg [dreg:$0x5];
	[sflag:s26] =	ssyncadd.s32 $0xFFFF8000  }
0x78: {  	[hbm4b:s22+s3] =	stream.linear.scatter [tilespmem:s0], [sflag:$0x3], $0x8000, $0x38;
	[tilespmem:$0x10080] =	vst v63  }
0x79: {  	_ =	swait.ge [sflag:s4], $0x8000  }
0x7a: {  	[sflag:s4] =	ssyncset.done $0x0  }
0x7b: {  	[sflag:s4] =	ssyncadd.s32 $0xFFFF8000  }
0x7c: {  	v3 =	vld [tilespmem:$0x40];
	_ =	sdelay $0x4  }
0x7d: {  	v60 =	vshll.u32 v3, $0x3  }
0x7e: {  	v3 =	vand.u32 $0x7, v3;
	v4 =	vand.u32 $0xFFFFFFC0, v60  }
0x7f: {  	v3 =	vor.u32 v3, v4  }
0x80: {  	v4 =	vperm.xlane v3, v0;
	_ =	sdelay $0x1  }
0x81: {  	v4 =	vadd.s32 v1, v4;
	_ =	sdelay $0x4  }
0x82: {  	[tilespmem:s28], [sflag:$0x4] =	stream.indirect_vreg.gather [hbm4b:s1+s3], $0x80, v4, vm0, $0xb8;
	[tilespmem:$0x10080] =	vst v63  }
0x83: {  	v3 =	vperm.xlane v3, v2  }
0x84: {  	[tilespmem:s23], [sflag:$0x4] =	stream.indirect_vreg.gather [hbm4b:s5+s3], $0x80, v4, vm0, $0xb8;
	[tilespmem:$0x10080] =	vst v63  }
0x85: {  	v3 =	vadd.s32 v1, v3  }
0x86: {  	[tilespmem:s24], [sflag:$0x4] =	stream.indirect_vreg.gather [hbm4b:s6+s3], $0x80, v4, vm0, $0xb8;
	[tilespmem:$0x10080] =	vst v63  }
0x87: {  	_ = 	snop  }
0x88: {  	[tilespmem:s25], [sflag:$0x4] =	stream.indirect_vreg.gather [hbm4b:s7+s3], $0x80, v4, vm0, $0xb8;
	[tilespmem:$0x10080] =	vst v63  }
0x89: {  	_ = 	snop  }
0x8a: {  	[tilespmem:s29], [sflag:$0x4] =	stream.indirect_vreg.gather [hbm4b:s1+s3], $0x80, v3, vm0, $0xb8;
	[tilespmem:$0x10080] =	vst v63  }
0x8b: {  	_ = 	snop  }
0x8c: {  	[tilespmem:s30], [sflag:$0x4] =	stream.indirect_vreg.gather [hbm4b:s5+s3], $0x80, v3, vm0, $0xb8;
	[tilespmem:$0x10080] =	vst v63  }
0x8d: {  	_ = 	snop  }
0x8e: {  	[tilespmem:s31], [sflag:$0x4] =	stream.indirect_vreg.gather [hbm4b:s6+s3], $0x80, v3, vm0, $0xb8;
	[tilespmem:$0x10080] =	vst v63  }
0x8f: {  	_ = 	snop  }
0x90: {  	[tilespmem:s9], [sflag:$0x4] =	stream.indirect_vreg.gather [hbm4b:s7+s3], $0x80, v3, vm0, $0xb8;
	[tilespmem:$0x10080] =	vst v63  }
0x91: {  	v3 =	vld [tilespmem:$0x50];
	_ =	sdelay $0x4  }
0x92: {  	v61 =	vshll.u32 v3, $0x3  }
0x93: {  	v3 =	vand.u32 $0x7, v3;
	v4 =	vand.u32 $0xFFFFFFC0, v61  }
0x94: {  	v3 =	vor.u32 v3, v4  }
0x95: {  	v4 =	vperm.xlane v3, v0;
	_ =	sdelay $0x1  }
0x96: {  	v4 =	vadd.s32 v1, v4;
	_ =	sdelay $0x4  }
0x97: {  	[tilespmem:s2], [sflag:$0x4] =	stream.indirect_vreg.gather [hbm4b:s1+s3], $0x80, v4, vm0, $0xb8;
	[tilespmem:$0x10080] =	vst v63  }
0x98: {  	v3 =	vperm.xlane v3, v2  }
0x99: {  	[tilespmem:s11], [sflag:$0x4] =	stream.indirect_vreg.gather [hbm4b:s5+s3], $0x80, v4, vm0, $0xb8;
	[tilespmem:$0x10080] =	vst v63  }
0x9a: {  	v3 =	vadd.s32 v1, v3  }
0x9b: {  	[tilespmem:s12], [sflag:$0x4] =	stream.indirect_vreg.gather [hbm4b:s6+s3], $0x80, v4, vm0, $0xb8;
	[tilespmem:$0x10080] =	vst v63  }
0x9c: {  	_ = 	snop  }
0x9d: {  	[tilespmem:s13], [sflag:$0x4] =	stream.indirect_vreg.gather [hbm4b:s7+s3], $0x80, v4, vm0, $0xb8;
	[tilespmem:$0x10080] =	vst v63  }
0x9e: {  	_ = 	snop  }
0x9f: {  	[tilespmem:s14], [sflag:$0x4] =	stream.indirect_vreg.gather [hbm4b:s1+s3], $0x80, v3, vm0, $0xb8;
	[tilespmem:$0x10080] =	vst v63  }
0xa0: {  	_ = 	snop  }
0xa1: {  	[tilespmem:s15], [sflag:$0x4] =	stream.indirect_vreg.gather [hbm4b:s5+s3], $0x80, v3, vm0, $0xb8;
	[tilespmem:$0x10080] =	vst v63  }
0xa2: {  	_ = 	snop  }
0xa3: {  	[tilespmem:s16], [sflag:$0x4] =	stream.indirect_vreg.gather [hbm4b:s6+s3], $0x80, v3, vm0, $0xb8;
	[tilespmem:$0x10080] =	vst v63  }
0xa4: {  	_ = 	snop  }
0xa5: {  	[tilespmem:s17], [sflag:$0x4] =	stream.indirect_vreg.gather [hbm4b:s7+s3], $0x80, v3, vm0, $0xb8;
	[tilespmem:$0x10080] =	vst v63  }
0xa6: {  	_ =	swait.ge [sflag:s26], $0x8000  }
0xa7: {  	[sflag:s26] =	ssyncset.done $0x0  }
0xa8: {  	s2 =	rddreg [dreg:$0x6];
	[sflag:s26] =	ssyncadd.s32 $0xFFFF8000  }
0xa9: {  	[hbm4b:s2+s3] =	stream.linear.scatter [tilespmem:s28], [sflag:$0x2], $0x8000, $0x38;
	[tilespmem:$0x10080] =	vst v63  }
0xaa: {  	_ =	swait.ge [sflag:s21], $0x8000  }
0xab: {  	[sflag:s21] =	ssyncset.done $0x0  }
0xac: {  	[sflag:s21] =	ssyncadd.s32 $0xFFFF8000  }
0xad: {  	v3 =	vld [tilespmem:$0x60];
	_ =	sdelay $0x4  }
0xae: {  	v62 =	vshll.u32 v3, $0x3  }
0xaf: {  	v3 =	vand.u32 $0x7, v3;
	v4 =	vand.u32 $0xFFFFFFC0, v62  }
0xb0: {  	v3 =	vor.u32 v3, v4  }
0xb1: {  	v4 =	vperm.xlane v3, v0;
	_ =	sdelay $0x1  }
0xb2: {  	v4 =	vadd.s32 v1, v4;
	_ =	sdelay $0x4  }
0xb3: {  	[tilespmem:s0], [sflag:$0x4] =	stream.indirect_vreg.gather [hbm4b:s1+s3], $0x80, v4, vm0, $0xb8;
	[tilespmem:$0x10080] =	vst v63  }
0xb4: {  	v3 =	vperm.xlane v3, v2  }
0xb5: {  	[tilespmem:s18], [sflag:$0x4] =	stream.indirect_vreg.gather [hbm4b:s5+s3], $0x80, v4, vm0, $0xb8;
	[tilespmem:$0x10080] =	vst v63  }
0xb6: {  	v3 =	vadd.s32 v1, v3  }
0xb7: {  	[tilespmem:s19], [sflag:$0x4] =	stream.indirect_vreg.gather [hbm4b:s6+s3], $0x80, v4, vm0, $0xb8;
	[tilespmem:$0x10080] =	vst v63  }
0xb8: {  	_ = 	snop  }
0xb9: {  	[tilespmem:s20], [sflag:$0x4] =	stream.indirect_vreg.gather [hbm4b:s7+s3], $0x80, v4, vm0, $0xb8;
	[tilespmem:$0x10080] =	vst v63  }
0xba: {  	s22 =	simm.s32 $0xA080  }
0xbb: {  	[tilespmem:s22], [sflag:$0x4] =	stream.indirect_vreg.gather [hbm4b:s1+s3], $0x80, v3, vm0, $0xb8;
	[tilespmem:$0x10080] =	vst v63  }
0xbc: {  	_ = 	snop  }
0xbd: {  	[tilespmem:s10], [sflag:$0x4] =	stream.indirect_vreg.gather [hbm4b:s5+s3], $0x80, v3, vm0, $0xb8;
	[tilespmem:$0x10080] =	vst v63  }
0xbe: {  	s10 =	simm.s32 $0xB080  }
0xbf: {  	[tilespmem:s10], [sflag:$0x4] =	stream.indirect_vreg.gather [hbm4b:s6+s3], $0x80, v3, vm0, $0xb8;
	[tilespmem:$0x10080] =	vst v63  }
0xc0: {  	s22 =	simm.s32 $0xB880  }
0xc1: {  	[tilespmem:s22], [sflag:$0x4] =	stream.indirect_vreg.gather [hbm4b:s7+s3], $0x80, v3, vm0, $0xb8;
	[tilespmem:$0x10080] =	vst v63  }
0xc2: {  	v3 =	vld [tilespmem:$0x70];
	_ =	sdelay $0x4  }
0xc3: {  	v63 =	vshll.u32 v3, $0x3  }
0xc4: {  	v3 =	vand.u32 $0x7, v3;
	v4 =	vand.u32 $0xFFFFFFC0, v63  }
0xc5: {  	v3 =	vor.u32 v3, v4  }
0xc6: {  	v4 =	vperm.xlane v3, v0;
	_ =	sdelay $0x1  }
0xc7: {  	v4 =	vadd.s32 v1, v4;
	_ =	sdelay $0x3  }
0xc8: {  	s10 =	simm.s32 $0xC080  }
0xc9: {  	[tilespmem:s10], [sflag:$0x4] =	stream.indirect_vreg.gather [hbm4b:s1+s3], $0x80, v4, vm0, $0xb8;
	[tilespmem:$0x10080] =	vst v63  }
0xca: {  	s22 =	simm.s32 $0xC880;
	v3 =	vperm.xlane v3, v2  }
0xcb: {  	[tilespmem:s22], [sflag:$0x4] =	stream.indirect_vreg.gather [hbm4b:s5+s3], $0x80, v4, vm0, $0xb8;
	[tilespmem:$0x10080] =	vst v63  }
0xcc: {  	v3 =	vadd.s32 v1, v3;
	s10 =	simm.s32 $0xD080  }
0xcd: {  	[tilespmem:s10], [sflag:$0x4] =	stream.indirect_vreg.gather [hbm4b:s6+s3], $0x80, v4, vm0, $0xb8;
	[tilespmem:$0x10080] =	vst v63  }
0xce: {  	s22 =	simm.s32 $0xD880  }
0xcf: {  	[tilespmem:s22], [sflag:$0x4] =	stream.indirect_vreg.gather [hbm4b:s7+s3], $0x80, v4, vm0, $0xb8;
	[tilespmem:$0x10080] =	vst v63  }
0xd0: {  	s10 =	simm.s32 $0xE080  }
0xd1: {  	[tilespmem:s10], [sflag:$0x4] =	stream.indirect_vreg.gather [hbm4b:s1+s3], $0x80, v3, vm0, $0xb8;
	[tilespmem:$0x10080] =	vst v63  }
0xd2: {  	s22 =	simm.s32 $0xE880  }
0xd3: {  	[tilespmem:s22], [sflag:$0x4] =	stream.indirect_vreg.gather [hbm4b:s5+s3], $0x80, v3, vm0, $0xb8;
	[tilespmem:$0x10080] =	vst v63  }
0xd4: {  	s10 =	simm.s32 $0xF080  }
0xd5: {  	[tilespmem:s10], [sflag:$0x4] =	stream.indirect_vreg.gather [hbm4b:s6+s3], $0x80, v3, vm0, $0xb8;
	[tilespmem:$0x10080] =	vst v63  }
0xd6: {  	s22 =	simm.s32 $0xF880  }
0xd7: {  	[tilespmem:s22], [sflag:$0x4] =	stream.indirect_vreg.gather [hbm4b:s7+s3], $0x80, v3, vm0, $0xb8;
	[tilespmem:$0x10080] =	vst v63  }
0xd8: {  	_ =	swait.ge [sflag:s26], $0x8000  }
0xd9: {  	[sflag:s26] =	ssyncset.done $0x0  }
0xda: {  	s10 =	rddreg [dreg:$0x7];
	[sflag:s26] =	ssyncadd.s32 $0xFFFF8000  }
0xdb: {  	[hbm4b:s10+s3] =	stream.linear.scatter [tilespmem:s0], [sflag:$0x3], $0x8000, $0x38;
	[tilespmem:$0x10080] =	vst v63  }
0xdc: {  	p0 =	sne.s32 s8, $0x1;
	_ =	swait.ge [sflag:s4], $0x8000  }
.Ltmp0:
0xdd: {  	[sflag:s4] =	ssyncset.done $0x0;
	(pc) =	sbr.rel @p0 .LBB2_1-.Ltmp0, $4  }
0xde: {  	[sflag:s4] =	ssyncadd.s32 $0xFFFF8000  }
0xdf: {  	_ =	swait.ge [sflag:s21], $0x8000  }
0xe0: {  	[sflag:s21] =	ssyncset.done $0x0  }
0xe1: {  	s8 =	sadd.s32 $0xFFFFFFFF, s8;
	[sflag:s21] =	ssyncadd.s32 $0xFFFF8000  }
0xe2: {  	_ =	sfence.sel $0x180000  }
0xe3: {  	[bflag:$0x0] =	sbarrier.arrive $0xFFFF  }
0xe4: {  	_ =	strace $0x90000047  }
0xe5: {  	s0 =	stileid.u32;
	[bflag:$0x2] =	sbarrier.arrive $0xFFFF  }
0xe6: {  	p0 =	sne.s32 s0, $0x0;
	s0 =	rddreg [dreg:$0x3]  }
0xe7: {  	s0 =	sadd.s32 @!p0 $0x100000, s0  }
0xe8: {  	[sflag:s0] =	ssyncadd.tile.s32 @!p0 $0x1;
	_ =	shalt  }
.Lfunc_end2:
_tile_overlayer_lowered:
.L_overlay_start_2:
0xe9: {  	(tag) =	ssettag $0x2  }
0xea: {  	s0 =	rddreg [dreg:$0x0];
	s2 =	stileid.u32  }
0xeb: {  	s1 =	rddreg [dreg:$0x1];
	p0 =	sne.s32 s2, $0x0  }
0xec: {  	s3 =	rddreg [dreg:$0x2];
	[bflag:$0x3] =	sbarrier.arrive $0xFFFF;
	s2 =	simm.s32 @!p0 $0x1C04  }
0xed: {  	[timem:s3], [sflag:s2] =	dma.local @!p0 [hbm:s0], s1  }
0xee: {  	s0 =	simm.s32 @!p0 $0x4  }
0xef: {  	_ =	swait.ge @!p0 [sflag:s0], s1  }
0xf0: {  	s1 =	ssub.s32 @!p0 $0x0, s1;
	[sflag:s0] =	ssyncset.done @!p0 $0x0  }
0xf1: {  	[sflag:s0] =	ssyncadd.s32 @!p0 s1  }
0xf2: {  	[bflag:$0x3] =	sbarrier.arrive $0xFFFF  }
0xf3: {  	_ =	shalt  }

// kernel: kernel.18.cloned.1.call-start
scs
__scs_entry_jumppad:
0x0: {  	(pc) =	sbr.rel $0x88, $3  }
0x1: {  	(tag) =	ssettag $0x0;
	lr =	simm.s32 $0x1  }
0x2: {  	[smem:$0x3F99] =	sst lr;
	_ =	strace $0xD0000000  }
0x3: {  	_ = 	snop  }
0x4: {  	_ = 	snop  }
0x5: {  	_ = 	snop  }
0x6: {  	_ = 	snop  }
0x7: {  	_ = 	snop  }
__scs_overlays_trampoline_lowered:
0x8: {  	[smem:$0x3FA8] =	sst s0  }
0x9: {  	[smem:$0x3FA9] =	sst s1  }
0xa: {  	[smem:$0x3FAA] =	sst s2  }
0xb: {  	[smem:$0x3FAB] =	sst s3  }
0xc: {  	[smem:$0x3FAC] =	sst s4  }
0xd: {  	[smem:$0x3FAD] =	sst s5  }
0xe: {  	[smem:$0x3FAE] =	sst s6  }
0xf: {  	[smem:$0x3FAF] =	sst s7  }
0x10: {  	[smem:$0x3FB0] =	sst s8  }
0x11: {  	[smem:$0x3FB1] =	sst s9;
	s0 =	simm.s32 @!p0 $0x0  }
0x12: {  	s1 =	sld [smem:$0x3F97];
	s0 =	simm.s32 @p0 $0x1  }
0x13: {  	[smem:$0x3FB2] =	sst s0;
	s0 =	simm.s32 @!p1 $0x0  }
0x14: {  	s2 =	sld [smem:$0x3F96];
	s0 =	simm.s32 @p1 $0x1  }
0x15: {  	[smem:$0x3FB3] =	sst s0;
	s0 =	simm.s32 @!p2 $0x0  }
0x16: {  	s3 =	sld [smem:$0x3FDB];
	s0 =	simm.s32 @p2 $0x1  }
0x17: {  	s4 =	simm.s32 $0x1BF5;
	[smem:$0x3FB5] =	sst s0  }
0x18: {  	s0 =	sld [smem:$0x3F98];
	_ =	swait.ge [sflag:s4], $0x0  }
0x19: {  	s7 =	sld [smem:$0x3F99]  }
0x1a: {  	s8 =	sadd.s32 $0xFFFFE003, lr  }
0x1b: {  	s9 =	sadd.s32 $0xFFFFFEF7, lr;
	s5 =	simm.s32 $0xFFFFFFFF;
	p2 =	slt.u32 s8, $0xFFFFF086  }
0x1c: {  	p1 =	slt.u32 s9, $0xF7A;
	s5 =	simm.s32 @!p2 $0x0  }
0x1d: {  	s5 =	simm.s32 @p1 $0x1;
	p0 =	seq.s32 s7, s2  }
0x1e: {  	s7 =	smul.u32 @!p0 $0xF7A, s2;
	p2 =	seq.s32 @!p0 s5, $0x0  }
0x1f: {  	s9 =	smul.u32 $0xF7A, s1;
	s8 =	simm.s32 @!p0 $0x1BF5;
	p2 =	por !p2, p0  }
0x20: {  	[sflag:s8] =	ssyncset.s32 @!p0 $0xFFFFF086;
	s6 =	sadd.s32 @!p0 s3, s7;
	s7 =	simm.s32 @!p0 $0x108  }
0x21: {  	s3 =	sadd.s32 s3, s9;
	s6 =	sadd.s32 @!p0 $0x88, s6;
	s7 =	simm.s32 @p2 $0x1082  }
0x22: {  	[simem:s7], [sflag:s8] =	dma.local @!p0 [hbm:s6], $0xF7A  }
0x23: {  	s9 =	sor.u32 $0xD0000000, s2;
	s6 =	simm.s32 $0x108;
	_ =	swait.ge @!p0 [sflag:s8], $0x0  }
0x24: {  	s3 =	sadd.s32 $0x88, s3;
	s6 =	simm.s32 @!p1 $0x1082;
	[sflag:s4] =	ssyncset.s32 $0xFFFFF086  }
0x25: {  	[simem:s6], [sflag:s4] =	dma.local [hbm:s3], $0xF7A  }
0x26: {  	[smem:$0x3F99] =	sst s1;
	(tag) =	ssettag s2;
	_ =	strace s9  }
0x27: {  	s1 =	sld [smem:$0x3FA9]  }
0x28: {  	s2 =	sld [smem:$0x3FAA]  }
0x29: {  	s4 =	sld [smem:$0x3FAC]  }
0x2a: {  	p0 =	seq.s32 s5, $0x0;
	s5 =	sld [smem:$0x3FAD]  }
0x2b: {  	s6 =	sld [smem:$0x3FAE]  }
0x2c: {  	s7 =	sld [smem:$0x3FAF]  }
0x2d: {  	s3 =	simm.s32 $0x108;
	s8 =	sld [smem:$0x3FB0]  }
0x2e: {  	s3 =	simm.s32 @!p0 $0x1082;
	s9 =	sld [smem:$0x3FB1]  }
0x2f: {  	lr =	sadd.s32 s0, s3;
	s0 =	sld [smem:$0x3FA8]  }
0x30: {  	s3 =	sld [smem:$0x3FAB]  }
0x31: {  	[smem:$0x3FB4] =	sst s10  }
0x32: {  	s10 =	sld [smem:$0x3FB2];
	_ =	sdelay $0x3  }
0x33: {  	p0 =	seq.s32 s10, $0x1;
	s10 =	sld [smem:$0x3FB4];
	_ =	sdelay $0x3  }
0x34: {  	[smem:$0x3FB4] =	sst s10  }
0x35: {  	s10 =	sld [smem:$0x3FB3];
	_ =	sdelay $0x3  }
0x36: {  	p1 =	seq.s32 s10, $0x1;
	s10 =	sld [smem:$0x3FB4];
	_ =	sdelay $0x3  }
0x37: {  	[smem:$0x3FB4] =	sst s10  }
0x38: {  	s10 =	sld [smem:$0x3FB5]  }
0x39: {  	_ = 	snop;
	(pc) =	sbr.ind lr, $3  }
0x3a: {  	_ = 	snop  }
0x3b: {  	_ = 	snop  }
0x3c: {  	p2 =	seq.s32 s10, $0x1;
	s10 =	sld [smem:$0x3FB4]  }
0x3d: {  	_ =	shalt  }
0x3e: {  	_ =	shalt  }
0x3f: {  	_ =	shalt  }
0x40: {  	_ =	shalt  }
0x41: {  	_ =	shalt  }
0x42: {  	_ =	shalt  }
0x43: {  	_ =	shalt  }
0x44: {  	_ =	shalt  }
0x45: {  	_ =	shalt  }
0x46: {  	_ =	shalt  }
0x47: {  	_ =	shalt  }
0x48: {  	_ =	shalt  }
0x49: {  	_ =	shalt  }
0x4a: {  	_ =	shalt  }
0x4b: {  	_ =	shalt  }
0x4c: {  	_ =	shalt  }
0x4d: {  	_ =	shalt  }
0x4e: {  	_ =	shalt  }
0x4f: {  	_ =	shalt  }
0x50: {  	_ =	shalt  }
0x51: {  	_ =	shalt  }
0x52: {  	_ =	shalt  }
0x53: {  	_ =	shalt  }
0x54: {  	_ =	shalt  }
0x55: {  	_ =	shalt  }
0x56: {  	_ =	shalt  }
0x57: {  	_ =	shalt  }
0x58: {  	_ =	shalt  }
0x59: {  	_ =	shalt  }
0x5a: {  	_ =	shalt  }
0x5b: {  	_ =	shalt  }
0x5c: {  	_ =	shalt  }
0x5d: {  	_ =	shalt  }
0x5e: {  	_ =	shalt  }
0x5f: {  	_ =	shalt  }
0x60: {  	_ =	shalt  }
0x61: {  	_ =	shalt  }
0x62: {  	_ =	shalt  }
0x63: {  	_ =	shalt  }
0x64: {  	_ =	shalt  }
0x65: {  	_ =	shalt  }
0x66: {  	_ =	shalt  }
0x67: {  	_ =	shalt  }
0x68: {  	_ =	shalt  }
0x69: {  	_ =	shalt  }
0x6a: {  	_ =	shalt  }
0x6b: {  	_ =	shalt  }
0x6c: {  	_ =	shalt  }
0x6d: {  	_ =	shalt  }
0x6e: {  	_ =	shalt  }
0x6f: {  	_ =	shalt  }
0x70: {  	_ =	shalt  }
0x71: {  	_ =	shalt  }
0x72: {  	_ =	shalt  }
0x73: {  	_ =	shalt  }
0x74: {  	_ =	shalt  }
0x75: {  	_ =	shalt  }
0x76: {  	_ =	shalt  }
0x77: {  	_ =	shalt  }
0x78: {  	_ =	shalt  }
0x79: {  	_ =	shalt  }
0x7a: {  	_ =	shalt  }
0x7b: {  	_ =	shalt  }
0x7c: {  	_ =	shalt  }
0x7d: {  	_ =	shalt  }
0x7e: {  	_ =	shalt  }
0x7f: {  	_ =	shalt  }
0x80: {  	_ =	shalt  }
0x81: {  	_ =	shalt  }
0x82: {  	_ =	shalt  }
0x83: {  	_ =	shalt  }
0x84: {  	_ =	shalt  }
0x85: {  	_ =	shalt  }
0x86: {  	_ =	shalt  }
0x87: {  	_ =	shalt  }
.Lfunc_end0:
.L_simem_size_0:
called_computation.1_lowered:
.L_overlay_start_0:
0x88: {  	s2 =	sld [smem:$0x3FD9]  }
0x89: {  	s3 =	sld [smem:$0x3FFE];
	_ =	sdelay $0x1  }
0x8a: {  	s1 =	srdreg.scid  }
0x8b: {  	s0 =	sand.u32 $0x1, s1  }
0x8c: {  	s17 =	sshll.u32 s0, $0xA;
	s2 =	sadd.s32 s3, s2  }
0x8d: {  	s2 =	sadd.s32 s2, s17  }
0x8e: {  	[smem:$0x3FC0] =	sst s2  }
0x8f: {  	_ = 	snop  }
0x90: {  	s2 =	sld [smem:$0x3FD0];
	(tm) =	ssettm $0x1  }
0x91: {  	s18 =	sld [smem:$0x3FFB];
	_ =	sdelay $0x3  }
0x92: {  	_ =	strace s18  }
0x93: {  	s3 =	sld [smem:$0x3FFC];
	_ =	sdelay $0x3  }
0x94: {  	_ =	strace s3  }
0x95: {  	s3 =	sld [smem:$0x3FFD];
	_ =	sdelay $0x3  }
0x96: {  	_ =	strace s3  }
0x97: {  	_ =	strace $0x8FFFFFFF  }
0x98: {  	s19 =	sld [smem:$0x3FDB];
	_ =	sdelay $0x1  }
0x99: {  	s4 =	simm.s32 $_scs_section_size  }
0x9a: {  	s5 =	simm.s32 $_size__tile_overlayer_lowered;
	s6 =	simm.s32 $_tile_overlayer_lowered  }
0x9b: {  	s22 =	simm.s32 $0x1BFF;
	s21 =	sshll.u32 s6, $0x1;
	s3 =	sadd.s32 s4, s19  }
0x9c: {  	s7 =	simm.s32 $0x0;
	s20 =	sshll.u32 s5, $0x1;
	s5 =	sadd.s32 s21, s3  }
0x9d: {  	[timem:s7], [sflag:s22] =	dma.local [hbm:s5], s20  }
0x9e: {  	_ =	swait.ge [sflag:s22], s20  }
0x9f: {  	s4 =	ssub.s32 $0x0, s20;
	[sflag:s22] =	ssyncset.done $0x0  }
0xa0: {  	[sflag:s22] =	ssyncadd.s32 s4;
	_ =	sdelay $0x1  }
0xa1: {  	s23 =	simm.s32 $0x1B8B  }
0xa2: {  	_ =	swait.ge [sflag:s23], $0x1  }
0xa3: {  	[sflag:s23] =	ssyncset.done $0x0  }
0xa4: {  	s25 =	simm.s32 $0x1B8E;
	s24 =	sld [smem:$0x3FFE];
	[sflag:s23] =	ssyncadd.s32 $0xFFFFFFFF  }
0xa5: {  	s26 =	simm.s32 $execute0_lowered;
	[smem:$0x3FD2] =	sst s25  }
0xa6: {  	s5 =	sshll.u32 s26, $0x1;
	_ =	strace $0x80000049;
	[dreg:$0x1] =	wrdreg $0xFFFFFFFF  }
0xa7: {  	s28 =	simm.s32 $_size_execute0_lowered;
	s3 =	sadd.s32 s3, s5;
	[dreg:$0x0] =	wrdreg $0x0  }
0xa8: {  	s5 =	sshll.u32 s28, $0x1;
	[dreg:$0x2] =	wrdreg s3  }
0xa9: {  	[dreg:$0x3] =	wrdreg s5  }
0xaa: {  	[dreg:$0x4] =	wrdreg $0xC0  }
0xab: {  	_ =	task [dreg:s7], $0x5FFFF  }
0xac: {  	[dreg:$0x1] =	wrdreg $0xFFFFFFFF  }
0xad: {  	[dreg:$0x0] =	wrdreg $0x60  }
0xae: {  	[dreg:$0x2] =	wrdreg s2  }
0xaf: {  	[dreg:$0x3] =	wrdreg s24  }
0xb0: {  	[dreg:$0x4] =	wrdreg $0x9  }
0xb1: {  	_ =	task.clear_ibuf [dreg:s7], $0x5FFFF;
	_ =	strace $0x90000049  }
0xb2: {  	s29 =	simm.s32 $0x9;
	_ =	strace $0x8000004B  }
0xb3: {  	_ =	swait.ge [sflag:s29], $0x1  }
0xb4: {  	[sflag:s29] =	ssyncadd.s32 $0xFFFFFFFF  }
0xb5: {  	_ =	strace $0x9000004B  }
0xb6: {  	_ =	sfence  }
0xb7: {  	s30 =	sld [smem:$0x0];
	_ =	sdelay $0x2  }
0xb8: {  	s31 =	sshll.u32 s1, $0xD;
	s1 =	sshrl.u32 s1, $0x2  }
0xb9: {  	s3 =	sand.u32 $0x4000, s31;
	s1 =	sadd.s32 s1, s30  }
0xba: {  	s0 =	sor.u32 s3, s0;
	s1 =	sshll.u32 s1, $0x11  }
0xbb: {  	s0 =	sor.u32 s1, s0  }
0xbc: {  	s0 =	sadd.s32 $0x8F2B, s0  }
0xbd: {  	[sflag:s0] =	ssyncadd.remote.s32 $0x1  }
0xbe: {  	_ =	sfence.sel $0xFFFF  }
0xbf: {  	[dreg:$0x0] =	wrdreg $0xFFFFFFFF;
	(pc) =	sbr.abs _section_cstart, $3  }
0xc0: {  	[dreg:$0x1] =	wrdreg $0xFFFFFFFF  }
0xc1: {  	_ =	task.clear_ibuf [dreg:s7], $0x2FFFF;
	_ =	strace $0x9FFFFFFF  }
0xc2: {  	(tm) =	ssettm $0x7FFFFFFF  }
0xc3: {  	_ =	shalt  }
tec
execute0_lowered:
.L_overlay_start_1:
0x0: {  	(tag) =	ssettag $0x1  }
0x1: {  	s0 =	srdreg.scid;
	s1 =	rddreg [dreg:$0x0]  }
0x2: {  	s5 =	stileid.u32;
	s7 =	rddreg [dreg:$0x1]  }
0x3: {  	s28 =	simm.s32 $0x80;
	s31 =	simm.s32 $0x400;
	s11 =	simm.s32 $0x2  }
0x4: {  	s0 =	sand.u32 $0x1, s0;
	s2 =	sshll.u32 s5, $0x5;
	s4 =	sshll.u32 s5, $0x4  }
0x5: {  	s19 =	sshll.u32 s5, $0xF;
	s3 =	sshll.u32 s0, $0x9;
	s2 =	sand.u32 $0x100, s2  }
0x6: {  	s5 =	sadd.s32 s1, s19;
	s3 =	sor.u32 s3, s2;
	s2 =	simm.s32 $0x0  }
0x7: {  	s12 =	simm.s32 $0x8100;
	s1 =	sadd.s32 $0x1000, s5;
	[smem:$0x7FF] =	sst s2  }
0x8: {  	s20 =	sadd.s32 $0x2000, s5;
	_ =	strace $0x8000004A;
	[dreg:$0x4] =	wrdreg s1  }
0x9: {  	s29 =	simm.s32 $0x4;
	s21 =	sadd.s32 $0x3000, s5;
	[dreg:$0x5] =	wrdreg s20  }
0xa: {  	s30 =	simm.s32 $0x3;
	s22 =	sadd.s32 $0x4000, s5;
	[dreg:$0x6] =	wrdreg s21  }
0xb: {  	s6 =	sadd.s32 $0x15800, s7;
	s23 =	sadd.s32 $0x5000, s5;
	[dreg:$0x7] =	wrdreg s22  }
0xc: {  	s0 =	ssub.s32 $0x2, s0;
	s25 =	sadd.s32 $0x6000, s5;
	[dreg:$0x8] =	wrdreg s23  }
0xd: {  	s4 =	sand.u32 $0x70, s4;
	s24 =	sshrl.u32 s0, $0x1;
	[dreg:$0x9] =	wrdreg s25  }
0xe: {  	s26 =	sadd.s32 $0x7000, s5;
	s3 =	sor.u32 s4, s3;
	[dreg:$0xd] =	wrdreg s5  }
0xf: {  	s4 =	sadd.s32 $0x15600, s7;
	s0 =	ssub.s32 s0, s24;
	[dreg:$0xa] =	wrdreg s26  }
0x10: {  	v2 =	vlaneseq.u32;
	s3 =	sadd.s32 s3, s7;
	s5 =	sadd.s32 $0x15700, s7;
	[dreg:$0xb] =	wrdreg s28  }
0x11: {  	vm0 =	vmmov $0xffff;
	v1 =	vshrl.u32 v2, $0x3;
	s7 =	sadd.s32 $0x15900, s7;
	[dreg:$0xc] =	wrdreg s31;
	s3 =	sadd.s32 $0x15200, s3  }
0x12: {  	v0 =	vand.u32 $0x7, v2;
	v2 =	vor.u32 $0x8, v2;
	v1 =	vmul.u32 $0x8, v1;
	s8 =	smax.u32 s0, $0x1;
	s22 =	simm.s32 $0x100;
	[dreg:$0x3] =	wrdreg s3  }
.LBB2_1:
0x13: {  	s23 =	rddreg [dreg:$0x3]  }
0x14: {  	s24 =	rddreg [dreg:$0xb]  }
0x15: {  	s25 =	rddreg [dreg:$0xc];
	s18 =	simm.s32 $0x1  }
0x16: {  	[tilespmem:s2], [sflag:$0x1] =	stream.strided.gather [hbm4b:s23+s24], $0x100, s25, s24, $0x38;
	[tilespmem:$0x10100] =	vst v63  }
0x17: {  	_ =	swait.ge [sflag:s18], $0x100  }
0x18: {  	[sflag:s18] =	ssyncset.done $0x0  }
0x19: {  	s19 =	rddreg [dreg:$0xd];
	[sflag:s18] =	ssyncadd.s32 $0xFFFFFF00  }
0x1a: {  	[tilespmem:s22], [sflag:$0x2] =	stream.linear.gather [hbm4b:s19+s2], $0x8000, $0x38;
	[tilespmem:$0x10100] =	vst v63  }
0x1b: {  	_ =	swait.ge [sflag:s11], $0x8000  }
0x1c: {  	[sflag:s11] =	ssyncset.done $0x0  }
0x1d: {  	s20 =	rddreg [dreg:$0x4];
	[sflag:s11] =	ssyncadd.s32 $0xFFFF8000  }
0x1e: {  	[tilespmem:s12], [sflag:$0x3] =	stream.linear.gather [hbm4b:s20+s2], $0x8000, $0x38;
	[tilespmem:$0x10100] =	vst v63  }
0x1f: {  	v3 =	vld [tilespmem:$0x0];
	_ =	sdelay $0x4  }
0x20: {  	v4 =	vshll.u32 v3, $0x3  }
0x21: {  	v3 =	vand.u32 $0x7, v3;
	v4 =	vand.u32 $0xFFFFFFC0, v4  }
0x22: {  	v3 =	vor.u32 v3, v4  }
0x23: {  	v4 =	vperm.xlane v3, v0;
	_ =	sdelay $0x1  }
0x24: {  	v4 =	vadd.s32 v1, v4;
	_ =	sdelay $0x4  }
0x25: {  	[hbm4b:s4+s2] =	stream.indirect_vreg.scatter [tilespmem:s22], [sflag:$0x4], $0x80, v4, vm0, $0xb8;
	[tilespmem:$0x10100] =	vst v63  }
0x26: {  	s0 =	simm.s32 $0x900;
	v3 =	vperm.xlane v3, v2  }
0x27: {  	[hbm4b:s5+s2] =	stream.indirect_vreg.scatter [tilespmem:s0], [sflag:$0x4], $0x80, v4, vm0, $0xb8;
	[tilespmem:$0x10100] =	vst v63  }
0x28: {  	s21 =	simm.s32 $0x1100;
	v3 =	vadd.s32 v1, v3  }
0x29: {  	[hbm4b:s6+s2] =	stream.indirect_vreg.scatter [tilespmem:s21], [sflag:$0x4], $0x80, v4, vm0, $0xb8;
	[tilespmem:$0x10100] =	vst v63  }
0x2a: {  	s23 =	simm.s32 $0x1900  }
0x2b: {  	[hbm4b:s7+s2] =	stream.indirect_vreg.scatter [tilespmem:s23], [sflag:$0x4], $0x80, v4, vm0, $0xb8;
	[tilespmem:$0x10100] =	vst v63  }
0x2c: {  	s24 =	simm.s32 $0x2100  }
0x2d: {  	[hbm4b:s4+s2] =	stream.indirect_vreg.scatter [tilespmem:s24], [sflag:$0x4], $0x80, v3, vm0, $0xb8;
	[tilespmem:$0x10100] =	vst v63  }
0x2e: {  	s25 =	simm.s32 $0x2900  }
0x2f: {  	[hbm4b:s5+s2] =	stream.indirect_vreg.scatter [tilespmem:s25], [sflag:$0x4], $0x80, v3, vm0, $0xb8;
	[tilespmem:$0x10100] =	vst v63  }
0x30: {  	s26 =	simm.s32 $0x3100  }
0x31: {  	[hbm4b:s6+s2] =	stream.indirect_vreg.scatter [tilespmem:s26], [sflag:$0x4], $0x80, v3, vm0, $0xb8;
	[tilespmem:$0x10100] =	vst v63  }
0x32: {  	s28 =	simm.s32 $0x3900  }
0x33: {  	[hbm4b:s7+s2] =	stream.indirect_vreg.scatter [tilespmem:s28], [sflag:$0x4], $0x80, v3, vm0, $0xb8;
	[tilespmem:$0x10100] =	vst v63  }
0x34: {  	v3 =	vld [tilespmem:$0x10];
	_ =	sdelay $0x4  }
0x35: {  	v49 =	vshll.u32 v3, $0x3  }
0x36: {  	v3 =	vand.u32 $0x7, v3;
	v4 =	vand.u32 $0xFFFFFFC0, v49  }
0x37: {  	v3 =	vor.u32 v3, v4  }
0x38: {  	v4 =	vperm.xlane v3, v0;
	_ =	sdelay $0x1  }
0x39: {  	v4 =	vadd.s32 v1, v4;
	_ =	sdelay $0x3  }
0x3a: {  	s31 =	simm.s32 $0x4100  }
0x3b: {  	[hbm4b:s4+s2] =	stream.indirect_vreg.scatter [tilespmem:s31], [sflag:$0x4], $0x80, v4, vm0, $0xb8;
	[tilespmem:$0x10100] =	vst v63  }
0x3c: {  	s14 =	simm.s32 $0x4900;
	v3 =	vperm.xlane v3, v2  }
0x3d: {  	[hbm4b:s5+s2] =	stream.indirect_vreg.scatter [tilespmem:s14], [sflag:$0x4], $0x80, v4, vm0, $0xb8;
	[tilespmem:$0x10100] =	vst v63  }
0x3e: {  	s15 =	simm.s32 $0x5100;
	v3 =	vadd.s32 v1, v3  }
0x3f: {  	[hbm4b:s6+s2] =	stream.indirect_vreg.scatter [tilespmem:s15], [sflag:$0x4], $0x80, v4, vm0, $0xb8;
	[tilespmem:$0x10100] =	vst v63  }
0x40: {  	s16 =	simm.s32 $0x5900  }
0x41: {  	[hbm4b:s7+s2] =	stream.indirect_vreg.scatter [tilespmem:s16], [sflag:$0x4], $0x80, v4, vm0, $0xb8;
	[tilespmem:$0x10100] =	vst v63  }
0x42: {  	s17 =	simm.s32 $0x6100  }
0x43: {  	[hbm4b:s4+s2] =	stream.indirect_vreg.scatter [tilespmem:s17], [sflag:$0x4], $0x80, v3, vm0, $0xb8;
	[tilespmem:$0x10100] =	vst v63  }
0x44: {  	s18 =	simm.s32 $0x6900  }
0x45: {  	[hbm4b:s5+s2] =	stream.indirect_vreg.scatter [tilespmem:s18], [sflag:$0x4], $0x80, v3, vm0, $0xb8;
	[tilespmem:$0x10100] =	vst v63  }
0x46: {  	s19 =	simm.s32 $0x7100  }
0x47: {  	[hbm4b:s6+s2] =	stream.indirect_vreg.scatter [tilespmem:s19], [sflag:$0x4], $0x80, v3, vm0, $0xb8;
	[tilespmem:$0x10100] =	vst v63  }
0x48: {  	s20 =	simm.s32 $0x7900  }
0x49: {  	[hbm4b:s7+s2] =	stream.indirect_vreg.scatter [tilespmem:s20], [sflag:$0x4], $0x80, v3, vm0, $0xb8;
	[tilespmem:$0x10100] =	vst v63  }
0x4a: {  	_ =	swait.ge [sflag:s29], $0x8000  }
0x4b: {  	[sflag:s29] =	ssyncset.done $0x0  }
0x4c: {  	[sflag:s29] =	ssyncadd.s32 $0xFFFF8000  }
0x4d: {  	_ =	swait.ge [sflag:s30], $0x8000  }
0x4e: {  	[sflag:s30] =	ssyncset.done $0x0  }
0x4f: {  	s21 =	rddreg [dreg:$0x5];
	[sflag:s30] =	ssyncadd.s32 $0xFFFF8000  }
0x50: {  	[tilespmem:s22], [sflag:$0x2] =	stream.linear.gather [hbm4b:s21+s2], $0x8000, $0x38;
	[tilespmem:$0x10100] =	vst v63  }
0x51: {  	v3 =	vld [tilespmem:$0x20];
	_ =	sdelay $0x4  }
0x52: {  	v50 =	vshll.u32 v3, $0x3  }
0x53: {  	v3 =	vand.u32 $0x7, v3;
	v4 =	vand.u32 $0xFFFFFFC0, v50  }
0x54: {  	v3 =	vor.u32 v3, v4  }
0x55: {  	v4 =	vperm.xlane v3, v0;
	_ =	sdelay $0x1  }
0x56: {  	v4 =	vadd.s32 v1, v4;
	_ =	sdelay $0x4  }
0x57: {  	[hbm4b:s4+s2] =	stream.indirect_vreg.scatter [tilespmem:s12], [sflag:$0x4], $0x80, v4, vm0, $0xb8;
	[tilespmem:$0x10100] =	vst v63  }
0x58: {  	s24 =	simm.s32 $0x8900;
	v3 =	vperm.xlane v3, v2  }
0x59: {  	[hbm4b:s5+s2] =	stream.indirect_vreg.scatter [tilespmem:s24], [sflag:$0x4], $0x80, v4, vm0, $0xb8;
	[tilespmem:$0x10100] =	vst v63  }
0x5a: {  	s25 =	simm.s32 $0x9100;
	v3 =	vadd.s32 v1, v3  }
0x5b: {  	[hbm4b:s6+s2] =	stream.indirect_vreg.scatter [tilespmem:s25], [sflag:$0x4], $0x80, v4, vm0, $0xb8;
	[tilespmem:$0x10100] =	vst v63  }
0x5c: {  	s26 =	simm.s32 $0x9900  }
0x5d: {  	[hbm4b:s7+s2] =	stream.indirect_vreg.scatter [tilespmem:s26], [sflag:$0x4], $0x80, v4, vm0, $0xb8;
	[tilespmem:$0x10100] =	vst v63  }
0x5e: {  	s28 =	simm.s32 $0xA100  }
0x5f: {  	[hbm4b:s4+s2] =	stream.indirect_vreg.scatter [tilespmem:s28], [sflag:$0x4], $0x80, v3, vm0, $0xb8;
	[tilespmem:$0x10100] =	vst v63  }
0x60: {  	s31 =	simm.s32 $0xA900  }
0x61: {  	[hbm4b:s5+s2] =	stream.indirect_vreg.scatter [tilespmem:s31], [sflag:$0x4], $0x80, v3, vm0, $0xb8;
	[tilespmem:$0x10100] =	vst v63  }
0x62: {  	s14 =	simm.s32 $0xB100  }
0x63: {  	[hbm4b:s6+s2] =	stream.indirect_vreg.scatter [tilespmem:s14], [sflag:$0x4], $0x80, v3, vm0, $0xb8;
	[tilespmem:$0x10100] =	vst v63  }
0x64: {  	s15 =	simm.s32 $0xB900  }
0x65: {  	[hbm4b:s7+s2] =	stream.indirect_vreg.scatter [tilespmem:s15], [sflag:$0x4], $0x80, v3, vm0, $0xb8;
	[tilespmem:$0x10100] =	vst v63  }
0x66: {  	v3 =	vld [tilespmem:$0x30];
	_ =	sdelay $0x4  }
0x67: {  	v51 =	vshll.u32 v3, $0x3  }
0x68: {  	v3 =	vand.u32 $0x7, v3;
	v4 =	vand.u32 $0xFFFFFFC0, v51  }
0x69: {  	v3 =	vor.u32 v3, v4  }
0x6a: {  	v4 =	vperm.xlane v3, v0;
	_ =	sdelay $0x1  }
0x6b: {  	v4 =	vadd.s32 v1, v4;
	_ =	sdelay $0x3  }
0x6c: {  	s16 =	simm.s32 $0xC100  }
0x6d: {  	[hbm4b:s4+s2] =	stream.indirect_vreg.scatter [tilespmem:s16], [sflag:$0x4], $0x80, v4, vm0, $0xb8;
	[tilespmem:$0x10100] =	vst v63  }
0x6e: {  	s23 =	simm.s32 $0xC900;
	v3 =	vperm.xlane v3, v2  }
0x6f: {  	[hbm4b:s5+s2] =	stream.indirect_vreg.scatter [tilespmem:s23], [sflag:$0x4], $0x80, v4, vm0, $0xb8;
	[tilespmem:$0x10100] =	vst v63  }
0x70: {  	s24 =	simm.s32 $0xD100;
	v3 =	vadd.s32 v1, v3  }
0x71: {  	[hbm4b:s6+s2] =	stream.indirect_vreg.scatter [tilespmem:s24], [sflag:$0x4], $0x80, v4, vm0, $0xb8;
	[tilespmem:$0x10100] =	vst v63  }
0x72: {  	s25 =	simm.s32 $0xD900  }
0x73: {  	[hbm4b:s7+s2] =	stream.indirect_vreg.scatter [tilespmem:s25], [sflag:$0x4], $0x80, v4, vm0, $0xb8;
	[tilespmem:$0x10100] =	vst v63  }
0x74: {  	s26 =	simm.s32 $0xE100  }
0x75: {  	[hbm4b:s4+s2] =	stream.indirect_vreg.scatter [tilespmem:s26], [sflag:$0x4], $0x80, v3, vm0, $0xb8;
	[tilespmem:$0x10100] =	vst v63  }
0x76: {  	s31 =	simm.s32 $0xE900  }
0x77: {  	[hbm4b:s5+s2] =	stream.indirect_vreg.scatter [tilespmem:s31], [sflag:$0x4], $0x80, v3, vm0, $0xb8;
	[tilespmem:$0x10100] =	vst v63  }
0x78: {  	s14 =	simm.s32 $0xF100  }
0x79: {  	[hbm4b:s6+s2] =	stream.indirect_vreg.scatter [tilespmem:s14], [sflag:$0x4], $0x80, v3, vm0, $0xb8;
	[tilespmem:$0x10100] =	vst v63  }
0x7a: {  	s15 =	simm.s32 $0xF900  }
0x7b: {  	[hbm4b:s7+s2] =	stream.indirect_vreg.scatter [tilespmem:s15], [sflag:$0x4], $0x80, v3, vm0, $0xb8;
	[tilespmem:$0x10100] =	vst v63  }
0x7c: {  	_ =	swait.ge [sflag:s29], $0x8000  }
0x7d: {  	[sflag:s29] =	ssyncset.done $0x0  }
0x7e: {  	[sflag:s29] =	ssyncadd.s32 $0xFFFF8000  }
0x7f: {  	_ =	swait.ge [sflag:s11], $0x8000  }
0x80: {  	[sflag:s11] =	ssyncset.done $0x0  }
0x81: {  	s16 =	rddreg [dreg:$0x6];
	[sflag:s11] =	ssyncadd.s32 $0xFFFF8000  }
0x82: {  	[tilespmem:s12], [sflag:$0x3] =	stream.linear.gather [hbm4b:s16+s2], $0x8000, $0x38;
	[tilespmem:$0x10100] =	vst v63  }
0x83: {  	v3 =	vld [tilespmem:$0x40];
	_ =	sdelay $0x4  }
0x84: {  	v52 =	vshll.u32 v3, $0x3  }
0x85: {  	v3 =	vand.u32 $0x7, v3;
	v4 =	vand.u32 $0xFFFFFFC0, v52  }
0x86: {  	v3 =	vor.u32 v3, v4  }
0x87: {  	v4 =	vperm.xlane v3, v0;
	_ =	sdelay $0x1  }
0x88: {  	v4 =	vadd.s32 v1, v4;
	_ =	sdelay $0x4  }
0x89: {  	[hbm4b:s4+s2] =	stream.indirect_vreg.scatter [tilespmem:s22], [sflag:$0x4], $0x80, v4, vm0, $0xb8;
	[tilespmem:$0x10100] =	vst v63  }
0x8a: {  	s13 =	simm.s32 $0x900;
	v3 =	vperm.xlane v3, v2  }
0x8b: {  	[hbm4b:s5+s2] =	stream.indirect_vreg.scatter [tilespmem:s13], [sflag:$0x4], $0x80, v4, vm0, $0xb8;
	[tilespmem:$0x10100] =	vst v63  }
0x8c: {  	s1 =	simm.s32 $0x1100;
	v3 =	vadd.s32 v1, v3  }
0x8d: {  	[hbm4b:s6+s2] =	stream.indirect_vreg.scatter [tilespmem:s1], [sflag:$0x4], $0x80, v4, vm0, $0xb8;
	[tilespmem:$0x10100] =	vst v63  }
0x8e: {  	s3 =	simm.s32 $0x1900  }
0x8f: {  	[hbm4b:s7+s2] =	stream.indirect_vreg.scatter [tilespmem:s3], [sflag:$0x4], $0x80, v4, vm0, $0xb8;
	[tilespmem:$0x10100] =	vst v63  }
0x90: {  	s9 =	simm.s32 $0x2100  }
0x91: {  	[hbm4b:s4+s2] =	stream.indirect_vreg.scatter [tilespmem:s9], [sflag:$0x4], $0x80, v3, vm0, $0xb8;
	[tilespmem:$0x10100] =	vst v63  }
0x92: {  	s10 =	simm.s32 $0x2900  }
0x93: {  	[hbm4b:s5+s2] =	stream.indirect_vreg.scatter [tilespmem:s10], [sflag:$0x4], $0x80, v3, vm0, $0xb8;
	[tilespmem:$0x10100] =	vst v63  }
0x94: {  	s0 =	simm.s32 $0x3100  }
0x95: {  	[hbm4b:s6+s2] =	stream.indirect_vreg.scatter [tilespmem:s0], [sflag:$0x4], $0x80, v3, vm0, $0xb8;
	[tilespmem:$0x10100] =	vst v63  }
0x96: {  	s14 =	simm.s32 $0x3900  }
0x97: {  	[hbm4b:s7+s2] =	stream.indirect_vreg.scatter [tilespmem:s14], [sflag:$0x4], $0x80, v3, vm0, $0xb8;
	[tilespmem:$0x10100] =	vst v63  }
0x98: {  	v3 =	vld [tilespmem:$0x50];
	_ =	sdelay $0x4  }
0x99: {  	v53 =	vshll.u32 v3, $0x3  }
0x9a: {  	v3 =	vand.u32 $0x7, v3;
	v4 =	vand.u32 $0xFFFFFFC0, v53  }
0x9b: {  	v3 =	vor.u32 v3, v4  }
0x9c: {  	v4 =	vperm.xlane v3, v0;
	_ =	sdelay $0x1  }
0x9d: {  	v4 =	vadd.s32 v1, v4;
	_ =	sdelay $0x3  }
0x9e: {  	s15 =	simm.s32 $0x4100  }
0x9f: {  	[hbm4b:s4+s2] =	stream.indirect_vreg.scatter [tilespmem:s15], [sflag:$0x4], $0x80, v4, vm0, $0xb8;
	[tilespmem:$0x10100] =	vst v63  }
0xa0: {  	s16 =	simm.s32 $0x4900;
	v3 =	vperm.xlane v3, v2  }
0xa1: {  	[hbm4b:s5+s2] =	stream.indirect_vreg.scatter [tilespmem:s16], [sflag:$0x4], $0x80, v4, vm0, $0xb8;
	[tilespmem:$0x10100] =	vst v63  }
0xa2: {  	s1 =	simm.s32 $0x5100;
	v3 =	vadd.s32 v1, v3  }
0xa3: {  	[hbm4b:s6+s2] =	stream.indirect_vreg.scatter [tilespmem:s1], [sflag:$0x4], $0x80, v4, vm0, $0xb8;
	[tilespmem:$0x10100] =	vst v63  }
0xa4: {  	s3 =	simm.s32 $0x5900  }
0xa5: {  	[hbm4b:s7+s2] =	stream.indirect_vreg.scatter [tilespmem:s3], [sflag:$0x4], $0x80, v4, vm0, $0xb8;
	[tilespmem:$0x10100] =	vst v63  }
0xa6: {  	s9 =	simm.s32 $0x6100  }
0xa7: {  	[hbm4b:s4+s2] =	stream.indirect_vreg.scatter [tilespmem:s9], [sflag:$0x4], $0x80, v3, vm0, $0xb8;
	[tilespmem:$0x10100] =	vst v63  }
0xa8: {  	s10 =	simm.s32 $0x6900  }
0xa9: {  	[hbm4b:s5+s2] =	stream.indirect_vreg.scatter [tilespmem:s10], [sflag:$0x4], $0x80, v3, vm0, $0xb8;
	[tilespmem:$0x10100] =	vst v63  }
0xaa: {  	s13 =	simm.s32 $0x7100  }
0xab: {  	[hbm4b:s6+s2] =	stream.indirect_vreg.scatter [tilespmem:s13], [sflag:$0x4], $0x80, v3, vm0, $0xb8;
	[tilespmem:$0x10100] =	vst v63  }
0xac: {  	s18 =	simm.s32 $0x7900  }
0xad: {  	[hbm4b:s7+s2] =	stream.indirect_vreg.scatter [tilespmem:s18], [sflag:$0x4], $0x80, v3, vm0, $0xb8;
	[tilespmem:$0x10100] =	vst v63  }
0xae: {  	_ =	swait.ge [sflag:s29], $0x8000  }
0xaf: {  	[sflag:s29] =	ssyncset.done $0x0  }
0xb0: {  	[sflag:s29] =	ssyncadd.s32 $0xFFFF8000  }
0xb1: {  	_ =	swait.ge [sflag:s30], $0x8000  }
0xb2: {  	[sflag:s30] =	ssyncset.done $0x0  }
0xb3: {  	s18 =	rddreg [dreg:$0x7];
	[sflag:s30] =	ssyncadd.s32 $0xFFFF8000  }
0xb4: {  	[tilespmem:s22], [sflag:$0x2] =	stream.linear.gather [hbm4b:s18+s2], $0x8000, $0x38;
	[tilespmem:$0x10100] =	vst v63  }
0xb5: {  	v3 =	vld [tilespmem:$0x60];
	_ =	sdelay $0x4  }
0xb6: {  	v54 =	vshll.u32 v3, $0x3  }
0xb7: {  	v3 =	vand.u32 $0x7, v3;
	v4 =	vand.u32 $0xFFFFFFC0, v54  }
0xb8: {  	v3 =	vor.u32 v3, v4  }
0xb9: {  	v4 =	vperm.xlane v3, v0;
	_ =	sdelay $0x1  }
0xba: {  	v4 =	vadd.s32 v1, v4;
	_ =	sdelay $0x4  }
0xbb: {  	[hbm4b:s4+s2] =	stream.indirect_vreg.scatter [tilespmem:s12], [sflag:$0x4], $0x80, v4, vm0, $0xb8;
	[tilespmem:$0x10100] =	vst v63  }
0xbc: {  	s26 =	simm.s32 $0x8900;
	v3 =	vperm.xlane v3, v2  }
0xbd: {  	[hbm4b:s5+s2] =	stream.indirect_vreg.scatter [tilespmem:s26], [sflag:$0x4], $0x80, v4, vm0, $0xb8;
	[tilespmem:$0x10100] =	vst v63  }
0xbe: {  	s17 =	simm.s32 $0x9100;
	v3 =	vadd.s32 v1, v3  }
0xbf: {  	[hbm4b:s6+s2] =	stream.indirect_vreg.scatter [tilespmem:s17], [sflag:$0x4], $0x80, v4, vm0, $0xb8;
	[tilespmem:$0x10100] =	vst v63  }
0xc0: {  	s19 =	simm.s32 $0x9900  }
0xc1: {  	[hbm4b:s7+s2] =	stream.indirect_vreg.scatter [tilespmem:s19], [sflag:$0x4], $0x80, v4, vm0, $0xb8;
	[tilespmem:$0x10100] =	vst v63  }
0xc2: {  	s20 =	simm.s32 $0xA100  }
0xc3: {  	[hbm4b:s4+s2] =	stream.indirect_vreg.scatter [tilespmem:s20], [sflag:$0x4], $0x80, v3, vm0, $0xb8;
	[tilespmem:$0x10100] =	vst v63  }
0xc4: {  	s28 =	simm.s32 $0xA900  }
0xc5: {  	[hbm4b:s5+s2] =	stream.indirect_vreg.scatter [tilespmem:s28], [sflag:$0x4], $0x80, v3, vm0, $0xb8;
	[tilespmem:$0x10100] =	vst v63  }
0xc6: {  	s21 =	simm.s32 $0xB100  }
0xc7: {  	[hbm4b:s6+s2] =	stream.indirect_vreg.scatter [tilespmem:s21], [sflag:$0x4], $0x80, v3, vm0, $0xb8;
	[tilespmem:$0x10100] =	vst v63  }
0xc8: {  	s28 =	simm.s32 $0xB900  }
0xc9: {  	[hbm4b:s7+s2] =	stream.indirect_vreg.scatter [tilespmem:s28], [sflag:$0x4], $0x80, v3, vm0, $0xb8;
	[tilespmem:$0x10100] =	vst v63  }
0xca: {  	v3 =	vld [tilespmem:$0x70];
	_ =	sdelay $0x4  }
0xcb: {  	v55 =	vshll.u32 v3, $0x3  }
0xcc: {  	v3 =	vand.u32 $0x7, v3;
	v4 =	vand.u32 $0xFFFFFFC0, v55  }
0xcd: {  	v3 =	vor.u32 v3, v4  }
0xce: {  	v4 =	vperm.xlane v3, v0;
	_ =	sdelay $0x1  }
0xcf: {  	v4 =	vadd.s32 v1, v4;
	_ =	sdelay $0x3  }
0xd0: {  	s31 =	simm.s32 $0xC100  }
0xd1: {  	[hbm4b:s4+s2] =	stream.indirect_vreg.scatter [tilespmem:s31], [sflag:$0x4], $0x80, v4, vm0, $0xb8;
	[tilespmem:$0x10100] =	vst v63  }
0xd2: {  	s21 =	simm.s32 $0xC900;
	v3 =	vperm.xlane v3, v2  }
0xd3: {  	[hbm4b:s5+s2] =	stream.indirect_vreg.scatter [tilespmem:s21], [sflag:$0x4], $0x80, v4, vm0, $0xb8;
	[tilespmem:$0x10100] =	vst v63  }
0xd4: {  	s18 =	simm.s32 $0xD100;
	v3 =	vadd.s32 v1, v3  }
0xd5: {  	[hbm4b:s6+s2] =	stream.indirect_vreg.scatter [tilespmem:s18], [sflag:$0x4], $0x80, v4, vm0, $0xb8;
	[tilespmem:$0x10100] =	vst v63  }
0xd6: {  	s17 =	simm.s32 $0xD900  }
0xd7: {  	[hbm4b:s7+s2] =	stream.indirect_vreg.scatter [tilespmem:s17], [sflag:$0x4], $0x80, v4, vm0, $0xb8;
	[tilespmem:$0x10100] =	vst v63  }
0xd8: {  	s19 =	simm.s32 $0xE100  }
0xd9: {  	[hbm4b:s4+s2] =	stream.indirect_vreg.scatter [tilespmem:s19], [sflag:$0x4], $0x80, v3, vm0, $0xb8;
	[tilespmem:$0x10100] =	vst v63  }
0xda: {  	s20 =	simm.s32 $0xE900  }
0xdb: {  	[hbm4b:s5+s2] =	stream.indirect_vreg.scatter [tilespmem:s20], [sflag:$0x4], $0x80, v3, vm0, $0xb8;
	[tilespmem:$0x10100] =	vst v63  }
0xdc: {  	s23 =	simm.s32 $0xF100  }
0xdd: {  	[hbm4b:s6+s2] =	stream.indirect_vreg.scatter [tilespmem:s23], [sflag:$0x4], $0x80, v3, vm0, $0xb8;
	[tilespmem:$0x10100] =	vst v63  }
0xde: {  	s24 =	simm.s32 $0xF900  }
0xdf: {  	[hbm4b:s7+s2] =	stream.indirect_vreg.scatter [tilespmem:s24], [sflag:$0x4], $0x80, v3, vm0, $0xb8;
	[tilespmem:$0x10100] =	vst v63  }
0xe0: {  	_ =	swait.ge [sflag:s29], $0x8000  }
0xe1: {  	[sflag:s29] =	ssyncset.done $0x0  }
0xe2: {  	[sflag:s29] =	ssyncadd.s32 $0xFFFF8000  }
0xe3: {  	_ =	swait.ge [sflag:s11], $0x8000  }
0xe4: {  	[sflag:s11] =	ssyncset.done $0x0  }
0xe5: {  	s24 =	rddreg [dreg:$0x8];
	[sflag:s11] =	ssyncadd.s32 $0xFFFF8000  }
0xe6: {  	[tilespmem:s12], [sflag:$0x3] =	stream.linear.gather [hbm4b:s24+s2], $0x8000, $0x38;
	[tilespmem:$0x10100] =	vst v63  }
0xe7: {  	v3 =	vld [tilespmem:$0x80];
	_ =	sdelay $0x4  }
0xe8: {  	v56 =	vshll.u32 v3, $0x3  }
0xe9: {  	v3 =	vand.u32 $0x7, v3;
	v4 =	vand.u32 $0xFFFFFFC0, v56  }
0xea: {  	v3 =	vor.u32 v3, v4  }
0xeb: {  	v4 =	vperm.xlane v3, v0;
	_ =	sdelay $0x1  }
0xec: {  	v4 =	vadd.s32 v1, v4;
	_ =	sdelay $0x4  }
0xed: {  	[hbm4b:s4+s2] =	stream.indirect_vreg.scatter [tilespmem:s22], [sflag:$0x4], $0x80, v4, vm0, $0xb8;
	[tilespmem:$0x10100] =	vst v63  }
0xee: {  	s24 =	simm.s32 $0x900;
	v3 =	vperm.xlane v3, v2  }
0xef: {  	[hbm4b:s5+s2] =	stream.indirect_vreg.scatter [tilespmem:s24], [sflag:$0x4], $0x80, v4, vm0, $0xb8;
	[tilespmem:$0x10100] =	vst v63  }
0xf0: {  	s25 =	simm.s32 $0x1100;
	v3 =	vadd.s32 v1, v3  }
0xf1: {  	[hbm4b:s6+s2] =	stream.indirect_vreg.scatter [tilespmem:s25], [sflag:$0x4], $0x80, v4, vm0, $0xb8;
	[tilespmem:$0x10100] =	vst v63  }
0xf2: {  	s25 =	simm.s32 $0x1900  }
0xf3: {  	[hbm4b:s7+s2] =	stream.indirect_vreg.scatter [tilespmem:s25], [sflag:$0x4], $0x80, v4, vm0, $0xb8;
	[tilespmem:$0x10100] =	vst v63  }
0xf4: {  	s24 =	simm.s32 $0x2100  }
0xf5: {  	[hbm4b:s4+s2] =	stream.indirect_vreg.scatter [tilespmem:s24], [sflag:$0x4], $0x80, v3, vm0, $0xb8;
	[tilespmem:$0x10100] =	vst v63  }
0xf6: {  	s25 =	simm.s32 $0x2900  }
0xf7: {  	[hbm4b:s5+s2] =	stream.indirect_vreg.scatter [tilespmem:s25], [sflag:$0x4], $0x80, v3, vm0, $0xb8;
	[tilespmem:$0x10100] =	vst v63  }
0xf8: {  	_ = 	snop  }
0xf9: {  	[hbm4b:s6+s2] =	stream.indirect_vreg.scatter [tilespmem:s0], [sflag:$0x4], $0x80, v3, vm0, $0xb8;
	[tilespmem:$0x10100] =	vst v63  }
0xfa: {  	_ = 	snop  }
0xfb: {  	[hbm4b:s7+s2] =	stream.indirect_vreg.scatter [tilespmem:s14], [sflag:$0x4], $0x80, v3, vm0, $0xb8;
	[tilespmem:$0x10100] =	vst v63  }
0xfc: {  	v3 =	vld [tilespmem:$0x90];
	_ =	sdelay $0x4  }
0xfd: {  	v57 =	vshll.u32 v3, $0x3  }
0xfe: {  	v3 =	vand.u32 $0x7, v3;
	v4 =	vand.u32 $0xFFFFFFC0, v57  }
0xff: {  	v3 =	vor.u32 v3, v4  }
0x100: {  	v4 =	vperm.xlane v3, v0;
	_ =	sdelay $0x1  }
0x101: {  	v4 =	vadd.s32 v1, v4;
	_ =	sdelay $0x4  }
0x102: {  	[hbm4b:s4+s2] =	stream.indirect_vreg.scatter [tilespmem:s15], [sflag:$0x4], $0x80, v4, vm0, $0xb8;
	[tilespmem:$0x10100] =	vst v63  }
0x103: {  	v3 =	vperm.xlane v3, v2  }
0x104: {  	[hbm4b:s5+s2] =	stream.indirect_vreg.scatter [tilespmem:s16], [sflag:$0x4], $0x80, v4, vm0, $0xb8;
	[tilespmem:$0x10100] =	vst v63  }
0x105: {  	v3 =	vadd.s32 v1, v3  }
0x106: {  	[hbm4b:s6+s2] =	stream.indirect_vreg.scatter [tilespmem:s1], [sflag:$0x4], $0x80, v4, vm0, $0xb8;
	[tilespmem:$0x10100] =	vst v63  }
0x107: {  	_ = 	snop  }
0x108: {  	[hbm4b:s7+s2] =	stream.indirect_vreg.scatter [tilespmem:s3], [sflag:$0x4], $0x80, v4, vm0, $0xb8;
	[tilespmem:$0x10100] =	vst v63  }
0x109: {  	_ = 	snop  }
0x10a: {  	[hbm4b:s4+s2] =	stream.indirect_vreg.scatter [tilespmem:s9], [sflag:$0x4], $0x80, v3, vm0, $0xb8;
	[tilespmem:$0x10100] =	vst v63  }
0x10b: {  	_ = 	snop  }
0x10c: {  	[hbm4b:s5+s2] =	stream.indirect_vreg.scatter [tilespmem:s10], [sflag:$0x4], $0x80, v3, vm0, $0xb8;
	[tilespmem:$0x10100] =	vst v63  }
0x10d: {  	_ = 	snop  }
0x10e: {  	[hbm4b:s6+s2] =	stream.indirect_vreg.scatter [tilespmem:s13], [sflag:$0x4], $0x80, v3, vm0, $0xb8;
	[tilespmem:$0x10100] =	vst v63  }
0x10f: {  	s1 =	simm.s32 $0x7900  }
0x110: {  	[hbm4b:s7+s2] =	stream.indirect_vreg.scatter [tilespmem:s1], [sflag:$0x4], $0x80, v3, vm0, $0xb8;
	[tilespmem:$0x10100] =	vst v63  }
0x111: {  	_ =	swait.ge [sflag:s29], $0x8000  }
0x112: {  	[sflag:s29] =	ssyncset.done $0x0  }
0x113: {  	[sflag:s29] =	ssyncadd.s32 $0xFFFF8000  }
0x114: {  	_ =	swait.ge [sflag:s30], $0x8000  }
0x115: {  	[sflag:s30] =	ssyncset.done $0x0  }
0x116: {  	s3 =	rddreg [dreg:$0x9];
	[sflag:s30] =	ssyncadd.s32 $0xFFFF8000  }
0x117: {  	[tilespmem:s22], [sflag:$0x2] =	stream.linear.gather [hbm4b:s3+s2], $0x8000, $0x38;
	[tilespmem:$0x10100] =	vst v63  }
0x118: {  	v3 =	vld [tilespmem:$0xA0];
	_ =	sdelay $0x4  }
0x119: {  	v58 =	vshll.u32 v3, $0x3  }
0x11a: {  	v3 =	vand.u32 $0x7, v3;
	v4 =	vand.u32 $0xFFFFFFC0, v58  }
0x11b: {  	v3 =	vor.u32 v3, v4  }
0x11c: {  	v4 =	vperm.xlane v3, v0;
	_ =	sdelay $0x1  }
0x11d: {  	v4 =	vadd.s32 v1, v4;
	_ =	sdelay $0x4  }
0x11e: {  	[hbm4b:s4+s2] =	stream.indirect_vreg.scatter [tilespmem:s12], [sflag:$0x4], $0x80, v4, vm0, $0xb8;
	[tilespmem:$0x10100] =	vst v63  }
0x11f: {  	v3 =	vperm.xlane v3, v2  }
0x120: {  	[hbm4b:s5+s2] =	stream.indirect_vreg.scatter [tilespmem:s26], [sflag:$0x4], $0x80, v4, vm0, $0xb8;
	[tilespmem:$0x10100] =	vst v63  }
0x121: {  	s9 =	simm.s32 $0x9100;
	v3 =	vadd.s32 v1, v3  }
0x122: {  	[hbm4b:s6+s2] =	stream.indirect_vreg.scatter [tilespmem:s9], [sflag:$0x4], $0x80, v4, vm0, $0xb8;
	[tilespmem:$0x10100] =	vst v63  }
0x123: {  	s10 =	simm.s32 $0x9900  }
0x124: {  	[hbm4b:s7+s2] =	stream.indirect_vreg.scatter [tilespmem:s10], [sflag:$0x4], $0x80, v4, vm0, $0xb8;
	[tilespmem:$0x10100] =	vst v63  }
0x125: {  	s13 =	simm.s32 $0xA100  }
0x126: {  	[hbm4b:s4+s2] =	stream.indirect_vreg.scatter [tilespmem:s13], [sflag:$0x4], $0x80, v3, vm0, $0xb8;
	[tilespmem:$0x10100] =	vst v63  }
0x127: {  	s23 =	simm.s32 $0xA900  }
0x128: {  	[hbm4b:s5+s2] =	stream.indirect_vreg.scatter [tilespmem:s23], [sflag:$0x4], $0x80, v3, vm0, $0xb8;
	[tilespmem:$0x10100] =	vst v63  }
0x129: {  	s26 =	simm.s32 $0xB100  }
0x12a: {  	[hbm4b:s6+s2] =	stream.indirect_vreg.scatter [tilespmem:s26], [sflag:$0x4], $0x80, v3, vm0, $0xb8;
	[tilespmem:$0x10100] =	vst v63  }
0x12b: {  	_ = 	snop  }
0x12c: {  	[hbm4b:s7+s2] =	stream.indirect_vreg.scatter [tilespmem:s28], [sflag:$0x4], $0x80, v3, vm0, $0xb8;
	[tilespmem:$0x10100] =	vst v63  }
0x12d: {  	v3 =	vld [tilespmem:$0xB0];
	_ =	sdelay $0x4  }
0x12e: {  	v59 =	vshll.u32 v3, $0x3  }
0x12f: {  	v3 =	vand.u32 $0x7, v3;
	v4 =	vand.u32 $0xFFFFFFC0, v59  }
0x130: {  	v3 =	vor.u32 v3, v4  }
0x131: {  	v4 =	vperm.xlane v3, v0;
	_ =	sdelay $0x1  }
0x132: {  	v4 =	vadd.s32 v1, v4;
	_ =	sdelay $0x4  }
0x133: {  	[hbm4b:s4+s2] =	stream.indirect_vreg.scatter [tilespmem:s31], [sflag:$0x4], $0x80, v4, vm0, $0xb8;
	[tilespmem:$0x10100] =	vst v63  }
0x134: {  	v3 =	vperm.xlane v3, v2  }
0x135: {  	[hbm4b:s5+s2] =	stream.indirect_vreg.scatter [tilespmem:s21], [sflag:$0x4], $0x80, v4, vm0, $0xb8;
	[tilespmem:$0x10100] =	vst v63  }
0x136: {  	v3 =	vadd.s32 v1, v3  }
0x137: {  	[hbm4b:s6+s2] =	stream.indirect_vreg.scatter [tilespmem:s18], [sflag:$0x4], $0x80, v4, vm0, $0xb8;
	[tilespmem:$0x10100] =	vst v63  }
0x138: {  	_ = 	snop  }
0x139: {  	[hbm4b:s7+s2] =	stream.indirect_vreg.scatter [tilespmem:s17], [sflag:$0x4], $0x80, v4, vm0, $0xb8;
	[tilespmem:$0x10100] =	vst v63  }
0x13a: {  	_ = 	snop  }
0x13b: {  	[hbm4b:s4+s2] =	stream.indirect_vreg.scatter [tilespmem:s19], [sflag:$0x4], $0x80, v3, vm0, $0xb8;
	[tilespmem:$0x10100] =	vst v63  }
0x13c: {  	_ = 	snop  }
0x13d: {  	[hbm4b:s5+s2] =	stream.indirect_vreg.scatter [tilespmem:s20], [sflag:$0x4], $0x80, v3, vm0, $0xb8;
	[tilespmem:$0x10100] =	vst v63  }
0x13e: {  	s10 =	simm.s32 $0xF100  }
0x13f: {  	[hbm4b:s6+s2] =	stream.indirect_vreg.scatter [tilespmem:s10], [sflag:$0x4], $0x80, v3, vm0, $0xb8;
	[tilespmem:$0x10100] =	vst v63  }
0x140: {  	s23 =	simm.s32 $0xF900  }
0x141: {  	[hbm4b:s7+s2] =	stream.indirect_vreg.scatter [tilespmem:s23], [sflag:$0x4], $0x80, v3, vm0, $0xb8;
	[tilespmem:$0x10100] =	vst v63  }
0x142: {  	_ =	swait.ge [sflag:s29], $0x8000  }
0x143: {  	[sflag:s29] =	ssyncset.done $0x0  }
0x144: {  	[sflag:s29] =	ssyncadd.s32 $0xFFFF8000  }
0x145: {  	_ =	swait.ge [sflag:s11], $0x8000  }
0x146: {  	[sflag:s11] =	ssyncset.done $0x0  }
0x147: {  	s23 =	rddreg [dreg:$0xa];
	[sflag:s11] =	ssyncadd.s32 $0xFFFF8000  }
0x148: {  	[tilespmem:s12], [sflag:$0x3] =	stream.linear.gather [hbm4b:s23+s2], $0x8000, $0x38;
	[tilespmem:$0x10100] =	vst v63  }
0x149: {  	v3 =	vld [tilespmem:$0xC0];
	_ =	sdelay $0x4  }
0x14a: {  	v60 =	vshll.u32 v3, $0x3  }
0x14b: {  	v3 =	vand.u32 $0x7, v3;
	v4 =	vand.u32 $0xFFFFFFC0, v60  }
0x14c: {  	v3 =	vor.u32 v3, v4  }
0x14d: {  	v4 =	vperm.xlane v3, v0;
	_ =	sdelay $0x1  }
0x14e: {  	v4 =	vadd.s32 v1, v4;
	_ =	sdelay $0x4  }
0x14f: {  	[hbm4b:s4+s2] =	stream.indirect_vreg.scatter [tilespmem:s22], [sflag:$0x4], $0x80, v4, vm0, $0xb8;
	[tilespmem:$0x10100] =	vst v63  }
0x150: {  	s23 =	simm.s32 $0x900;
	v3 =	vperm.xlane v3, v2  }
0x151: {  	[hbm4b:s5+s2] =	stream.indirect_vreg.scatter [tilespmem:s23], [sflag:$0x4], $0x80, v4, vm0, $0xb8;
	[tilespmem:$0x10100] =	vst v63  }
0x152: {  	v3 =	vadd.s32 v1, v3;
	s23 =	simm.s32 $0x1100  }
0x153: {  	[hbm4b:s6+s2] =	stream.indirect_vreg.scatter [tilespmem:s23], [sflag:$0x4], $0x80, v4, vm0, $0xb8;
	[tilespmem:$0x10100] =	vst v63  }
0x154: {  	s23 =	simm.s32 $0x1900  }
0x155: {  	[hbm4b:s7+s2] =	stream.indirect_vreg.scatter [tilespmem:s23], [sflag:$0x4], $0x80, v4, vm0, $0xb8;
	[tilespmem:$0x10100] =	vst v63  }
0x156: {  	s23 =	simm.s32 $0x2100  }
0x157: {  	[hbm4b:s4+s2] =	stream.indirect_vreg.scatter [tilespmem:s23], [sflag:$0x4], $0x80, v3, vm0, $0xb8;
	[tilespmem:$0x10100] =	vst v63  }
0x158: {  	s25 =	simm.s32 $0x2900  }
0x159: {  	[hbm4b:s5+s2] =	stream.indirect_vreg.scatter [tilespmem:s25], [sflag:$0x4], $0x80, v3, vm0, $0xb8;
	[tilespmem:$0x10100] =	vst v63  }
0x15a: {  	s25 =	simm.s32 $0x3100  }
0x15b: {  	[hbm4b:s6+s2] =	stream.indirect_vreg.scatter [tilespmem:s25], [sflag:$0x4], $0x80, v3, vm0, $0xb8;
	[tilespmem:$0x10100] =	vst v63  }
0x15c: {  	s14 =	simm.s32 $0x3900  }
0x15d: {  	[hbm4b:s7+s2] =	stream.indirect_vreg.scatter [tilespmem:s14], [sflag:$0x4], $0x80, v3, vm0, $0xb8;
	[tilespmem:$0x10100] =	vst v63  }
0x15e: {  	v3 =	vld [tilespmem:$0xD0];
	_ =	sdelay $0x4  }
0x15f: {  	v61 =	vshll.u32 v3, $0x3  }
0x160: {  	v3 =	vand.u32 $0x7, v3;
	v4 =	vand.u32 $0xFFFFFFC0, v61  }
0x161: {  	v3 =	vor.u32 v3, v4  }
0x162: {  	v4 =	vperm.xlane v3, v0;
	_ =	sdelay $0x1  }
0x163: {  	v4 =	vadd.s32 v1, v4;
	_ =	sdelay $0x3  }
0x164: {  	s15 =	simm.s32 $0x4100  }
0x165: {  	[hbm4b:s4+s2] =	stream.indirect_vreg.scatter [tilespmem:s15], [sflag:$0x4], $0x80, v4, vm0, $0xb8;
	[tilespmem:$0x10100] =	vst v63  }
0x166: {  	s16 =	simm.s32 $0x4900;
	v3 =	vperm.xlane v3, v2  }
0x167: {  	[hbm4b:s5+s2] =	stream.indirect_vreg.scatter [tilespmem:s16], [sflag:$0x4], $0x80, v4, vm0, $0xb8;
	[tilespmem:$0x10100] =	vst v63  }
0x168: {  	s23 =	simm.s32 $0x5100;
	v3 =	vadd.s32 v1, v3  }
0x169: {  	[hbm4b:s6+s2] =	stream.indirect_vreg.scatter [tilespmem:s23], [sflag:$0x4], $0x80, v4, vm0, $0xb8;
	[tilespmem:$0x10100] =	vst v63  }
0x16a: {  	s25 =	simm.s32 $0x5900  }
0x16b: {  	[hbm4b:s7+s2] =	stream.indirect_vreg.scatter [tilespmem:s25], [sflag:$0x4], $0x80, v4, vm0, $0xb8;
	[tilespmem:$0x10100] =	vst v63  }
0x16c: {  	s15 =	simm.s32 $0x6100  }
0x16d: {  	[hbm4b:s4+s2] =	stream.indirect_vreg.scatter [tilespmem:s15], [sflag:$0x4], $0x80, v3, vm0, $0xb8;
	[tilespmem:$0x10100] =	vst v63  }
0x16e: {  	s16 =	simm.s32 $0x6900  }
0x16f: {  	[hbm4b:s5+s2] =	stream.indirect_vreg.scatter [tilespmem:s16], [sflag:$0x4], $0x80, v3, vm0, $0xb8;
	[tilespmem:$0x10100] =	vst v63  }
0x170: {  	s23 =	simm.s32 $0x7100  }
0x171: {  	[hbm4b:s6+s2] =	stream.indirect_vreg.scatter [tilespmem:s23], [sflag:$0x4], $0x80, v3, vm0, $0xb8;
	[tilespmem:$0x10100] =	vst v63  }
0x172: {  	s25 =	simm.s32 $0x7900  }
0x173: {  	[hbm4b:s7+s2] =	stream.indirect_vreg.scatter [tilespmem:s25], [sflag:$0x4], $0x80, v3, vm0, $0xb8;
	[tilespmem:$0x10100] =	vst v63  }
0x174: {  	_ =	swait.ge [sflag:s29], $0x8000  }
0x175: {  	[sflag:s29] =	ssyncset.done $0x0  }
0x176: {  	[sflag:s29] =	ssyncadd.s32 $0xFFFF8000  }
0x177: {  	_ =	swait.ge [sflag:s30], $0x8000  }
0x178: {  	[sflag:s30] =	ssyncset.done $0x0  }
0x179: {  	[sflag:s30] =	ssyncadd.s32 $0xFFFF8000  }
0x17a: {  	v3 =	vld [tilespmem:$0xE0];
	_ =	sdelay $0x4  }
0x17b: {  	v62 =	vshll.u32 v3, $0x3  }
0x17c: {  	v3 =	vand.u32 $0x7, v3;
	v4 =	vand.u32 $0xFFFFFFC0, v62  }
0x17d: {  	v3 =	vor.u32 v3, v4  }
0x17e: {  	v4 =	vperm.xlane v3, v0;
	_ =	sdelay $0x1  }
0x17f: {  	v4 =	vadd.s32 v1, v4;
	_ =	sdelay $0x4  }
0x180: {  	[hbm4b:s4+s2] =	stream.indirect_vreg.scatter [tilespmem:s12], [sflag:$0x4], $0x80, v4, vm0, $0xb8;
	[tilespmem:$0x10100] =	vst v63  }
0x181: {  	s24 =	simm.s32 $0x8900;
	v3 =	vperm.xlane v3, v2  }
0x182: {  	[hbm4b:s5+s2] =	stream.indirect_vreg.scatter [tilespmem:s24], [sflag:$0x4], $0x80, v4, vm0, $0xb8;
	[tilespmem:$0x10100] =	vst v63  }
0x183: {  	s0 =	simm.s32 $0x9100;
	v3 =	vadd.s32 v1, v3  }
0x184: {  	[hbm4b:s6+s2] =	stream.indirect_vreg.scatter [tilespmem:s0], [sflag:$0x4], $0x80, v4, vm0, $0xb8;
	[tilespmem:$0x10100] =	vst v63  }
0x185: {  	s1 =	simm.s32 $0x9900  }
0x186: {  	[hbm4b:s7+s2] =	stream.indirect_vreg.scatter [tilespmem:s1], [sflag:$0x4], $0x80, v4, vm0, $0xb8;
	[tilespmem:$0x10100] =	vst v63  }
0x187: {  	s3 =	simm.s32 $0xA100  }
0x188: {  	[hbm4b:s4+s2] =	stream.indirect_vreg.scatter [tilespmem:s3], [sflag:$0x4], $0x80, v3, vm0, $0xb8;
	[tilespmem:$0x10100] =	vst v63  }
0x189: {  	s13 =	simm.s32 $0xA900  }
0x18a: {  	[hbm4b:s5+s2] =	stream.indirect_vreg.scatter [tilespmem:s13], [sflag:$0x4], $0x80, v3, vm0, $0xb8;
	[tilespmem:$0x10100] =	vst v63  }
0x18b: {  	s9 =	simm.s32 $0xB100  }
0x18c: {  	[hbm4b:s6+s2] =	stream.indirect_vreg.scatter [tilespmem:s9], [sflag:$0x4], $0x80, v3, vm0, $0xb8;
	[tilespmem:$0x10100] =	vst v63  }
0x18d: {  	s26 =	simm.s32 $0xB900  }
0x18e: {  	[hbm4b:s7+s2] =	stream.indirect_vreg.scatter [tilespmem:s26], [sflag:$0x4], $0x80, v3, vm0, $0xb8;
	[tilespmem:$0x10100] =	vst v63  }
0x18f: {  	v3 =	vld [tilespmem:$0xF0];
	_ =	sdelay $0x4  }
0x190: {  	v63 =	vshll.u32 v3, $0x3  }
0x191: {  	v3 =	vand.u32 $0x7, v3;
	v4 =	vand.u32 $0xFFFFFFC0, v63  }
0x192: {  	v3 =	vor.u32 v3, v4  }
0x193: {  	v4 =	vperm.xlane v3, v0;
	_ =	sdelay $0x1  }
0x194: {  	v4 =	vadd.s32 v1, v4;
	_ =	sdelay $0x3  }
0x195: {  	s28 =	simm.s32 $0xC100  }
0x196: {  	[hbm4b:s4+s2] =	stream.indirect_vreg.scatter [tilespmem:s28], [sflag:$0x4], $0x80, v4, vm0, $0xb8;
	[tilespmem:$0x10100] =	vst v63  }
0x197: {  	s21 =	simm.s32 $0xC900;
	v3 =	vperm.xlane v3, v2  }
0x198: {  	[hbm4b:s5+s2] =	stream.indirect_vreg.scatter [tilespmem:s21], [sflag:$0x4], $0x80, v4, vm0, $0xb8;
	[tilespmem:$0x10100] =	vst v63  }
0x199: {  	s18 =	simm.s32 $0xD100;
	v3 =	vadd.s32 v1, v3  }
0x19a: {  	[hbm4b:s6+s2] =	stream.indirect_vreg.scatter [tilespmem:s18], [sflag:$0x4], $0x80, v4, vm0, $0xb8;
	[tilespmem:$0x10100] =	vst v63  }
0x19b: {  	s17 =	simm.s32 $0xD900  }
0x19c: {  	[hbm4b:s7+s2] =	stream.indirect_vreg.scatter [tilespmem:s17], [sflag:$0x4], $0x80, v4, vm0, $0xb8;
	[tilespmem:$0x10100] =	vst v63  }
0x19d: {  	s19 =	simm.s32 $0xE100  }
0x19e: {  	[hbm4b:s4+s2] =	stream.indirect_vreg.scatter [tilespmem:s19], [sflag:$0x4], $0x80, v3, vm0, $0xb8;
	[tilespmem:$0x10100] =	vst v63  }
0x19f: {  	s20 =	simm.s32 $0xE900  }
0x1a0: {  	[hbm4b:s5+s2] =	stream.indirect_vreg.scatter [tilespmem:s20], [sflag:$0x4], $0x80, v3, vm0, $0xb8;
	[tilespmem:$0x10100] =	vst v63  }
0x1a1: {  	p0 =	sne.s32 s8, $0x1;
	s31 =	simm.s32 $0xF100  }
0x1a2: {  	[hbm4b:s6+s2] =	stream.indirect_vreg.scatter [tilespmem:s31], [sflag:$0x4], $0x80, v3, vm0, $0xb8;
	[tilespmem:$0x10100] =	vst v63  }
.Ltmp0:
0x1a3: {  	s10 =	simm.s32 $0xF900;
	(pc) =	sbr.rel @p0 .LBB2_1-.Ltmp0, $4  }
0x1a4: {  	[hbm4b:s7+s2] =	stream.indirect_vreg.scatter [tilespmem:s10], [sflag:$0x4], $0x80, v3, vm0, $0xb8;
	[tilespmem:$0x10100] =	vst v63  }
0x1a5: {  	_ =	swait.ge [sflag:s29], $0x8000  }
0x1a6: {  	[sflag:s29] =	ssyncset.done $0x0  }
0x1a7: {  	s8 =	sadd.s32 $0xFFFFFFFF, s8;
	[sflag:s29] =	ssyncadd.s32 $0xFFFF8000  }
0x1a8: {  	_ =	sfence.sel $0x180000  }
0x1a9: {  	[bflag:$0x0] =	sbarrier.arrive $0xFFFF  }
0x1aa: {  	_ =	strace $0x9000004A  }
0x1ab: {  	s0 =	stileid.u32;
	[bflag:$0x2] =	sbarrier.arrive $0xFFFF  }
0x1ac: {  	p0 =	sne.s32 s0, $0x0;
	s0 =	rddreg [dreg:$0x2]  }
0x1ad: {  	s0 =	sadd.s32 @!p0 $0x100000, s0  }
0x1ae: {  	[sflag:s0] =	ssyncadd.tile.s32 @!p0 $0x1;
	_ =	shalt  }
.Lfunc_end2:
_tile_overlayer_lowered:
.L_overlay_start_2:
0x1af: {  	(tag) =	ssettag $0x2  }
0x1b0: {  	s0 =	rddreg [dreg:$0x0];
	s2 =	stileid.u32  }
0x1b1: {  	s1 =	rddreg [dreg:$0x1];
	p0 =	sne.s32 s2, $0x0  }
0x1b2: {  	s3 =	rddreg [dreg:$0x2];
	[bflag:$0x3] =	sbarrier.arrive $0xFFFF;
	s2 =	simm.s32 @!p0 $0x1C04  }
0x1b3: {  	[timem:s3], [sflag:s2] =	dma.local @!p0 [hbm:s0], s1  }
0x1b4: {  	s0 =	simm.s32 @!p0 $0x4  }
0x1b5: {  	_ =	swait.ge @!p0 [sflag:s0], s1  }
0x1b6: {  	s1 =	ssub.s32 @!p0 $0x0, s1;
	[sflag:s0] =	ssyncset.done @!p0 $0x0  }
0x1b7: {  	[sflag:s0] =	ssyncadd.s32 @!p0 s1  }
0x1b8: {  	[bflag:$0x3] =	sbarrier.arrive $0xFFFF  }
0x1b9: {  	_ =	shalt  }

// kernel: kernel.21.cloned.1.call-start
scs
__scs_entry_jumppad:
0x0: {  	(pc) =	sbr.rel $0x88, $3  }
0x1: {  	(tag) =	ssettag $0x0;
	lr =	simm.s32 $0x1  }
0x2: {  	[smem:$0x3F99] =	sst lr;
	_ =	strace $0xD0000000  }
0x3: {  	_ = 	snop  }
0x4: {  	_ = 	snop  }
0x5: {  	_ = 	snop  }
0x6: {  	_ = 	snop  }
0x7: {  	_ = 	snop  }
__scs_overlays_trampoline_lowered:
0x8: {  	[smem:$0x3FA8] =	sst s0  }
0x9: {  	[smem:$0x3FA9] =	sst s1  }
0xa: {  	[smem:$0x3FAA] =	sst s2  }
0xb: {  	[smem:$0x3FAB] =	sst s3  }
0xc: {  	[smem:$0x3FAC] =	sst s4  }
0xd: {  	[smem:$0x3FAD] =	sst s5  }
0xe: {  	[smem:$0x3FAE] =	sst s6  }
0xf: {  	[smem:$0x3FAF] =	sst s7  }
0x10: {  	[smem:$0x3FB0] =	sst s8  }
0x11: {  	[smem:$0x3FB1] =	sst s9;
	s0 =	simm.s32 @!p0 $0x0  }
0x12: {  	s1 =	sld [smem:$0x3F97];
	s0 =	simm.s32 @p0 $0x1  }
0x13: {  	[smem:$0x3FB2] =	sst s0;
	s0 =	simm.s32 @!p1 $0x0  }
0x14: {  	s2 =	sld [smem:$0x3F96];
	s0 =	simm.s32 @p1 $0x1  }
0x15: {  	[smem:$0x3FB3] =	sst s0;
	s0 =	simm.s32 @!p2 $0x0  }
0x16: {  	s3 =	sld [smem:$0x3FDB];
	s0 =	simm.s32 @p2 $0x1  }
0x17: {  	s4 =	simm.s32 $0x1BF5;
	[smem:$0x3FB5] =	sst s0  }
0x18: {  	s0 =	sld [smem:$0x3F98];
	_ =	swait.ge [sflag:s4], $0x0  }
0x19: {  	s7 =	sld [smem:$0x3F99]  }
0x1a: {  	s8 =	sadd.s32 $0xFFFFE003, lr  }
0x1b: {  	s9 =	sadd.s32 $0xFFFFFEF7, lr;
	s5 =	simm.s32 $0xFFFFFFFF;
	p2 =	slt.u32 s8, $0xFFFFF086  }
0x1c: {  	p1 =	slt.u32 s9, $0xF7A;
	s5 =	simm.s32 @!p2 $0x0  }
0x1d: {  	s5 =	simm.s32 @p1 $0x1;
	p0 =	seq.s32 s7, s2  }
0x1e: {  	s7 =	smul.u32 @!p0 $0xF7A, s2;
	p2 =	seq.s32 @!p0 s5, $0x0  }
0x1f: {  	s9 =	smul.u32 $0xF7A, s1;
	s8 =	simm.s32 @!p0 $0x1BF5;
	p2 =	por !p2, p0  }
0x20: {  	[sflag:s8] =	ssyncset.s32 @!p0 $0xFFFFF086;
	s6 =	sadd.s32 @!p0 s3, s7;
	s7 =	simm.s32 @!p0 $0x108  }
0x21: {  	s3 =	sadd.s32 s3, s9;
	s6 =	sadd.s32 @!p0 $0x88, s6;
	s7 =	simm.s32 @p2 $0x1082  }
0x22: {  	[simem:s7], [sflag:s8] =	dma.local @!p0 [hbm:s6], $0xF7A  }
0x23: {  	s9 =	sor.u32 $0xD0000000, s2;
	s6 =	simm.s32 $0x108;
	_ =	swait.ge @!p0 [sflag:s8], $0x0  }
0x24: {  	s3 =	sadd.s32 $0x88, s3;
	s6 =	simm.s32 @!p1 $0x1082;
	[sflag:s4] =	ssyncset.s32 $0xFFFFF086  }
0x25: {  	[simem:s6], [sflag:s4] =	dma.local [hbm:s3], $0xF7A  }
0x26: {  	[smem:$0x3F99] =	sst s1;
	(tag) =	ssettag s2;
	_ =	strace s9  }
0x27: {  	s1 =	sld [smem:$0x3FA9]  }
0x28: {  	s2 =	sld [smem:$0x3FAA]  }
0x29: {  	s4 =	sld [smem:$0x3FAC]  }
0x2a: {  	p0 =	seq.s32 s5, $0x0;
	s5 =	sld [smem:$0x3FAD]  }
0x2b: {  	s6 =	sld [smem:$0x3FAE]  }
0x2c: {  	s7 =	sld [smem:$0x3FAF]  }
0x2d: {  	s3 =	simm.s32 $0x108;
	s8 =	sld [smem:$0x3FB0]  }
0x2e: {  	s3 =	simm.s32 @!p0 $0x1082;
	s9 =	sld [smem:$0x3FB1]  }
0x2f: {  	lr =	sadd.s32 s0, s3;
	s0 =	sld [smem:$0x3FA8]  }
0x30: {  	s3 =	sld [smem:$0x3FAB]  }
0x31: {  	[smem:$0x3FB4] =	sst s10  }
0x32: {  	s10 =	sld [smem:$0x3FB2];
	_ =	sdelay $0x3  }
0x33: {  	p0 =	seq.s32 s10, $0x1;
	s10 =	sld [smem:$0x3FB4];
	_ =	sdelay $0x3  }
0x34: {  	[smem:$0x3FB4] =	sst s10  }
0x35: {  	s10 =	sld [smem:$0x3FB3];
	_ =	sdelay $0x3  }
0x36: {  	p1 =	seq.s32 s10, $0x1;
	s10 =	sld [smem:$0x3FB4];
	_ =	sdelay $0x3  }
0x37: {  	[smem:$0x3FB4] =	sst s10  }
0x38: {  	s10 =	sld [smem:$0x3FB5]  }
0x39: {  	_ = 	snop;
	(pc) =	sbr.ind lr, $3  }
0x3a: {  	_ = 	snop  }
0x3b: {  	_ = 	snop  }
0x3c: {  	p2 =	seq.s32 s10, $0x1;
	s10 =	sld [smem:$0x3FB4]  }
0x3d: {  	_ =	shalt  }
0x3e: {  	_ =	shalt  }
0x3f: {  	_ =	shalt  }
0x40: {  	_ =	shalt  }
0x41: {  	_ =	shalt  }
0x42: {  	_ =	shalt  }
0x43: {  	_ =	shalt  }
0x44: {  	_ =	shalt  }
0x45: {  	_ =	shalt  }
0x46: {  	_ =	shalt  }
0x47: {  	_ =	shalt  }
0x48: {  	_ =	shalt  }
0x49: {  	_ =	shalt  }
0x4a: {  	_ =	shalt  }
0x4b: {  	_ =	shalt  }
0x4c: {  	_ =	shalt  }
0x4d: {  	_ =	shalt  }
0x4e: {  	_ =	shalt  }
0x4f: {  	_ =	shalt  }
0x50: {  	_ =	shalt  }
0x51: {  	_ =	shalt  }
0x52: {  	_ =	shalt  }
0x53: {  	_ =	shalt  }
0x54: {  	_ =	shalt  }
0x55: {  	_ =	shalt  }
0x56: {  	_ =	shalt  }
0x57: {  	_ =	shalt  }
0x58: {  	_ =	shalt  }
0x59: {  	_ =	shalt  }
0x5a: {  	_ =	shalt  }
0x5b: {  	_ =	shalt  }
0x5c: {  	_ =	shalt  }
0x5d: {  	_ =	shalt  }
0x5e: {  	_ =	shalt  }
0x5f: {  	_ =	shalt  }
0x60: {  	_ =	shalt  }
0x61: {  	_ =	shalt  }
0x62: {  	_ =	shalt  }
0x63: {  	_ =	shalt  }
0x64: {  	_ =	shalt  }
0x65: {  	_ =	shalt  }
0x66: {  	_ =	shalt  }
0x67: {  	_ =	shalt  }
0x68: {  	_ =	shalt  }
0x69: {  	_ =	shalt  }
0x6a: {  	_ =	shalt  }
0x6b: {  	_ =	shalt  }
0x6c: {  	_ =	shalt  }
0x6d: {  	_ =	shalt  }
0x6e: {  	_ =	shalt  }
0x6f: {  	_ =	shalt  }
0x70: {  	_ =	shalt  }
0x71: {  	_ =	shalt  }
0x72: {  	_ =	shalt  }
0x73: {  	_ =	shalt  }
0x74: {  	_ =	shalt  }
0x75: {  	_ =	shalt  }
0x76: {  	_ =	shalt  }
0x77: {  	_ =	shalt  }
0x78: {  	_ =	shalt  }
0x79: {  	_ =	shalt  }
0x7a: {  	_ =	shalt  }
0x7b: {  	_ =	shalt  }
0x7c: {  	_ =	shalt  }
0x7d: {  	_ =	shalt  }
0x7e: {  	_ =	shalt  }
0x7f: {  	_ =	shalt  }
0x80: {  	_ =	shalt  }
0x81: {  	_ =	shalt  }
0x82: {  	_ =	shalt  }
0x83: {  	_ =	shalt  }
0x84: {  	_ =	shalt  }
0x85: {  	_ =	shalt  }
0x86: {  	_ =	shalt  }
0x87: {  	_ =	shalt  }
.Lfunc_end0:
.L_simem_size_0:
called_computation.2_lowered:
.L_overlay_start_0:
0x88: {  	s2 =	sld [smem:$0x3FD9]  }
0x89: {  	s3 =	sld [smem:$0x3FFE];
	_ =	sdelay $0x1  }
0x8a: {  	s1 =	srdreg.scid  }
0x8b: {  	s0 =	sand.u32 $0x1, s1  }
0x8c: {  	s16 =	sshll.u32 s0, $0xA;
	s2 =	sadd.s32 s3, s2  }
0x8d: {  	s2 =	sadd.s32 s2, s16  }
0x8e: {  	[smem:$0x3FC0] =	sst s2  }
0x8f: {  	_ = 	snop  }
0x90: {  	(tm) =	ssettm $0x1  }
0x91: {  	s17 =	sld [smem:$0x3FFB];
	_ =	sdelay $0x3  }
0x92: {  	_ =	strace s17  }
0x93: {  	s2 =	sld [smem:$0x3FFC];
	_ =	sdelay $0x3  }
0x94: {  	_ =	strace s2  }
0x95: {  	s2 =	sld [smem:$0x3FFD];
	_ =	sdelay $0x3  }
0x96: {  	_ =	strace s2  }
0x97: {  	_ =	strace $0x8FFFFFFF  }
0x98: {  	s18 =	sld [smem:$0x3FDB];
	_ =	sdelay $0x1  }
0x99: {  	s19 =	simm.s32 $_scs_section_size  }
0x9a: {  	s4 =	simm.s32 $_size__tile_overlayer_lowered;
	s5 =	simm.s32 $_tile_overlayer_lowered  }
0x9b: {  	s22 =	simm.s32 $0x1BFF;
	s21 =	sshll.u32 s5, $0x1;
	s2 =	sadd.s32 s19, s18  }
0x9c: {  	s6 =	simm.s32 $0x0;
	s20 =	sshll.u32 s4, $0x1;
	s4 =	sadd.s32 s21, s2  }
0x9d: {  	[timem:s6], [sflag:s22] =	dma.local [hbm:s4], s20  }
0x9e: {  	_ =	swait.ge [sflag:s22], s20  }
0x9f: {  	s3 =	ssub.s32 $0x0, s20;
	[sflag:s22] =	ssyncset.done $0x0  }
0xa0: {  	[sflag:s22] =	ssyncadd.s32 s3;
	_ =	sdelay $0x1  }
0xa1: {  	s23 =	simm.s32 $0x1B8B  }
0xa2: {  	_ =	swait.ge [sflag:s23], $0x1  }
0xa3: {  	[sflag:s23] =	ssyncset.done $0x0  }
0xa4: {  	s25 =	simm.s32 $0x1B8E;
	s24 =	sld [smem:$0x3FFE];
	[sflag:s23] =	ssyncadd.s32 $0xFFFFFFFF  }
0xa5: {  	s26 =	simm.s32 $execute0_lowered;
	[smem:$0x3FD2] =	sst s25  }
0xa6: {  	s4 =	sshll.u32 s26, $0x1;
	_ =	strace $0x8000004C;
	[dreg:$0x1] =	wrdreg $0xFFFFFFFF  }
0xa7: {  	s28 =	simm.s32 $_size_execute0_lowered;
	s2 =	sadd.s32 s2, s4;
	[dreg:$0x0] =	wrdreg $0x0  }
0xa8: {  	s4 =	sshll.u32 s28, $0x1;
	[dreg:$0x2] =	wrdreg s2  }
0xa9: {  	[dreg:$0x3] =	wrdreg s4  }
0xaa: {  	[dreg:$0x4] =	wrdreg $0xC0  }
0xab: {  	_ =	task [dreg:s6], $0x5FFFF  }
0xac: {  	[dreg:$0x1] =	wrdreg $0xFFFFFFFF  }
0xad: {  	[dreg:$0x0] =	wrdreg $0x60  }
0xae: {  	[dreg:$0x2] =	wrdreg s24  }
0xaf: {  	[dreg:$0x3] =	wrdreg $0x9  }
0xb0: {  	_ =	task.clear_ibuf [dreg:s6], $0x4FFFF;
	_ =	strace $0x9000004C  }
0xb1: {  	s29 =	simm.s32 $0x9;
	_ =	strace $0x8000004E  }
0xb2: {  	_ =	swait.ge [sflag:s29], $0x1  }
0xb3: {  	[sflag:s29] =	ssyncadd.s32 $0xFFFFFFFF  }
0xb4: {  	_ =	strace $0x9000004E  }
0xb5: {  	_ =	sfence  }
0xb6: {  	s30 =	sld [smem:$0x0];
	_ =	sdelay $0x2  }
0xb7: {  	s31 =	sshll.u32 s1, $0xD;
	s1 =	sshrl.u32 s1, $0x2  }
0xb8: {  	s3 =	sand.u32 $0x4000, s31;
	s1 =	sadd.s32 s1, s30  }
0xb9: {  	s0 =	sor.u32 s3, s0;
	s1 =	sshll.u32 s1, $0x11  }
0xba: {  	s0 =	sor.u32 s1, s0  }
0xbb: {  	s0 =	sadd.s32 $0x8F2B, s0  }
0xbc: {  	[sflag:s0] =	ssyncadd.remote.s32 $0x1  }
0xbd: {  	_ =	sfence.sel $0xFFFF  }
0xbe: {  	[dreg:$0x0] =	wrdreg $0xFFFFFFFF;
	(pc) =	sbr.abs _section_cstart, $3  }
0xbf: {  	[dreg:$0x1] =	wrdreg $0xFFFFFFFF  }
0xc0: {  	_ =	task.clear_ibuf [dreg:s6], $0x2FFFF;
	_ =	strace $0x9FFFFFFF  }
0xc1: {  	(tm) =	ssettm $0x7FFFFFFF  }
tec
execute0_lowered:
.L_overlay_start_1:
0x0: {  	(tag) =	ssettag $0x1  }
0x1: {  	s0 =	srdreg.scid  }
0x2: {  	s3 =	stileid.u32;
	s6 =	rddreg [dreg:$0x0];
	s30 =	simm.s32 $0x80  }
0x3: {  	s31 =	simm.s32 $0x400;
	s28 =	simm.s32 $0x100;
	s18 =	simm.s32 $0x2  }
0x4: {  	s19 =	simm.s32 $0x3;
	s0 =	sand.u32 $0x1, s0;
	s2 =	sshll.u32 s3, $0x4  }
0x5: {  	s1 =	sshll.u32 s0, $0x4;
	s20 =	sand.u32 $0x70, s2;
	s2 =	simm.s32 $0x0  }
0x6: {  	s0 =	ssub.s32 $0x2, s0;
	s1 =	sor.u32 s3, s1;
	s3 =	sadd.s32 s20, s6  }
0x7: {  	[smem:$0x7FF] =	sst s2;
	s4 =	sshll.u32 s1, $0x5;
	s1 =	sshll.u32 s1, $0xF  }
0x8: {  	_ =	strace $0x8000004D;
	[dreg:$0xb] =	wrdreg s30;
	s1 =	sadd.s32 s1, s6  }
0x9: {  	s5 =	sshrl.u32 s0, $0x1;
	[dreg:$0xc] =	wrdreg s31;
	s21 =	sadd.s32 $0x495600, s1  }
0xa: {  	s0 =	ssub.s32 s0, s5;
	s22 =	sadd.s32 $0x496600, s1;
	[dreg:$0x3] =	wrdreg s21  }
0xb: {  	s5 =	sadd.s32 $0x355800, s6;
	s23 =	sadd.s32 $0x497600, s1;
	[dreg:$0x4] =	wrdreg s22  }
0xc: {  	s4 =	sand.u32 $0x300, s4;
	s24 =	sadd.s32 $0x498600, s1;
	[dreg:$0x5] =	wrdreg s23  }
0xd: {  	s7 =	smax.u32 s0, $0x1;
	s25 =	sadd.s32 $0x499600, s1;
	[dreg:$0x6] =	wrdreg s24  }
0xe: {  	s3 =	sadd.s32 s4, s3;
	s26 =	sadd.s32 $0x49A600, s1;
	[dreg:$0x7] =	wrdreg s25  }
0xf: {  	s29 =	sadd.s32 $0x49B600, s1;
	s1 =	sadd.s32 $0x49C600, s1;
	[dreg:$0x8] =	wrdreg s26  }
0x10: {  	v2 =	vlaneseq.u32;
	s4 =	sadd.s32 $0x355700, s6;
	s3 =	sadd.s32 $0x15200, s3;
	[dreg:$0x9] =	wrdreg s29  }
0x11: {  	vm0 =	vmmov $0xffff;
	v1 =	vshrl.u32 v2, $0x3;
	[dreg:$0xa] =	wrdreg s1;
	s25 =	simm.s32 $0x4;
	s26 =	simm.s32 $0x8100  }
0x12: {  	v0 =	vand.u32 $0x7, v2;
	v2 =	vor.u32 $0x8, v2;
	v1 =	vmul.u32 $0x8, v1;
	[dreg:$0x2] =	wrdreg s3;
	s3 =	sadd.s32 $0x355600, s6;
	s6 =	sadd.s32 $0x355900, s6  }
.LBB2_1:
0x13: {  	s20 =	rddreg [dreg:$0x2]  }
0x14: {  	s21 =	rddreg [dreg:$0xb]  }
0x15: {  	s22 =	rddreg [dreg:$0xc];
	s17 =	simm.s32 $0x1  }
0x16: {  	[tilespmem:s2], [sflag:$0x1] =	stream.strided.gather [hbm4b:s20+s21], $0x100, s22, s21, $0x38;
	[tilespmem:$0x10100] =	vst v63  }
0x17: {  	_ =	swait.ge [sflag:s17], $0x100  }
0x18: {  	[sflag:s17] =	ssyncset.done $0x0  }
0x19: {  	[sflag:s17] =	ssyncadd.s32 $0xFFFFFF00  }
0x1a: {  	v3 =	vld [tilespmem:$0x0];
	_ =	sdelay $0x4  }
0x1b: {  	v4 =	vshll.u32 v3, $0x3  }
0x1c: {  	v3 =	vand.u32 $0x7, v3;
	v4 =	vand.u32 $0xFFFFFFC0, v4  }
0x1d: {  	v3 =	vor.u32 v3, v4  }
0x1e: {  	v4 =	vperm.xlane v3, v0;
	_ =	sdelay $0x1  }
0x1f: {  	v4 =	vadd.s32 v1, v4;
	_ =	sdelay $0x4  }
0x20: {  	[tilespmem:s28], [sflag:$0x4] =	stream.indirect_vreg.gather [hbm4b:s3+s2], $0x80, v4, vm0, $0xb8;
	[tilespmem:$0x10100] =	vst v63  }
0x21: {  	s0 =	simm.s32 $0x900;
	v3 =	vperm.xlane v3, v2  }
0x22: {  	[tilespmem:s0], [sflag:$0x4] =	stream.indirect_vreg.gather [hbm4b:s4+s2], $0x80, v4, vm0, $0xb8;
	[tilespmem:$0x10100] =	vst v63  }
0x23: {  	s21 =	simm.s32 $0x1100;
	v3 =	vadd.s32 v1, v3  }
0x24: {  	[tilespmem:s21], [sflag:$0x4] =	stream.indirect_vreg.gather [hbm4b:s5+s2], $0x80, v4, vm0, $0xb8;
	[tilespmem:$0x10100] =	vst v63  }
0x25: {  	s22 =	simm.s32 $0x1900  }
0x26: {  	[tilespmem:s22], [sflag:$0x4] =	stream.indirect_vreg.gather [hbm4b:s6+s2], $0x80, v4, vm0, $0xb8;
	[tilespmem:$0x10100] =	vst v63  }
0x27: {  	s23 =	simm.s32 $0x2100  }
0x28: {  	[tilespmem:s23], [sflag:$0x4] =	stream.indirect_vreg.gather [hbm4b:s3+s2], $0x80, v3, vm0, $0xb8;
	[tilespmem:$0x10100] =	vst v63  }
0x29: {  	s24 =	simm.s32 $0x2900  }
0x2a: {  	[tilespmem:s24], [sflag:$0x4] =	stream.indirect_vreg.gather [hbm4b:s4+s2], $0x80, v3, vm0, $0xb8;
	[tilespmem:$0x10100] =	vst v63  }
0x2b: {  	s29 =	simm.s32 $0x3100  }
0x2c: {  	[tilespmem:s29], [sflag:$0x4] =	stream.indirect_vreg.gather [hbm4b:s5+s2], $0x80, v3, vm0, $0xb8;
	[tilespmem:$0x10100] =	vst v63  }
0x2d: {  	s30 =	simm.s32 $0x3900  }
0x2e: {  	[tilespmem:s30], [sflag:$0x4] =	stream.indirect_vreg.gather [hbm4b:s6+s2], $0x80, v3, vm0, $0xb8;
	[tilespmem:$0x10100] =	vst v63  }
0x2f: {  	v3 =	vld [tilespmem:$0x10];
	_ =	sdelay $0x4  }
0x30: {  	v49 =	vshll.u32 v3, $0x3  }
0x31: {  	v3 =	vand.u32 $0x7, v3;
	v4 =	vand.u32 $0xFFFFFFC0, v49  }
0x32: {  	v3 =	vor.u32 v3, v4  }
0x33: {  	v4 =	vperm.xlane v3, v0;
	_ =	sdelay $0x1  }
0x34: {  	v4 =	vadd.s32 v1, v4;
	_ =	sdelay $0x3  }
0x35: {  	s31 =	simm.s32 $0x4100  }
0x36: {  	[tilespmem:s31], [sflag:$0x4] =	stream.indirect_vreg.gather [hbm4b:s3+s2], $0x80, v4, vm0, $0xb8;
	[tilespmem:$0x10100] =	vst v63  }
0x37: {  	s1 =	simm.s32 $0x4900;
	v3 =	vperm.xlane v3, v2  }
0x38: {  	[tilespmem:s1], [sflag:$0x4] =	stream.indirect_vreg.gather [hbm4b:s4+s2], $0x80, v4, vm0, $0xb8;
	[tilespmem:$0x10100] =	vst v63  }
0x39: {  	s9 =	simm.s32 $0x5100;
	v3 =	vadd.s32 v1, v3  }
0x3a: {  	[tilespmem:s9], [sflag:$0x4] =	stream.indirect_vreg.gather [hbm4b:s5+s2], $0x80, v4, vm0, $0xb8;
	[tilespmem:$0x10100] =	vst v63  }
0x3b: {  	s16 =	simm.s32 $0x5900  }
0x3c: {  	[tilespmem:s16], [sflag:$0x4] =	stream.indirect_vreg.gather [hbm4b:s6+s2], $0x80, v4, vm0, $0xb8;
	[tilespmem:$0x10100] =	vst v63  }
0x3d: {  	s17 =	simm.s32 $0x6100  }
0x3e: {  	[tilespmem:s17], [sflag:$0x4] =	stream.indirect_vreg.gather [hbm4b:s3+s2], $0x80, v3, vm0, $0xb8;
	[tilespmem:$0x10100] =	vst v63  }
0x3f: {  	s20 =	simm.s32 $0x6900  }
0x40: {  	[tilespmem:s20], [sflag:$0x4] =	stream.indirect_vreg.gather [hbm4b:s4+s2], $0x80, v3, vm0, $0xb8;
	[tilespmem:$0x10100] =	vst v63  }
0x41: {  	s21 =	simm.s32 $0x7100  }
0x42: {  	[tilespmem:s21], [sflag:$0x4] =	stream.indirect_vreg.gather [hbm4b:s5+s2], $0x80, v3, vm0, $0xb8;
	[tilespmem:$0x10100] =	vst v63  }
0x43: {  	s22 =	simm.s32 $0x7900  }
0x44: {  	[tilespmem:s22], [sflag:$0x4] =	stream.indirect_vreg.gather [hbm4b:s6+s2], $0x80, v3, vm0, $0xb8;
	[tilespmem:$0x10100] =	vst v63  }
0x45: {  	_ =	swait.ge [sflag:s25], $0x8000  }
0x46: {  	[sflag:s25] =	ssyncset.done $0x0  }
0x47: {  	s23 =	rddreg [dreg:$0x3];
	[sflag:s25] =	ssyncadd.s32 $0xFFFF8000  }
0x48: {  	[hbm4b:s23+s2] =	stream.linear.scatter [tilespmem:s28], [sflag:$0x2], $0x8000, $0x38;
	[tilespmem:$0x10100] =	vst v63  }
0x49: {  	v3 =	vld [tilespmem:$0x20];
	_ =	sdelay $0x4  }
0x4a: {  	v50 =	vshll.u32 v3, $0x3  }
0x4b: {  	v3 =	vand.u32 $0x7, v3;
	v4 =	vand.u32 $0xFFFFFFC0, v50  }
0x4c: {  	v3 =	vor.u32 v3, v4  }
0x4d: {  	v4 =	vperm.xlane v3, v0;
	_ =	sdelay $0x1  }
0x4e: {  	v4 =	vadd.s32 v1, v4;
	_ =	sdelay $0x4  }
0x4f: {  	[tilespmem:s26], [sflag:$0x4] =	stream.indirect_vreg.gather [hbm4b:s3+s2], $0x80, v4, vm0, $0xb8;
	[tilespmem:$0x10100] =	vst v63  }
0x50: {  	s24 =	simm.s32 $0x8900;
	v3 =	vperm.xlane v3, v2  }
0x51: {  	[tilespmem:s24], [sflag:$0x4] =	stream.indirect_vreg.gather [hbm4b:s4+s2], $0x80, v4, vm0, $0xb8;
	[tilespmem:$0x10100] =	vst v63  }
0x52: {  	s29 =	simm.s32 $0x9100;
	v3 =	vadd.s32 v1, v3  }
0x53: {  	[tilespmem:s29], [sflag:$0x4] =	stream.indirect_vreg.gather [hbm4b:s5+s2], $0x80, v4, vm0, $0xb8;
	[tilespmem:$0x10100] =	vst v63  }
0x54: {  	s30 =	simm.s32 $0x9900  }
0x55: {  	[tilespmem:s30], [sflag:$0x4] =	stream.indirect_vreg.gather [hbm4b:s6+s2], $0x80, v4, vm0, $0xb8;
	[tilespmem:$0x10100] =	vst v63  }
0x56: {  	s31 =	simm.s32 $0xA100  }
0x57: {  	[tilespmem:s31], [sflag:$0x4] =	stream.indirect_vreg.gather [hbm4b:s3+s2], $0x80, v3, vm0, $0xb8;
	[tilespmem:$0x10100] =	vst v63  }
0x58: {  	s9 =	simm.s32 $0xA900  }
0x59: {  	[tilespmem:s9], [sflag:$0x4] =	stream.indirect_vreg.gather [hbm4b:s4+s2], $0x80, v3, vm0, $0xb8;
	[tilespmem:$0x10100] =	vst v63  }
0x5a: {  	s16 =	simm.s32 $0xB100  }
0x5b: {  	[tilespmem:s16], [sflag:$0x4] =	stream.indirect_vreg.gather [hbm4b:s5+s2], $0x80, v3, vm0, $0xb8;
	[tilespmem:$0x10100] =	vst v63  }
0x5c: {  	s17 =	simm.s32 $0xB900  }
0x5d: {  	[tilespmem:s17], [sflag:$0x4] =	stream.indirect_vreg.gather [hbm4b:s6+s2], $0x80, v3, vm0, $0xb8;
	[tilespmem:$0x10100] =	vst v63  }
0x5e: {  	v3 =	vld [tilespmem:$0x30];
	_ =	sdelay $0x4  }
0x5f: {  	v51 =	vshll.u32 v3, $0x3  }
0x60: {  	v3 =	vand.u32 $0x7, v3;
	v4 =	vand.u32 $0xFFFFFFC0, v51  }
0x61: {  	v3 =	vor.u32 v3, v4  }
0x62: {  	v4 =	vperm.xlane v3, v0;
	_ =	sdelay $0x1  }
0x63: {  	v4 =	vadd.s32 v1, v4;
	_ =	sdelay $0x3  }
0x64: {  	s21 =	simm.s32 $0xC100  }
0x65: {  	[tilespmem:s21], [sflag:$0x4] =	stream.indirect_vreg.gather [hbm4b:s3+s2], $0x80, v4, vm0, $0xb8;
	[tilespmem:$0x10100] =	vst v63  }
0x66: {  	s22 =	simm.s32 $0xC900;
	v3 =	vperm.xlane v3, v2  }
0x67: {  	[tilespmem:s22], [sflag:$0x4] =	stream.indirect_vreg.gather [hbm4b:s4+s2], $0x80, v4, vm0, $0xb8;
	[tilespmem:$0x10100] =	vst v63  }
0x68: {  	s23 =	simm.s32 $0xD100;
	v3 =	vadd.s32 v1, v3  }
0x69: {  	[tilespmem:s23], [sflag:$0x4] =	stream.indirect_vreg.gather [hbm4b:s5+s2], $0x80, v4, vm0, $0xb8;
	[tilespmem:$0x10100] =	vst v63  }
0x6a: {  	s24 =	simm.s32 $0xD900  }
0x6b: {  	[tilespmem:s24], [sflag:$0x4] =	stream.indirect_vreg.gather [hbm4b:s6+s2], $0x80, v4, vm0, $0xb8;
	[tilespmem:$0x10100] =	vst v63  }
0x6c: {  	s0 =	simm.s32 $0xE100  }
0x6d: {  	[tilespmem:s0], [sflag:$0x4] =	stream.indirect_vreg.gather [hbm4b:s3+s2], $0x80, v3, vm0, $0xb8;
	[tilespmem:$0x10100] =	vst v63  }
0x6e: {  	s9 =	simm.s32 $0xE900  }
0x6f: {  	[tilespmem:s9], [sflag:$0x4] =	stream.indirect_vreg.gather [hbm4b:s4+s2], $0x80, v3, vm0, $0xb8;
	[tilespmem:$0x10100] =	vst v63  }
0x70: {  	s16 =	simm.s32 $0xF100  }
0x71: {  	[tilespmem:s16], [sflag:$0x4] =	stream.indirect_vreg.gather [hbm4b:s5+s2], $0x80, v3, vm0, $0xb8;
	[tilespmem:$0x10100] =	vst v63  }
0x72: {  	s23 =	simm.s32 $0xF900  }
0x73: {  	[tilespmem:s23], [sflag:$0x4] =	stream.indirect_vreg.gather [hbm4b:s6+s2], $0x80, v3, vm0, $0xb8;
	[tilespmem:$0x10100] =	vst v63  }
0x74: {  	_ =	swait.ge [sflag:s25], $0x8000  }
0x75: {  	[sflag:s25] =	ssyncset.done $0x0  }
0x76: {  	s24 =	rddreg [dreg:$0x4];
	[sflag:s25] =	ssyncadd.s32 $0xFFFF8000  }
0x77: {  	[hbm4b:s24+s2] =	stream.linear.scatter [tilespmem:s26], [sflag:$0x3], $0x8000, $0x38;
	[tilespmem:$0x10100] =	vst v63  }
0x78: {  	_ =	swait.ge [sflag:s18], $0x8000  }
0x79: {  	[sflag:s18] =	ssyncset.done $0x0  }
0x7a: {  	[sflag:s18] =	ssyncadd.s32 $0xFFFF8000  }
0x7b: {  	v3 =	vld [tilespmem:$0x40];
	_ =	sdelay $0x4  }
0x7c: {  	v52 =	vshll.u32 v3, $0x3  }
0x7d: {  	v3 =	vand.u32 $0x7, v3;
	v4 =	vand.u32 $0xFFFFFFC0, v52  }
0x7e: {  	v3 =	vor.u32 v3, v4  }
0x7f: {  	v4 =	vperm.xlane v3, v0;
	_ =	sdelay $0x1  }
0x80: {  	v4 =	vadd.s32 v1, v4;
	_ =	sdelay $0x4  }
0x81: {  	[tilespmem:s28], [sflag:$0x4] =	stream.indirect_vreg.gather [hbm4b:s3+s2], $0x80, v4, vm0, $0xb8;
	[tilespmem:$0x10100] =	vst v63  }
0x82: {  	s8 =	simm.s32 $0x900;
	v3 =	vperm.xlane v3, v2  }
0x83: {  	[tilespmem:s8], [sflag:$0x4] =	stream.indirect_vreg.gather [hbm4b:s4+s2], $0x80, v4, vm0, $0xb8;
	[tilespmem:$0x10100] =	vst v63  }
0x84: {  	v3 =	vadd.s32 v1, v3;
	s8 =	simm.s32 $0x1100  }
0x85: {  	[tilespmem:s8], [sflag:$0x4] =	stream.indirect_vreg.gather [hbm4b:s5+s2], $0x80, v4, vm0, $0xb8;
	[tilespmem:$0x10100] =	vst v63  }
0x86: {  	s9 =	simm.s32 $0x1900  }
0x87: {  	[tilespmem:s9], [sflag:$0x4] =	stream.indirect_vreg.gather [hbm4b:s6+s2], $0x80, v4, vm0, $0xb8;
	[tilespmem:$0x10100] =	vst v63  }
0x88: {  	s10 =	simm.s32 $0x2100  }
0x89: {  	[tilespmem:s10], [sflag:$0x4] =	stream.indirect_vreg.gather [hbm4b:s3+s2], $0x80, v3, vm0, $0xb8;
	[tilespmem:$0x10100] =	vst v63  }
0x8a: {  	s11 =	simm.s32 $0x2900  }
0x8b: {  	[tilespmem:s11], [sflag:$0x4] =	stream.indirect_vreg.gather [hbm4b:s4+s2], $0x80, v3, vm0, $0xb8;
	[tilespmem:$0x10100] =	vst v63  }
0x8c: {  	s12 =	simm.s32 $0x3100  }
0x8d: {  	[tilespmem:s12], [sflag:$0x4] =	stream.indirect_vreg.gather [hbm4b:s5+s2], $0x80, v3, vm0, $0xb8;
	[tilespmem:$0x10100] =	vst v63  }
0x8e: {  	s14 =	simm.s32 $0x3900  }
0x8f: {  	[tilespmem:s14], [sflag:$0x4] =	stream.indirect_vreg.gather [hbm4b:s6+s2], $0x80, v3, vm0, $0xb8;
	[tilespmem:$0x10100] =	vst v63  }
0x90: {  	v3 =	vld [tilespmem:$0x50];
	_ =	sdelay $0x4  }
0x91: {  	v53 =	vshll.u32 v3, $0x3  }
0x92: {  	v3 =	vand.u32 $0x7, v3;
	v4 =	vand.u32 $0xFFFFFFC0, v53  }
0x93: {  	v3 =	vor.u32 v3, v4  }
0x94: {  	v4 =	vperm.xlane v3, v0;
	_ =	sdelay $0x1  }
0x95: {  	v4 =	vadd.s32 v1, v4;
	_ =	sdelay $0x3  }
0x96: {  	s15 =	simm.s32 $0x4100  }
0x97: {  	[tilespmem:s15], [sflag:$0x4] =	stream.indirect_vreg.gather [hbm4b:s3+s2], $0x80, v4, vm0, $0xb8;
	[tilespmem:$0x10100] =	vst v63  }
0x98: {  	s13 =	simm.s32 $0x4900;
	v3 =	vperm.xlane v3, v2  }
0x99: {  	[tilespmem:s13], [sflag:$0x4] =	stream.indirect_vreg.gather [hbm4b:s4+s2], $0x80, v4, vm0, $0xb8;
	[tilespmem:$0x10100] =	vst v63  }
0x9a: {  	s10 =	simm.s32 $0x5100;
	v3 =	vadd.s32 v1, v3  }
0x9b: {  	[tilespmem:s10], [sflag:$0x4] =	stream.indirect_vreg.gather [hbm4b:s5+s2], $0x80, v4, vm0, $0xb8;
	[tilespmem:$0x10100] =	vst v63  }
0x9c: {  	s11 =	simm.s32 $0x5900  }
0x9d: {  	[tilespmem:s11], [sflag:$0x4] =	stream.indirect_vreg.gather [hbm4b:s6+s2], $0x80, v4, vm0, $0xb8;
	[tilespmem:$0x10100] =	vst v63  }
0x9e: {  	s12 =	simm.s32 $0x6100  }
0x9f: {  	[tilespmem:s12], [sflag:$0x4] =	stream.indirect_vreg.gather [hbm4b:s3+s2], $0x80, v3, vm0, $0xb8;
	[tilespmem:$0x10100] =	vst v63  }
0xa0: {  	s13 =	simm.s32 $0x6900  }
0xa1: {  	[tilespmem:s13], [sflag:$0x4] =	stream.indirect_vreg.gather [hbm4b:s4+s2], $0x80, v3, vm0, $0xb8;
	[tilespmem:$0x10100] =	vst v63  }
0xa2: {  	s14 =	simm.s32 $0x7100  }
0xa3: {  	[tilespmem:s14], [sflag:$0x4] =	stream.indirect_vreg.gather [hbm4b:s5+s2], $0x80, v3, vm0, $0xb8;
	[tilespmem:$0x10100] =	vst v63  }
0xa4: {  	s15 =	simm.s32 $0x7900  }
0xa5: {  	[tilespmem:s15], [sflag:$0x4] =	stream.indirect_vreg.gather [hbm4b:s6+s2], $0x80, v3, vm0, $0xb8;
	[tilespmem:$0x10100] =	vst v63  }
0xa6: {  	_ =	swait.ge [sflag:s25], $0x8000  }
0xa7: {  	[sflag:s25] =	ssyncset.done $0x0  }
0xa8: {  	s0 =	rddreg [dreg:$0x5];
	[sflag:s25] =	ssyncadd.s32 $0xFFFF8000  }
0xa9: {  	[hbm4b:s0+s2] =	stream.linear.scatter [tilespmem:s28], [sflag:$0x2], $0x8000, $0x38;
	[tilespmem:$0x10100] =	vst v63  }
0xaa: {  	_ =	swait.ge [sflag:s19], $0x8000  }
0xab: {  	[sflag:s19] =	ssyncset.done $0x0  }
0xac: {  	[sflag:s19] =	ssyncadd.s32 $0xFFFF8000  }
0xad: {  	v3 =	vld [tilespmem:$0x60];
	_ =	sdelay $0x4  }
0xae: {  	v54 =	vshll.u32 v3, $0x3  }
0xaf: {  	v3 =	vand.u32 $0x7, v3;
	v4 =	vand.u32 $0xFFFFFFC0, v54  }
0xb0: {  	v3 =	vor.u32 v3, v4  }
0xb1: {  	v4 =	vperm.xlane v3, v0;
	_ =	sdelay $0x1  }
0xb2: {  	v4 =	vadd.s32 v1, v4;
	_ =	sdelay $0x4  }
0xb3: {  	[tilespmem:s26], [sflag:$0x4] =	stream.indirect_vreg.gather [hbm4b:s3+s2], $0x80, v4, vm0, $0xb8;
	[tilespmem:$0x10100] =	vst v63  }
0xb4: {  	s1 =	simm.s32 $0x8900;
	v3 =	vperm.xlane v3, v2  }
0xb5: {  	[tilespmem:s1], [sflag:$0x4] =	stream.indirect_vreg.gather [hbm4b:s4+s2], $0x80, v4, vm0, $0xb8;
	[tilespmem:$0x10100] =	vst v63  }
0xb6: {  	s0 =	simm.s32 $0x9100;
	v3 =	vadd.s32 v1, v3  }
0xb7: {  	[tilespmem:s0], [sflag:$0x4] =	stream.indirect_vreg.gather [hbm4b:s5+s2], $0x80, v4, vm0, $0xb8;
	[tilespmem:$0x10100] =	vst v63  }
0xb8: {  	s1 =	simm.s32 $0x9900  }
0xb9: {  	[tilespmem:s1], [sflag:$0x4] =	stream.indirect_vreg.gather [hbm4b:s6+s2], $0x80, v4, vm0, $0xb8;
	[tilespmem:$0x10100] =	vst v63  }
0xba: {  	s31 =	simm.s32 $0xA100  }
0xbb: {  	[tilespmem:s31], [sflag:$0x4] =	stream.indirect_vreg.gather [hbm4b:s3+s2], $0x80, v3, vm0, $0xb8;
	[tilespmem:$0x10100] =	vst v63  }
0xbc: {  	s29 =	simm.s32 $0xA900  }
0xbd: {  	[tilespmem:s29], [sflag:$0x4] =	stream.indirect_vreg.gather [hbm4b:s4+s2], $0x80, v3, vm0, $0xb8;
	[tilespmem:$0x10100] =	vst v63  }
0xbe: {  	s30 =	simm.s32 $0xB100  }
0xbf: {  	[tilespmem:s30], [sflag:$0x4] =	stream.indirect_vreg.gather [hbm4b:s5+s2], $0x80, v3, vm0, $0xb8;
	[tilespmem:$0x10100] =	vst v63  }
0xc0: {  	s17 =	simm.s32 $0xB900  }
0xc1: {  	[tilespmem:s17], [sflag:$0x4] =	stream.indirect_vreg.gather [hbm4b:s6+s2], $0x80, v3, vm0, $0xb8;
	[tilespmem:$0x10100] =	vst v63  }
0xc2: {  	v3 =	vld [tilespmem:$0x70];
	_ =	sdelay $0x4  }
0xc3: {  	v55 =	vshll.u32 v3, $0x3  }
0xc4: {  	v3 =	vand.u32 $0x7, v3;
	v4 =	vand.u32 $0xFFFFFFC0, v55  }
0xc5: {  	v3 =	vor.u32 v3, v4  }
0xc6: {  	v4 =	vperm.xlane v3, v0;
	_ =	sdelay $0x1  }
0xc7: {  	v4 =	vadd.s32 v1, v4;
	_ =	sdelay $0x3  }
0xc8: {  	s21 =	simm.s32 $0xC100  }
0xc9: {  	[tilespmem:s21], [sflag:$0x4] =	stream.indirect_vreg.gather [hbm4b:s3+s2], $0x80, v4, vm0, $0xb8;
	[tilespmem:$0x10100] =	vst v63  }
0xca: {  	s22 =	simm.s32 $0xC900;
	v3 =	vperm.xlane v3, v2  }
0xcb: {  	[tilespmem:s22], [sflag:$0x4] =	stream.indirect_vreg.gather [hbm4b:s4+s2], $0x80, v4, vm0, $0xb8;
	[tilespmem:$0x10100] =	vst v63  }
0xcc: {  	v3 =	vadd.s32 v1, v3;
	s21 =	simm.s32 $0xD100  }
0xcd: {  	[tilespmem:s21], [sflag:$0x4] =	stream.indirect_vreg.gather [hbm4b:s5+s2], $0x80, v4, vm0, $0xb8;
	[tilespmem:$0x10100] =	vst v63  }
0xce: {  	s22 =	simm.s32 $0xD900  }
0xcf: {  	[tilespmem:s22], [sflag:$0x4] =	stream.indirect_vreg.gather [hbm4b:s6+s2], $0x80, v4, vm0, $0xb8;
	[tilespmem:$0x10100] =	vst v63  }
0xd0: {  	s30 =	simm.s32 $0xE100  }
0xd1: {  	[tilespmem:s30], [sflag:$0x4] =	stream.indirect_vreg.gather [hbm4b:s3+s2], $0x80, v3, vm0, $0xb8;
	[tilespmem:$0x10100] =	vst v63  }
0xd2: {  	s20 =	simm.s32 $0xE900  }
0xd3: {  	[tilespmem:s20], [sflag:$0x4] =	stream.indirect_vreg.gather [hbm4b:s4+s2], $0x80, v3, vm0, $0xb8;
	[tilespmem:$0x10100] =	vst v63  }
0xd4: {  	s21 =	simm.s32 $0xF100  }
0xd5: {  	[tilespmem:s21], [sflag:$0x4] =	stream.indirect_vreg.gather [hbm4b:s5+s2], $0x80, v3, vm0, $0xb8;
	[tilespmem:$0x10100] =	vst v63  }
0xd6: {  	s16 =	simm.s32 $0xF900  }
0xd7: {  	[tilespmem:s16], [sflag:$0x4] =	stream.indirect_vreg.gather [hbm4b:s6+s2], $0x80, v3, vm0, $0xb8;
	[tilespmem:$0x10100] =	vst v63  }
0xd8: {  	_ =	swait.ge [sflag:s25], $0x8000  }
0xd9: {  	[sflag:s25] =	ssyncset.done $0x0  }
0xda: {  	s16 =	rddreg [dreg:$0x6];
	[sflag:s25] =	ssyncadd.s32 $0xFFFF8000  }
0xdb: {  	[hbm4b:s16+s2] =	stream.linear.scatter [tilespmem:s26], [sflag:$0x3], $0x8000, $0x38;
	[tilespmem:$0x10100] =	vst v63  }
0xdc: {  	_ =	swait.ge [sflag:s18], $0x8000  }
0xdd: {  	[sflag:s18] =	ssyncset.done $0x0  }
0xde: {  	[sflag:s18] =	ssyncadd.s32 $0xFFFF8000  }
0xdf: {  	v3 =	vld [tilespmem:$0x80];
	_ =	sdelay $0x4  }
0xe0: {  	v56 =	vshll.u32 v3, $0x3  }
0xe1: {  	v3 =	vand.u32 $0x7, v3;
	v4 =	vand.u32 $0xFFFFFFC0, v56  }
0xe2: {  	v3 =	vor.u32 v3, v4  }
0xe3: {  	v4 =	vperm.xlane v3, v0;
	_ =	sdelay $0x1  }
0xe4: {  	v4 =	vadd.s32 v1, v4;
	_ =	sdelay $0x4  }
0xe5: {  	[tilespmem:s28], [sflag:$0x4] =	stream.indirect_vreg.gather [hbm4b:s3+s2], $0x80, v4, vm0, $0xb8;
	[tilespmem:$0x10100] =	vst v63  }
0xe6: {  	s20 =	simm.s32 $0x900;
	v3 =	vperm.xlane v3, v2  }
0xe7: {  	[tilespmem:s20], [sflag:$0x4] =	stream.indirect_vreg.gather [hbm4b:s4+s2], $0x80, v4, vm0, $0xb8;
	[tilespmem:$0x10100] =	vst v63  }
0xe8: {  	v3 =	vadd.s32 v1, v3  }
0xe9: {  	[tilespmem:s8], [sflag:$0x4] =	stream.indirect_vreg.gather [hbm4b:s5+s2], $0x80, v4, vm0, $0xb8;
	[tilespmem:$0x10100] =	vst v63  }
0xea: {  	_ = 	snop  }
0xeb: {  	[tilespmem:s9], [sflag:$0x4] =	stream.indirect_vreg.gather [hbm4b:s6+s2], $0x80, v4, vm0, $0xb8;
	[tilespmem:$0x10100] =	vst v63  }
0xec: {  	s20 =	simm.s32 $0x2100  }
0xed: {  	[tilespmem:s20], [sflag:$0x4] =	stream.indirect_vreg.gather [hbm4b:s3+s2], $0x80, v3, vm0, $0xb8;
	[tilespmem:$0x10100] =	vst v63  }
0xee: {  	s20 =	simm.s32 $0x2900  }
0xef: {  	[tilespmem:s20], [sflag:$0x4] =	stream.indirect_vreg.gather [hbm4b:s4+s2], $0x80, v3, vm0, $0xb8;
	[tilespmem:$0x10100] =	vst v63  }
0xf0: {  	s20 =	simm.s32 $0x3100  }
0xf1: {  	[tilespmem:s20], [sflag:$0x4] =	stream.indirect_vreg.gather [hbm4b:s5+s2], $0x80, v3, vm0, $0xb8;
	[tilespmem:$0x10100] =	vst v63  }
0xf2: {  	s20 =	simm.s32 $0x3900  }
0xf3: {  	[tilespmem:s20], [sflag:$0x4] =	stream.indirect_vreg.gather [hbm4b:s6+s2], $0x80, v3, vm0, $0xb8;
	[tilespmem:$0x10100] =	vst v63  }
0xf4: {  	v3 =	vld [tilespmem:$0x90];
	_ =	sdelay $0x4  }
0xf5: {  	v57 =	vshll.u32 v3, $0x3  }
0xf6: {  	v3 =	vand.u32 $0x7, v3;
	v4 =	vand.u32 $0xFFFFFFC0, v57  }
0xf7: {  	v3 =	vor.u32 v3, v4  }
0xf8: {  	v4 =	vperm.xlane v3, v0;
	_ =	sdelay $0x1  }
0xf9: {  	v4 =	vadd.s32 v1, v4;
	_ =	sdelay $0x3  }
0xfa: {  	s20 =	simm.s32 $0x4100  }
0xfb: {  	[tilespmem:s20], [sflag:$0x4] =	stream.indirect_vreg.gather [hbm4b:s3+s2], $0x80, v4, vm0, $0xb8;
	[tilespmem:$0x10100] =	vst v63  }
0xfc: {  	v3 =	vperm.xlane v3, v2;
	s20 =	simm.s32 $0x4900  }
0xfd: {  	[tilespmem:s20], [sflag:$0x4] =	stream.indirect_vreg.gather [hbm4b:s4+s2], $0x80, v4, vm0, $0xb8;
	[tilespmem:$0x10100] =	vst v63  }
0xfe: {  	v3 =	vadd.s32 v1, v3  }
0xff: {  	[tilespmem:s10], [sflag:$0x4] =	stream.indirect_vreg.gather [hbm4b:s5+s2], $0x80, v4, vm0, $0xb8;
	[tilespmem:$0x10100] =	vst v63  }
0x100: {  	_ = 	snop  }
0x101: {  	[tilespmem:s11], [sflag:$0x4] =	stream.indirect_vreg.gather [hbm4b:s6+s2], $0x80, v4, vm0, $0xb8;
	[tilespmem:$0x10100] =	vst v63  }
0x102: {  	_ = 	snop  }
0x103: {  	[tilespmem:s12], [sflag:$0x4] =	stream.indirect_vreg.gather [hbm4b:s3+s2], $0x80, v3, vm0, $0xb8;
	[tilespmem:$0x10100] =	vst v63  }
0x104: {  	_ = 	snop  }
0x105: {  	[tilespmem:s13], [sflag:$0x4] =	stream.indirect_vreg.gather [hbm4b:s4+s2], $0x80, v3, vm0, $0xb8;
	[tilespmem:$0x10100] =	vst v63  }
0x106: {  	_ = 	snop  }
0x107: {  	[tilespmem:s14], [sflag:$0x4] =	stream.indirect_vreg.gather [hbm4b:s5+s2], $0x80, v3, vm0, $0xb8;
	[tilespmem:$0x10100] =	vst v63  }
0x108: {  	_ = 	snop  }
0x109: {  	[tilespmem:s15], [sflag:$0x4] =	stream.indirect_vreg.gather [hbm4b:s6+s2], $0x80, v3, vm0, $0xb8;
	[tilespmem:$0x10100] =	vst v63  }
0x10a: {  	_ =	swait.ge [sflag:s25], $0x8000  }
0x10b: {  	[sflag:s25] =	ssyncset.done $0x0  }
0x10c: {  	s16 =	rddreg [dreg:$0x7];
	[sflag:s25] =	ssyncadd.s32 $0xFFFF8000  }
0x10d: {  	[hbm4b:s16+s2] =	stream.linear.scatter [tilespmem:s28], [sflag:$0x2], $0x8000, $0x38;
	[tilespmem:$0x10100] =	vst v63  }
0x10e: {  	_ =	swait.ge [sflag:s19], $0x8000  }
0x10f: {  	[sflag:s19] =	ssyncset.done $0x0  }
0x110: {  	[sflag:s19] =	ssyncadd.s32 $0xFFFF8000  }
0x111: {  	v3 =	vld [tilespmem:$0xA0];
	_ =	sdelay $0x4  }
0x112: {  	v58 =	vshll.u32 v3, $0x3  }
0x113: {  	v3 =	vand.u32 $0x7, v3;
	v4 =	vand.u32 $0xFFFFFFC0, v58  }
0x114: {  	v3 =	vor.u32 v3, v4  }
0x115: {  	v4 =	vperm.xlane v3, v0;
	_ =	sdelay $0x1  }
0x116: {  	v4 =	vadd.s32 v1, v4;
	_ =	sdelay $0x4  }
0x117: {  	[tilespmem:s26], [sflag:$0x4] =	stream.indirect_vreg.gather [hbm4b:s3+s2], $0x80, v4, vm0, $0xb8;
	[tilespmem:$0x10100] =	vst v63  }
0x118: {  	s24 =	simm.s32 $0x8900;
	v3 =	vperm.xlane v3, v2  }
0x119: {  	[tilespmem:s24], [sflag:$0x4] =	stream.indirect_vreg.gather [hbm4b:s4+s2], $0x80, v4, vm0, $0xb8;
	[tilespmem:$0x10100] =	vst v63  }
0x11a: {  	v3 =	vadd.s32 v1, v3  }
0x11b: {  	[tilespmem:s0], [sflag:$0x4] =	stream.indirect_vreg.gather [hbm4b:s5+s2], $0x80, v4, vm0, $0xb8;
	[tilespmem:$0x10100] =	vst v63  }
0x11c: {  	_ = 	snop  }
0x11d: {  	[tilespmem:s1], [sflag:$0x4] =	stream.indirect_vreg.gather [hbm4b:s6+s2], $0x80, v4, vm0, $0xb8;
	[tilespmem:$0x10100] =	vst v63  }
0x11e: {  	s31 =	simm.s32 $0xA100  }
0x11f: {  	[tilespmem:s31], [sflag:$0x4] =	stream.indirect_vreg.gather [hbm4b:s3+s2], $0x80, v3, vm0, $0xb8;
	[tilespmem:$0x10100] =	vst v63  }
0x120: {  	s23 =	simm.s32 $0xA900  }
0x121: {  	[tilespmem:s23], [sflag:$0x4] =	stream.indirect_vreg.gather [hbm4b:s4+s2], $0x80, v3, vm0, $0xb8;
	[tilespmem:$0x10100] =	vst v63  }
0x122: {  	s29 =	simm.s32 $0xB100  }
0x123: {  	[tilespmem:s29], [sflag:$0x4] =	stream.indirect_vreg.gather [hbm4b:s5+s2], $0x80, v3, vm0, $0xb8;
	[tilespmem:$0x10100] =	vst v63  }
0x124: {  	s29 =	simm.s32 $0xB900  }
0x125: {  	[tilespmem:s29], [sflag:$0x4] =	stream.indirect_vreg.gather [hbm4b:s6+s2], $0x80, v3, vm0, $0xb8;
	[tilespmem:$0x10100] =	vst v63  }
0x126: {  	v3 =	vld [tilespmem:$0xB0];
	_ =	sdelay $0x4  }
0x127: {  	v59 =	vshll.u32 v3, $0x3  }
0x128: {  	v3 =	vand.u32 $0x7, v3;
	v4 =	vand.u32 $0xFFFFFFC0, v59  }
0x129: {  	v3 =	vor.u32 v3, v4  }
0x12a: {  	v4 =	vperm.xlane v3, v0;
	_ =	sdelay $0x1  }
0x12b: {  	v4 =	vadd.s32 v1, v4;
	_ =	sdelay $0x3  }
0x12c: {  	s20 =	simm.s32 $0xC100  }
0x12d: {  	[tilespmem:s20], [sflag:$0x4] =	stream.indirect_vreg.gather [hbm4b:s3+s2], $0x80, v4, vm0, $0xb8;
	[tilespmem:$0x10100] =	vst v63  }
0x12e: {  	s29 =	simm.s32 $0xC900;
	v3 =	vperm.xlane v3, v2  }
0x12f: {  	[tilespmem:s29], [sflag:$0x4] =	stream.indirect_vreg.gather [hbm4b:s4+s2], $0x80, v4, vm0, $0xb8;
	[tilespmem:$0x10100] =	vst v63  }
0x130: {  	v3 =	vadd.s32 v1, v3;
	s20 =	simm.s32 $0xD100  }
0x131: {  	[tilespmem:s20], [sflag:$0x4] =	stream.indirect_vreg.gather [hbm4b:s5+s2], $0x80, v4, vm0, $0xb8;
	[tilespmem:$0x10100] =	vst v63  }
0x132: {  	s22 =	simm.s32 $0xD900  }
0x133: {  	[tilespmem:s22], [sflag:$0x4] =	stream.indirect_vreg.gather [hbm4b:s6+s2], $0x80, v4, vm0, $0xb8;
	[tilespmem:$0x10100] =	vst v63  }
0x134: {  	s30 =	simm.s32 $0xE100  }
0x135: {  	[tilespmem:s30], [sflag:$0x4] =	stream.indirect_vreg.gather [hbm4b:s3+s2], $0x80, v3, vm0, $0xb8;
	[tilespmem:$0x10100] =	vst v63  }
0x136: {  	s17 =	simm.s32 $0xE900  }
0x137: {  	[tilespmem:s17], [sflag:$0x4] =	stream.indirect_vreg.gather [hbm4b:s4+s2], $0x80, v3, vm0, $0xb8;
	[tilespmem:$0x10100] =	vst v63  }
0x138: {  	s21 =	simm.s32 $0xF100  }
0x139: {  	[tilespmem:s21], [sflag:$0x4] =	stream.indirect_vreg.gather [hbm4b:s5+s2], $0x80, v3, vm0, $0xb8;
	[tilespmem:$0x10100] =	vst v63  }
0x13a: {  	s21 =	simm.s32 $0xF900  }
0x13b: {  	[tilespmem:s21], [sflag:$0x4] =	stream.indirect_vreg.gather [hbm4b:s6+s2], $0x80, v3, vm0, $0xb8;
	[tilespmem:$0x10100] =	vst v63  }
0x13c: {  	_ =	swait.ge [sflag:s25], $0x8000  }
0x13d: {  	[sflag:s25] =	ssyncset.done $0x0  }
0x13e: {  	s30 =	rddreg [dreg:$0x8];
	[sflag:s25] =	ssyncadd.s32 $0xFFFF8000  }
0x13f: {  	[hbm4b:s30+s2] =	stream.linear.scatter [tilespmem:s26], [sflag:$0x3], $0x8000, $0x38;
	[tilespmem:$0x10100] =	vst v63  }
0x140: {  	_ =	swait.ge [sflag:s18], $0x8000  }
0x141: {  	[sflag:s18] =	ssyncset.done $0x0  }
0x142: {  	[sflag:s18] =	ssyncadd.s32 $0xFFFF8000  }
0x143: {  	v3 =	vld [tilespmem:$0xC0];
	_ =	sdelay $0x4  }
0x144: {  	v60 =	vshll.u32 v3, $0x3  }
0x145: {  	v3 =	vand.u32 $0x7, v3;
	v4 =	vand.u32 $0xFFFFFFC0, v60  }
0x146: {  	v3 =	vor.u32 v3, v4  }
0x147: {  	v4 =	vperm.xlane v3, v0;
	_ =	sdelay $0x1  }
0x148: {  	v4 =	vadd.s32 v1, v4;
	_ =	sdelay $0x4  }
0x149: {  	[tilespmem:s28], [sflag:$0x4] =	stream.indirect_vreg.gather [hbm4b:s3+s2], $0x80, v4, vm0, $0xb8;
	[tilespmem:$0x10100] =	vst v63  }
0x14a: {  	s30 =	simm.s32 $0x900;
	v3 =	vperm.xlane v3, v2  }
0x14b: {  	[tilespmem:s30], [sflag:$0x4] =	stream.indirect_vreg.gather [hbm4b:s4+s2], $0x80, v4, vm0, $0xb8;
	[tilespmem:$0x10100] =	vst v63  }
0x14c: {  	s8 =	simm.s32 $0x1100;
	v3 =	vadd.s32 v1, v3  }
0x14d: {  	[tilespmem:s8], [sflag:$0x4] =	stream.indirect_vreg.gather [hbm4b:s5+s2], $0x80, v4, vm0, $0xb8;
	[tilespmem:$0x10100] =	vst v63  }
0x14e: {  	s9 =	simm.s32 $0x1900  }
0x14f: {  	[tilespmem:s9], [sflag:$0x4] =	stream.indirect_vreg.gather [hbm4b:s6+s2], $0x80, v4, vm0, $0xb8;
	[tilespmem:$0x10100] =	vst v63  }
0x150: {  	s20 =	simm.s32 $0x2100  }
0x151: {  	[tilespmem:s20], [sflag:$0x4] =	stream.indirect_vreg.gather [hbm4b:s3+s2], $0x80, v3, vm0, $0xb8;
	[tilespmem:$0x10100] =	vst v63  }
0x152: {  	s30 =	simm.s32 $0x2900  }
0x153: {  	[tilespmem:s30], [sflag:$0x4] =	stream.indirect_vreg.gather [hbm4b:s4+s2], $0x80, v3, vm0, $0xb8;
	[tilespmem:$0x10100] =	vst v63  }
0x154: {  	s9 =	simm.s32 $0x3100  }
0x155: {  	[tilespmem:s9], [sflag:$0x4] =	stream.indirect_vreg.gather [hbm4b:s5+s2], $0x80, v3, vm0, $0xb8;
	[tilespmem:$0x10100] =	vst v63  }
0x156: {  	s20 =	simm.s32 $0x3900  }
0x157: {  	[tilespmem:s20], [sflag:$0x4] =	stream.indirect_vreg.gather [hbm4b:s6+s2], $0x80, v3, vm0, $0xb8;
	[tilespmem:$0x10100] =	vst v63  }
0x158: {  	v3 =	vld [tilespmem:$0xD0];
	_ =	sdelay $0x4  }
0x159: {  	v61 =	vshll.u32 v3, $0x3  }
0x15a: {  	v3 =	vand.u32 $0x7, v3;
	v4 =	vand.u32 $0xFFFFFFC0, v61  }
0x15b: {  	v3 =	vor.u32 v3, v4  }
0x15c: {  	v4 =	vperm.xlane v3, v0;
	_ =	sdelay $0x1  }
0x15d: {  	v4 =	vadd.s32 v1, v4;
	_ =	sdelay $0x3  }
0x15e: {  	s30 =	simm.s32 $0x4100  }
0x15f: {  	[tilespmem:s30], [sflag:$0x4] =	stream.indirect_vreg.gather [hbm4b:s3+s2], $0x80, v4, vm0, $0xb8;
	[tilespmem:$0x10100] =	vst v63  }
0x160: {  	s9 =	simm.s32 $0x4900;
	v3 =	vperm.xlane v3, v2  }
0x161: {  	[tilespmem:s9], [sflag:$0x4] =	stream.indirect_vreg.gather [hbm4b:s4+s2], $0x80, v4, vm0, $0xb8;
	[tilespmem:$0x10100] =	vst v63  }
0x162: {  	s10 =	simm.s32 $0x5100;
	v3 =	vadd.s32 v1, v3  }
0x163: {  	[tilespmem:s10], [sflag:$0x4] =	stream.indirect_vreg.gather [hbm4b:s5+s2], $0x80, v4, vm0, $0xb8;
	[tilespmem:$0x10100] =	vst v63  }
0x164: {  	s11 =	simm.s32 $0x5900  }
0x165: {  	[tilespmem:s11], [sflag:$0x4] =	stream.indirect_vreg.gather [hbm4b:s6+s2], $0x80, v4, vm0, $0xb8;
	[tilespmem:$0x10100] =	vst v63  }
0x166: {  	s12 =	simm.s32 $0x6100  }
0x167: {  	[tilespmem:s12], [sflag:$0x4] =	stream.indirect_vreg.gather [hbm4b:s3+s2], $0x80, v3, vm0, $0xb8;
	[tilespmem:$0x10100] =	vst v63  }
0x168: {  	s13 =	simm.s32 $0x6900  }
0x169: {  	[tilespmem:s13], [sflag:$0x4] =	stream.indirect_vreg.gather [hbm4b:s4+s2], $0x80, v3, vm0, $0xb8;
	[tilespmem:$0x10100] =	vst v63  }
0x16a: {  	s14 =	simm.s32 $0x7100  }
0x16b: {  	[tilespmem:s14], [sflag:$0x4] =	stream.indirect_vreg.gather [hbm4b:s5+s2], $0x80, v3, vm0, $0xb8;
	[tilespmem:$0x10100] =	vst v63  }
0x16c: {  	s15 =	simm.s32 $0x7900  }
0x16d: {  	[tilespmem:s15], [sflag:$0x4] =	stream.indirect_vreg.gather [hbm4b:s6+s2], $0x80, v3, vm0, $0xb8;
	[tilespmem:$0x10100] =	vst v63  }
0x16e: {  	_ =	swait.ge [sflag:s25], $0x8000  }
0x16f: {  	[sflag:s25] =	ssyncset.done $0x0  }
0x170: {  	s14 =	rddreg [dreg:$0x9];
	[sflag:s25] =	ssyncadd.s32 $0xFFFF8000  }
0x171: {  	[hbm4b:s14+s2] =	stream.linear.scatter [tilespmem:s28], [sflag:$0x2], $0x8000, $0x38;
	[tilespmem:$0x10100] =	vst v63  }
0x172: {  	_ =	swait.ge [sflag:s19], $0x8000  }
0x173: {  	[sflag:s19] =	ssyncset.done $0x0  }
0x174: {  	[sflag:s19] =	ssyncadd.s32 $0xFFFF8000  }
0x175: {  	v3 =	vld [tilespmem:$0xE0];
	_ =	sdelay $0x4  }
0x176: {  	v62 =	vshll.u32 v3, $0x3  }
0x177: {  	v3 =	vand.u32 $0x7, v3;
	v4 =	vand.u32 $0xFFFFFFC0, v62  }
0x178: {  	v3 =	vor.u32 v3, v4  }
0x179: {  	v4 =	vperm.xlane v3, v0;
	_ =	sdelay $0x1  }
0x17a: {  	v4 =	vadd.s32 v1, v4;
	_ =	sdelay $0x4  }
0x17b: {  	[tilespmem:s26], [sflag:$0x4] =	stream.indirect_vreg.gather [hbm4b:s3+s2], $0x80, v4, vm0, $0xb8;
	[tilespmem:$0x10100] =	vst v63  }
0x17c: {  	s15 =	simm.s32 $0x8900;
	v3 =	vperm.xlane v3, v2  }
0x17d: {  	[tilespmem:s15], [sflag:$0x4] =	stream.indirect_vreg.gather [hbm4b:s4+s2], $0x80, v4, vm0, $0xb8;
	[tilespmem:$0x10100] =	vst v63  }
0x17e: {  	s0 =	simm.s32 $0x9100;
	v3 =	vadd.s32 v1, v3  }
0x17f: {  	[tilespmem:s0], [sflag:$0x4] =	stream.indirect_vreg.gather [hbm4b:s5+s2], $0x80, v4, vm0, $0xb8;
	[tilespmem:$0x10100] =	vst v63  }
0x180: {  	s1 =	simm.s32 $0x9900  }
0x181: {  	[tilespmem:s1], [sflag:$0x4] =	stream.indirect_vreg.gather [hbm4b:s6+s2], $0x80, v4, vm0, $0xb8;
	[tilespmem:$0x10100] =	vst v63  }
0x182: {  	s31 =	simm.s32 $0xA100  }
0x183: {  	[tilespmem:s31], [sflag:$0x4] =	stream.indirect_vreg.gather [hbm4b:s3+s2], $0x80, v3, vm0, $0xb8;
	[tilespmem:$0x10100] =	vst v63  }
0x184: {  	s24 =	simm.s32 $0xA900  }
0x185: {  	[tilespmem:s24], [sflag:$0x4] =	stream.indirect_vreg.gather [hbm4b:s4+s2], $0x80, v3, vm0, $0xb8;
	[tilespmem:$0x10100] =	vst v63  }
0x186: {  	s23 =	simm.s32 $0xB100  }
0x187: {  	[tilespmem:s23], [sflag:$0x4] =	stream.indirect_vreg.gather [hbm4b:s5+s2], $0x80, v3, vm0, $0xb8;
	[tilespmem:$0x10100] =	vst v63  }
0x188: {  	s20 =	simm.s32 $0xB900  }
0x189: {  	[tilespmem:s20], [sflag:$0x4] =	stream.indirect_vreg.gather [hbm4b:s6+s2], $0x80, v3, vm0, $0xb8;
	[tilespmem:$0x10100] =	vst v63  }
0x18a: {  	v3 =	vld [tilespmem:$0xF0];
	_ =	sdelay $0x4  }
0x18b: {  	v63 =	vshll.u32 v3, $0x3  }
0x18c: {  	v3 =	vand.u32 $0x7, v3;
	v4 =	vand.u32 $0xFFFFFFC0, v63  }
0x18d: {  	v3 =	vor.u32 v3, v4  }
0x18e: {  	v4 =	vperm.xlane v3, v0;
	_ =	sdelay $0x1  }
0x18f: {  	v4 =	vadd.s32 v1, v4;
	_ =	sdelay $0x3  }
0x190: {  	s23 =	simm.s32 $0xC100  }
0x191: {  	[tilespmem:s23], [sflag:$0x4] =	stream.indirect_vreg.gather [hbm4b:s3+s2], $0x80, v4, vm0, $0xb8;
	[tilespmem:$0x10100] =	vst v63  }
0x192: {  	s24 =	simm.s32 $0xC900;
	v3 =	vperm.xlane v3, v2  }
0x193: {  	[tilespmem:s24], [sflag:$0x4] =	stream.indirect_vreg.gather [hbm4b:s4+s2], $0x80, v4, vm0, $0xb8;
	[tilespmem:$0x10100] =	vst v63  }
0x194: {  	s30 =	simm.s32 $0xD100;
	v3 =	vadd.s32 v1, v3  }
0x195: {  	[tilespmem:s30], [sflag:$0x4] =	stream.indirect_vreg.gather [hbm4b:s5+s2], $0x80, v4, vm0, $0xb8;
	[tilespmem:$0x10100] =	vst v63  }
0x196: {  	s16 =	simm.s32 $0xD900  }
0x197: {  	[tilespmem:s16], [sflag:$0x4] =	stream.indirect_vreg.gather [hbm4b:s6+s2], $0x80, v4, vm0, $0xb8;
	[tilespmem:$0x10100] =	vst v63  }
0x198: {  	s22 =	simm.s32 $0xE100  }
0x199: {  	[tilespmem:s22], [sflag:$0x4] =	stream.indirect_vreg.gather [hbm4b:s3+s2], $0x80, v3, vm0, $0xb8;
	[tilespmem:$0x10100] =	vst v63  }
0x19a: {  	s29 =	simm.s32 $0xE900  }
0x19b: {  	[tilespmem:s29], [sflag:$0x4] =	stream.indirect_vreg.gather [hbm4b:s4+s2], $0x80, v3, vm0, $0xb8;
	[tilespmem:$0x10100] =	vst v63  }
0x19c: {  	s17 =	simm.s32 $0xF100  }
0x19d: {  	[tilespmem:s17], [sflag:$0x4] =	stream.indirect_vreg.gather [hbm4b:s5+s2], $0x80, v3, vm0, $0xb8;
	[tilespmem:$0x10100] =	vst v63  }
0x19e: {  	s21 =	simm.s32 $0xF900  }
0x19f: {  	[tilespmem:s21], [sflag:$0x4] =	stream.indirect_vreg.gather [hbm4b:s6+s2], $0x80, v3, vm0, $0xb8;
	[tilespmem:$0x10100] =	vst v63  }
0x1a0: {  	_ =	swait.ge [sflag:s25], $0x8000  }
0x1a1: {  	[sflag:s25] =	ssyncset.done $0x0  }
0x1a2: {  	s31 =	rddreg [dreg:$0xa];
	[sflag:s25] =	ssyncadd.s32 $0xFFFF8000  }
0x1a3: {  	[hbm4b:s31+s2] =	stream.linear.scatter [tilespmem:s26], [sflag:$0x3], $0x8000, $0x38;
	[tilespmem:$0x10100] =	vst v63  }
0x1a4: {  	p0 =	sne.s32 s7, $0x1;
	_ =	swait.ge [sflag:s18], $0x8000  }
.Ltmp0:
0x1a5: {  	[sflag:s18] =	ssyncset.done $0x0;
	(pc) =	sbr.rel @p0 .LBB2_1-.Ltmp0, $4  }
0x1a6: {  	[sflag:s18] =	ssyncadd.s32 $0xFFFF8000  }
0x1a7: {  	_ =	swait.ge [sflag:s19], $0x8000  }
0x1a8: {  	[sflag:s19] =	ssyncset.done $0x0  }
0x1a9: {  	s7 =	sadd.s32 $0xFFFFFFFF, s7;
	[sflag:s19] =	ssyncadd.s32 $0xFFFF8000  }
0x1aa: {  	_ =	sfence.sel $0x180000  }
0x1ab: {  	[bflag:$0x0] =	sbarrier.arrive $0xFFFF  }
0x1ac: {  	_ =	strace $0x9000004D  }
0x1ad: {  	s0 =	stileid.u32;
	[bflag:$0x2] =	sbarrier.arrive $0xFFFF  }
0x1ae: {  	p0 =	sne.s32 s0, $0x0;
	s0 =	rddreg [dreg:$0x1]  }
0x1af: {  	s0 =	sadd.s32 @!p0 $0x100000, s0  }
0x1b0: {  	[sflag:s0] =	ssyncadd.tile.s32 @!p0 $0x1;
	_ =	shalt  }
.Lfunc_end2:
_tile_overlayer_lowered:
.L_overlay_start_2:
0x1b1: {  	(tag) =	ssettag $0x2  }
0x1b2: {  	s0 =	rddreg [dreg:$0x0];
	s2 =	stileid.u32  }
0x1b3: {  	s1 =	rddreg [dreg:$0x1];
	p0 =	sne.s32 s2, $0x0  }
0x1b4: {  	s3 =	rddreg [dreg:$0x2];
	[bflag:$0x3] =	sbarrier.arrive $0xFFFF;
	s2 =	simm.s32 @!p0 $0x1C04  }
0x1b5: {  	[timem:s3], [sflag:s2] =	dma.local @!p0 [hbm:s0], s1  }
0x1b6: {  	s0 =	simm.s32 @!p0 $0x4  }
0x1b7: {  	_ =	swait.ge @!p0 [sflag:s0], s1  }
0x1b8: {  	s1 =	ssub.s32 @!p0 $0x0, s1;
	[sflag:s0] =	ssyncset.done @!p0 $0x0  }
0x1b9: {  	[sflag:s0] =	ssyncadd.s32 @!p0 s1  }
0x1ba: {  	[bflag:$0x3] =	sbarrier.arrive $0xFFFF  }
0x1bb: {  	_ =	shalt  }

// kernel: kernel.24.cloned.1.call-start
scs
__scs_entry_jumppad:
0x0: {  	(pc) =	sbr.rel $0x88, $3  }
0x1: {  	(tag) =	ssettag $0x0;
	lr =	simm.s32 $0x1  }
0x2: {  	[smem:$0x3F99] =	sst lr;
	_ =	strace $0xD0000000  }
0x3: {  	_ = 	snop  }
0x4: {  	_ = 	snop  }
0x5: {  	_ = 	snop  }
0x6: {  	_ = 	snop  }
0x7: {  	_ = 	snop  }
__scs_overlays_trampoline_lowered:
0x8: {  	[smem:$0x3FA8] =	sst s0  }
0x9: {  	[smem:$0x3FA9] =	sst s1  }
0xa: {  	[smem:$0x3FAA] =	sst s2  }
0xb: {  	[smem:$0x3FAB] =	sst s3  }
0xc: {  	[smem:$0x3FAC] =	sst s4  }
0xd: {  	[smem:$0x3FAD] =	sst s5  }
0xe: {  	[smem:$0x3FAE] =	sst s6  }
0xf: {  	[smem:$0x3FAF] =	sst s7  }
0x10: {  	[smem:$0x3FB0] =	sst s8  }
0x11: {  	[smem:$0x3FB1] =	sst s9;
	s0 =	simm.s32 @!p0 $0x0  }
0x12: {  	s1 =	sld [smem:$0x3F97];
	s0 =	simm.s32 @p0 $0x1  }
0x13: {  	[smem:$0x3FB2] =	sst s0;
	s0 =	simm.s32 @!p1 $0x0  }
0x14: {  	s2 =	sld [smem:$0x3F96];
	s0 =	simm.s32 @p1 $0x1  }
0x15: {  	[smem:$0x3FB3] =	sst s0;
	s0 =	simm.s32 @!p2 $0x0  }
0x16: {  	s3 =	sld [smem:$0x3FDB];
	s0 =	simm.s32 @p2 $0x1  }
0x17: {  	s4 =	simm.s32 $0x1BF5;
	[smem:$0x3FB5] =	sst s0  }
0x18: {  	s0 =	sld [smem:$0x3F98];
	_ =	swait.ge [sflag:s4], $0x0  }
0x19: {  	s7 =	sld [smem:$0x3F99]  }
0x1a: {  	s8 =	sadd.s32 $0xFFFFE003, lr  }
0x1b: {  	s9 =	sadd.s32 $0xFFFFFEF7, lr;
	s5 =	simm.s32 $0xFFFFFFFF;
	p2 =	slt.u32 s8, $0xFFFFF086  }
0x1c: {  	p1 =	slt.u32 s9, $0xF7A;
	s5 =	simm.s32 @!p2 $0x0  }
0x1d: {  	s5 =	simm.s32 @p1 $0x1;
	p0 =	seq.s32 s7, s2  }
0x1e: {  	s7 =	smul.u32 @!p0 $0xF7A, s2;
	p2 =	seq.s32 @!p0 s5, $0x0  }
0x1f: {  	s9 =	smul.u32 $0xF7A, s1;
	s8 =	simm.s32 @!p0 $0x1BF5;
	p2 =	por !p2, p0  }
0x20: {  	[sflag:s8] =	ssyncset.s32 @!p0 $0xFFFFF086;
	s6 =	sadd.s32 @!p0 s3, s7;
	s7 =	simm.s32 @!p0 $0x108  }
0x21: {  	s3 =	sadd.s32 s3, s9;
	s6 =	sadd.s32 @!p0 $0x88, s6;
	s7 =	simm.s32 @p2 $0x1082  }
0x22: {  	[simem:s7], [sflag:s8] =	dma.local @!p0 [hbm:s6], $0xF7A  }
0x23: {  	s9 =	sor.u32 $0xD0000000, s2;
	s6 =	simm.s32 $0x108;
	_ =	swait.ge @!p0 [sflag:s8], $0x0  }
0x24: {  	s3 =	sadd.s32 $0x88, s3;
	s6 =	simm.s32 @!p1 $0x1082;
	[sflag:s4] =	ssyncset.s32 $0xFFFFF086  }
0x25: {  	[simem:s6], [sflag:s4] =	dma.local [hbm:s3], $0xF7A  }
0x26: {  	[smem:$0x3F99] =	sst s1;
	(tag) =	ssettag s2;
	_ =	strace s9  }
0x27: {  	s1 =	sld [smem:$0x3FA9]  }
0x28: {  	s2 =	sld [smem:$0x3FAA]  }
0x29: {  	s4 =	sld [smem:$0x3FAC]  }
0x2a: {  	p0 =	seq.s32 s5, $0x0;
	s5 =	sld [smem:$0x3FAD]  }
0x2b: {  	s6 =	sld [smem:$0x3FAE]  }
0x2c: {  	s7 =	sld [smem:$0x3FAF]  }
0x2d: {  	s3 =	simm.s32 $0x108;
	s8 =	sld [smem:$0x3FB0]  }
0x2e: {  	s3 =	simm.s32 @!p0 $0x1082;
	s9 =	sld [smem:$0x3FB1]  }
0x2f: {  	lr =	sadd.s32 s0, s3;
	s0 =	sld [smem:$0x3FA8]  }
0x30: {  	s3 =	sld [smem:$0x3FAB]  }
0x31: {  	[smem:$0x3FB4] =	sst s10  }
0x32: {  	s10 =	sld [smem:$0x3FB2];
	_ =	sdelay $0x3  }
0x33: {  	p0 =	seq.s32 s10, $0x1;
	s10 =	sld [smem:$0x3FB4];
	_ =	sdelay $0x3  }
0x34: {  	[smem:$0x3FB4] =	sst s10  }
0x35: {  	s10 =	sld [smem:$0x3FB3];
	_ =	sdelay $0x3  }
0x36: {  	p1 =	seq.s32 s10, $0x1;
	s10 =	sld [smem:$0x3FB4];
	_ =	sdelay $0x3  }
0x37: {  	[smem:$0x3FB4] =	sst s10  }
0x38: {  	s10 =	sld [smem:$0x3FB5]  }
0x39: {  	_ = 	snop;
	(pc) =	sbr.ind lr, $3  }
0x3a: {  	_ = 	snop  }
0x3b: {  	_ = 	snop  }
0x3c: {  	p2 =	seq.s32 s10, $0x1;
	s10 =	sld [smem:$0x3FB4]  }
0x3d: {  	_ =	shalt  }
0x3e: {  	_ =	shalt  }
0x3f: {  	_ =	shalt  }
0x40: {  	_ =	shalt  }
0x41: {  	_ =	shalt  }
0x42: {  	_ =	shalt  }
0x43: {  	_ =	shalt  }
0x44: {  	_ =	shalt  }
0x45: {  	_ =	shalt  }
0x46: {  	_ =	shalt  }
0x47: {  	_ =	shalt  }
0x48: {  	_ =	shalt  }
0x49: {  	_ =	shalt  }
0x4a: {  	_ =	shalt  }
0x4b: {  	_ =	shalt  }
0x4c: {  	_ =	shalt  }
0x4d: {  	_ =	shalt  }
0x4e: {  	_ =	shalt  }
0x4f: {  	_ =	shalt  }
0x50: {  	_ =	shalt  }
0x51: {  	_ =	shalt  }
0x52: {  	_ =	shalt  }
0x53: {  	_ =	shalt  }
0x54: {  	_ =	shalt  }
0x55: {  	_ =	shalt  }
0x56: {  	_ =	shalt  }
0x57: {  	_ =	shalt  }
0x58: {  	_ =	shalt  }
0x59: {  	_ =	shalt  }
0x5a: {  	_ =	shalt  }
0x5b: {  	_ =	shalt  }
0x5c: {  	_ =	shalt  }
0x5d: {  	_ =	shalt  }
0x5e: {  	_ =	shalt  }
0x5f: {  	_ =	shalt  }
0x60: {  	_ =	shalt  }
0x61: {  	_ =	shalt  }
0x62: {  	_ =	shalt  }
0x63: {  	_ =	shalt  }
0x64: {  	_ =	shalt  }
0x65: {  	_ =	shalt  }
0x66: {  	_ =	shalt  }
0x67: {  	_ =	shalt  }
0x68: {  	_ =	shalt  }
0x69: {  	_ =	shalt  }
0x6a: {  	_ =	shalt  }
0x6b: {  	_ =	shalt  }
0x6c: {  	_ =	shalt  }
0x6d: {  	_ =	shalt  }
0x6e: {  	_ =	shalt  }
0x6f: {  	_ =	shalt  }
0x70: {  	_ =	shalt  }
0x71: {  	_ =	shalt  }
0x72: {  	_ =	shalt  }
0x73: {  	_ =	shalt  }
0x74: {  	_ =	shalt  }
0x75: {  	_ =	shalt  }
0x76: {  	_ =	shalt  }
0x77: {  	_ =	shalt  }
0x78: {  	_ =	shalt  }
0x79: {  	_ =	shalt  }
0x7a: {  	_ =	shalt  }
0x7b: {  	_ =	shalt  }
0x7c: {  	_ =	shalt  }
0x7d: {  	_ =	shalt  }
0x7e: {  	_ =	shalt  }
0x7f: {  	_ =	shalt  }
0x80: {  	_ =	shalt  }
0x81: {  	_ =	shalt  }
0x82: {  	_ =	shalt  }
0x83: {  	_ =	shalt  }
0x84: {  	_ =	shalt  }
0x85: {  	_ =	shalt  }
0x86: {  	_ =	shalt  }
0x87: {  	_ =	shalt  }
.Lfunc_end0:
.L_simem_size_0:
called_computation.3_lowered:
.L_overlay_start_0:
0x88: {  	s2 =	sld [smem:$0x3FD9]  }
0x89: {  	s3 =	sld [smem:$0x3FFE];
	_ =	sdelay $0x1  }
0x8a: {  	s1 =	srdreg.scid  }
0x8b: {  	s0 =	sand.u32 $0x1, s1  }
0x8c: {  	s17 =	sshll.u32 s0, $0xA;
	s2 =	sadd.s32 s3, s2  }
0x8d: {  	s2 =	sadd.s32 s2, s17  }
0x8e: {  	[smem:$0x3FC0] =	sst s2  }
0x8f: {  	_ = 	snop  }
0x90: {  	s2 =	sld [smem:$0x3FD0];
	(tm) =	ssettm $0x1  }
0x91: {  	s18 =	sld [smem:$0x3FFB];
	_ =	sdelay $0x3  }
0x92: {  	_ =	strace s18  }
0x93: {  	s3 =	sld [smem:$0x3FFC];
	_ =	sdelay $0x3  }
0x94: {  	_ =	strace s3  }
0x95: {  	s3 =	sld [smem:$0x3FFD];
	_ =	sdelay $0x3  }
0x96: {  	_ =	strace s3  }
0x97: {  	_ =	strace $0x8FFFFFFF  }
0x98: {  	s19 =	sld [smem:$0x3FDB];
	_ =	sdelay $0x1  }
0x99: {  	s4 =	simm.s32 $_scs_section_size  }
0x9a: {  	s5 =	simm.s32 $_size__tile_overlayer_lowered;
	s6 =	simm.s32 $_tile_overlayer_lowered  }
0x9b: {  	s22 =	simm.s32 $0x1BFF;
	s21 =	sshll.u32 s6, $0x1;
	s3 =	sadd.s32 s4, s19  }
0x9c: {  	s7 =	simm.s32 $0x0;
	s20 =	sshll.u32 s5, $0x1;
	s5 =	sadd.s32 s21, s3  }
0x9d: {  	[timem:s7], [sflag:s22] =	dma.local [hbm:s5], s20  }
0x9e: {  	_ =	swait.ge [sflag:s22], s20  }
0x9f: {  	s4 =	ssub.s32 $0x0, s20;
	[sflag:s22] =	ssyncset.done $0x0  }
0xa0: {  	[sflag:s22] =	ssyncadd.s32 s4;
	_ =	sdelay $0x1  }
0xa1: {  	s23 =	simm.s32 $0x1B8B  }
0xa2: {  	_ =	swait.ge [sflag:s23], $0x1  }
0xa3: {  	[sflag:s23] =	ssyncset.done $0x0  }
0xa4: {  	s25 =	simm.s32 $0x1B8E;
	s24 =	sld [smem:$0x3FFE];
	[sflag:s23] =	ssyncadd.s32 $0xFFFFFFFF  }
0xa5: {  	s26 =	simm.s32 $execute0_lowered;
	[smem:$0x3FD2] =	sst s25  }
0xa6: {  	s5 =	sshll.u32 s26, $0x1;
	_ =	strace $0x8000004F;
	[dreg:$0x1] =	wrdreg $0xFFFFFFFF  }
0xa7: {  	s28 =	simm.s32 $_size_execute0_lowered;
	s3 =	sadd.s32 s3, s5;
	[dreg:$0x0] =	wrdreg $0x0  }
0xa8: {  	s5 =	sshll.u32 s28, $0x1;
	[dreg:$0x2] =	wrdreg s3  }
0xa9: {  	[dreg:$0x3] =	wrdreg s5  }
0xaa: {  	[dreg:$0x4] =	wrdreg $0xC0  }
0xab: {  	_ =	task [dreg:s7], $0x5FFFF  }
0xac: {  	[dreg:$0x1] =	wrdreg $0xFFFFFFFF  }
0xad: {  	[dreg:$0x0] =	wrdreg $0x60  }
0xae: {  	[dreg:$0x2] =	wrdreg s2  }
0xaf: {  	[dreg:$0x3] =	wrdreg s24  }
0xb0: {  	[dreg:$0x4] =	wrdreg $0x9  }
0xb1: {  	_ =	task.clear_ibuf [dreg:s7], $0x5FFFF;
	_ =	strace $0x9000004F  }
0xb2: {  	s29 =	simm.s32 $0x9;
	_ =	strace $0x80000051  }
0xb3: {  	_ =	swait.ge [sflag:s29], $0x1  }
0xb4: {  	[sflag:s29] =	ssyncadd.s32 $0xFFFFFFFF  }
0xb5: {  	_ =	strace $0x90000051  }
0xb6: {  	_ =	sfence  }
0xb7: {  	s30 =	sld [smem:$0x0];
	_ =	sdelay $0x2  }
0xb8: {  	s31 =	sshll.u32 s1, $0xD;
	s1 =	sshrl.u32 s1, $0x2  }
0xb9: {  	s3 =	sand.u32 $0x4000, s31;
	s1 =	sadd.s32 s1, s30  }
0xba: {  	s0 =	sor.u32 s3, s0;
	s1 =	sshll.u32 s1, $0x11  }
0xbb: {  	s0 =	sor.u32 s1, s0  }
0xbc: {  	s0 =	sadd.s32 $0x8F2B, s0  }
0xbd: {  	[sflag:s0] =	ssyncadd.remote.s32 $0x1  }
0xbe: {  	_ =	sfence.sel $0xFFFF  }
0xbf: {  	[dreg:$0x0] =	wrdreg $0xFFFFFFFF;
	(pc) =	sbr.abs _section_cstart, $3  }
0xc0: {  	[dreg:$0x1] =	wrdreg $0xFFFFFFFF  }
0xc1: {  	_ =	task.clear_ibuf [dreg:s7], $0x2FFFF;
	_ =	strace $0x9FFFFFFF  }
0xc2: {  	(tm) =	ssettm $0x7FFFFFFF  }
0xc3: {  	_ =	shalt  }
tec
execute0_lowered:
.L_overlay_start_1:
0x0: {  	(tag) =	ssettag $0x1  }
0x1: {  	s0 =	srdreg.scid;
	s1 =	rddreg [dreg:$0x0]  }
0x2: {  	s5 =	stileid.u32;
	s7 =	rddreg [dreg:$0x1]  }
0x3: {  	s28 =	simm.s32 $0x80;
	s31 =	simm.s32 $0x400;
	s11 =	simm.s32 $0x2  }
0x4: {  	s0 =	sand.u32 $0x1, s0;
	s2 =	sshll.u32 s5, $0x5;
	s4 =	sshll.u32 s5, $0x4  }
0x5: {  	s19 =	sshll.u32 s5, $0xF;
	s3 =	sshll.u32 s0, $0x9;
	s2 =	sand.u32 $0x100, s2  }
0x6: {  	s5 =	sadd.s32 s1, s19;
	s3 =	sor.u32 s3, s2;
	s2 =	simm.s32 $0x0  }
0x7: {  	s12 =	simm.s32 $0x8100;
	s1 =	sadd.s32 $0x1000, s5;
	[smem:$0x7FF] =	sst s2  }
0x8: {  	s20 =	sadd.s32 $0x2000, s5;
	_ =	strace $0x80000050;
	[dreg:$0x4] =	wrdreg s1  }
0x9: {  	s29 =	simm.s32 $0x4;
	s21 =	sadd.s32 $0x3000, s5;
	[dreg:$0x5] =	wrdreg s20  }
0xa: {  	s30 =	simm.s32 $0x3;
	s22 =	sadd.s32 $0x4000, s5;
	[dreg:$0x6] =	wrdreg s21  }
0xb: {  	s6 =	sadd.s32 $0x13600, s7;
	s23 =	sadd.s32 $0x5000, s5;
	[dreg:$0x7] =	wrdreg s22  }
0xc: {  	s0 =	ssub.s32 $0x2, s0;
	s25 =	sadd.s32 $0x6000, s5;
	[dreg:$0x8] =	wrdreg s23  }
0xd: {  	s4 =	sand.u32 $0x70, s4;
	s24 =	sshrl.u32 s0, $0x1;
	[dreg:$0x9] =	wrdreg s25  }
0xe: {  	s26 =	sadd.s32 $0x7000, s5;
	s3 =	sor.u32 s4, s3;
	[dreg:$0xd] =	wrdreg s5  }
0xf: {  	s4 =	sadd.s32 $0x13400, s7;
	s0 =	ssub.s32 s0, s24;
	[dreg:$0xa] =	wrdreg s26  }
0x10: {  	v2 =	vlaneseq.u32;
	s3 =	sadd.s32 s3, s7;
	s5 =	sadd.s32 $0x13500, s7;
	[dreg:$0xb] =	wrdreg s28  }
0x11: {  	vm0 =	vmmov $0xffff;
	v1 =	vshrl.u32 v2, $0x3;
	s7 =	sadd.s32 $0x13700, s7;
	[dreg:$0xc] =	wrdreg s31;
	s3 =	sadd.s32 $0x13000, s3  }
0x12: {  	v0 =	vand.u32 $0x7, v2;
	v2 =	vor.u32 $0x8, v2;
	v1 =	vmul.u32 $0x8, v1;
	s8 =	smax.u32 s0, $0x1;
	s22 =	simm.s32 $0x100;
	[dreg:$0x3] =	wrdreg s3  }
.LBB2_1:
0x13: {  	s23 =	rddreg [dreg:$0x3]  }
0x14: {  	s24 =	rddreg [dreg:$0xb]  }
0x15: {  	s25 =	rddreg [dreg:$0xc];
	s18 =	simm.s32 $0x1  }
0x16: {  	[tilespmem:s2], [sflag:$0x1] =	stream.strided.gather [hbm4b:s23+s24], $0x100, s25, s24, $0x38;
	[tilespmem:$0x10100] =	vst v63  }
0x17: {  	_ =	swait.ge [sflag:s18], $0x100  }
0x18: {  	[sflag:s18] =	ssyncset.done $0x0  }
0x19: {  	s19 =	rddreg [dreg:$0xd];
	[sflag:s18] =	ssyncadd.s32 $0xFFFFFF00  }
0x1a: {  	[tilespmem:s22], [sflag:$0x2] =	stream.linear.gather [hbm4b:s19+s2], $0x8000, $0x38;
	[tilespmem:$0x10100] =	vst v63  }
0x1b: {  	_ =	swait.ge [sflag:s11], $0x8000  }
0x1c: {  	[sflag:s11] =	ssyncset.done $0x0  }
0x1d: {  	s20 =	rddreg [dreg:$0x4];
	[sflag:s11] =	ssyncadd.s32 $0xFFFF8000  }
0x1e: {  	[tilespmem:s12], [sflag:$0x3] =	stream.linear.gather [hbm4b:s20+s2], $0x8000, $0x38;
	[tilespmem:$0x10100] =	vst v63  }
0x1f: {  	v3 =	vld [tilespmem:$0x0];
	_ =	sdelay $0x4  }
0x20: {  	v4 =	vshll.u32 v3, $0x3  }
0x21: {  	v3 =	vand.u32 $0x7, v3;
	v4 =	vand.u32 $0xFFFFFFC0, v4  }
0x22: {  	v3 =	vor.u32 v3, v4  }
0x23: {  	v4 =	vperm.xlane v3, v0;
	_ =	sdelay $0x1  }
0x24: {  	v4 =	vadd.s32 v1, v4;
	_ =	sdelay $0x4  }
0x25: {  	[hbm4b:s4+s2] =	stream.indirect_vreg.scatter [tilespmem:s22], [sflag:$0x4], $0x80, v4, vm0, $0xb8;
	[tilespmem:$0x10100] =	vst v63  }
0x26: {  	s0 =	simm.s32 $0x900;
	v3 =	vperm.xlane v3, v2  }
0x27: {  	[hbm4b:s5+s2] =	stream.indirect_vreg.scatter [tilespmem:s0], [sflag:$0x4], $0x80, v4, vm0, $0xb8;
	[tilespmem:$0x10100] =	vst v63  }
0x28: {  	s21 =	simm.s32 $0x1100;
	v3 =	vadd.s32 v1, v3  }
0x29: {  	[hbm4b:s6+s2] =	stream.indirect_vreg.scatter [tilespmem:s21], [sflag:$0x4], $0x80, v4, vm0, $0xb8;
	[tilespmem:$0x10100] =	vst v63  }
0x2a: {  	s23 =	simm.s32 $0x1900  }
0x2b: {  	[hbm4b:s7+s2] =	stream.indirect_vreg.scatter [tilespmem:s23], [sflag:$0x4], $0x80, v4, vm0, $0xb8;
	[tilespmem:$0x10100] =	vst v63  }
0x2c: {  	s24 =	simm.s32 $0x2100  }
0x2d: {  	[hbm4b:s4+s2] =	stream.indirect_vreg.scatter [tilespmem:s24], [sflag:$0x4], $0x80, v3, vm0, $0xb8;
	[tilespmem:$0x10100] =	vst v63  }
0x2e: {  	s25 =	simm.s32 $0x2900  }
0x2f: {  	[hbm4b:s5+s2] =	stream.indirect_vreg.scatter [tilespmem:s25], [sflag:$0x4], $0x80, v3, vm0, $0xb8;
	[tilespmem:$0x10100] =	vst v63  }
0x30: {  	s26 =	simm.s32 $0x3100  }
0x31: {  	[hbm4b:s6+s2] =	stream.indirect_vreg.scatter [tilespmem:s26], [sflag:$0x4], $0x80, v3, vm0, $0xb8;
	[tilespmem:$0x10100] =	vst v63  }
0x32: {  	s28 =	simm.s32 $0x3900  }
0x33: {  	[hbm4b:s7+s2] =	stream.indirect_vreg.scatter [tilespmem:s28], [sflag:$0x4], $0x80, v3, vm0, $0xb8;
	[tilespmem:$0x10100] =	vst v63  }
0x34: {  	v3 =	vld [tilespmem:$0x10];
	_ =	sdelay $0x4  }
0x35: {  	v49 =	vshll.u32 v3, $0x3  }
0x36: {  	v3 =	vand.u32 $0x7, v3;
	v4 =	vand.u32 $0xFFFFFFC0, v49  }
0x37: {  	v3 =	vor.u32 v3, v4  }
0x38: {  	v4 =	vperm.xlane v3, v0;
	_ =	sdelay $0x1  }
0x39: {  	v4 =	vadd.s32 v1, v4;
	_ =	sdelay $0x3  }
0x3a: {  	s31 =	simm.s32 $0x4100  }
0x3b: {  	[hbm4b:s4+s2] =	stream.indirect_vreg.scatter [tilespmem:s31], [sflag:$0x4], $0x80, v4, vm0, $0xb8;
	[tilespmem:$0x10100] =	vst v63  }
0x3c: {  	s14 =	simm.s32 $0x4900;
	v3 =	vperm.xlane v3, v2  }
0x3d: {  	[hbm4b:s5+s2] =	stream.indirect_vreg.scatter [tilespmem:s14], [sflag:$0x4], $0x80, v4, vm0, $0xb8;
	[tilespmem:$0x10100] =	vst v63  }
0x3e: {  	s15 =	simm.s32 $0x5100;
	v3 =	vadd.s32 v1, v3  }
0x3f: {  	[hbm4b:s6+s2] =	stream.indirect_vreg.scatter [tilespmem:s15], [sflag:$0x4], $0x80, v4, vm0, $0xb8;
	[tilespmem:$0x10100] =	vst v63  }
0x40: {  	s16 =	simm.s32 $0x5900  }
0x41: {  	[hbm4b:s7+s2] =	stream.indirect_vreg.scatter [tilespmem:s16], [sflag:$0x4], $0x80, v4, vm0, $0xb8;
	[tilespmem:$0x10100] =	vst v63  }
0x42: {  	s17 =	simm.s32 $0x6100  }
0x43: {  	[hbm4b:s4+s2] =	stream.indirect_vreg.scatter [tilespmem:s17], [sflag:$0x4], $0x80, v3, vm0, $0xb8;
	[tilespmem:$0x10100] =	vst v63  }
0x44: {  	s18 =	simm.s32 $0x6900  }
0x45: {  	[hbm4b:s5+s2] =	stream.indirect_vreg.scatter [tilespmem:s18], [sflag:$0x4], $0x80, v3, vm0, $0xb8;
	[tilespmem:$0x10100] =	vst v63  }
0x46: {  	s19 =	simm.s32 $0x7100  }
0x47: {  	[hbm4b:s6+s2] =	stream.indirect_vreg.scatter [tilespmem:s19], [sflag:$0x4], $0x80, v3, vm0, $0xb8;
	[tilespmem:$0x10100] =	vst v63  }
0x48: {  	s20 =	simm.s32 $0x7900  }
0x49: {  	[hbm4b:s7+s2] =	stream.indirect_vreg.scatter [tilespmem:s20], [sflag:$0x4], $0x80, v3, vm0, $0xb8;
	[tilespmem:$0x10100] =	vst v63  }
0x4a: {  	_ =	swait.ge [sflag:s29], $0x8000  }
0x4b: {  	[sflag:s29] =	ssyncset.done $0x0  }
0x4c: {  	[sflag:s29] =	ssyncadd.s32 $0xFFFF8000  }
0x4d: {  	_ =	swait.ge [sflag:s30], $0x8000  }
0x4e: {  	[sflag:s30] =	ssyncset.done $0x0  }
0x4f: {  	s21 =	rddreg [dreg:$0x5];
	[sflag:s30] =	ssyncadd.s32 $0xFFFF8000  }
0x50: {  	[tilespmem:s22], [sflag:$0x2] =	stream.linear.gather [hbm4b:s21+s2], $0x8000, $0x38;
	[tilespmem:$0x10100] =	vst v63  }
0x51: {  	v3 =	vld [tilespmem:$0x20];
	_ =	sdelay $0x4  }
0x52: {  	v50 =	vshll.u32 v3, $0x3  }
0x53: {  	v3 =	vand.u32 $0x7, v3;
	v4 =	vand.u32 $0xFFFFFFC0, v50  }
0x54: {  	v3 =	vor.u32 v3, v4  }
0x55: {  	v4 =	vperm.xlane v3, v0;
	_ =	sdelay $0x1  }
0x56: {  	v4 =	vadd.s32 v1, v4;
	_ =	sdelay $0x4  }
0x57: {  	[hbm4b:s4+s2] =	stream.indirect_vreg.scatter [tilespmem:s12], [sflag:$0x4], $0x80, v4, vm0, $0xb8;
	[tilespmem:$0x10100] =	vst v63  }
0x58: {  	s24 =	simm.s32 $0x8900;
	v3 =	vperm.xlane v3, v2  }
0x59: {  	[hbm4b:s5+s2] =	stream.indirect_vreg.scatter [tilespmem:s24], [sflag:$0x4], $0x80, v4, vm0, $0xb8;
	[tilespmem:$0x10100] =	vst v63  }
0x5a: {  	s25 =	simm.s32 $0x9100;
	v3 =	vadd.s32 v1, v3  }
0x5b: {  	[hbm4b:s6+s2] =	stream.indirect_vreg.scatter [tilespmem:s25], [sflag:$0x4], $0x80, v4, vm0, $0xb8;
	[tilespmem:$0x10100] =	vst v63  }
0x5c: {  	s26 =	simm.s32 $0x9900  }
0x5d: {  	[hbm4b:s7+s2] =	stream.indirect_vreg.scatter [tilespmem:s26], [sflag:$0x4], $0x80, v4, vm0, $0xb8;
	[tilespmem:$0x10100] =	vst v63  }
0x5e: {  	s28 =	simm.s32 $0xA100  }
0x5f: {  	[hbm4b:s4+s2] =	stream.indirect_vreg.scatter [tilespmem:s28], [sflag:$0x4], $0x80, v3, vm0, $0xb8;
	[tilespmem:$0x10100] =	vst v63  }
0x60: {  	s31 =	simm.s32 $0xA900  }
0x61: {  	[hbm4b:s5+s2] =	stream.indirect_vreg.scatter [tilespmem:s31], [sflag:$0x4], $0x80, v3, vm0, $0xb8;
	[tilespmem:$0x10100] =	vst v63  }
0x62: {  	s14 =	simm.s32 $0xB100  }
0x63: {  	[hbm4b:s6+s2] =	stream.indirect_vreg.scatter [tilespmem:s14], [sflag:$0x4], $0x80, v3, vm0, $0xb8;
	[tilespmem:$0x10100] =	vst v63  }
0x64: {  	s15 =	simm.s32 $0xB900  }
0x65: {  	[hbm4b:s7+s2] =	stream.indirect_vreg.scatter [tilespmem:s15], [sflag:$0x4], $0x80, v3, vm0, $0xb8;
	[tilespmem:$0x10100] =	vst v63  }
0x66: {  	v3 =	vld [tilespmem:$0x30];
	_ =	sdelay $0x4  }
0x67: {  	v51 =	vshll.u32 v3, $0x3  }
0x68: {  	v3 =	vand.u32 $0x7, v3;
	v4 =	vand.u32 $0xFFFFFFC0, v51  }
0x69: {  	v3 =	vor.u32 v3, v4  }
0x6a: {  	v4 =	vperm.xlane v3, v0;
	_ =	sdelay $0x1  }
0x6b: {  	v4 =	vadd.s32 v1, v4;
	_ =	sdelay $0x3  }
0x6c: {  	s16 =	simm.s32 $0xC100  }
0x6d: {  	[hbm4b:s4+s2] =	stream.indirect_vreg.scatter [tilespmem:s16], [sflag:$0x4], $0x80, v4, vm0, $0xb8;
	[tilespmem:$0x10100] =	vst v63  }
0x6e: {  	s23 =	simm.s32 $0xC900;
	v3 =	vperm.xlane v3, v2  }
0x6f: {  	[hbm4b:s5+s2] =	stream.indirect_vreg.scatter [tilespmem:s23], [sflag:$0x4], $0x80, v4, vm0, $0xb8;
	[tilespmem:$0x10100] =	vst v63  }
0x70: {  	s24 =	simm.s32 $0xD100;
	v3 =	vadd.s32 v1, v3  }
0x71: {  	[hbm4b:s6+s2] =	stream.indirect_vreg.scatter [tilespmem:s24], [sflag:$0x4], $0x80, v4, vm0, $0xb8;
	[tilespmem:$0x10100] =	vst v63  }
0x72: {  	s25 =	simm.s32 $0xD900  }
0x73: {  	[hbm4b:s7+s2] =	stream.indirect_vreg.scatter [tilespmem:s25], [sflag:$0x4], $0x80, v4, vm0, $0xb8;
	[tilespmem:$0x10100] =	vst v63  }
0x74: {  	s26 =	simm.s32 $0xE100  }
0x75: {  	[hbm4b:s4+s2] =	stream.indirect_vreg.scatter [tilespmem:s26], [sflag:$0x4], $0x80, v3, vm0, $0xb8;
	[tilespmem:$0x10100] =	vst v63  }
0x76: {  	s31 =	simm.s32 $0xE900  }
0x77: {  	[hbm4b:s5+s2] =	stream.indirect_vreg.scatter [tilespmem:s31], [sflag:$0x4], $0x80, v3, vm0, $0xb8;
	[tilespmem:$0x10100] =	vst v63  }
0x78: {  	s14 =	simm.s32 $0xF100  }
0x79: {  	[hbm4b:s6+s2] =	stream.indirect_vreg.scatter [tilespmem:s14], [sflag:$0x4], $0x80, v3, vm0, $0xb8;
	[tilespmem:$0x10100] =	vst v63  }
0x7a: {  	s15 =	simm.s32 $0xF900  }
0x7b: {  	[hbm4b:s7+s2] =	stream.indirect_vreg.scatter [tilespmem:s15], [sflag:$0x4], $0x80, v3, vm0, $0xb8;
	[tilespmem:$0x10100] =	vst v63  }
0x7c: {  	_ =	swait.ge [sflag:s29], $0x8000  }
0x7d: {  	[sflag:s29] =	ssyncset.done $0x0  }
0x7e: {  	[sflag:s29] =	ssyncadd.s32 $0xFFFF8000  }
0x7f: {  	_ =	swait.ge [sflag:s11], $0x8000  }
0x80: {  	[sflag:s11] =	ssyncset.done $0x0  }
0x81: {  	s16 =	rddreg [dreg:$0x6];
	[sflag:s11] =	ssyncadd.s32 $0xFFFF8000  }
0x82: {  	[tilespmem:s12], [sflag:$0x3] =	stream.linear.gather [hbm4b:s16+s2], $0x8000, $0x38;
	[tilespmem:$0x10100] =	vst v63  }
0x83: {  	v3 =	vld [tilespmem:$0x40];
	_ =	sdelay $0x4  }
0x84: {  	v52 =	vshll.u32 v3, $0x3  }
0x85: {  	v3 =	vand.u32 $0x7, v3;
	v4 =	vand.u32 $0xFFFFFFC0, v52  }
0x86: {  	v3 =	vor.u32 v3, v4  }
0x87: {  	v4 =	vperm.xlane v3, v0;
	_ =	sdelay $0x1  }
0x88: {  	v4 =	vadd.s32 v1, v4;
	_ =	sdelay $0x4  }
0x89: {  	[hbm4b:s4+s2] =	stream.indirect_vreg.scatter [tilespmem:s22], [sflag:$0x4], $0x80, v4, vm0, $0xb8;
	[tilespmem:$0x10100] =	vst v63  }
0x8a: {  	s13 =	simm.s32 $0x900;
	v3 =	vperm.xlane v3, v2  }
0x8b: {  	[hbm4b:s5+s2] =	stream.indirect_vreg.scatter [tilespmem:s13], [sflag:$0x4], $0x80, v4, vm0, $0xb8;
	[tilespmem:$0x10100] =	vst v63  }
0x8c: {  	s1 =	simm.s32 $0x1100;
	v3 =	vadd.s32 v1, v3  }
0x8d: {  	[hbm4b:s6+s2] =	stream.indirect_vreg.scatter [tilespmem:s1], [sflag:$0x4], $0x80, v4, vm0, $0xb8;
	[tilespmem:$0x10100] =	vst v63  }
0x8e: {  	s3 =	simm.s32 $0x1900  }
0x8f: {  	[hbm4b:s7+s2] =	stream.indirect_vreg.scatter [tilespmem:s3], [sflag:$0x4], $0x80, v4, vm0, $0xb8;
	[tilespmem:$0x10100] =	vst v63  }
0x90: {  	s9 =	simm.s32 $0x2100  }
0x91: {  	[hbm4b:s4+s2] =	stream.indirect_vreg.scatter [tilespmem:s9], [sflag:$0x4], $0x80, v3, vm0, $0xb8;
	[tilespmem:$0x10100] =	vst v63  }
0x92: {  	s10 =	simm.s32 $0x2900  }
0x93: {  	[hbm4b:s5+s2] =	stream.indirect_vreg.scatter [tilespmem:s10], [sflag:$0x4], $0x80, v3, vm0, $0xb8;
	[tilespmem:$0x10100] =	vst v63  }
0x94: {  	s0 =	simm.s32 $0x3100  }
0x95: {  	[hbm4b:s6+s2] =	stream.indirect_vreg.scatter [tilespmem:s0], [sflag:$0x4], $0x80, v3, vm0, $0xb8;
	[tilespmem:$0x10100] =	vst v63  }
0x96: {  	s14 =	simm.s32 $0x3900  }
0x97: {  	[hbm4b:s7+s2] =	stream.indirect_vreg.scatter [tilespmem:s14], [sflag:$0x4], $0x80, v3, vm0, $0xb8;
	[tilespmem:$0x10100] =	vst v63  }
0x98: {  	v3 =	vld [tilespmem:$0x50];
	_ =	sdelay $0x4  }
0x99: {  	v53 =	vshll.u32 v3, $0x3  }
0x9a: {  	v3 =	vand.u32 $0x7, v3;
	v4 =	vand.u32 $0xFFFFFFC0, v53  }
0x9b: {  	v3 =	vor.u32 v3, v4  }
0x9c: {  	v4 =	vperm.xlane v3, v0;
	_ =	sdelay $0x1  }
0x9d: {  	v4 =	vadd.s32 v1, v4;
	_ =	sdelay $0x3  }
0x9e: {  	s15 =	simm.s32 $0x4100  }
0x9f: {  	[hbm4b:s4+s2] =	stream.indirect_vreg.scatter [tilespmem:s15], [sflag:$0x4], $0x80, v4, vm0, $0xb8;
	[tilespmem:$0x10100] =	vst v63  }
0xa0: {  	s16 =	simm.s32 $0x4900;
	v3 =	vperm.xlane v3, v2  }
0xa1: {  	[hbm4b:s5+s2] =	stream.indirect_vreg.scatter [tilespmem:s16], [sflag:$0x4], $0x80, v4, vm0, $0xb8;
	[tilespmem:$0x10100] =	vst v63  }
0xa2: {  	s1 =	simm.s32 $0x5100;
	v3 =	vadd.s32 v1, v3  }
0xa3: {  	[hbm4b:s6+s2] =	stream.indirect_vreg.scatter [tilespmem:s1], [sflag:$0x4], $0x80, v4, vm0, $0xb8;
	[tilespmem:$0x10100] =	vst v63  }
0xa4: {  	s3 =	simm.s32 $0x5900  }
0xa5: {  	[hbm4b:s7+s2] =	stream.indirect_vreg.scatter [tilespmem:s3], [sflag:$0x4], $0x80, v4, vm0, $0xb8;
	[tilespmem:$0x10100] =	vst v63  }
0xa6: {  	s9 =	simm.s32 $0x6100  }
0xa7: {  	[hbm4b:s4+s2] =	stream.indirect_vreg.scatter [tilespmem:s9], [sflag:$0x4], $0x80, v3, vm0, $0xb8;
	[tilespmem:$0x10100] =	vst v63  }
0xa8: {  	s10 =	simm.s32 $0x6900  }
0xa9: {  	[hbm4b:s5+s2] =	stream.indirect_vreg.scatter [tilespmem:s10], [sflag:$0x4], $0x80, v3, vm0, $0xb8;
	[tilespmem:$0x10100] =	vst v63  }
0xaa: {  	s13 =	simm.s32 $0x7100  }
0xab: {  	[hbm4b:s6+s2] =	stream.indirect_vreg.scatter [tilespmem:s13], [sflag:$0x4], $0x80, v3, vm0, $0xb8;
	[tilespmem:$0x10100] =	vst v63  }
0xac: {  	s18 =	simm.s32 $0x7900  }
0xad: {  	[hbm4b:s7+s2] =	stream.indirect_vreg.scatter [tilespmem:s18], [sflag:$0x4], $0x80, v3, vm0, $0xb8;
	[tilespmem:$0x10100] =	vst v63  }
0xae: {  	_ =	swait.ge [sflag:s29], $0x8000  }
0xaf: {  	[sflag:s29] =	ssyncset.done $0x0  }
0xb0: {  	[sflag:s29] =	ssyncadd.s32 $0xFFFF8000  }
0xb1: {  	_ =	swait.ge [sflag:s30], $0x8000  }
0xb2: {  	[sflag:s30] =	ssyncset.done $0x0  }
0xb3: {  	s18 =	rddreg [dreg:$0x7];
	[sflag:s30] =	ssyncadd.s32 $0xFFFF8000  }
0xb4: {  	[tilespmem:s22], [sflag:$0x2] =	stream.linear.gather [hbm4b:s18+s2], $0x8000, $0x38;
	[tilespmem:$0x10100] =	vst v63  }
0xb5: {  	v3 =	vld [tilespmem:$0x60];
	_ =	sdelay $0x4  }
0xb6: {  	v54 =	vshll.u32 v3, $0x3  }
0xb7: {  	v3 =	vand.u32 $0x7, v3;
	v4 =	vand.u32 $0xFFFFFFC0, v54  }
0xb8: {  	v3 =	vor.u32 v3, v4  }
0xb9: {  	v4 =	vperm.xlane v3, v0;
	_ =	sdelay $0x1  }
0xba: {  	v4 =	vadd.s32 v1, v4;
	_ =	sdelay $0x4  }
0xbb: {  	[hbm4b:s4+s2] =	stream.indirect_vreg.scatter [tilespmem:s12], [sflag:$0x4], $0x80, v4, vm0, $0xb8;
	[tilespmem:$0x10100] =	vst v63  }
0xbc: {  	s26 =	simm.s32 $0x8900;
	v3 =	vperm.xlane v3, v2  }
0xbd: {  	[hbm4b:s5+s2] =	stream.indirect_vreg.scatter [tilespmem:s26], [sflag:$0x4], $0x80, v4, vm0, $0xb8;
	[tilespmem:$0x10100] =	vst v63  }
0xbe: {  	s17 =	simm.s32 $0x9100;
	v3 =	vadd.s32 v1, v3  }
0xbf: {  	[hbm4b:s6+s2] =	stream.indirect_vreg.scatter [tilespmem:s17], [sflag:$0x4], $0x80, v4, vm0, $0xb8;
	[tilespmem:$0x10100] =	vst v63  }
0xc0: {  	s19 =	simm.s32 $0x9900  }
0xc1: {  	[hbm4b:s7+s2] =	stream.indirect_vreg.scatter [tilespmem:s19], [sflag:$0x4], $0x80, v4, vm0, $0xb8;
	[tilespmem:$0x10100] =	vst v63  }
0xc2: {  	s20 =	simm.s32 $0xA100  }
0xc3: {  	[hbm4b:s4+s2] =	stream.indirect_vreg.scatter [tilespmem:s20], [sflag:$0x4], $0x80, v3, vm0, $0xb8;
	[tilespmem:$0x10100] =	vst v63  }
0xc4: {  	s28 =	simm.s32 $0xA900  }
0xc5: {  	[hbm4b:s5+s2] =	stream.indirect_vreg.scatter [tilespmem:s28], [sflag:$0x4], $0x80, v3, vm0, $0xb8;
	[tilespmem:$0x10100] =	vst v63  }
0xc6: {  	s21 =	simm.s32 $0xB100  }
0xc7: {  	[hbm4b:s6+s2] =	stream.indirect_vreg.scatter [tilespmem:s21], [sflag:$0x4], $0x80, v3, vm0, $0xb8;
	[tilespmem:$0x10100] =	vst v63  }
0xc8: {  	s28 =	simm.s32 $0xB900  }
0xc9: {  	[hbm4b:s7+s2] =	stream.indirect_vreg.scatter [tilespmem:s28], [sflag:$0x4], $0x80, v3, vm0, $0xb8;
	[tilespmem:$0x10100] =	vst v63  }
0xca: {  	v3 =	vld [tilespmem:$0x70];
	_ =	sdelay $0x4  }
0xcb: {  	v55 =	vshll.u32 v3, $0x3  }
0xcc: {  	v3 =	vand.u32 $0x7, v3;
	v4 =	vand.u32 $0xFFFFFFC0, v55  }
0xcd: {  	v3 =	vor.u32 v3, v4  }
0xce: {  	v4 =	vperm.xlane v3, v0;
	_ =	sdelay $0x1  }
0xcf: {  	v4 =	vadd.s32 v1, v4;
	_ =	sdelay $0x3  }
0xd0: {  	s31 =	simm.s32 $0xC100  }
0xd1: {  	[hbm4b:s4+s2] =	stream.indirect_vreg.scatter [tilespmem:s31], [sflag:$0x4], $0x80, v4, vm0, $0xb8;
	[tilespmem:$0x10100] =	vst v63  }
0xd2: {  	s21 =	simm.s32 $0xC900;
	v3 =	vperm.xlane v3, v2  }
0xd3: {  	[hbm4b:s5+s2] =	stream.indirect_vreg.scatter [tilespmem:s21], [sflag:$0x4], $0x80, v4, vm0, $0xb8;
	[tilespmem:$0x10100] =	vst v63  }
0xd4: {  	s18 =	simm.s32 $0xD100;
	v3 =	vadd.s32 v1, v3  }
0xd5: {  	[hbm4b:s6+s2] =	stream.indirect_vreg.scatter [tilespmem:s18], [sflag:$0x4], $0x80, v4, vm0, $0xb8;
	[tilespmem:$0x10100] =	vst v63  }
0xd6: {  	s17 =	simm.s32 $0xD900  }
0xd7: {  	[hbm4b:s7+s2] =	stream.indirect_vreg.scatter [tilespmem:s17], [sflag:$0x4], $0x80, v4, vm0, $0xb8;
	[tilespmem:$0x10100] =	vst v63  }
0xd8: {  	s19 =	simm.s32 $0xE100  }
0xd9: {  	[hbm4b:s4+s2] =	stream.indirect_vreg.scatter [tilespmem:s19], [sflag:$0x4], $0x80, v3, vm0, $0xb8;
	[tilespmem:$0x10100] =	vst v63  }
0xda: {  	s20 =	simm.s32 $0xE900  }
0xdb: {  	[hbm4b:s5+s2] =	stream.indirect_vreg.scatter [tilespmem:s20], [sflag:$0x4], $0x80, v3, vm0, $0xb8;
	[tilespmem:$0x10100] =	vst v63  }
0xdc: {  	s23 =	simm.s32 $0xF100  }
0xdd: {  	[hbm4b:s6+s2] =	stream.indirect_vreg.scatter [tilespmem:s23], [sflag:$0x4], $0x80, v3, vm0, $0xb8;
	[tilespmem:$0x10100] =	vst v63  }
0xde: {  	s24 =	simm.s32 $0xF900  }
0xdf: {  	[hbm4b:s7+s2] =	stream.indirect_vreg.scatter [tilespmem:s24], [sflag:$0x4], $0x80, v3, vm0, $0xb8;
	[tilespmem:$0x10100] =	vst v63  }
0xe0: {  	_ =	swait.ge [sflag:s29], $0x8000  }
0xe1: {  	[sflag:s29] =	ssyncset.done $0x0  }
0xe2: {  	[sflag:s29] =	ssyncadd.s32 $0xFFFF8000  }
0xe3: {  	_ =	swait.ge [sflag:s11], $0x8000  }
0xe4: {  	[sflag:s11] =	ssyncset.done $0x0  }
0xe5: {  	s24 =	rddreg [dreg:$0x8];
	[sflag:s11] =	ssyncadd.s32 $0xFFFF8000  }
0xe6: {  	[tilespmem:s12], [sflag:$0x3] =	stream.linear.gather [hbm4b:s24+s2], $0x8000, $0x38;
	[tilespmem:$0x10100] =	vst v63  }
0xe7: {  	v3 =	vld [tilespmem:$0x80];
	_ =	sdelay $0x4  }
0xe8: {  	v56 =	vshll.u32 v3, $0x3  }
0xe9: {  	v3 =	vand.u32 $0x7, v3;
	v4 =	vand.u32 $0xFFFFFFC0, v56  }
0xea: {  	v3 =	vor.u32 v3, v4  }
0xeb: {  	v4 =	vperm.xlane v3, v0;
	_ =	sdelay $0x1  }
0xec: {  	v4 =	vadd.s32 v1, v4;
	_ =	sdelay $0x4  }
0xed: {  	[hbm4b:s4+s2] =	stream.indirect_vreg.scatter [tilespmem:s22], [sflag:$0x4], $0x80, v4, vm0, $0xb8;
	[tilespmem:$0x10100] =	vst v63  }
0xee: {  	s24 =	simm.s32 $0x900;
	v3 =	vperm.xlane v3, v2  }
0xef: {  	[hbm4b:s5+s2] =	stream.indirect_vreg.scatter [tilespmem:s24], [sflag:$0x4], $0x80, v4, vm0, $0xb8;
	[tilespmem:$0x10100] =	vst v63  }
0xf0: {  	s25 =	simm.s32 $0x1100;
	v3 =	vadd.s32 v1, v3  }
0xf1: {  	[hbm4b:s6+s2] =	stream.indirect_vreg.scatter [tilespmem:s25], [sflag:$0x4], $0x80, v4, vm0, $0xb8;
	[tilespmem:$0x10100] =	vst v63  }
0xf2: {  	s25 =	simm.s32 $0x1900  }
0xf3: {  	[hbm4b:s7+s2] =	stream.indirect_vreg.scatter [tilespmem:s25], [sflag:$0x4], $0x80, v4, vm0, $0xb8;
	[tilespmem:$0x10100] =	vst v63  }
0xf4: {  	s24 =	simm.s32 $0x2100  }
0xf5: {  	[hbm4b:s4+s2] =	stream.indirect_vreg.scatter [tilespmem:s24], [sflag:$0x4], $0x80, v3, vm0, $0xb8;
	[tilespmem:$0x10100] =	vst v63  }
0xf6: {  	s25 =	simm.s32 $0x2900  }
0xf7: {  	[hbm4b:s5+s2] =	stream.indirect_vreg.scatter [tilespmem:s25], [sflag:$0x4], $0x80, v3, vm0, $0xb8;
	[tilespmem:$0x10100] =	vst v63  }
0xf8: {  	_ = 	snop  }
0xf9: {  	[hbm4b:s6+s2] =	stream.indirect_vreg.scatter [tilespmem:s0], [sflag:$0x4], $0x80, v3, vm0, $0xb8;
	[tilespmem:$0x10100] =	vst v63  }
0xfa: {  	_ = 	snop  }
0xfb: {  	[hbm4b:s7+s2] =	stream.indirect_vreg.scatter [tilespmem:s14], [sflag:$0x4], $0x80, v3, vm0, $0xb8;
	[tilespmem:$0x10100] =	vst v63  }
0xfc: {  	v3 =	vld [tilespmem:$0x90];
	_ =	sdelay $0x4  }
0xfd: {  	v57 =	vshll.u32 v3, $0x3  }
0xfe: {  	v3 =	vand.u32 $0x7, v3;
	v4 =	vand.u32 $0xFFFFFFC0, v57  }
0xff: {  	v3 =	vor.u32 v3, v4  }
0x100: {  	v4 =	vperm.xlane v3, v0;
	_ =	sdelay $0x1  }
0x101: {  	v4 =	vadd.s32 v1, v4;
	_ =	sdelay $0x4  }
0x102: {  	[hbm4b:s4+s2] =	stream.indirect_vreg.scatter [tilespmem:s15], [sflag:$0x4], $0x80, v4, vm0, $0xb8;
	[tilespmem:$0x10100] =	vst v63  }
0x103: {  	v3 =	vperm.xlane v3, v2  }
0x104: {  	[hbm4b:s5+s2] =	stream.indirect_vreg.scatter [tilespmem:s16], [sflag:$0x4], $0x80, v4, vm0, $0xb8;
	[tilespmem:$0x10100] =	vst v63  }
0x105: {  	v3 =	vadd.s32 v1, v3  }
0x106: {  	[hbm4b:s6+s2] =	stream.indirect_vreg.scatter [tilespmem:s1], [sflag:$0x4], $0x80, v4, vm0, $0xb8;
	[tilespmem:$0x10100] =	vst v63  }
0x107: {  	_ = 	snop  }
0x108: {  	[hbm4b:s7+s2] =	stream.indirect_vreg.scatter [tilespmem:s3], [sflag:$0x4], $0x80, v4, vm0, $0xb8;
	[tilespmem:$0x10100] =	vst v63  }
0x109: {  	_ = 	snop  }
0x10a: {  	[hbm4b:s4+s2] =	stream.indirect_vreg.scatter [tilespmem:s9], [sflag:$0x4], $0x80, v3, vm0, $0xb8;
	[tilespmem:$0x10100] =	vst v63  }
0x10b: {  	_ = 	snop  }
0x10c: {  	[hbm4b:s5+s2] =	stream.indirect_vreg.scatter [tilespmem:s10], [sflag:$0x4], $0x80, v3, vm0, $0xb8;
	[tilespmem:$0x10100] =	vst v63  }
0x10d: {  	_ = 	snop  }
0x10e: {  	[hbm4b:s6+s2] =	stream.indirect_vreg.scatter [tilespmem:s13], [sflag:$0x4], $0x80, v3, vm0, $0xb8;
	[tilespmem:$0x10100] =	vst v63  }
0x10f: {  	s1 =	simm.s32 $0x7900  }
0x110: {  	[hbm4b:s7+s2] =	stream.indirect_vreg.scatter [tilespmem:s1], [sflag:$0x4], $0x80, v3, vm0, $0xb8;
	[tilespmem:$0x10100] =	vst v63  }
0x111: {  	_ =	swait.ge [sflag:s29], $0x8000  }
0x112: {  	[sflag:s29] =	ssyncset.done $0x0  }
0x113: {  	[sflag:s29] =	ssyncadd.s32 $0xFFFF8000  }
0x114: {  	_ =	swait.ge [sflag:s30], $0x8000  }
0x115: {  	[sflag:s30] =	ssyncset.done $0x0  }
0x116: {  	s3 =	rddreg [dreg:$0x9];
	[sflag:s30] =	ssyncadd.s32 $0xFFFF8000  }
0x117: {  	[tilespmem:s22], [sflag:$0x2] =	stream.linear.gather [hbm4b:s3+s2], $0x8000, $0x38;
	[tilespmem:$0x10100] =	vst v63  }
0x118: {  	v3 =	vld [tilespmem:$0xA0];
	_ =	sdelay $0x4  }
0x119: {  	v58 =	vshll.u32 v3, $0x3  }
0x11a: {  	v3 =	vand.u32 $0x7, v3;
	v4 =	vand.u32 $0xFFFFFFC0, v58  }
0x11b: {  	v3 =	vor.u32 v3, v4  }
0x11c: {  	v4 =	vperm.xlane v3, v0;
	_ =	sdelay $0x1  }
0x11d: {  	v4 =	vadd.s32 v1, v4;
	_ =	sdelay $0x4  }
0x11e: {  	[hbm4b:s4+s2] =	stream.indirect_vreg.scatter [tilespmem:s12], [sflag:$0x4], $0x80, v4, vm0, $0xb8;
	[tilespmem:$0x10100] =	vst v63  }
0x11f: {  	v3 =	vperm.xlane v3, v2  }
0x120: {  	[hbm4b:s5+s2] =	stream.indirect_vreg.scatter [tilespmem:s26], [sflag:$0x4], $0x80, v4, vm0, $0xb8;
	[tilespmem:$0x10100] =	vst v63  }
0x121: {  	s9 =	simm.s32 $0x9100;
	v3 =	vadd.s32 v1, v3  }
0x122: {  	[hbm4b:s6+s2] =	stream.indirect_vreg.scatter [tilespmem:s9], [sflag:$0x4], $0x80, v4, vm0, $0xb8;
	[tilespmem:$0x10100] =	vst v63  }
0x123: {  	s10 =	simm.s32 $0x9900  }
0x124: {  	[hbm4b:s7+s2] =	stream.indirect_vreg.scatter [tilespmem:s10], [sflag:$0x4], $0x80, v4, vm0, $0xb8;
	[tilespmem:$0x10100] =	vst v63  }
0x125: {  	s13 =	simm.s32 $0xA100  }
0x126: {  	[hbm4b:s4+s2] =	stream.indirect_vreg.scatter [tilespmem:s13], [sflag:$0x4], $0x80, v3, vm0, $0xb8;
	[tilespmem:$0x10100] =	vst v63  }
0x127: {  	s23 =	simm.s32 $0xA900  }
0x128: {  	[hbm4b:s5+s2] =	stream.indirect_vreg.scatter [tilespmem:s23], [sflag:$0x4], $0x80, v3, vm0, $0xb8;
	[tilespmem:$0x10100] =	vst v63  }
0x129: {  	s26 =	simm.s32 $0xB100  }
0x12a: {  	[hbm4b:s6+s2] =	stream.indirect_vreg.scatter [tilespmem:s26], [sflag:$0x4], $0x80, v3, vm0, $0xb8;
	[tilespmem:$0x10100] =	vst v63  }
0x12b: {  	_ = 	snop  }
0x12c: {  	[hbm4b:s7+s2] =	stream.indirect_vreg.scatter [tilespmem:s28], [sflag:$0x4], $0x80, v3, vm0, $0xb8;
	[tilespmem:$0x10100] =	vst v63  }
0x12d: {  	v3 =	vld [tilespmem:$0xB0];
	_ =	sdelay $0x4  }
0x12e: {  	v59 =	vshll.u32 v3, $0x3  }
0x12f: {  	v3 =	vand.u32 $0x7, v3;
	v4 =	vand.u32 $0xFFFFFFC0, v59  }
0x130: {  	v3 =	vor.u32 v3, v4  }
0x131: {  	v4 =	vperm.xlane v3, v0;
	_ =	sdelay $0x1  }
0x132: {  	v4 =	vadd.s32 v1, v4;
	_ =	sdelay $0x4  }
0x133: {  	[hbm4b:s4+s2] =	stream.indirect_vreg.scatter [tilespmem:s31], [sflag:$0x4], $0x80, v4, vm0, $0xb8;
	[tilespmem:$0x10100] =	vst v63  }
0x134: {  	v3 =	vperm.xlane v3, v2  }
0x135: {  	[hbm4b:s5+s2] =	stream.indirect_vreg.scatter [tilespmem:s21], [sflag:$0x4], $0x80, v4, vm0, $0xb8;
	[tilespmem:$0x10100] =	vst v63  }
0x136: {  	v3 =	vadd.s32 v1, v3  }
0x137: {  	[hbm4b:s6+s2] =	stream.indirect_vreg.scatter [tilespmem:s18], [sflag:$0x4], $0x80, v4, vm0, $0xb8;
	[tilespmem:$0x10100] =	vst v63  }
0x138: {  	_ = 	snop  }
0x139: {  	[hbm4b:s7+s2] =	stream.indirect_vreg.scatter [tilespmem:s17], [sflag:$0x4], $0x80, v4, vm0, $0xb8;
	[tilespmem:$0x10100] =	vst v63  }
0x13a: {  	_ = 	snop  }
0x13b: {  	[hbm4b:s4+s2] =	stream.indirect_vreg.scatter [tilespmem:s19], [sflag:$0x4], $0x80, v3, vm0, $0xb8;
	[tilespmem:$0x10100] =	vst v63  }
0x13c: {  	_ = 	snop  }
0x13d: {  	[hbm4b:s5+s2] =	stream.indirect_vreg.scatter [tilespmem:s20], [sflag:$0x4], $0x80, v3, vm0, $0xb8;
	[tilespmem:$0x10100] =	vst v63  }
0x13e: {  	s10 =	simm.s32 $0xF100  }
0x13f: {  	[hbm4b:s6+s2] =	stream.indirect_vreg.scatter [tilespmem:s10], [sflag:$0x4], $0x80, v3, vm0, $0xb8;
	[tilespmem:$0x10100] =	vst v63  }
0x140: {  	s23 =	simm.s32 $0xF900  }
0x141: {  	[hbm4b:s7+s2] =	stream.indirect_vreg.scatter [tilespmem:s23], [sflag:$0x4], $0x80, v3, vm0, $0xb8;
	[tilespmem:$0x10100] =	vst v63  }
0x142: {  	_ =	swait.ge [sflag:s29], $0x8000  }
0x143: {  	[sflag:s29] =	ssyncset.done $0x0  }
0x144: {  	[sflag:s29] =	ssyncadd.s32 $0xFFFF8000  }
0x145: {  	_ =	swait.ge [sflag:s11], $0x8000  }
0x146: {  	[sflag:s11] =	ssyncset.done $0x0  }
0x147: {  	s23 =	rddreg [dreg:$0xa];
	[sflag:s11] =	ssyncadd.s32 $0xFFFF8000  }
0x148: {  	[tilespmem:s12], [sflag:$0x3] =	stream.linear.gather [hbm4b:s23+s2], $0x8000, $0x38;
	[tilespmem:$0x10100] =	vst v63  }
0x149: {  	v3 =	vld [tilespmem:$0xC0];
	_ =	sdelay $0x4  }
0x14a: {  	v60 =	vshll.u32 v3, $0x3  }
0x14b: {  	v3 =	vand.u32 $0x7, v3;
	v4 =	vand.u32 $0xFFFFFFC0, v60  }
0x14c: {  	v3 =	vor.u32 v3, v4  }
0x14d: {  	v4 =	vperm.xlane v3, v0;
	_ =	sdelay $0x1  }
0x14e: {  	v4 =	vadd.s32 v1, v4;
	_ =	sdelay $0x4  }
0x14f: {  	[hbm4b:s4+s2] =	stream.indirect_vreg.scatter [tilespmem:s22], [sflag:$0x4], $0x80, v4, vm0, $0xb8;
	[tilespmem:$0x10100] =	vst v63  }
0x150: {  	s23 =	simm.s32 $0x900;
	v3 =	vperm.xlane v3, v2  }
0x151: {  	[hbm4b:s5+s2] =	stream.indirect_vreg.scatter [tilespmem:s23], [sflag:$0x4], $0x80, v4, vm0, $0xb8;
	[tilespmem:$0x10100] =	vst v63  }
0x152: {  	v3 =	vadd.s32 v1, v3;
	s23 =	simm.s32 $0x1100  }
0x153: {  	[hbm4b:s6+s2] =	stream.indirect_vreg.scatter [tilespmem:s23], [sflag:$0x4], $0x80, v4, vm0, $0xb8;
	[tilespmem:$0x10100] =	vst v63  }
0x154: {  	s23 =	simm.s32 $0x1900  }
0x155: {  	[hbm4b:s7+s2] =	stream.indirect_vreg.scatter [tilespmem:s23], [sflag:$0x4], $0x80, v4, vm0, $0xb8;
	[tilespmem:$0x10100] =	vst v63  }
0x156: {  	s23 =	simm.s32 $0x2100  }
0x157: {  	[hbm4b:s4+s2] =	stream.indirect_vreg.scatter [tilespmem:s23], [sflag:$0x4], $0x80, v3, vm0, $0xb8;
	[tilespmem:$0x10100] =	vst v63  }
0x158: {  	s25 =	simm.s32 $0x2900  }
0x159: {  	[hbm4b:s5+s2] =	stream.indirect_vreg.scatter [tilespmem:s25], [sflag:$0x4], $0x80, v3, vm0, $0xb8;
	[tilespmem:$0x10100] =	vst v63  }
0x15a: {  	s25 =	simm.s32 $0x3100  }
0x15b: {  	[hbm4b:s6+s2] =	stream.indirect_vreg.scatter [tilespmem:s25], [sflag:$0x4], $0x80, v3, vm0, $0xb8;
	[tilespmem:$0x10100] =	vst v63  }
0x15c: {  	s14 =	simm.s32 $0x3900  }
0x15d: {  	[hbm4b:s7+s2] =	stream.indirect_vreg.scatter [tilespmem:s14], [sflag:$0x4], $0x80, v3, vm0, $0xb8;
	[tilespmem:$0x10100] =	vst v63  }
0x15e: {  	v3 =	vld [tilespmem:$0xD0];
	_ =	sdelay $0x4  }
0x15f: {  	v61 =	vshll.u32 v3, $0x3  }
0x160: {  	v3 =	vand.u32 $0x7, v3;
	v4 =	vand.u32 $0xFFFFFFC0, v61  }
0x161: {  	v3 =	vor.u32 v3, v4  }
0x162: {  	v4 =	vperm.xlane v3, v0;
	_ =	sdelay $0x1  }
0x163: {  	v4 =	vadd.s32 v1, v4;
	_ =	sdelay $0x3  }
0x164: {  	s15 =	simm.s32 $0x4100  }
0x165: {  	[hbm4b:s4+s2] =	stream.indirect_vreg.scatter [tilespmem:s15], [sflag:$0x4], $0x80, v4, vm0, $0xb8;
	[tilespmem:$0x10100] =	vst v63  }
0x166: {  	s16 =	simm.s32 $0x4900;
	v3 =	vperm.xlane v3, v2  }
0x167: {  	[hbm4b:s5+s2] =	stream.indirect_vreg.scatter [tilespmem:s16], [sflag:$0x4], $0x80, v4, vm0, $0xb8;
	[tilespmem:$0x10100] =	vst v63  }
0x168: {  	s23 =	simm.s32 $0x5100;
	v3 =	vadd.s32 v1, v3  }
0x169: {  	[hbm4b:s6+s2] =	stream.indirect_vreg.scatter [tilespmem:s23], [sflag:$0x4], $0x80, v4, vm0, $0xb8;
	[tilespmem:$0x10100] =	vst v63  }
0x16a: {  	s25 =	simm.s32 $0x5900  }
0x16b: {  	[hbm4b:s7+s2] =	stream.indirect_vreg.scatter [tilespmem:s25], [sflag:$0x4], $0x80, v4, vm0, $0xb8;
	[tilespmem:$0x10100] =	vst v63  }
0x16c: {  	s15 =	simm.s32 $0x6100  }
0x16d: {  	[hbm4b:s4+s2] =	stream.indirect_vreg.scatter [tilespmem:s15], [sflag:$0x4], $0x80, v3, vm0, $0xb8;
	[tilespmem:$0x10100] =	vst v63  }
0x16e: {  	s16 =	simm.s32 $0x6900  }
0x16f: {  	[hbm4b:s5+s2] =	stream.indirect_vreg.scatter [tilespmem:s16], [sflag:$0x4], $0x80, v3, vm0, $0xb8;
	[tilespmem:$0x10100] =	vst v63  }
0x170: {  	s23 =	simm.s32 $0x7100  }
0x171: {  	[hbm4b:s6+s2] =	stream.indirect_vreg.scatter [tilespmem:s23], [sflag:$0x4], $0x80, v3, vm0, $0xb8;
	[tilespmem:$0x10100] =	vst v63  }
0x172: {  	s25 =	simm.s32 $0x7900  }
0x173: {  	[hbm4b:s7+s2] =	stream.indirect_vreg.scatter [tilespmem:s25], [sflag:$0x4], $0x80, v3, vm0, $0xb8;
	[tilespmem:$0x10100] =	vst v63  }
0x174: {  	_ =	swait.ge [sflag:s29], $0x8000  }
0x175: {  	[sflag:s29] =	ssyncset.done $0x0  }
0x176: {  	[sflag:s29] =	ssyncadd.s32 $0xFFFF8000  }
0x177: {  	_ =	swait.ge [sflag:s30], $0x8000  }
0x178: {  	[sflag:s30] =	ssyncset.done $0x0  }
0x179: {  	[sflag:s30] =	ssyncadd.s32 $0xFFFF8000  }
0x17a: {  	v3 =	vld [tilespmem:$0xE0];
	_ =	sdelay $0x4  }
0x17b: {  	v62 =	vshll.u32 v3, $0x3  }
0x17c: {  	v3 =	vand.u32 $0x7, v3;
	v4 =	vand.u32 $0xFFFFFFC0, v62  }
0x17d: {  	v3 =	vor.u32 v3, v4  }
0x17e: {  	v4 =	vperm.xlane v3, v0;
	_ =	sdelay $0x1  }
0x17f: {  	v4 =	vadd.s32 v1, v4;
	_ =	sdelay $0x4  }
0x180: {  	[hbm4b:s4+s2] =	stream.indirect_vreg.scatter [tilespmem:s12], [sflag:$0x4], $0x80, v4, vm0, $0xb8;
	[tilespmem:$0x10100] =	vst v63  }
0x181: {  	s24 =	simm.s32 $0x8900;
	v3 =	vperm.xlane v3, v2  }
0x182: {  	[hbm4b:s5+s2] =	stream.indirect_vreg.scatter [tilespmem:s24], [sflag:$0x4], $0x80, v4, vm0, $0xb8;
	[tilespmem:$0x10100] =	vst v63  }
0x183: {  	s0 =	simm.s32 $0x9100;
	v3 =	vadd.s32 v1, v3  }
0x184: {  	[hbm4b:s6+s2] =	stream.indirect_vreg.scatter [tilespmem:s0], [sflag:$0x4], $0x80, v4, vm0, $0xb8;
	[tilespmem:$0x10100] =	vst v63  }
0x185: {  	s1 =	simm.s32 $0x9900  }
0x186: {  	[hbm4b:s7+s2] =	stream.indirect_vreg.scatter [tilespmem:s1], [sflag:$0x4], $0x80, v4, vm0, $0xb8;
	[tilespmem:$0x10100] =	vst v63  }
0x187: {  	s3 =	simm.s32 $0xA100  }
0x188: {  	[hbm4b:s4+s2] =	stream.indirect_vreg.scatter [tilespmem:s3], [sflag:$0x4], $0x80, v3, vm0, $0xb8;
	[tilespmem:$0x10100] =	vst v63  }
0x189: {  	s13 =	simm.s32 $0xA900  }
0x18a: {  	[hbm4b:s5+s2] =	stream.indirect_vreg.scatter [tilespmem:s13], [sflag:$0x4], $0x80, v3, vm0, $0xb8;
	[tilespmem:$0x10100] =	vst v63  }
0x18b: {  	s9 =	simm.s32 $0xB100  }
0x18c: {  	[hbm4b:s6+s2] =	stream.indirect_vreg.scatter [tilespmem:s9], [sflag:$0x4], $0x80, v3, vm0, $0xb8;
	[tilespmem:$0x10100] =	vst v63  }
0x18d: {  	s26 =	simm.s32 $0xB900  }
0x18e: {  	[hbm4b:s7+s2] =	stream.indirect_vreg.scatter [tilespmem:s26], [sflag:$0x4], $0x80, v3, vm0, $0xb8;
	[tilespmem:$0x10100] =	vst v63  }
0x18f: {  	v3 =	vld [tilespmem:$0xF0];
	_ =	sdelay $0x4  }
0x190: {  	v63 =	vshll.u32 v3, $0x3  }
0x191: {  	v3 =	vand.u32 $0x7, v3;
	v4 =	vand.u32 $0xFFFFFFC0, v63  }
0x192: {  	v3 =	vor.u32 v3, v4  }
0x193: {  	v4 =	vperm.xlane v3, v0;
	_ =	sdelay $0x1  }
0x194: {  	v4 =	vadd.s32 v1, v4;
	_ =	sdelay $0x3  }
0x195: {  	s28 =	simm.s32 $0xC100  }
0x196: {  	[hbm4b:s4+s2] =	stream.indirect_vreg.scatter [tilespmem:s28], [sflag:$0x4], $0x80, v4, vm0, $0xb8;
	[tilespmem:$0x10100] =	vst v63  }
0x197: {  	s21 =	simm.s32 $0xC900;
	v3 =	vperm.xlane v3, v2  }
0x198: {  	[hbm4b:s5+s2] =	stream.indirect_vreg.scatter [tilespmem:s21], [sflag:$0x4], $0x80, v4, vm0, $0xb8;
	[tilespmem:$0x10100] =	vst v63  }
0x199: {  	s18 =	simm.s32 $0xD100;
	v3 =	vadd.s32 v1, v3  }
0x19a: {  	[hbm4b:s6+s2] =	stream.indirect_vreg.scatter [tilespmem:s18], [sflag:$0x4], $0x80, v4, vm0, $0xb8;
	[tilespmem:$0x10100] =	vst v63  }
0x19b: {  	s17 =	simm.s32 $0xD900  }
0x19c: {  	[hbm4b:s7+s2] =	stream.indirect_vreg.scatter [tilespmem:s17], [sflag:$0x4], $0x80, v4, vm0, $0xb8;
	[tilespmem:$0x10100] =	vst v63  }
0x19d: {  	s19 =	simm.s32 $0xE100  }
0x19e: {  	[hbm4b:s4+s2] =	stream.indirect_vreg.scatter [tilespmem:s19], [sflag:$0x4], $0x80, v3, vm0, $0xb8;
	[tilespmem:$0x10100] =	vst v63  }
0x19f: {  	s20 =	simm.s32 $0xE900  }
0x1a0: {  	[hbm4b:s5+s2] =	stream.indirect_vreg.scatter [tilespmem:s20], [sflag:$0x4], $0x80, v3, vm0, $0xb8;
	[tilespmem:$0x10100] =	vst v63  }
0x1a1: {  	p0 =	sne.s32 s8, $0x1;
	s31 =	simm.s32 $0xF100  }
0x1a2: {  	[hbm4b:s6+s2] =	stream.indirect_vreg.scatter [tilespmem:s31], [sflag:$0x4], $0x80, v3, vm0, $0xb8;
	[tilespmem:$0x10100] =	vst v63  }
.Ltmp0:
0x1a3: {  	s10 =	simm.s32 $0xF900;
	(pc) =	sbr.rel @p0 .LBB2_1-.Ltmp0, $4  }
0x1a4: {  	[hbm4b:s7+s2] =	stream.indirect_vreg.scatter [tilespmem:s10], [sflag:$0x4], $0x80, v3, vm0, $0xb8;
	[tilespmem:$0x10100] =	vst v63  }
0x1a5: {  	_ =	swait.ge [sflag:s29], $0x8000  }
0x1a6: {  	[sflag:s29] =	ssyncset.done $0x0  }
0x1a7: {  	s8 =	sadd.s32 $0xFFFFFFFF, s8;
	[sflag:s29] =	ssyncadd.s32 $0xFFFF8000  }
0x1a8: {  	_ =	sfence.sel $0x180000  }
0x1a9: {  	[bflag:$0x0] =	sbarrier.arrive $0xFFFF  }
0x1aa: {  	_ =	strace $0x90000050  }
0x1ab: {  	s0 =	stileid.u32;
	[bflag:$0x2] =	sbarrier.arrive $0xFFFF  }
0x1ac: {  	p0 =	sne.s32 s0, $0x0;
	s0 =	rddreg [dreg:$0x2]  }
0x1ad: {  	s0 =	sadd.s32 @!p0 $0x100000, s0  }
0x1ae: {  	[sflag:s0] =	ssyncadd.tile.s32 @!p0 $0x1;
	_ =	shalt  }
.Lfunc_end2:
_tile_overlayer_lowered:
.L_overlay_start_2:
0x1af: {  	(tag) =	ssettag $0x2  }
0x1b0: {  	s0 =	rddreg [dreg:$0x0];
	s2 =	stileid.u32  }
0x1b1: {  	s1 =	rddreg [dreg:$0x1];
	p0 =	sne.s32 s2, $0x0  }
0x1b2: {  	s3 =	rddreg [dreg:$0x2];
	[bflag:$0x3] =	sbarrier.arrive $0xFFFF;
	s2 =	simm.s32 @!p0 $0x1C04  }
0x1b3: {  	[timem:s3], [sflag:s2] =	dma.local @!p0 [hbm:s0], s1  }
0x1b4: {  	s0 =	simm.s32 @!p0 $0x4  }
0x1b5: {  	_ =	swait.ge @!p0 [sflag:s0], s1  }
0x1b6: {  	s1 =	ssub.s32 @!p0 $0x0, s1;
	[sflag:s0] =	ssyncset.done @!p0 $0x0  }
0x1b7: {  	[sflag:s0] =	ssyncadd.s32 @!p0 s1  }
0x1b8: {  	[bflag:$0x3] =	sbarrier.arrive $0xFFFF  }
0x1b9: {  	_ =	shalt  }

// kernel: kernel.27.cloned.1.call-start
scs
__scs_entry_jumppad:
0x0: {  	(pc) =	sbr.rel $0x88, $3  }
0x1: {  	(tag) =	ssettag $0x0;
	lr =	simm.s32 $0x1  }
0x2: {  	[smem:$0x3F99] =	sst lr;
	_ =	strace $0xD0000000  }
0x3: {  	_ = 	snop  }
0x4: {  	_ = 	snop  }
0x5: {  	_ = 	snop  }
0x6: {  	_ = 	snop  }
0x7: {  	_ = 	snop  }
__scs_overlays_trampoline_lowered:
0x8: {  	[smem:$0x3FA8] =	sst s0  }
0x9: {  	[smem:$0x3FA9] =	sst s1  }
0xa: {  	[smem:$0x3FAA] =	sst s2  }
0xb: {  	[smem:$0x3FAB] =	sst s3  }
0xc: {  	[smem:$0x3FAC] =	sst s4  }
0xd: {  	[smem:$0x3FAD] =	sst s5  }
0xe: {  	[smem:$0x3FAE] =	sst s6  }
0xf: {  	[smem:$0x3FAF] =	sst s7  }
0x10: {  	[smem:$0x3FB0] =	sst s8  }
0x11: {  	[smem:$0x3FB1] =	sst s9;
	s0 =	simm.s32 @!p0 $0x0  }
0x12: {  	s1 =	sld [smem:$0x3F97];
	s0 =	simm.s32 @p0 $0x1  }
0x13: {  	[smem:$0x3FB2] =	sst s0;
	s0 =	simm.s32 @!p1 $0x0  }
0x14: {  	s2 =	sld [smem:$0x3F96];
	s0 =	simm.s32 @p1 $0x1  }
0x15: {  	[smem:$0x3FB3] =	sst s0;
	s0 =	simm.s32 @!p2 $0x0  }
0x16: {  	s3 =	sld [smem:$0x3FDB];
	s0 =	simm.s32 @p2 $0x1  }
0x17: {  	s4 =	simm.s32 $0x1BF5;
	[smem:$0x3FB5] =	sst s0  }
0x18: {  	s0 =	sld [smem:$0x3F98];
	_ =	swait.ge [sflag:s4], $0x0  }
0x19: {  	s7 =	sld [smem:$0x3F99]  }
0x1a: {  	s8 =	sadd.s32 $0xFFFFE003, lr  }
0x1b: {  	s9 =	sadd.s32 $0xFFFFFEF7, lr;
	s5 =	simm.s32 $0xFFFFFFFF;
	p2 =	slt.u32 s8, $0xFFFFF086  }
0x1c: {  	p1 =	slt.u32 s9, $0xF7A;
	s5 =	simm.s32 @!p2 $0x0  }
0x1d: {  	s5 =	simm.s32 @p1 $0x1;
	p0 =	seq.s32 s7, s2  }
0x1e: {  	s7 =	smul.u32 @!p0 $0xF7A, s2;
	p2 =	seq.s32 @!p0 s5, $0x0  }
0x1f: {  	s9 =	smul.u32 $0xF7A, s1;
	s8 =	simm.s32 @!p0 $0x1BF5;
	p2 =	por !p2, p0  }
0x20: {  	[sflag:s8] =	ssyncset.s32 @!p0 $0xFFFFF086;
	s6 =	sadd.s32 @!p0 s3, s7;
	s7 =	simm.s32 @!p0 $0x108  }
0x21: {  	s3 =	sadd.s32 s3, s9;
	s6 =	sadd.s32 @!p0 $0x88, s6;
	s7 =	simm.s32 @p2 $0x1082  }
0x22: {  	[simem:s7], [sflag:s8] =	dma.local @!p0 [hbm:s6], $0xF7A  }
0x23: {  	s9 =	sor.u32 $0xD0000000, s2;
	s6 =	simm.s32 $0x108;
	_ =	swait.ge @!p0 [sflag:s8], $0x0  }
0x24: {  	s3 =	sadd.s32 $0x88, s3;
	s6 =	simm.s32 @!p1 $0x1082;
	[sflag:s4] =	ssyncset.s32 $0xFFFFF086  }
0x25: {  	[simem:s6], [sflag:s4] =	dma.local [hbm:s3], $0xF7A  }
0x26: {  	[smem:$0x3F99] =	sst s1;
	(tag) =	ssettag s2;
	_ =	strace s9  }
0x27: {  	s1 =	sld [smem:$0x3FA9]  }
0x28: {  	s2 =	sld [smem:$0x3FAA]  }
0x29: {  	s4 =	sld [smem:$0x3FAC]  }
0x2a: {  	p0 =	seq.s32 s5, $0x0;
	s5 =	sld [smem:$0x3FAD]  }
0x2b: {  	s6 =	sld [smem:$0x3FAE]  }
0x2c: {  	s7 =	sld [smem:$0x3FAF]  }
0x2d: {  	s3 =	simm.s32 $0x108;
	s8 =	sld [smem:$0x3FB0]  }
0x2e: {  	s3 =	simm.s32 @!p0 $0x1082;
	s9 =	sld [smem:$0x3FB1]  }
0x2f: {  	lr =	sadd.s32 s0, s3;
	s0 =	sld [smem:$0x3FA8]  }
0x30: {  	s3 =	sld [smem:$0x3FAB]  }
0x31: {  	[smem:$0x3FB4] =	sst s10  }
0x32: {  	s10 =	sld [smem:$0x3FB2];
	_ =	sdelay $0x3  }
0x33: {  	p0 =	seq.s32 s10, $0x1;
	s10 =	sld [smem:$0x3FB4];
	_ =	sdelay $0x3  }
0x34: {  	[smem:$0x3FB4] =	sst s10  }
0x35: {  	s10 =	sld [smem:$0x3FB3];
	_ =	sdelay $0x3  }
0x36: {  	p1 =	seq.s32 s10, $0x1;
	s10 =	sld [smem:$0x3FB4];
	_ =	sdelay $0x3  }
0x37: {  	[smem:$0x3FB4] =	sst s10  }
0x38: {  	s10 =	sld [smem:$0x3FB5]  }
0x39: {  	_ = 	snop;
	(pc) =	sbr.ind lr, $3  }
0x3a: {  	_ = 	snop  }
0x3b: {  	_ = 	snop  }
0x3c: {  	p2 =	seq.s32 s10, $0x1;
	s10 =	sld [smem:$0x3FB4]  }
0x3d: {  	_ =	shalt  }
0x3e: {  	_ =	shalt  }
0x3f: {  	_ =	shalt  }
0x40: {  	_ =	shalt  }
0x41: {  	_ =	shalt  }
0x42: {  	_ =	shalt  }
0x43: {  	_ =	shalt  }
0x44: {  	_ =	shalt  }
0x45: {  	_ =	shalt  }
0x46: {  	_ =	shalt  }
0x47: {  	_ =	shalt  }
0x48: {  	_ =	shalt  }
0x49: {  	_ =	shalt  }
0x4a: {  	_ =	shalt  }
0x4b: {  	_ =	shalt  }
0x4c: {  	_ =	shalt  }
0x4d: {  	_ =	shalt  }
0x4e: {  	_ =	shalt  }
0x4f: {  	_ =	shalt  }
0x50: {  	_ =	shalt  }
0x51: {  	_ =	shalt  }
0x52: {  	_ =	shalt  }
0x53: {  	_ =	shalt  }
0x54: {  	_ =	shalt  }
0x55: {  	_ =	shalt  }
0x56: {  	_ =	shalt  }
0x57: {  	_ =	shalt  }
0x58: {  	_ =	shalt  }
0x59: {  	_ =	shalt  }
0x5a: {  	_ =	shalt  }
0x5b: {  	_ =	shalt  }
0x5c: {  	_ =	shalt  }
0x5d: {  	_ =	shalt  }
0x5e: {  	_ =	shalt  }
0x5f: {  	_ =	shalt  }
0x60: {  	_ =	shalt  }
0x61: {  	_ =	shalt  }
0x62: {  	_ =	shalt  }
0x63: {  	_ =	shalt  }
0x64: {  	_ =	shalt  }
0x65: {  	_ =	shalt  }
0x66: {  	_ =	shalt  }
0x67: {  	_ =	shalt  }
0x68: {  	_ =	shalt  }
0x69: {  	_ =	shalt  }
0x6a: {  	_ =	shalt  }
0x6b: {  	_ =	shalt  }
0x6c: {  	_ =	shalt  }
0x6d: {  	_ =	shalt  }
0x6e: {  	_ =	shalt  }
0x6f: {  	_ =	shalt  }
0x70: {  	_ =	shalt  }
0x71: {  	_ =	shalt  }
0x72: {  	_ =	shalt  }
0x73: {  	_ =	shalt  }
0x74: {  	_ =	shalt  }
0x75: {  	_ =	shalt  }
0x76: {  	_ =	shalt  }
0x77: {  	_ =	shalt  }
0x78: {  	_ =	shalt  }
0x79: {  	_ =	shalt  }
0x7a: {  	_ =	shalt  }
0x7b: {  	_ =	shalt  }
0x7c: {  	_ =	shalt  }
0x7d: {  	_ =	shalt  }
0x7e: {  	_ =	shalt  }
0x7f: {  	_ =	shalt  }
0x80: {  	_ =	shalt  }
0x81: {  	_ =	shalt  }
0x82: {  	_ =	shalt  }
0x83: {  	_ =	shalt  }
0x84: {  	_ =	shalt  }
0x85: {  	_ =	shalt  }
0x86: {  	_ =	shalt  }
0x87: {  	_ =	shalt  }
.Lfunc_end0:
.L_simem_size_0:
called_computation.4_lowered:
.L_overlay_start_0:
0x88: {  	s2 =	sld [smem:$0x3FD9]  }
0x89: {  	s3 =	sld [smem:$0x3FFE];
	_ =	sdelay $0x1  }
0x8a: {  	s1 =	srdreg.scid  }
0x8b: {  	s0 =	sand.u32 $0x1, s1  }
0x8c: {  	s16 =	sshll.u32 s0, $0xA;
	s2 =	sadd.s32 s3, s2  }
0x8d: {  	s2 =	sadd.s32 s2, s16  }
0x8e: {  	[smem:$0x3FC0] =	sst s2  }
0x8f: {  	_ = 	snop  }
0x90: {  	(tm) =	ssettm $0x1  }
0x91: {  	s17 =	sld [smem:$0x3FFB];
	_ =	sdelay $0x3  }
0x92: {  	_ =	strace s17  }
0x93: {  	s2 =	sld [smem:$0x3FFC];
	_ =	sdelay $0x3  }
0x94: {  	_ =	strace s2  }
0x95: {  	s2 =	sld [smem:$0x3FFD];
	_ =	sdelay $0x3  }
0x96: {  	_ =	strace s2  }
0x97: {  	_ =	strace $0x8FFFFFFF  }
0x98: {  	s18 =	sld [smem:$0x3FDB];
	_ =	sdelay $0x1  }
0x99: {  	s19 =	simm.s32 $_scs_section_size  }
0x9a: {  	s4 =	simm.s32 $_size__tile_overlayer_lowered;
	s5 =	simm.s32 $_tile_overlayer_lowered  }
0x9b: {  	s22 =	simm.s32 $0x1BFF;
	s21 =	sshll.u32 s5, $0x1;
	s2 =	sadd.s32 s19, s18  }
0x9c: {  	s6 =	simm.s32 $0x0;
	s20 =	sshll.u32 s4, $0x1;
	s4 =	sadd.s32 s21, s2  }
0x9d: {  	[timem:s6], [sflag:s22] =	dma.local [hbm:s4], s20  }
0x9e: {  	_ =	swait.ge [sflag:s22], s20  }
0x9f: {  	s3 =	ssub.s32 $0x0, s20;
	[sflag:s22] =	ssyncset.done $0x0  }
0xa0: {  	[sflag:s22] =	ssyncadd.s32 s3;
	_ =	sdelay $0x1  }
0xa1: {  	s23 =	simm.s32 $0x1B8B  }
0xa2: {  	_ =	swait.ge [sflag:s23], $0x1  }
0xa3: {  	[sflag:s23] =	ssyncset.done $0x0  }
0xa4: {  	s25 =	simm.s32 $0x1B8E;
	s24 =	sld [smem:$0x3FFE];
	[sflag:s23] =	ssyncadd.s32 $0xFFFFFFFF  }
0xa5: {  	s26 =	simm.s32 $execute0_lowered;
	[smem:$0x3FD2] =	sst s25  }
0xa6: {  	s4 =	sshll.u32 s26, $0x1;
	_ =	strace $0x80000052;
	[dreg:$0x1] =	wrdreg $0xFFFFFFFF  }
0xa7: {  	s28 =	simm.s32 $_size_execute0_lowered;
	s2 =	sadd.s32 s2, s4;
	[dreg:$0x0] =	wrdreg $0x0  }
0xa8: {  	s4 =	sshll.u32 s28, $0x1;
	[dreg:$0x2] =	wrdreg s2  }
0xa9: {  	[dreg:$0x3] =	wrdreg s4  }
0xaa: {  	[dreg:$0x4] =	wrdreg $0xC0  }
0xab: {  	_ =	task [dreg:s6], $0x5FFFF  }
0xac: {  	[dreg:$0x1] =	wrdreg $0xFFFFFFFF  }
0xad: {  	[dreg:$0x0] =	wrdreg $0x60  }
0xae: {  	[dreg:$0x2] =	wrdreg s24  }
0xaf: {  	[dreg:$0x3] =	wrdreg $0x9  }
0xb0: {  	_ =	task.clear_ibuf [dreg:s6], $0x4FFFF;
	_ =	strace $0x90000052  }
0xb1: {  	s29 =	simm.s32 $0x9;
	_ =	strace $0x80000054  }
0xb2: {  	_ =	swait.ge [sflag:s29], $0x1  }
0xb3: {  	[sflag:s29] =	ssyncadd.s32 $0xFFFFFFFF  }
0xb4: {  	_ =	strace $0x90000054  }
0xb5: {  	_ =	sfence  }
0xb6: {  	s30 =	sld [smem:$0x0];
	_ =	sdelay $0x2  }
0xb7: {  	s31 =	sshll.u32 s1, $0xD;
	s1 =	sshrl.u32 s1, $0x2  }
0xb8: {  	s3 =	sand.u32 $0x4000, s31;
	s1 =	sadd.s32 s1, s30  }
0xb9: {  	s0 =	sor.u32 s3, s0;
	s1 =	sshll.u32 s1, $0x11  }
0xba: {  	s0 =	sor.u32 s1, s0  }
0xbb: {  	s0 =	sadd.s32 $0x8F2B, s0  }
0xbc: {  	[sflag:s0] =	ssyncadd.remote.s32 $0x1  }
0xbd: {  	_ =	sfence.sel $0xFFFF  }
0xbe: {  	[dreg:$0x0] =	wrdreg $0xFFFFFFFF;
	(pc) =	sbr.abs _section_cstart, $3  }
0xbf: {  	[dreg:$0x1] =	wrdreg $0xFFFFFFFF  }
0xc0: {  	_ =	task.clear_ibuf [dreg:s6], $0x2FFFF;
	_ =	strace $0x9FFFFFFF  }
0xc1: {  	(tm) =	ssettm $0x7FFFFFFF  }
tec
execute0_lowered:
.L_overlay_start_1:
0x0: {  	(tag) =	ssettag $0x1  }
0x1: {  	s0 =	srdreg.scid  }
0x2: {  	s3 =	stileid.u32;
	s6 =	rddreg [dreg:$0x0];
	s30 =	simm.s32 $0x80  }
0x3: {  	s31 =	simm.s32 $0x400;
	s28 =	simm.s32 $0x100;
	s18 =	simm.s32 $0x2  }
0x4: {  	s19 =	simm.s32 $0x3;
	s0 =	sand.u32 $0x1, s0;
	s2 =	sshll.u32 s3, $0x4  }
0x5: {  	s1 =	sshll.u32 s0, $0x4;
	s20 =	sand.u32 $0x70, s2;
	s2 =	simm.s32 $0x0  }
0x6: {  	s0 =	ssub.s32 $0x2, s0;
	s1 =	sor.u32 s3, s1;
	s3 =	sadd.s32 s20, s6  }
0x7: {  	[smem:$0x7FF] =	sst s2;
	s4 =	sshll.u32 s1, $0x5;
	s1 =	sshll.u32 s1, $0xF  }
0x8: {  	_ =	strace $0x80000053;
	[dreg:$0xb] =	wrdreg s30;
	s1 =	sadd.s32 s1, s6  }
0x9: {  	s5 =	sshrl.u32 s0, $0x1;
	[dreg:$0xc] =	wrdreg s31;
	s21 =	sadd.s32 $0x13400, s1  }
0xa: {  	s0 =	ssub.s32 s0, s5;
	s22 =	sadd.s32 $0x14400, s1;
	[dreg:$0x3] =	wrdreg s21  }
0xb: {  	s5 =	sadd.s32 $0x355800, s6;
	s23 =	sadd.s32 $0x15400, s1;
	[dreg:$0x4] =	wrdreg s22  }
0xc: {  	s4 =	sand.u32 $0x300, s4;
	s24 =	sadd.s32 $0x16400, s1;
	[dreg:$0x5] =	wrdreg s23  }
0xd: {  	s7 =	smax.u32 s0, $0x1;
	s25 =	sadd.s32 $0x17400, s1;
	[dreg:$0x6] =	wrdreg s24  }
0xe: {  	s3 =	sadd.s32 s4, s3;
	s26 =	sadd.s32 $0x18400, s1;
	[dreg:$0x7] =	wrdreg s25  }
0xf: {  	s29 =	sadd.s32 $0x19400, s1;
	s1 =	sadd.s32 $0x1A400, s1;
	[dreg:$0x8] =	wrdreg s26  }
0x10: {  	v2 =	vlaneseq.u32;
	s4 =	sadd.s32 $0x355700, s6;
	s3 =	sadd.s32 $0x13000, s3;
	[dreg:$0x9] =	wrdreg s29  }
0x11: {  	vm0 =	vmmov $0xffff;
	v1 =	vshrl.u32 v2, $0x3;
	[dreg:$0xa] =	wrdreg s1;
	s25 =	simm.s32 $0x4;
	s26 =	simm.s32 $0x8100  }
0x12: {  	v0 =	vand.u32 $0x7, v2;
	v2 =	vor.u32 $0x8, v2;
	v1 =	vmul.u32 $0x8, v1;
	[dreg:$0x2] =	wrdreg s3;
	s3 =	sadd.s32 $0x355600, s6;
	s6 =	sadd.s32 $0x355900, s6  }
.LBB2_1:
0x13: {  	s20 =	rddreg [dreg:$0x2]  }
0x14: {  	s21 =	rddreg [dreg:$0xb]  }
0x15: {  	s22 =	rddreg [dreg:$0xc];
	s17 =	simm.s32 $0x1  }
0x16: {  	[tilespmem:s2], [sflag:$0x1] =	stream.strided.gather [hbm4b:s20+s21], $0x100, s22, s21, $0x38;
	[tilespmem:$0x10100] =	vst v63  }
0x17: {  	_ =	swait.ge [sflag:s17], $0x100  }
0x18: {  	[sflag:s17] =	ssyncset.done $0x0  }
0x19: {  	[sflag:s17] =	ssyncadd.s32 $0xFFFFFF00  }
0x1a: {  	v3 =	vld [tilespmem:$0x0];
	_ =	sdelay $0x4  }
0x1b: {  	v4 =	vshll.u32 v3, $0x3  }
0x1c: {  	v3 =	vand.u32 $0x7, v3;
	v4 =	vand.u32 $0xFFFFFFC0, v4  }
0x1d: {  	v3 =	vor.u32 v3, v4  }
0x1e: {  	v4 =	vperm.xlane v3, v0;
	_ =	sdelay $0x1  }
0x1f: {  	v4 =	vadd.s32 v1, v4;
	_ =	sdelay $0x4  }
0x20: {  	[tilespmem:s28], [sflag:$0x4] =	stream.indirect_vreg.gather [hbm4b:s3+s2], $0x80, v4, vm0, $0xb8;
	[tilespmem:$0x10100] =	vst v63  }
0x21: {  	s0 =	simm.s32 $0x900;
	v3 =	vperm.xlane v3, v2  }
0x22: {  	[tilespmem:s0], [sflag:$0x4] =	stream.indirect_vreg.gather [hbm4b:s4+s2], $0x80, v4, vm0, $0xb8;
	[tilespmem:$0x10100] =	vst v63  }
0x23: {  	s21 =	simm.s32 $0x1100;
	v3 =	vadd.s32 v1, v3  }
0x24: {  	[tilespmem:s21], [sflag:$0x4] =	stream.indirect_vreg.gather [hbm4b:s5+s2], $0x80, v4, vm0, $0xb8;
	[tilespmem:$0x10100] =	vst v63  }
0x25: {  	s22 =	simm.s32 $0x1900  }
0x26: {  	[tilespmem:s22], [sflag:$0x4] =	stream.indirect_vreg.gather [hbm4b:s6+s2], $0x80, v4, vm0, $0xb8;
	[tilespmem:$0x10100] =	vst v63  }
0x27: {  	s23 =	simm.s32 $0x2100  }
0x28: {  	[tilespmem:s23], [sflag:$0x4] =	stream.indirect_vreg.gather [hbm4b:s3+s2], $0x80, v3, vm0, $0xb8;
	[tilespmem:$0x10100] =	vst v63  }
0x29: {  	s24 =	simm.s32 $0x2900  }
0x2a: {  	[tilespmem:s24], [sflag:$0x4] =	stream.indirect_vreg.gather [hbm4b:s4+s2], $0x80, v3, vm0, $0xb8;
	[tilespmem:$0x10100] =	vst v63  }
0x2b: {  	s29 =	simm.s32 $0x3100  }
0x2c: {  	[tilespmem:s29], [sflag:$0x4] =	stream.indirect_vreg.gather [hbm4b:s5+s2], $0x80, v3, vm0, $0xb8;
	[tilespmem:$0x10100] =	vst v63  }
0x2d: {  	s30 =	simm.s32 $0x3900  }
0x2e: {  	[tilespmem:s30], [sflag:$0x4] =	stream.indirect_vreg.gather [hbm4b:s6+s2], $0x80, v3, vm0, $0xb8;
	[tilespmem:$0x10100] =	vst v63  }
0x2f: {  	v3 =	vld [tilespmem:$0x10];
	_ =	sdelay $0x4  }
0x30: {  	v49 =	vshll.u32 v3, $0x3  }
0x31: {  	v3 =	vand.u32 $0x7, v3;
	v4 =	vand.u32 $0xFFFFFFC0, v49  }
0x32: {  	v3 =	vor.u32 v3, v4  }
0x33: {  	v4 =	vperm.xlane v3, v0;
	_ =	sdelay $0x1  }
0x34: {  	v4 =	vadd.s32 v1, v4;
	_ =	sdelay $0x3  }
0x35: {  	s31 =	simm.s32 $0x4100  }
0x36: {  	[tilespmem:s31], [sflag:$0x4] =	stream.indirect_vreg.gather [hbm4b:s3+s2], $0x80, v4, vm0, $0xb8;
	[tilespmem:$0x10100] =	vst v63  }
0x37: {  	s1 =	simm.s32 $0x4900;
	v3 =	vperm.xlane v3, v2  }
0x38: {  	[tilespmem:s1], [sflag:$0x4] =	stream.indirect_vreg.gather [hbm4b:s4+s2], $0x80, v4, vm0, $0xb8;
	[tilespmem:$0x10100] =	vst v63  }
0x39: {  	s9 =	simm.s32 $0x5100;
	v3 =	vadd.s32 v1, v3  }
0x3a: {  	[tilespmem:s9], [sflag:$0x4] =	stream.indirect_vreg.gather [hbm4b:s5+s2], $0x80, v4, vm0, $0xb8;
	[tilespmem:$0x10100] =	vst v63  }
0x3b: {  	s16 =	simm.s32 $0x5900  }
0x3c: {  	[tilespmem:s16], [sflag:$0x4] =	stream.indirect_vreg.gather [hbm4b:s6+s2], $0x80, v4, vm0, $0xb8;
	[tilespmem:$0x10100] =	vst v63  }
0x3d: {  	s17 =	simm.s32 $0x6100  }
0x3e: {  	[tilespmem:s17], [sflag:$0x4] =	stream.indirect_vreg.gather [hbm4b:s3+s2], $0x80, v3, vm0, $0xb8;
	[tilespmem:$0x10100] =	vst v63  }
0x3f: {  	s20 =	simm.s32 $0x6900  }
0x40: {  	[tilespmem:s20], [sflag:$0x4] =	stream.indirect_vreg.gather [hbm4b:s4+s2], $0x80, v3, vm0, $0xb8;
	[tilespmem:$0x10100] =	vst v63  }
0x41: {  	s21 =	simm.s32 $0x7100  }
0x42: {  	[tilespmem:s21], [sflag:$0x4] =	stream.indirect_vreg.gather [hbm4b:s5+s2], $0x80, v3, vm0, $0xb8;
	[tilespmem:$0x10100] =	vst v63  }
0x43: {  	s22 =	simm.s32 $0x7900  }
0x44: {  	[tilespmem:s22], [sflag:$0x4] =	stream.indirect_vreg.gather [hbm4b:s6+s2], $0x80, v3, vm0, $0xb8;
	[tilespmem:$0x10100] =	vst v63  }
0x45: {  	_ =	swait.ge [sflag:s25], $0x8000  }
0x46: {  	[sflag:s25] =	ssyncset.done $0x0  }
0x47: {  	s23 =	rddreg [dreg:$0x3];
	[sflag:s25] =	ssyncadd.s32 $0xFFFF8000  }
0x48: {  	[hbm4b:s23+s2] =	stream.linear.scatter [tilespmem:s28], [sflag:$0x2], $0x8000, $0x38;
	[tilespmem:$0x10100] =	vst v63  }
0x49: {  	v3 =	vld [tilespmem:$0x20];
	_ =	sdelay $0x4  }
0x4a: {  	v50 =	vshll.u32 v3, $0x3  }
0x4b: {  	v3 =	vand.u32 $0x7, v3;
	v4 =	vand.u32 $0xFFFFFFC0, v50  }
0x4c: {  	v3 =	vor.u32 v3, v4  }
0x4d: {  	v4 =	vperm.xlane v3, v0;
	_ =	sdelay $0x1  }
0x4e: {  	v4 =	vadd.s32 v1, v4;
	_ =	sdelay $0x4  }
0x4f: {  	[tilespmem:s26], [sflag:$0x4] =	stream.indirect_vreg.gather [hbm4b:s3+s2], $0x80, v4, vm0, $0xb8;
	[tilespmem:$0x10100] =	vst v63  }
0x50: {  	s24 =	simm.s32 $0x8900;
	v3 =	vperm.xlane v3, v2  }
0x51: {  	[tilespmem:s24], [sflag:$0x4] =	stream.indirect_vreg.gather [hbm4b:s4+s2], $0x80, v4, vm0, $0xb8;
	[tilespmem:$0x10100] =	vst v63  }
0x52: {  	s29 =	simm.s32 $0x9100;
	v3 =	vadd.s32 v1, v3  }
0x53: {  	[tilespmem:s29], [sflag:$0x4] =	stream.indirect_vreg.gather [hbm4b:s5+s2], $0x80, v4, vm0, $0xb8;
	[tilespmem:$0x10100] =	vst v63  }
0x54: {  	s30 =	simm.s32 $0x9900  }
0x55: {  	[tilespmem:s30], [sflag:$0x4] =	stream.indirect_vreg.gather [hbm4b:s6+s2], $0x80, v4, vm0, $0xb8;
	[tilespmem:$0x10100] =	vst v63  }
0x56: {  	s31 =	simm.s32 $0xA100  }
0x57: {  	[tilespmem:s31], [sflag:$0x4] =	stream.indirect_vreg.gather [hbm4b:s3+s2], $0x80, v3, vm0, $0xb8;
	[tilespmem:$0x10100] =	vst v63  }
0x58: {  	s9 =	simm.s32 $0xA900  }
0x59: {  	[tilespmem:s9], [sflag:$0x4] =	stream.indirect_vreg.gather [hbm4b:s4+s2], $0x80, v3, vm0, $0xb8;
	[tilespmem:$0x10100] =	vst v63  }
0x5a: {  	s16 =	simm.s32 $0xB100  }
0x5b: {  	[tilespmem:s16], [sflag:$0x4] =	stream.indirect_vreg.gather [hbm4b:s5+s2], $0x80, v3, vm0, $0xb8;
	[tilespmem:$0x10100] =	vst v63  }
0x5c: {  	s17 =	simm.s32 $0xB900  }
0x5d: {  	[tilespmem:s17], [sflag:$0x4] =	stream.indirect_vreg.gather [hbm4b:s6+s2], $0x80, v3, vm0, $0xb8;
	[tilespmem:$0x10100] =	vst v63  }
0x5e: {  	v3 =	vld [tilespmem:$0x30];
	_ =	sdelay $0x4  }
0x5f: {  	v51 =	vshll.u32 v3, $0x3  }
0x60: {  	v3 =	vand.u32 $0x7, v3;
	v4 =	vand.u32 $0xFFFFFFC0, v51  }
0x61: {  	v3 =	vor.u32 v3, v4  }
0x62: {  	v4 =	vperm.xlane v3, v0;
	_ =	sdelay $0x1  }
0x63: {  	v4 =	vadd.s32 v1, v4;
	_ =	sdelay $0x3  }
0x64: {  	s21 =	simm.s32 $0xC100  }
0x65: {  	[tilespmem:s21], [sflag:$0x4] =	stream.indirect_vreg.gather [hbm4b:s3+s2], $0x80, v4, vm0, $0xb8;
	[tilespmem:$0x10100] =	vst v63  }
0x66: {  	s22 =	simm.s32 $0xC900;
	v3 =	vperm.xlane v3, v2  }
0x67: {  	[tilespmem:s22], [sflag:$0x4] =	stream.indirect_vreg.gather [hbm4b:s4+s2], $0x80, v4, vm0, $0xb8;
	[tilespmem:$0x10100] =	vst v63  }
0x68: {  	s23 =	simm.s32 $0xD100;
	v3 =	vadd.s32 v1, v3  }
0x69: {  	[tilespmem:s23], [sflag:$0x4] =	stream.indirect_vreg.gather [hbm4b:s5+s2], $0x80, v4, vm0, $0xb8;
	[tilespmem:$0x10100] =	vst v63  }
0x6a: {  	s24 =	simm.s32 $0xD900  }
0x6b: {  	[tilespmem:s24], [sflag:$0x4] =	stream.indirect_vreg.gather [hbm4b:s6+s2], $0x80, v4, vm0, $0xb8;
	[tilespmem:$0x10100] =	vst v63  }
0x6c: {  	s0 =	simm.s32 $0xE100  }
0x6d: {  	[tilespmem:s0], [sflag:$0x4] =	stream.indirect_vreg.gather [hbm4b:s3+s2], $0x80, v3, vm0, $0xb8;
	[tilespmem:$0x10100] =	vst v63  }
0x6e: {  	s9 =	simm.s32 $0xE900  }
0x6f: {  	[tilespmem:s9], [sflag:$0x4] =	stream.indirect_vreg.gather [hbm4b:s4+s2], $0x80, v3, vm0, $0xb8;
	[tilespmem:$0x10100] =	vst v63  }
0x70: {  	s16 =	simm.s32 $0xF100  }
0x71: {  	[tilespmem:s16], [sflag:$0x4] =	stream.indirect_vreg.gather [hbm4b:s5+s2], $0x80, v3, vm0, $0xb8;
	[tilespmem:$0x10100] =	vst v63  }
0x72: {  	s23 =	simm.s32 $0xF900  }
0x73: {  	[tilespmem:s23], [sflag:$0x4] =	stream.indirect_vreg.gather [hbm4b:s6+s2], $0x80, v3, vm0, $0xb8;
	[tilespmem:$0x10100] =	vst v63  }
0x74: {  	_ =	swait.ge [sflag:s25], $0x8000  }
0x75: {  	[sflag:s25] =	ssyncset.done $0x0  }
0x76: {  	s24 =	rddreg [dreg:$0x4];
	[sflag:s25] =	ssyncadd.s32 $0xFFFF8000  }
0x77: {  	[hbm4b:s24+s2] =	stream.linear.scatter [tilespmem:s26], [sflag:$0x3], $0x8000, $0x38;
	[tilespmem:$0x10100] =	vst v63  }
0x78: {  	_ =	swait.ge [sflag:s18], $0x8000  }
0x79: {  	[sflag:s18] =	ssyncset.done $0x0  }
0x7a: {  	[sflag:s18] =	ssyncadd.s32 $0xFFFF8000  }
0x7b: {  	v3 =	vld [tilespmem:$0x40];
	_ =	sdelay $0x4  }
0x7c: {  	v52 =	vshll.u32 v3, $0x3  }
0x7d: {  	v3 =	vand.u32 $0x7, v3;
	v4 =	vand.u32 $0xFFFFFFC0, v52  }
0x7e: {  	v3 =	vor.u32 v3, v4  }
0x7f: {  	v4 =	vperm.xlane v3, v0;
	_ =	sdelay $0x1  }
0x80: {  	v4 =	vadd.s32 v1, v4;
	_ =	sdelay $0x4  }
0x81: {  	[tilespmem:s28], [sflag:$0x4] =	stream.indirect_vreg.gather [hbm4b:s3+s2], $0x80, v4, vm0, $0xb8;
	[tilespmem:$0x10100] =	vst v63  }
0x82: {  	s8 =	simm.s32 $0x900;
	v3 =	vperm.xlane v3, v2  }
0x83: {  	[tilespmem:s8], [sflag:$0x4] =	stream.indirect_vreg.gather [hbm4b:s4+s2], $0x80, v4, vm0, $0xb8;
	[tilespmem:$0x10100] =	vst v63  }
0x84: {  	v3 =	vadd.s32 v1, v3;
	s8 =	simm.s32 $0x1100  }
0x85: {  	[tilespmem:s8], [sflag:$0x4] =	stream.indirect_vreg.gather [hbm4b:s5+s2], $0x80, v4, vm0, $0xb8;
	[tilespmem:$0x10100] =	vst v63  }
0x86: {  	s9 =	simm.s32 $0x1900  }
0x87: {  	[tilespmem:s9], [sflag:$0x4] =	stream.indirect_vreg.gather [hbm4b:s6+s2], $0x80, v4, vm0, $0xb8;
	[tilespmem:$0x10100] =	vst v63  }
0x88: {  	s10 =	simm.s32 $0x2100  }
0x89: {  	[tilespmem:s10], [sflag:$0x4] =	stream.indirect_vreg.gather [hbm4b:s3+s2], $0x80, v3, vm0, $0xb8;
	[tilespmem:$0x10100] =	vst v63  }
0x8a: {  	s11 =	simm.s32 $0x2900  }
0x8b: {  	[tilespmem:s11], [sflag:$0x4] =	stream.indirect_vreg.gather [hbm4b:s4+s2], $0x80, v3, vm0, $0xb8;
	[tilespmem:$0x10100] =	vst v63  }
0x8c: {  	s12 =	simm.s32 $0x3100  }
0x8d: {  	[tilespmem:s12], [sflag:$0x4] =	stream.indirect_vreg.gather [hbm4b:s5+s2], $0x80, v3, vm0, $0xb8;
	[tilespmem:$0x10100] =	vst v63  }
0x8e: {  	s14 =	simm.s32 $0x3900  }
0x8f: {  	[tilespmem:s14], [sflag:$0x4] =	stream.indirect_vreg.gather [hbm4b:s6+s2], $0x80, v3, vm0, $0xb8;
	[tilespmem:$0x10100] =	vst v63  }
0x90: {  	v3 =	vld [tilespmem:$0x50];
	_ =	sdelay $0x4  }
0x91: {  	v53 =	vshll.u32 v3, $0x3  }
0x92: {  	v3 =	vand.u32 $0x7, v3;
	v4 =	vand.u32 $0xFFFFFFC0, v53  }
0x93: {  	v3 =	vor.u32 v3, v4  }
0x94: {  	v4 =	vperm.xlane v3, v0;
	_ =	sdelay $0x1  }
0x95: {  	v4 =	vadd.s32 v1, v4;
	_ =	sdelay $0x3  }
0x96: {  	s15 =	simm.s32 $0x4100  }
0x97: {  	[tilespmem:s15], [sflag:$0x4] =	stream.indirect_vreg.gather [hbm4b:s3+s2], $0x80, v4, vm0, $0xb8;
	[tilespmem:$0x10100] =	vst v63  }
0x98: {  	s13 =	simm.s32 $0x4900;
	v3 =	vperm.xlane v3, v2  }
0x99: {  	[tilespmem:s13], [sflag:$0x4] =	stream.indirect_vreg.gather [hbm4b:s4+s2], $0x80, v4, vm0, $0xb8;
	[tilespmem:$0x10100] =	vst v63  }
0x9a: {  	s10 =	simm.s32 $0x5100;
	v3 =	vadd.s32 v1, v3  }
0x9b: {  	[tilespmem:s10], [sflag:$0x4] =	stream.indirect_vreg.gather [hbm4b:s5+s2], $0x80, v4, vm0, $0xb8;
	[tilespmem:$0x10100] =	vst v63  }
0x9c: {  	s11 =	simm.s32 $0x5900  }
0x9d: {  	[tilespmem:s11], [sflag:$0x4] =	stream.indirect_vreg.gather [hbm4b:s6+s2], $0x80, v4, vm0, $0xb8;
	[tilespmem:$0x10100] =	vst v63  }
0x9e: {  	s12 =	simm.s32 $0x6100  }
0x9f: {  	[tilespmem:s12], [sflag:$0x4] =	stream.indirect_vreg.gather [hbm4b:s3+s2], $0x80, v3, vm0, $0xb8;
	[tilespmem:$0x10100] =	vst v63  }
0xa0: {  	s13 =	simm.s32 $0x6900  }
0xa1: {  	[tilespmem:s13], [sflag:$0x4] =	stream.indirect_vreg.gather [hbm4b:s4+s2], $0x80, v3, vm0, $0xb8;
	[tilespmem:$0x10100] =	vst v63  }
0xa2: {  	s14 =	simm.s32 $0x7100  }
0xa3: {  	[tilespmem:s14], [sflag:$0x4] =	stream.indirect_vreg.gather [hbm4b:s5+s2], $0x80, v3, vm0, $0xb8;
	[tilespmem:$0x10100] =	vst v63  }
0xa4: {  	s15 =	simm.s32 $0x7900  }
0xa5: {  	[tilespmem:s15], [sflag:$0x4] =	stream.indirect_vreg.gather [hbm4b:s6+s2], $0x80, v3, vm0, $0xb8;
	[tilespmem:$0x10100] =	vst v63  }
0xa6: {  	_ =	swait.ge [sflag:s25], $0x8000  }
0xa7: {  	[sflag:s25] =	ssyncset.done $0x0  }
0xa8: {  	s0 =	rddreg [dreg:$0x5];
	[sflag:s25] =	ssyncadd.s32 $0xFFFF8000  }
0xa9: {  	[hbm4b:s0+s2] =	stream.linear.scatter [tilespmem:s28], [sflag:$0x2], $0x8000, $0x38;
	[tilespmem:$0x10100] =	vst v63  }
0xaa: {  	_ =	swait.ge [sflag:s19], $0x8000  }
0xab: {  	[sflag:s19] =	ssyncset.done $0x0  }
0xac: {  	[sflag:s19] =	ssyncadd.s32 $0xFFFF8000  }
0xad: {  	v3 =	vld [tilespmem:$0x60];
	_ =	sdelay $0x4  }
0xae: {  	v54 =	vshll.u32 v3, $0x3  }
0xaf: {  	v3 =	vand.u32 $0x7, v3;
	v4 =	vand.u32 $0xFFFFFFC0, v54  }
0xb0: {  	v3 =	vor.u32 v3, v4  }
0xb1: {  	v4 =	vperm.xlane v3, v0;
	_ =	sdelay $0x1  }
0xb2: {  	v4 =	vadd.s32 v1, v4;
	_ =	sdelay $0x4  }
0xb3: {  	[tilespmem:s26], [sflag:$0x4] =	stream.indirect_vreg.gather [hbm4b:s3+s2], $0x80, v4, vm0, $0xb8;
	[tilespmem:$0x10100] =	vst v63  }
0xb4: {  	s1 =	simm.s32 $0x8900;
	v3 =	vperm.xlane v3, v2  }
0xb5: {  	[tilespmem:s1], [sflag:$0x4] =	stream.indirect_vreg.gather [hbm4b:s4+s2], $0x80, v4, vm0, $0xb8;
	[tilespmem:$0x10100] =	vst v63  }
0xb6: {  	s0 =	simm.s32 $0x9100;
	v3 =	vadd.s32 v1, v3  }
0xb7: {  	[tilespmem:s0], [sflag:$0x4] =	stream.indirect_vreg.gather [hbm4b:s5+s2], $0x80, v4, vm0, $0xb8;
	[tilespmem:$0x10100] =	vst v63  }
0xb8: {  	s1 =	simm.s32 $0x9900  }
0xb9: {  	[tilespmem:s1], [sflag:$0x4] =	stream.indirect_vreg.gather [hbm4b:s6+s2], $0x80, v4, vm0, $0xb8;
	[tilespmem:$0x10100] =	vst v63  }
0xba: {  	s31 =	simm.s32 $0xA100  }
0xbb: {  	[tilespmem:s31], [sflag:$0x4] =	stream.indirect_vreg.gather [hbm4b:s3+s2], $0x80, v3, vm0, $0xb8;
	[tilespmem:$0x10100] =	vst v63  }
0xbc: {  	s29 =	simm.s32 $0xA900  }
0xbd: {  	[tilespmem:s29], [sflag:$0x4] =	stream.indirect_vreg.gather [hbm4b:s4+s2], $0x80, v3, vm0, $0xb8;
	[tilespmem:$0x10100] =	vst v63  }
0xbe: {  	s30 =	simm.s32 $0xB100  }
0xbf: {  	[tilespmem:s30], [sflag:$0x4] =	stream.indirect_vreg.gather [hbm4b:s5+s2], $0x80, v3, vm0, $0xb8;
	[tilespmem:$0x10100] =	vst v63  }
0xc0: {  	s17 =	simm.s32 $0xB900  }
0xc1: {  	[tilespmem:s17], [sflag:$0x4] =	stream.indirect_vreg.gather [hbm4b:s6+s2], $0x80, v3, vm0, $0xb8;
	[tilespmem:$0x10100] =	vst v63  }
0xc2: {  	v3 =	vld [tilespmem:$0x70];
	_ =	sdelay $0x4  }
0xc3: {  	v55 =	vshll.u32 v3, $0x3  }
0xc4: {  	v3 =	vand.u32 $0x7, v3;
	v4 =	vand.u32 $0xFFFFFFC0, v55  }
0xc5: {  	v3 =	vor.u32 v3, v4  }
0xc6: {  	v4 =	vperm.xlane v3, v0;
	_ =	sdelay $0x1  }
0xc7: {  	v4 =	vadd.s32 v1, v4;
	_ =	sdelay $0x3  }
0xc8: {  	s21 =	simm.s32 $0xC100  }
0xc9: {  	[tilespmem:s21], [sflag:$0x4] =	stream.indirect_vreg.gather [hbm4b:s3+s2], $0x80, v4, vm0, $0xb8;
	[tilespmem:$0x10100] =	vst v63  }
0xca: {  	s22 =	simm.s32 $0xC900;
	v3 =	vperm.xlane v3, v2  }
0xcb: {  	[tilespmem:s22], [sflag:$0x4] =	stream.indirect_vreg.gather [hbm4b:s4+s2], $0x80, v4, vm0, $0xb8;
	[tilespmem:$0x10100] =	vst v63  }
0xcc: {  	v3 =	vadd.s32 v1, v3;
	s21 =	simm.s32 $0xD100  }
0xcd: {  	[tilespmem:s21], [sflag:$0x4] =	stream.indirect_vreg.gather [hbm4b:s5+s2], $0x80, v4, vm0, $0xb8;
	[tilespmem:$0x10100] =	vst v63  }
0xce: {  	s22 =	simm.s32 $0xD900  }
0xcf: {  	[tilespmem:s22], [sflag:$0x4] =	stream.indirect_vreg.gather [hbm4b:s6+s2], $0x80, v4, vm0, $0xb8;
	[tilespmem:$0x10100] =	vst v63  }
0xd0: {  	s30 =	simm.s32 $0xE100  }
0xd1: {  	[tilespmem:s30], [sflag:$0x4] =	stream.indirect_vreg.gather [hbm4b:s3+s2], $0x80, v3, vm0, $0xb8;
	[tilespmem:$0x10100] =	vst v63  }
0xd2: {  	s20 =	simm.s32 $0xE900  }
0xd3: {  	[tilespmem:s20], [sflag:$0x4] =	stream.indirect_vreg.gather [hbm4b:s4+s2], $0x80, v3, vm0, $0xb8;
	[tilespmem:$0x10100] =	vst v63  }
0xd4: {  	s21 =	simm.s32 $0xF100  }
0xd5: {  	[tilespmem:s21], [sflag:$0x4] =	stream.indirect_vreg.gather [hbm4b:s5+s2], $0x80, v3, vm0, $0xb8;
	[tilespmem:$0x10100] =	vst v63  }
0xd6: {  	s16 =	simm.s32 $0xF900  }
0xd7: {  	[tilespmem:s16], [sflag:$0x4] =	stream.indirect_vreg.gather [hbm4b:s6+s2], $0x80, v3, vm0, $0xb8;
	[tilespmem:$0x10100] =	vst v63  }
0xd8: {  	_ =	swait.ge [sflag:s25], $0x8000  }
0xd9: {  	[sflag:s25] =	ssyncset.done $0x0  }
0xda: {  	s16 =	rddreg [dreg:$0x6];
	[sflag:s25] =	ssyncadd.s32 $0xFFFF8000  }
0xdb: {  	[hbm4b:s16+s2] =	stream.linear.scatter [tilespmem:s26], [sflag:$0x3], $0x8000, $0x38;
	[tilespmem:$0x10100] =	vst v63  }
0xdc: {  	_ =	swait.ge [sflag:s18], $0x8000  }
0xdd: {  	[sflag:s18] =	ssyncset.done $0x0  }
0xde: {  	[sflag:s18] =	ssyncadd.s32 $0xFFFF8000  }
0xdf: {  	v3 =	vld [tilespmem:$0x80];
	_ =	sdelay $0x4  }
0xe0: {  	v56 =	vshll.u32 v3, $0x3  }
0xe1: {  	v3 =	vand.u32 $0x7, v3;
	v4 =	vand.u32 $0xFFFFFFC0, v56  }
0xe2: {  	v3 =	vor.u32 v3, v4  }
0xe3: {  	v4 =	vperm.xlane v3, v0;
	_ =	sdelay $0x1  }
0xe4: {  	v4 =	vadd.s32 v1, v4;
	_ =	sdelay $0x4  }
0xe5: {  	[tilespmem:s28], [sflag:$0x4] =	stream.indirect_vreg.gather [hbm4b:s3+s2], $0x80, v4, vm0, $0xb8;
	[tilespmem:$0x10100] =	vst v63  }
0xe6: {  	s20 =	simm.s32 $0x900;
	v3 =	vperm.xlane v3, v2  }
0xe7: {  	[tilespmem:s20], [sflag:$0x4] =	stream.indirect_vreg.gather [hbm4b:s4+s2], $0x80, v4, vm0, $0xb8;
	[tilespmem:$0x10100] =	vst v63  }
0xe8: {  	v3 =	vadd.s32 v1, v3  }
0xe9: {  	[tilespmem:s8], [sflag:$0x4] =	stream.indirect_vreg.gather [hbm4b:s5+s2], $0x80, v4, vm0, $0xb8;
	[tilespmem:$0x10100] =	vst v63  }
0xea: {  	_ = 	snop  }
0xeb: {  	[tilespmem:s9], [sflag:$0x4] =	stream.indirect_vreg.gather [hbm4b:s6+s2], $0x80, v4, vm0, $0xb8;
	[tilespmem:$0x10100] =	vst v63  }
0xec: {  	s20 =	simm.s32 $0x2100  }
0xed: {  	[tilespmem:s20], [sflag:$0x4] =	stream.indirect_vreg.gather [hbm4b:s3+s2], $0x80, v3, vm0, $0xb8;
	[tilespmem:$0x10100] =	vst v63  }
0xee: {  	s20 =	simm.s32 $0x2900  }
0xef: {  	[tilespmem:s20], [sflag:$0x4] =	stream.indirect_vreg.gather [hbm4b:s4+s2], $0x80, v3, vm0, $0xb8;
	[tilespmem:$0x10100] =	vst v63  }
0xf0: {  	s20 =	simm.s32 $0x3100  }
0xf1: {  	[tilespmem:s20], [sflag:$0x4] =	stream.indirect_vreg.gather [hbm4b:s5+s2], $0x80, v3, vm0, $0xb8;
	[tilespmem:$0x10100] =	vst v63  }
0xf2: {  	s20 =	simm.s32 $0x3900  }
0xf3: {  	[tilespmem:s20], [sflag:$0x4] =	stream.indirect_vreg.gather [hbm4b:s6+s2], $0x80, v3, vm0, $0xb8;
	[tilespmem:$0x10100] =	vst v63  }
0xf4: {  	v3 =	vld [tilespmem:$0x90];
	_ =	sdelay $0x4  }
0xf5: {  	v57 =	vshll.u32 v3, $0x3  }
0xf6: {  	v3 =	vand.u32 $0x7, v3;
	v4 =	vand.u32 $0xFFFFFFC0, v57  }
0xf7: {  	v3 =	vor.u32 v3, v4  }
0xf8: {  	v4 =	vperm.xlane v3, v0;
	_ =	sdelay $0x1  }
0xf9: {  	v4 =	vadd.s32 v1, v4;
	_ =	sdelay $0x3  }
0xfa: {  	s20 =	simm.s32 $0x4100  }
0xfb: {  	[tilespmem:s20], [sflag:$0x4] =	stream.indirect_vreg.gather [hbm4b:s3+s2], $0x80, v4, vm0, $0xb8;
	[tilespmem:$0x10100] =	vst v63  }
0xfc: {  	v3 =	vperm.xlane v3, v2;
	s20 =	simm.s32 $0x4900  }
0xfd: {  	[tilespmem:s20], [sflag:$0x4] =	stream.indirect_vreg.gather [hbm4b:s4+s2], $0x80, v4, vm0, $0xb8;
	[tilespmem:$0x10100] =	vst v63  }
0xfe: {  	v3 =	vadd.s32 v1, v3  }
0xff: {  	[tilespmem:s10], [sflag:$0x4] =	stream.indirect_vreg.gather [hbm4b:s5+s2], $0x80, v4, vm0, $0xb8;
	[tilespmem:$0x10100] =	vst v63  }
0x100: {  	_ = 	snop  }
0x101: {  	[tilespmem:s11], [sflag:$0x4] =	stream.indirect_vreg.gather [hbm4b:s6+s2], $0x80, v4, vm0, $0xb8;
	[tilespmem:$0x10100] =	vst v63  }
0x102: {  	_ = 	snop  }
0x103: {  	[tilespmem:s12], [sflag:$0x4] =	stream.indirect_vreg.gather [hbm4b:s3+s2], $0x80, v3, vm0, $0xb8;
	[tilespmem:$0x10100] =	vst v63  }
0x104: {  	_ = 	snop  }
0x105: {  	[tilespmem:s13], [sflag:$0x4] =	stream.indirect_vreg.gather [hbm4b:s4+s2], $0x80, v3, vm0, $0xb8;
	[tilespmem:$0x10100] =	vst v63  }
0x106: {  	_ = 	snop  }
0x107: {  	[tilespmem:s14], [sflag:$0x4] =	stream.indirect_vreg.gather [hbm4b:s5+s2], $0x80, v3, vm0, $0xb8;
	[tilespmem:$0x10100] =	vst v63  }
0x108: {  	_ = 	snop  }
0x109: {  	[tilespmem:s15], [sflag:$0x4] =	stream.indirect_vreg.gather [hbm4b:s6+s2], $0x80, v3, vm0, $0xb8;
	[tilespmem:$0x10100] =	vst v63  }
0x10a: {  	_ =	swait.ge [sflag:s25], $0x8000  }
0x10b: {  	[sflag:s25] =	ssyncset.done $0x0  }
0x10c: {  	s16 =	rddreg [dreg:$0x7];
	[sflag:s25] =	ssyncadd.s32 $0xFFFF8000  }
0x10d: {  	[hbm4b:s16+s2] =	stream.linear.scatter [tilespmem:s28], [sflag:$0x2], $0x8000, $0x38;
	[tilespmem:$0x10100] =	vst v63  }
0x10e: {  	_ =	swait.ge [sflag:s19], $0x8000  }
0x10f: {  	[sflag:s19] =	ssyncset.done $0x0  }
0x110: {  	[sflag:s19] =	ssyncadd.s32 $0xFFFF8000  }
0x111: {  	v3 =	vld [tilespmem:$0xA0];
	_ =	sdelay $0x4  }
0x112: {  	v58 =	vshll.u32 v3, $0x3  }
0x113: {  	v3 =	vand.u32 $0x7, v3;
	v4 =	vand.u32 $0xFFFFFFC0, v58  }
0x114: {  	v3 =	vor.u32 v3, v4  }
0x115: {  	v4 =	vperm.xlane v3, v0;
	_ =	sdelay $0x1  }
0x116: {  	v4 =	vadd.s32 v1, v4;
	_ =	sdelay $0x4  }
0x117: {  	[tilespmem:s26], [sflag:$0x4] =	stream.indirect_vreg.gather [hbm4b:s3+s2], $0x80, v4, vm0, $0xb8;
	[tilespmem:$0x10100] =	vst v63  }
0x118: {  	s24 =	simm.s32 $0x8900;
	v3 =	vperm.xlane v3, v2  }
0x119: {  	[tilespmem:s24], [sflag:$0x4] =	stream.indirect_vreg.gather [hbm4b:s4+s2], $0x80, v4, vm0, $0xb8;
	[tilespmem:$0x10100] =	vst v63  }
0x11a: {  	v3 =	vadd.s32 v1, v3  }
0x11b: {  	[tilespmem:s0], [sflag:$0x4] =	stream.indirect_vreg.gather [hbm4b:s5+s2], $0x80, v4, vm0, $0xb8;
	[tilespmem:$0x10100] =	vst v63  }
0x11c: {  	_ = 	snop  }
0x11d: {  	[tilespmem:s1], [sflag:$0x4] =	stream.indirect_vreg.gather [hbm4b:s6+s2], $0x80, v4, vm0, $0xb8;
	[tilespmem:$0x10100] =	vst v63  }
0x11e: {  	s31 =	simm.s32 $0xA100  }
0x11f: {  	[tilespmem:s31], [sflag:$0x4] =	stream.indirect_vreg.gather [hbm4b:s3+s2], $0x80, v3, vm0, $0xb8;
	[tilespmem:$0x10100] =	vst v63  }
0x120: {  	s23 =	simm.s32 $0xA900  }
0x121: {  	[tilespmem:s23], [sflag:$0x4] =	stream.indirect_vreg.gather [hbm4b:s4+s2], $0x80, v3, vm0, $0xb8;
	[tilespmem:$0x10100] =	vst v63  }
0x122: {  	s29 =	simm.s32 $0xB100  }
0x123: {  	[tilespmem:s29], [sflag:$0x4] =	stream.indirect_vreg.gather [hbm4b:s5+s2], $0x80, v3, vm0, $0xb8;
	[tilespmem:$0x10100] =	vst v63  }
0x124: {  	s29 =	simm.s32 $0xB900  }
0x125: {  	[tilespmem:s29], [sflag:$0x4] =	stream.indirect_vreg.gather [hbm4b:s6+s2], $0x80, v3, vm0, $0xb8;
	[tilespmem:$0x10100] =	vst v63  }
0x126: {  	v3 =	vld [tilespmem:$0xB0];
	_ =	sdelay $0x4  }
0x127: {  	v59 =	vshll.u32 v3, $0x3  }
0x128: {  	v3 =	vand.u32 $0x7, v3;
	v4 =	vand.u32 $0xFFFFFFC0, v59  }
0x129: {  	v3 =	vor.u32 v3, v4  }
0x12a: {  	v4 =	vperm.xlane v3, v0;
	_ =	sdelay $0x1  }
0x12b: {  	v4 =	vadd.s32 v1, v4;
	_ =	sdelay $0x3  }
0x12c: {  	s20 =	simm.s32 $0xC100  }
0x12d: {  	[tilespmem:s20], [sflag:$0x4] =	stream.indirect_vreg.gather [hbm4b:s3+s2], $0x80, v4, vm0, $0xb8;
	[tilespmem:$0x10100] =	vst v63  }
0x12e: {  	s29 =	simm.s32 $0xC900;
	v3 =	vperm.xlane v3, v2  }
0x12f: {  	[tilespmem:s29], [sflag:$0x4] =	stream.indirect_vreg.gather [hbm4b:s4+s2], $0x80, v4, vm0, $0xb8;
	[tilespmem:$0x10100] =	vst v63  }
0x130: {  	v3 =	vadd.s32 v1, v3;
	s20 =	simm.s32 $0xD100  }
0x131: {  	[tilespmem:s20], [sflag:$0x4] =	stream.indirect_vreg.gather [hbm4b:s5+s2], $0x80, v4, vm0, $0xb8;
	[tilespmem:$0x10100] =	vst v63  }
0x132: {  	s22 =	simm.s32 $0xD900  }
0x133: {  	[tilespmem:s22], [sflag:$0x4] =	stream.indirect_vreg.gather [hbm4b:s6+s2], $0x80, v4, vm0, $0xb8;
	[tilespmem:$0x10100] =	vst v63  }
0x134: {  	s30 =	simm.s32 $0xE100  }
0x135: {  	[tilespmem:s30], [sflag:$0x4] =	stream.indirect_vreg.gather [hbm4b:s3+s2], $0x80, v3, vm0, $0xb8;
	[tilespmem:$0x10100] =	vst v63  }
0x136: {  	s17 =	simm.s32 $0xE900  }
0x137: {  	[tilespmem:s17], [sflag:$0x4] =	stream.indirect_vreg.gather [hbm4b:s4+s2], $0x80, v3, vm0, $0xb8;
	[tilespmem:$0x10100] =	vst v63  }
0x138: {  	s21 =	simm.s32 $0xF100  }
0x139: {  	[tilespmem:s21], [sflag:$0x4] =	stream.indirect_vreg.gather [hbm4b:s5+s2], $0x80, v3, vm0, $0xb8;
	[tilespmem:$0x10100] =	vst v63  }
0x13a: {  	s21 =	simm.s32 $0xF900  }
0x13b: {  	[tilespmem:s21], [sflag:$0x4] =	stream.indirect_vreg.gather [hbm4b:s6+s2], $0x80, v3, vm0, $0xb8;
	[tilespmem:$0x10100] =	vst v63  }
0x13c: {  	_ =	swait.ge [sflag:s25], $0x8000  }
0x13d: {  	[sflag:s25] =	ssyncset.done $0x0  }
0x13e: {  	s30 =	rddreg [dreg:$0x8];
	[sflag:s25] =	ssyncadd.s32 $0xFFFF8000  }
0x13f: {  	[hbm4b:s30+s2] =	stream.linear.scatter [tilespmem:s26], [sflag:$0x3], $0x8000, $0x38;
	[tilespmem:$0x10100] =	vst v63  }
0x140: {  	_ =	swait.ge [sflag:s18], $0x8000  }
0x141: {  	[sflag:s18] =	ssyncset.done $0x0  }
0x142: {  	[sflag:s18] =	ssyncadd.s32 $0xFFFF8000  }
0x143: {  	v3 =	vld [tilespmem:$0xC0];
	_ =	sdelay $0x4  }
0x144: {  	v60 =	vshll.u32 v3, $0x3  }
0x145: {  	v3 =	vand.u32 $0x7, v3;
	v4 =	vand.u32 $0xFFFFFFC0, v60  }
0x146: {  	v3 =	vor.u32 v3, v4  }
0x147: {  	v4 =	vperm.xlane v3, v0;
	_ =	sdelay $0x1  }
0x148: {  	v4 =	vadd.s32 v1, v4;
	_ =	sdelay $0x4  }
0x149: {  	[tilespmem:s28], [sflag:$0x4] =	stream.indirect_vreg.gather [hbm4b:s3+s2], $0x80, v4, vm0, $0xb8;
	[tilespmem:$0x10100] =	vst v63  }
0x14a: {  	s30 =	simm.s32 $0x900;
	v3 =	vperm.xlane v3, v2  }
0x14b: {  	[tilespmem:s30], [sflag:$0x4] =	stream.indirect_vreg.gather [hbm4b:s4+s2], $0x80, v4, vm0, $0xb8;
	[tilespmem:$0x10100] =	vst v63  }
0x14c: {  	s8 =	simm.s32 $0x1100;
	v3 =	vadd.s32 v1, v3  }
0x14d: {  	[tilespmem:s8], [sflag:$0x4] =	stream.indirect_vreg.gather [hbm4b:s5+s2], $0x80, v4, vm0, $0xb8;
	[tilespmem:$0x10100] =	vst v63  }
0x14e: {  	s9 =	simm.s32 $0x1900  }
0x14f: {  	[tilespmem:s9], [sflag:$0x4] =	stream.indirect_vreg.gather [hbm4b:s6+s2], $0x80, v4, vm0, $0xb8;
	[tilespmem:$0x10100] =	vst v63  }
0x150: {  	s20 =	simm.s32 $0x2100  }
0x151: {  	[tilespmem:s20], [sflag:$0x4] =	stream.indirect_vreg.gather [hbm4b:s3+s2], $0x80, v3, vm0, $0xb8;
	[tilespmem:$0x10100] =	vst v63  }
0x152: {  	s30 =	simm.s32 $0x2900  }
0x153: {  	[tilespmem:s30], [sflag:$0x4] =	stream.indirect_vreg.gather [hbm4b:s4+s2], $0x80, v3, vm0, $0xb8;
	[tilespmem:$0x10100] =	vst v63  }
0x154: {  	s9 =	simm.s32 $0x3100  }
0x155: {  	[tilespmem:s9], [sflag:$0x4] =	stream.indirect_vreg.gather [hbm4b:s5+s2], $0x80, v3, vm0, $0xb8;
	[tilespmem:$0x10100] =	vst v63  }
0x156: {  	s20 =	simm.s32 $0x3900  }
0x157: {  	[tilespmem:s20], [sflag:$0x4] =	stream.indirect_vreg.gather [hbm4b:s6+s2], $0x80, v3, vm0, $0xb8;
	[tilespmem:$0x10100] =	vst v63  }
0x158: {  	v3 =	vld [tilespmem:$0xD0];
	_ =	sdelay $0x4  }
0x159: {  	v61 =	vshll.u32 v3, $0x3  }
0x15a: {  	v3 =	vand.u32 $0x7, v3;
	v4 =	vand.u32 $0xFFFFFFC0, v61  }
0x15b: {  	v3 =	vor.u32 v3, v4  }
0x15c: {  	v4 =	vperm.xlane v3, v0;
	_ =	sdelay $0x1  }
0x15d: {  	v4 =	vadd.s32 v1, v4;
	_ =	sdelay $0x3  }
0x15e: {  	s30 =	simm.s32 $0x4100  }
0x15f: {  	[tilespmem:s30], [sflag:$0x4] =	stream.indirect_vreg.gather [hbm4b:s3+s2], $0x80, v4, vm0, $0xb8;
	[tilespmem:$0x10100] =	vst v63  }
0x160: {  	s9 =	simm.s32 $0x4900;
	v3 =	vperm.xlane v3, v2  }
0x161: {  	[tilespmem:s9], [sflag:$0x4] =	stream.indirect_vreg.gather [hbm4b:s4+s2], $0x80, v4, vm0, $0xb8;
	[tilespmem:$0x10100] =	vst v63  }
0x162: {  	s10 =	simm.s32 $0x5100;
	v3 =	vadd.s32 v1, v3  }
0x163: {  	[tilespmem:s10], [sflag:$0x4] =	stream.indirect_vreg.gather [hbm4b:s5+s2], $0x80, v4, vm0, $0xb8;
	[tilespmem:$0x10100] =	vst v63  }
0x164: {  	s11 =	simm.s32 $0x5900  }
0x165: {  	[tilespmem:s11], [sflag:$0x4] =	stream.indirect_vreg.gather [hbm4b:s6+s2], $0x80, v4, vm0, $0xb8;
	[tilespmem:$0x10100] =	vst v63  }
0x166: {  	s12 =	simm.s32 $0x6100  }
0x167: {  	[tilespmem:s12], [sflag:$0x4] =	stream.indirect_vreg.gather [hbm4b:s3+s2], $0x80, v3, vm0, $0xb8;
	[tilespmem:$0x10100] =	vst v63  }
0x168: {  	s13 =	simm.s32 $0x6900  }
0x169: {  	[tilespmem:s13], [sflag:$0x4] =	stream.indirect_vreg.gather [hbm4b:s4+s2], $0x80, v3, vm0, $0xb8;
	[tilespmem:$0x10100] =	vst v63  }
0x16a: {  	s14 =	simm.s32 $0x7100  }
0x16b: {  	[tilespmem:s14], [sflag:$0x4] =	stream.indirect_vreg.gather [hbm4b:s5+s2], $0x80, v3, vm0, $0xb8;
	[tilespmem:$0x10100] =	vst v63  }
0x16c: {  	s15 =	simm.s32 $0x7900  }
0x16d: {  	[tilespmem:s15], [sflag:$0x4] =	stream.indirect_vreg.gather [hbm4b:s6+s2], $0x80, v3, vm0, $0xb8;
	[tilespmem:$0x10100] =	vst v63  }
0x16e: {  	_ =	swait.ge [sflag:s25], $0x8000  }
0x16f: {  	[sflag:s25] =	ssyncset.done $0x0  }
0x170: {  	s14 =	rddreg [dreg:$0x9];
	[sflag:s25] =	ssyncadd.s32 $0xFFFF8000  }
0x171: {  	[hbm4b:s14+s2] =	stream.linear.scatter [tilespmem:s28], [sflag:$0x2], $0x8000, $0x38;
	[tilespmem:$0x10100] =	vst v63  }
0x172: {  	_ =	swait.ge [sflag:s19], $0x8000  }
0x173: {  	[sflag:s19] =	ssyncset.done $0x0  }
0x174: {  	[sflag:s19] =	ssyncadd.s32 $0xFFFF8000  }
0x175: {  	v3 =	vld [tilespmem:$0xE0];
	_ =	sdelay $0x4  }
0x176: {  	v62 =	vshll.u32 v3, $0x3  }
0x177: {  	v3 =	vand.u32 $0x7, v3;
	v4 =	vand.u32 $0xFFFFFFC0, v62  }
0x178: {  	v3 =	vor.u32 v3, v4  }
0x179: {  	v4 =	vperm.xlane v3, v0;
	_ =	sdelay $0x1  }
0x17a: {  	v4 =	vadd.s32 v1, v4;
	_ =	sdelay $0x4  }
0x17b: {  	[tilespmem:s26], [sflag:$0x4] =	stream.indirect_vreg.gather [hbm4b:s3+s2], $0x80, v4, vm0, $0xb8;
	[tilespmem:$0x10100] =	vst v63  }
0x17c: {  	s15 =	simm.s32 $0x8900;
	v3 =	vperm.xlane v3, v2  }
0x17d: {  	[tilespmem:s15], [sflag:$0x4] =	stream.indirect_vreg.gather [hbm4b:s4+s2], $0x80, v4, vm0, $0xb8;
	[tilespmem:$0x10100] =	vst v63  }
0x17e: {  	s0 =	simm.s32 $0x9100;
	v3 =	vadd.s32 v1, v3  }
0x17f: {  	[tilespmem:s0], [sflag:$0x4] =	stream.indirect_vreg.gather [hbm4b:s5+s2], $0x80, v4, vm0, $0xb8;
	[tilespmem:$0x10100] =	vst v63  }
0x180: {  	s1 =	simm.s32 $0x9900  }
0x181: {  	[tilespmem:s1], [sflag:$0x4] =	stream.indirect_vreg.gather [hbm4b:s6+s2], $0x80, v4, vm0, $0xb8;
	[tilespmem:$0x10100] =	vst v63  }
0x182: {  	s31 =	simm.s32 $0xA100  }
0x183: {  	[tilespmem:s31], [sflag:$0x4] =	stream.indirect_vreg.gather [hbm4b:s3+s2], $0x80, v3, vm0, $0xb8;
	[tilespmem:$0x10100] =	vst v63  }
0x184: {  	s24 =	simm.s32 $0xA900  }
0x185: {  	[tilespmem:s24], [sflag:$0x4] =	stream.indirect_vreg.gather [hbm4b:s4+s2], $0x80, v3, vm0, $0xb8;
	[tilespmem:$0x10100] =	vst v63  }
0x186: {  	s23 =	simm.s32 $0xB100  }
0x187: {  	[tilespmem:s23], [sflag:$0x4] =	stream.indirect_vreg.gather [hbm4b:s5+s2], $0x80, v3, vm0, $0xb8;
	[tilespmem:$0x10100] =	vst v63  }
0x188: {  	s20 =	simm.s32 $0xB900  }
0x189: {  	[tilespmem:s20], [sflag:$0x4] =	stream.indirect_vreg.gather [hbm4b:s6+s2], $0x80, v3, vm0, $0xb8;
	[tilespmem:$0x10100] =	vst v63  }
0x18a: {  	v3 =	vld [tilespmem:$0xF0];
	_ =	sdelay $0x4  }
0x18b: {  	v63 =	vshll.u32 v3, $0x3  }
0x18c: {  	v3 =	vand.u32 $0x7, v3;
	v4 =	vand.u32 $0xFFFFFFC0, v63  }
0x18d: {  	v3 =	vor.u32 v3, v4  }
0x18e: {  	v4 =	vperm.xlane v3, v0;
	_ =	sdelay $0x1  }
0x18f: {  	v4 =	vadd.s32 v1, v4;
	_ =	sdelay $0x3  }
0x190: {  	s23 =	simm.s32 $0xC100  }
0x191: {  	[tilespmem:s23], [sflag:$0x4] =	stream.indirect_vreg.gather [hbm4b:s3+s2], $0x80, v4, vm0, $0xb8;
	[tilespmem:$0x10100] =	vst v63  }
0x192: {  	s24 =	simm.s32 $0xC900;
	v3 =	vperm.xlane v3, v2  }
0x193: {  	[tilespmem:s24], [sflag:$0x4] =	stream.indirect_vreg.gather [hbm4b:s4+s2], $0x80, v4, vm0, $0xb8;
	[tilespmem:$0x10100] =	vst v63  }
0x194: {  	s30 =	simm.s32 $0xD100;
	v3 =	vadd.s32 v1, v3  }
0x195: {  	[tilespmem:s30], [sflag:$0x4] =	stream.indirect_vreg.gather [hbm4b:s5+s2], $0x80, v4, vm0, $0xb8;
	[tilespmem:$0x10100] =	vst v63  }
0x196: {  	s16 =	simm.s32 $0xD900  }
0x197: {  	[tilespmem:s16], [sflag:$0x4] =	stream.indirect_vreg.gather [hbm4b:s6+s2], $0x80, v4, vm0, $0xb8;
	[tilespmem:$0x10100] =	vst v63  }
0x198: {  	s22 =	simm.s32 $0xE100  }
0x199: {  	[tilespmem:s22], [sflag:$0x4] =	stream.indirect_vreg.gather [hbm4b:s3+s2], $0x80, v3, vm0, $0xb8;
	[tilespmem:$0x10100] =	vst v63  }
0x19a: {  	s29 =	simm.s32 $0xE900  }
0x19b: {  	[tilespmem:s29], [sflag:$0x4] =	stream.indirect_vreg.gather [hbm4b:s4+s2], $0x80, v3, vm0, $0xb8;
	[tilespmem:$0x10100] =	vst v63  }
0x19c: {  	s17 =	simm.s32 $0xF100  }
0x19d: {  	[tilespmem:s17], [sflag:$0x4] =	stream.indirect_vreg.gather [hbm4b:s5+s2], $0x80, v3, vm0, $0xb8;
	[tilespmem:$0x10100] =	vst v63  }
0x19e: {  	s21 =	simm.s32 $0xF900  }
0x19f: {  	[tilespmem:s21], [sflag:$0x4] =	stream.indirect_vreg.gather [hbm4b:s6+s2], $0x80, v3, vm0, $0xb8;
	[tilespmem:$0x10100] =	vst v63  }
0x1a0: {  	_ =	swait.ge [sflag:s25], $0x8000  }
0x1a1: {  	[sflag:s25] =	ssyncset.done $0x0  }
0x1a2: {  	s31 =	rddreg [dreg:$0xa];
	[sflag:s25] =	ssyncadd.s32 $0xFFFF8000  }
0x1a3: {  	[hbm4b:s31+s2] =	stream.linear.scatter [tilespmem:s26], [sflag:$0x3], $0x8000, $0x38;
	[tilespmem:$0x10100] =	vst v63  }
0x1a4: {  	p0 =	sne.s32 s7, $0x1;
	_ =	swait.ge [sflag:s18], $0x8000  }
.Ltmp0:
0x1a5: {  	[sflag:s18] =	ssyncset.done $0x0;
	(pc) =	sbr.rel @p0 .LBB2_1-.Ltmp0, $4  }
0x1a6: {  	[sflag:s18] =	ssyncadd.s32 $0xFFFF8000  }
0x1a7: {  	_ =	swait.ge [sflag:s19], $0x8000  }
0x1a8: {  	[sflag:s19] =	ssyncset.done $0x0  }
0x1a9: {  	s7 =	sadd.s32 $0xFFFFFFFF, s7;
	[sflag:s19] =	ssyncadd.s32 $0xFFFF8000  }
0x1aa: {  	_ =	sfence.sel $0x180000  }
0x1ab: {  	[bflag:$0x0] =	sbarrier.arrive $0xFFFF  }
0x1ac: {  	_ =	strace $0x90000053  }
0x1ad: {  	s0 =	stileid.u32;
	[bflag:$0x2] =	sbarrier.arrive $0xFFFF  }
0x1ae: {  	p0 =	sne.s32 s0, $0x0;
	s0 =	rddreg [dreg:$0x1]  }
0x1af: {  	s0 =	sadd.s32 @!p0 $0x100000, s0  }
0x1b0: {  	[sflag:s0] =	ssyncadd.tile.s32 @!p0 $0x1;
	_ =	shalt  }
.Lfunc_end2:
_tile_overlayer_lowered:
.L_overlay_start_2:
0x1b1: {  	(tag) =	ssettag $0x2  }
0x1b2: {  	s0 =	rddreg [dreg:$0x0];
	s2 =	stileid.u32  }
0x1b3: {  	s1 =	rddreg [dreg:$0x1];
	p0 =	sne.s32 s2, $0x0  }
0x1b4: {  	s3 =	rddreg [dreg:$0x2];
	[bflag:$0x3] =	sbarrier.arrive $0xFFFF;
	s2 =	simm.s32 @!p0 $0x1C04  }
0x1b5: {  	[timem:s3], [sflag:s2] =	dma.local @!p0 [hbm:s0], s1  }
0x1b6: {  	s0 =	simm.s32 @!p0 $0x4  }
0x1b7: {  	_ =	swait.ge @!p0 [sflag:s0], s1  }
0x1b8: {  	s1 =	ssub.s32 @!p0 $0x0, s1;
	[sflag:s0] =	ssyncset.done @!p0 $0x0  }
0x1b9: {  	[sflag:s0] =	ssyncadd.s32 @!p0 s1  }
0x1ba: {  	[bflag:$0x3] =	sbarrier.arrive $0xFFFF  }
0x1bb: {  	_ =	shalt  }

</sc_bundles>
